<compile_context>
chip_gen: v7x
topology: tpu7x:2x2x1
jax: 0.10.2.dev20260603
libtpu: 0.0.44.dev20260713+nightly
codegen_flags: <defaults>
</compile_context>

<pallas_src>
import functools

import jax
import jax.numpy as jnp
from jax import lax
from jax.experimental import pallas as pl
from jax.experimental.pallas import tpu as pltpu
from jax.experimental.pallas import tpu_sc as plsc

N_NODES = 10000
N_EDGES = 320000
D = 128

NC = 2
NS = 16
NW = NC * NS
L = 16

NPT = 320
N_PAD = NW * NPT
EPT = N_EDGES // NW

SCAN_CH = 6400
FLUSH = 8192
BUFW = FLUSH + SCAN_CH + L
CAP = 40 * FLUSH
KG = 80
KS = 128

NEG_INIT = float("-inf")

_SC_PARAMS = pltpu.CompilerParams(needs_layout_passes=False)


def _wid():
  return lax.axis_index("s") * NC + lax.axis_index("c")


def _iota():
  return lax.iota(jnp.int32, L)


def _prepass_body(dst_hbm, ids_hbm, dstl_hbm, cnts_hbm, stage, idbuf, dlbuf,
                  cntv):
  wid = _wid()
  lo = wid * NPT
  hi = lo + NPT

  def memset_body(i, _):
    idbuf[pl.ds(i * L, L)] = jnp.zeros((L,), jnp.int32)
    dlbuf[pl.ds(i * L, L)] = jnp.full((L,), NPT, jnp.int32)
    return 0
  lax.fori_loop(0, BUFW // L, memset_body, 0)

  n_chunks = N_EDGES // SCAN_CH

  def chunk_body(ch, carry):
    cnt, nfl = carry
    pltpu.sync_copy(dst_hbm.at[pl.ds(ch * SCAN_CH, SCAN_CH)], stage)

    def group_body(g, cnt):
      dv = stage[pl.ds(g * L, L)]
      m = (dv >= lo) & (dv < hi)
      idv = _iota() + (ch * SCAN_CH + g * L)
      csv = plsc.cumsum(m.astype(jnp.int32))
      pos = csv + (cnt - 1)
      plsc.store_scatter(idbuf, [pos], idv, mask=m)
      plsc.store_scatter(dlbuf, [pos], dv - lo, mask=m)
      return cnt + jnp.max(csv)

    cnt = lax.fori_loop(0, SCAN_CH // L, group_body, cnt)

    def do_flush(c):
      cnt, nfl = c
      pltpu.sync_copy(idbuf.at[pl.ds(0, FLUSH)],
                      ids_hbm.at[wid, pl.ds(nfl * FLUSH, FLUSH)])
      pltpu.sync_copy(dlbuf.at[pl.ds(0, FLUSH)],
                      dstl_hbm.at[wid, pl.ds(nfl * FLUSH, FLUSH)])
      rem = cnt - FLUSH

      def shift_body(k, _):
        idbuf[pl.ds(k * L, L)] = idbuf[pl.ds(FLUSH + k * L, L)]
        dlbuf[pl.ds(k * L, L)] = dlbuf[pl.ds(FLUSH + k * L, L)]
        return 0
      lax.fori_loop(0, (rem + L - 1) // L, shift_body, 0)
      return rem, nfl + 1

    return lax.cond(cnt >= FLUSH, do_flush, lambda c: c, (cnt, nfl))

  cnt, nfl = lax.fori_loop(0, n_chunks, chunk_body,
                           (jnp.int32(0), jnp.int32(0)))

  pltpu.sync_copy(idbuf.at[pl.ds(0, FLUSH)],
                  ids_hbm.at[wid, pl.ds(nfl * FLUSH, FLUSH)])
  pltpu.sync_copy(dlbuf.at[pl.ds(0, FLUSH)],
                  dstl_hbm.at[wid, pl.ds(nfl * FLUSH, FLUSH)])

  total = nfl * FLUSH + cnt
  cntv[...] = jnp.zeros((L,), jnp.int32) + total
  pltpu.sync_copy(cntv, cnts_hbm.at[pl.ds(wid * L, L)])


def _sc_prepass(dst):
  mesh = plsc.VectorSubcoreMesh(core_axis_name="c", subcore_axis_name="s")
  f = pl.kernel(
      _prepass_body,
      out_type=(
          jax.ShapeDtypeStruct((NW, CAP), jnp.int32),
          jax.ShapeDtypeStruct((NW, CAP), jnp.int32),
          jax.ShapeDtypeStruct((NW * L,), jnp.int32),
      ),
      mesh=mesh,
      compiler_params=_SC_PARAMS,
      scratch_types=[
          pltpu.VMEM((SCAN_CH,), jnp.int32),
          pltpu.VMEM((BUFW,), jnp.int32),
          pltpu.VMEM((BUFW,), jnp.int32),
          pltpu.VMEM((L,), jnp.int32),
      ],
  )
  return f(dst)


NB_G = EPT // KG
NBP_G = NB_G + 3


def _gather_body(a_hbm, b_hbm, src_hbm, dst_hbm, out_hbm, sidx, didx,
                 ina0, ina1, inb0, inb1, outb0, outb1,
                 sa0, sa1, sb0, sb1, so0, so1):
  wid = _wid()
  e0 = wid * EPT
  cols = [c * L + _iota() for c in range(D // L)]
  ina = (ina0, ina1)
  inb = (inb0, inb1)
  outb = (outb0, outb1)
  sa = (sa0, sa1)
  sb = (sb0, sb1)
  so = (so0, so1)

  pltpu.sync_copy(src_hbm.at[pl.ds(e0, EPT)], sidx)
  pltpu.sync_copy(dst_hbm.at[pl.ds(e0, EPT)], didx)

  def start_in(g, b):
    off = g * KG
    pltpu.async_copy(a_hbm.at[didx.at[pl.ds(off, KG)]], ina[b], sa[b])
    pltpu.async_copy(b_hbm.at[sidx.at[pl.ds(off, KG)]], inb[b], sb[b])

  start_in(0, 0)
  start_in(1, 1)

  def outer(t, _):
    for b in range(2):
      g = t * 2 + b

      @pl.when(g < NB_G)
      def _():
        pltpu.make_async_copy(a_hbm.at[pl.ds(0, KG)], ina[b], sa[b]).wait()
        pltpu.make_async_copy(b_hbm.at[pl.ds(0, KG)], inb[b], sb[b]).wait()

      @pl.when((g >= 2) & (g < NB_G + 2))
      def _():
        pltpu.make_async_copy(outb[b], out_hbm.at[pl.ds(0, KG)], so[b]).wait()

      @pl.when(g < NB_G)
      def _():
        def row_body(i, _):
          for c in range(D // L):
            sl = pl.ds(c * L, L)
            outb[b][i, sl] = jnp.maximum(ina[b][i, sl] + inb[b][i, sl], 0.0)
          return 0
        lax.fori_loop(0, KG, row_body, 0)
        pltpu.async_copy(outb[b], out_hbm.at[pl.ds(e0 + g * KG, KG)], so[b])

      @pl.when(g + 2 < NB_G)
      def _():
        start_in(g + 2, b)
    return 0

  lax.fori_loop(0, (NBP_G + 1) // 2, outer, 0)


def _sc_gather(a, b, src, dst):
  mesh = plsc.VectorSubcoreMesh(core_axis_name="c", subcore_axis_name="s")
  f = pl.kernel(
      _gather_body,
      out_type=jax.ShapeDtypeStruct((N_EDGES, D), jnp.float32),
      mesh=mesh,
      compiler_params=_SC_PARAMS,
      scratch_types=[
          pltpu.VMEM((EPT,), jnp.int32),
          pltpu.VMEM((EPT,), jnp.int32),
          pltpu.VMEM((KG, D), jnp.float32),
          pltpu.VMEM((KG, D), jnp.float32),
          pltpu.VMEM((KG, D), jnp.float32),
          pltpu.VMEM((KG, D), jnp.float32),
          pltpu.VMEM((KG, D), jnp.float32),
          pltpu.VMEM((KG, D), jnp.float32),
          pltpu.SemaphoreType.DMA,
          pltpu.SemaphoreType.DMA,
          pltpu.SemaphoreType.DMA,
          pltpu.SemaphoreType.DMA,
          pltpu.SemaphoreType.DMA,
          pltpu.SemaphoreType.DMA,
      ],
  )
  return f(a, b, src, dst)


def _scatter_body(m_hbm, ids_hbm, dstl_hbm, cnts_hbm, out_hbm, idxb, dlb,
                  rows, cntv, acc, sem, *, init_val, finalize):
  wid = _wid()
  lo = wid * NPT
  cols = [c * L + _iota() for c in range(D // L)]

  def init_body(i, _):
    acc[pl.ds(i * L, L)] = jnp.full((L,), init_val, jnp.float32)
    return 0
  lax.fori_loop(0, (NPT + 1) * D // L, init_body, 0)

  pltpu.sync_copy(cnts_hbm.at[pl.ds(wid * L, L)], cntv)
  cnt = jnp.max(cntv[...])
  nb = (cnt + KS - 1) // KS

  def batch_body(g, _):
    off = g * KS
    pltpu.sync_copy(ids_hbm.at[wid, pl.ds(off, KS)], idxb)
    pltpu.sync_copy(dstl_hbm.at[wid, pl.ds(off, KS)], dlb)
    pltpu.async_copy(m_hbm.at[idxb], rows, sem).wait()

    def edge_body(j, _):
      jv = jnp.zeros((L,), jnp.int32) + j
      base = jnp.max(plsc.load_gather(dlb, [jv])) * D
      for c in range(D // L):
        asl = pl.ds(base + c * L, L)
        cur = acc[asl]
        val = rows[j, pl.ds(c * L, L)]
        acc[asl] = jnp.maximum(cur, val)
      return 0
    lax.fori_loop(0, KS, edge_body, 0)
    return 0

  lax.fori_loop(0, nb, batch_body, 0)

  if finalize:
    def fin_body(i, _):
      sl = pl.ds(i * L, L)
      v = acc[sl]
      acc[sl] = jnp.where(v == jnp.float32(NEG_INIT), 0.0, v)
      return 0
    lax.fori_loop(0, NPT * D // L, fin_body, 0)

  pltpu.sync_copy(acc.at[pl.ds(0, NPT * D)],
                  out_hbm.at[pl.ds(lo * D, NPT * D)])


def _sc_scatter(m, ids, dstl, cnts, init_val, finalize):
  mesh = plsc.VectorSubcoreMesh(core_axis_name="c", subcore_axis_name="s")
  body = functools.partial(_scatter_body, init_val=init_val, finalize=finalize)
  f = pl.kernel(
      body,
      out_type=jax.ShapeDtypeStruct((N_PAD * D,), jnp.float32),
      mesh=mesh,
      compiler_params=_SC_PARAMS,
      scratch_types=[
          pltpu.VMEM((KS,), jnp.int32),
          pltpu.VMEM((KS,), jnp.int32),
          pltpu.VMEM((KS, D), jnp.float32),
          pltpu.VMEM((L,), jnp.int32),
          pltpu.VMEM(((NPT + 1) * D,), jnp.float32),
          pltpu.SemaphoreType.DMA,
      ],
  )
  return f(m, ids, dstl, cnts)


def _ab_body(x_ref, wa_ref, wb_ref, b_ref, oa_ref, ob_ref):
  x = x_ref[...]
  oa_ref[...] = (
      jnp.dot(x, wa_ref[...], preferred_element_type=jnp.float32) + b_ref[...]
  )
  ob_ref[...] = jnp.dot(x, wb_ref[...], preferred_element_type=jnp.float32)


def _tc_ab(x, wa, wb, b1, bm):
  m = x.shape[0]
  return pl.pallas_call(
      _ab_body,
      grid=(m // bm,),
      in_specs=[
          pl.BlockSpec((bm, D), lambda i: (i, 0)),
          pl.BlockSpec((D, D), lambda i: (0, 0)),
          pl.BlockSpec((D, D), lambda i: (0, 0)),
          pl.BlockSpec((1, D), lambda i: (0, 0)),
      ],
      out_specs=[
          pl.BlockSpec((bm, D), lambda i: (i, 0)),
          pl.BlockSpec((bm, D), lambda i: (i, 0)),
      ],
      out_shape=[
          jax.ShapeDtypeStruct((m, D), jnp.float32),
          jax.ShapeDtypeStruct((m, D), jnp.float32),
      ],
  )(x, wa, wb, b1.reshape(1, D))


def _mm_body(x_ref, w_ref, b_ref, o_ref):
  o_ref[...] = (
      jnp.dot(x_ref[...], w_ref[...], preferred_element_type=jnp.float32)
      + b_ref[...]
  )


def _tc_mm(x, w, b, bm):
  m, k = x.shape
  n = w.shape[1]
  return pl.pallas_call(
      _mm_body,
      grid=(m // bm,),
      in_specs=[
          pl.BlockSpec((bm, k), lambda i: (i, 0)),
          pl.BlockSpec((k, n), lambda i: (0, 0)),
          pl.BlockSpec((1, n), lambda i: (0, 0)),
      ],
      out_specs=pl.BlockSpec((bm, n), lambda i: (i, 0)),
      out_shape=jax.ShapeDtypeStruct((m, n), jnp.float32),
  )(x, w, b.reshape(1, n))


def kernel(z, edge_index, l0_W1, l0_b1, l0_W2, l0_b2, l1_W1, l1_b1, l1_W2,
           l1_b2):
  src = edge_index[0].astype(jnp.int32)
  dst = edge_index[1].astype(jnp.int32)

  ids, dstl, cnts = _sc_prepass(dst)

  h = jnp.zeros((N_PAD, D), jnp.float32).at[:N_NODES].set(z)
  for li, (W1, b1, W2, b2) in enumerate(
      [(l0_W1, l0_b1, l0_W2, l0_b2), (l1_W1, l1_b1, l1_W2, l1_b2)]):
    last = li == 1
    a, bmat = _tc_ab(h, W1[:D], W1[D:], b1, bm=1024)
    m1 = _sc_gather(a, bmat, src, dst)
    mm = _tc_mm(m1, W2, b2, bm=2000)
    init = 0.0 if not last else NEG_INIT
    hflat = _sc_scatter(mm, ids, dstl, cnts, init, finalize=last)
    h = hflat.reshape(N_PAD, D)

  return h[:N_NODES]

# --- scband reference (transcript-rebuilt; emitter-appended) ---
"""Pipeline reference for scband-edge-p-43748536877307 (READ-ONLY COPY).

The authoritative reference and input builder live on the scoring server;
editing this copy changes nothing except your own understanding.
"""

import jax, jax.numpy as jnp
import numpy as np

N_NODES = 10000
N_EDGES = 320000
D = 128


def setup_inputs(seed: int = 0) -> dict:
    key = jax.random.key(seed)
    ks = jax.random.split(key, 12)
    z = jax.random.normal(ks[0], (N_NODES, D), dtype=jnp.float32)
    edge_index = jax.random.randint(ks[1], (2, N_EDGES), 0, N_NODES, dtype=jnp.int64)
    s = 0.05
    # layer 0 EdgeConv MLP: Linear(2D, D), ReLU, Linear(D, D)
    l0_W1 = jax.random.normal(ks[2], (2 * D, D), dtype=jnp.float32) * s
    l0_b1 = jax.random.normal(ks[3], (D,), dtype=jnp.float32) * s
    l0_W2 = jax.random.normal(ks[4], (D, D), dtype=jnp.float32) * s
    l0_b2 = jax.random.normal(ks[5], (D,), dtype=jnp.float32) * s
    # layer 1
    l1_W1 = jax.random.normal(ks[6], (2 * D, D), dtype=jnp.float32) * s
    l1_b1 = jax.random.normal(ks[7], (D,), dtype=jnp.float32) * s
    l1_W2 = jax.random.normal(ks[8], (D, D), dtype=jnp.float32) * s
    l1_b2 = jax.random.normal(ks[9], (D,), dtype=jnp.float32) * s
    return {
        "z": z, "edge_index": edge_index,
        "l0_W1": l0_W1, "l0_b1": l0_b1, "l0_W2": l0_W2, "l0_b2": l0_b2,
        "l1_W1": l1_W1, "l1_b1": l1_b1, "l1_W2": l1_W2, "l1_b2": l1_b2,
    }


def _edge_conv(h, src, dst, W1, b1, W2, b2):
    # PyG flow source_to_target: x_j = x[src], x_i = x[dst]
    x_i = jnp.take(h, dst, axis=0)
    x_j = jnp.take(h, src, axis=0)
    tmp = jnp.concatenate([x_i, x_j], axis=1)
    m = jnp.maximum(tmp @ W1 + b1, 0.0) @ W2 + b2
    out = jax.ops.segment_max(m, dst, num_segments=N_NODES)
    # nodes with no incoming edges get 0 (PyG zero-fill semantics)
    out = jnp.where(jnp.isneginf(out), 0.0, out)
    return out


def reference(z, edge_index, l0_W1, l0_b1, l0_W2, l0_b2, l1_W1, l1_b1, l1_W2, l1_b2):
    src = edge_index[0]
    dst = edge_index[1]
    h = z
    # convs[:-1] with relu
    h = jax.nn.relu(_edge_conv(h, src, dst, l0_W1, l0_b1, l0_W2, l0_b2))
    # final conv, no relu
    h = _edge_conv(h, src, dst, l1_W1, l1_b1, l1_W2, l1_b2)
    return h

if __name__ == "__main__":
    import jax
    _d = setup_inputs()
    print(jax.jit(kernel)(*tuple(_d.values())))

</pallas_src>

<mosaic_0001>
#map = affine_map<(d0, d1) -> (0, 0)>
#map1 = affine_map<(d0, d1) -> (0)>
module attributes {stable_mosaic.version = 14 : i64} {
  func.func @_gather_body(%arg0: i32, %arg1: i32, %arg2: memref<10240x128xf32, #tpu.memory_space<hbm>>, %arg3: memref<10240x128xf32, #tpu.memory_space<hbm>>, %arg4: memref<320000xi32, #tpu.memory_space<hbm>>, %arg5: memref<320000xi32, #tpu.memory_space<hbm>>, %arg6: memref<320000x128xf32, #tpu.memory_space<hbm>>, %arg7: memref<10000xi32, #tpu.memory_space<vmem>>, %arg8: memref<10000xi32, #tpu.memory_space<vmem>>, %arg9: memref<80x128xf32, #tpu.memory_space<vmem>>, %arg10: memref<80x128xf32, #tpu.memory_space<vmem>>, %arg11: memref<80x128xf32, #tpu.memory_space<vmem>>, %arg12: memref<80x128xf32, #tpu.memory_space<vmem>>, %arg13: memref<80x128xf32, #tpu.memory_space<vmem>>, %arg14: memref<80x128xf32, #tpu.memory_space<vmem>>, %arg15: memref<!tpu.dma_semaphore, #tpu.memory_space<semaphore_mem>>, %arg16: memref<!tpu.dma_semaphore, #tpu.memory_space<semaphore_mem>>, %arg17: memref<!tpu.dma_semaphore, #tpu.memory_space<semaphore_mem>>, %arg18: memref<!tpu.dma_semaphore, #tpu.memory_space<semaphore_mem>>, %arg19: memref<!tpu.dma_semaphore, #tpu.memory_space<semaphore_mem>>, %arg20: memref<!tpu.dma_semaphore, #tpu.memory_space<semaphore_mem>>) attributes {dimension_semantics = [#tpu.dimension_semantics<core_parallel>, #tpu.dimension_semantics<subcore_parallel>], iteration_bounds = array<i64: 2, 16>, scalar_prefetch = 0 : i64, scratch_operands = 14 : i64, tpu.core_type = #tpu.core_type<sc_vector_subcore>, window_params = [{transform_indices = #map}, {transform_indices = #map}, {transform_indices = #map1}, {transform_indices = #map1}, {transform_indices = #map}]} {
    %mul3A = arith.constant 2 : i32
    %mul3A_0 = arith.muli %arg1, %mul3A : i32
    %add3A = arith.addi %mul3A_0, %arg0 : i32
    %mul3A_1 = arith.constant 10000 : i32
    %mul3A_2 = arith.muli %add3A, %mul3A_1 : i32
    %iota3A = tpu.iota {dimensions = array<i32: 0>} : vector<16xi32>
    %add3A_3 = arith.constant 0 : i32
    %add3A_4 = vector.broadcast %add3A_3 : i32 to vector<16xi32>
    %add3A_5 = arith.addi %add3A_4, %iota3A : vector<16xi32>
    %iota3A_6 = tpu.iota {dimensions = array<i32: 0>} : vector<16xi32>
    %add3A_7 = arith.constant 16 : i32
    %add3A_8 = vector.broadcast %add3A_7 : i32 to vector<16xi32>
    %add3A_9 = arith.addi %add3A_8, %iota3A_6 : vector<16xi32>
    %iota3A_10 = tpu.iota {dimensions = array<i32: 0>} : vector<16xi32>
    %add3A_11 = arith.constant 32 : i32
    %add3A_12 = vector.broadcast %add3A_11 : i32 to vector<16xi32>
    %add3A_13 = arith.addi %add3A_12, %iota3A_10 : vector<16xi32>
    %iota3A_14 = tpu.iota {dimensions = array<i32: 0>} : vector<16xi32>
    %add3A_15 = arith.constant 48 : i32
    %add3A_16 = vector.broadcast %add3A_15 : i32 to vector<16xi32>
    %add3A_17 = arith.addi %add3A_16, %iota3A_14 : vector<16xi32>
    %iota3A_18 = tpu.iota {dimensions = array<i32: 0>} : vector<16xi32>
    %add3A_19 = arith.constant 64 : i32
    %add3A_20 = vector.broadcast %add3A_19 : i32 to vector<16xi32>
    %add3A_21 = arith.addi %add3A_20, %iota3A_18 : vector<16xi32>
    %iota3A_22 = tpu.iota {dimensions = array<i32: 0>} : vector<16xi32>
    %add3A_23 = arith.constant 80 : i32
    %add3A_24 = vector.broadcast %add3A_23 : i32 to vector<16xi32>
    %add3A_25 = arith.addi %add3A_24, %iota3A_22 : vector<16xi32>
    %iota3A_26 = tpu.iota {dimensions = array<i32: 0>} : vector<16xi32>
    %add3A_27 = arith.constant 96 : i32
    %add3A_28 = vector.broadcast %add3A_27 : i32 to vector<16xi32>
    %add3A_29 = arith.addi %add3A_28, %iota3A_26 : vector<16xi32>
    %iota3A_30 = tpu.iota {dimensions = array<i32: 0>} : vector<16xi32>
    %add3A_31 = arith.constant 112 : i32
    %add3A_32 = vector.broadcast %add3A_31 : i32 to vector<16xi32>
    %add3A_33 = arith.addi %add3A_32, %iota3A_30 : vector<16xi32>
    "tpu.region"() ({
      %run_scoped3A = tpu.sem_alloc : memref<!tpu.dma_semaphore, #tpu.memory_space<semaphore_mem>>
      %dma_start3A_59 = tpu.memref_slice %arg4[%mul3A_2] : memref<320000xi32, #tpu.memory_space<hbm>> -> memref<10000xi32, #tpu.memory_space<hbm>>
      %dma_start3A_60 = tpu.memref_slice %arg4[%mul3A_2] : memref<320000xi32, #tpu.memory_space<hbm>> -> memref<10000xi32, #tpu.memory_space<hbm>>
      tpu.enqueue_dma source(%dma_start3A_60 : memref<10000xi32, #tpu.memory_space<hbm>>) target(%arg7 : memref<10000xi32, #tpu.memory_space<vmem>>) target_semaphore(%run_scoped3A : memref<!tpu.dma_semaphore, #tpu.memory_space<semaphore_mem>>)
      %dma_wait3A = tpu.memref_slice %arg4[%mul3A_2] : memref<320000xi32, #tpu.memory_space<hbm>> -> memref<10000xi32, #tpu.memory_space<hbm>>
      %dma_wait3A_61 = tpu.memref_slice %arg4[%mul3A_2] : memref<320000xi32, #tpu.memory_space<hbm>> -> memref<10000xi32, #tpu.memory_space<hbm>>
      tpu.wait_dma2 semaphore(%run_scoped3A : memref<!tpu.dma_semaphore, #tpu.memory_space<semaphore_mem>>) src(%dma_wait3A_61 : memref<10000xi32, #tpu.memory_space<hbm>>) dst(%arg7 : memref<10000xi32, #tpu.memory_space<vmem>>)
      tpu.yield
    }) : () -> ()
    "tpu.region"() ({
      %run_scoped3A = tpu.sem_alloc : memref<!tpu.dma_semaphore, #tpu.memory_space<semaphore_mem>>
      %dma_start3A_59 = tpu.memref_slice %arg5[%mul3A_2] : memref<320000xi32, #tpu.memory_space<hbm>> -> memref<10000xi32, #tpu.memory_space<hbm>>
      %dma_start3A_60 = tpu.memref_slice %arg5[%mul3A_2] : memref<320000xi32, #tpu.memory_space<hbm>> -> memref<10000xi32, #tpu.memory_space<hbm>>
      tpu.enqueue_dma source(%dma_start3A_60 : memref<10000xi32, #tpu.memory_space<hbm>>) target(%arg8 : memref<10000xi32, #tpu.memory_space<vmem>>) target_semaphore(%run_scoped3A : memref<!tpu.dma_semaphore, #tpu.memory_space<semaphore_mem>>)
      %dma_wait3A = tpu.memref_slice %arg5[%mul3A_2] : memref<320000xi32, #tpu.memory_space<hbm>> -> memref<10000xi32, #tpu.memory_space<hbm>>
      %dma_wait3A_61 = tpu.memref_slice %arg5[%mul3A_2] : memref<320000xi32, #tpu.memory_space<hbm>> -> memref<10000xi32, #tpu.memory_space<hbm>>
      tpu.wait_dma2 semaphore(%run_scoped3A : memref<!tpu.dma_semaphore, #tpu.memory_space<semaphore_mem>>) src(%dma_wait3A_61 : memref<10000xi32, #tpu.memory_space<hbm>>) dst(%arg8 : memref<10000xi32, #tpu.memory_space<vmem>>)
      tpu.yield
    }) : () -> ()
    %dma_start3A = arith.constant 0 : i32
    %dma_start3A_34 = tpu.memref_slice %arg8[%dma_start3A] : memref<10000xi32, #tpu.memory_space<vmem>> -> memref<80xi32, #tpu.memory_space<vmem>>
    %dma_start3A_35 = arith.constant 0 : i32
    %dma_start3A_36 = arith.constant 0 : i32
    %dma_start3A_37 = tpu.memref_slice %arg2[%dma_start3A_35, %dma_start3A_36] : memref<10240x128xf32, #tpu.memory_space<hbm>> -> memref<10240x128xf32, #tpu.memory_space<hbm>>
    tpu.enqueue_indirect_dma source(%dma_start3A_37 : memref<10240x128xf32, #tpu.memory_space<hbm>>) target(%arg9 : memref<80x128xf32, #tpu.memory_space<vmem>>) offsets(%dma_start3A_34 : memref<80xi32, #tpu.memory_space<vmem>>) semaphore(%arg15 : memref<!tpu.dma_semaphore, #tpu.memory_space<semaphore_mem>>)
    %dma_start3A_38 = arith.constant 0 : i32
    %dma_start3A_39 = tpu.memref_slice %arg7[%dma_start3A_38] : memref<10000xi32, #tpu.memory_space<vmem>> -> memref<80xi32, #tpu.memory_space<vmem>>
    %dma_start3A_40 = arith.constant 0 : i32
    %dma_start3A_41 = arith.constant 0 : i32
    %dma_start3A_42 = tpu.memref_slice %arg3[%dma_start3A_40, %dma_start3A_41] : memref<10240x128xf32, #tpu.memory_space<hbm>> -> memref<10240x128xf32, #tpu.memory_space<hbm>>
    tpu.enqueue_indirect_dma source(%dma_start3A_42 : memref<10240x128xf32, #tpu.memory_space<hbm>>) target(%arg11 : memref<80x128xf32, #tpu.memory_space<vmem>>) offsets(%dma_start3A_39 : memref<80xi32, #tpu.memory_space<vmem>>) semaphore(%arg17 : memref<!tpu.dma_semaphore, #tpu.memory_space<semaphore_mem>>)
    %dma_start3A_43 = arith.constant 80 : i32
    %dma_start3A_44 = tpu.memref_slice %arg8[%dma_start3A_43] : memref<10000xi32, #tpu.memory_space<vmem>> -> memref<80xi32, #tpu.memory_space<vmem>>
    %dma_start3A_45 = arith.constant 0 : i32
    %dma_start3A_46 = arith.constant 0 : i32
    %dma_start3A_47 = tpu.memref_slice %arg2[%dma_start3A_45, %dma_start3A_46] : memref<10240x128xf32, #tpu.memory_space<hbm>> -> memref<10240x128xf32, #tpu.memory_space<hbm>>
    tpu.enqueue_indirect_dma source(%dma_start3A_47 : memref<10240x128xf32, #tpu.memory_space<hbm>>) target(%arg10 : memref<80x128xf32, #tpu.memory_space<vmem>>) offsets(%dma_start3A_44 : memref<80xi32, #tpu.memory_space<vmem>>) semaphore(%arg16 : memref<!tpu.dma_semaphore, #tpu.memory_space<semaphore_mem>>)
    %dma_start3A_48 = arith.constant 80 : i32
    %dma_start3A_49 = tpu.memref_slice %arg7[%dma_start3A_48] : memref<10000xi32, #tpu.memory_space<vmem>> -> memref<80xi32, #tpu.memory_space<vmem>>
    %dma_start3A_50 = arith.constant 0 : i32
    %dma_start3A_51 = arith.constant 0 : i32
    %dma_start3A_52 = tpu.memref_slice %arg3[%dma_start3A_50, %dma_start3A_51] : memref<10240x128xf32, #tpu.memory_space<hbm>> -> memref<10240x128xf32, #tpu.memory_space<hbm>>
    tpu.enqueue_indirect_dma source(%dma_start3A_52 : memref<10240x128xf32, #tpu.memory_space<hbm>>) target(%arg12 : memref<80x128xf32, #tpu.memory_space<vmem>>) offsets(%dma_start3A_49 : memref<80xi32, #tpu.memory_space<vmem>>) semaphore(%arg18 : memref<!tpu.dma_semaphore, #tpu.memory_space<semaphore_mem>>)
    %scan3A = arith.constant 0 : i32
    %scan3A_53 = arith.constant 0 : i32
    %scan3A_54 = arith.constant 64 : i32
    %scan3A_55 = arith.addi %scan3A_53, %scan3A_54 : i32
    %scan3A_56 = arith.constant 1 : i32
    %scan3A_57 = scf.for %scan3A_59 = %scan3A_53 to %scan3A_55 step %scan3A_56 iter_args(%scan3A_60 = %scan3A) -> (i32)  : i32 {
      %mul3A_61 = arith.constant 2 : i32
      %mul3A_62 = arith.muli %scan3A_59, %mul3A_61 : i32
      %add3A_63 = arith.constant 0 : i32
      %add3A_64 = arith.addi %mul3A_62, %add3A_63 : i32
      %lt3A = arith.constant 125 : i32
      %lt3A_65 = arith.cmpi slt, %add3A_64, %lt3A : i32
      %convert_element_type3A = arith.extui %lt3A_65 : i1 to i32
      %cond3A = arith.constant 0 : i32
      %cond3A_66 = arith.cmpi ne, %convert_element_type3A, %cond3A : i32
      scf.if %cond3A_66 {
        %dma_wait3A = arith.constant 0 : i32
        %dma_wait3A_115 = arith.constant 0 : i32
        %dma_wait3A_116 = tpu.memref_slice %arg2[%dma_wait3A, %dma_wait3A_115] : memref<10240x128xf32, #tpu.memory_space<hbm>> -> memref<80x128xf32, #tpu.memory_space<hbm>>
        %dma_wait3A_117 = arith.constant 0 : i32
        %dma_wait3A_118 = arith.constant 0 : i32
        %dma_wait3A_119 = tpu.memref_slice %arg2[%dma_wait3A_117, %dma_wait3A_118] : memref<10240x128xf32, #tpu.memory_space<hbm>> -> memref<80x128xf32, #tpu.memory_space<hbm>>
        tpu.wait_dma2 semaphore(%arg15 : memref<!tpu.dma_semaphore, #tpu.memory_space<semaphore_mem>>) src(%dma_wait3A_119 : memref<80x128xf32, #tpu.memory_space<hbm>>) dst(%arg9 : memref<80x128xf32, #tpu.memory_space<vmem>>)
        %dma_wait3A_120 = arith.constant 0 : i32
        %dma_wait3A_121 = arith.constant 0 : i32
        %dma_wait3A_122 = tpu.memref_slice %arg3[%dma_wait3A_120, %dma_wait3A_121] : memref<10240x128xf32, #tpu.memory_space<hbm>> -> memref<80x128xf32, #tpu.memory_space<hbm>>
        %dma_wait3A_123 = arith.constant 0 : i32
        %dma_wait3A_124 = arith.constant 0 : i32
        %dma_wait3A_125 = tpu.memref_slice %arg3[%dma_wait3A_123, %dma_wait3A_124] : memref<10240x128xf32, #tpu.memory_space<hbm>> -> memref<80x128xf32, #tpu.memory_space<hbm>>
        tpu.wait_dma2 semaphore(%arg17 : memref<!tpu.dma_semaphore, #tpu.memory_space<semaphore_mem>>) src(%dma_wait3A_125 : memref<80x128xf32, #tpu.memory_space<hbm>>) dst(%arg11 : memref<80x128xf32, #tpu.memory_space<vmem>>)
      } else {
      }
      %ge3A = arith.constant 2 : i32
      %ge3A_67 = arith.cmpi sge, %add3A_64, %ge3A : i32
      %lt3A_68 = arith.constant 127 : i32
      %lt3A_69 = arith.cmpi slt, %add3A_64, %lt3A_68 : i32
      %and3A = arith.andi %ge3A_67, %lt3A_69 : i1
      %convert_element_type3A_70 = arith.extui %and3A : i1 to i32
      %cond3A_71 = arith.constant 0 : i32
      %cond3A_72 = arith.cmpi ne, %convert_element_type3A_70, %cond3A_71 : i32
      scf.if %cond3A_72 {
        %dma_wait3A = arith.constant 0 : i32
        %dma_wait3A_115 = arith.constant 0 : i32
        %dma_wait3A_116 = tpu.memref_slice %arg6[%dma_wait3A, %dma_wait3A_115] : memref<320000x128xf32, #tpu.memory_space<hbm>> -> memref<80x128xf32, #tpu.memory_space<hbm>>
        %dma_wait3A_117 = arith.constant 0 : i32
        %dma_wait3A_118 = arith.constant 0 : i32
        %dma_wait3A_119 = tpu.memref_slice %arg6[%dma_wait3A_117, %dma_wait3A_118] : memref<320000x128xf32, #tpu.memory_space<hbm>> -> memref<80x128xf32, #tpu.memory_space<hbm>>
        tpu.wait_dma2 semaphore(%arg19 : memref<!tpu.dma_semaphore, #tpu.memory_space<semaphore_mem>>) src(%arg13 : memref<80x128xf32, #tpu.memory_space<vmem>>) dst(%dma_wait3A_119 : memref<80x128xf32, #tpu.memory_space<hbm>>)
      } else {
      }
      %lt3A_73 = arith.constant 125 : i32
      %lt3A_74 = arith.cmpi slt, %add3A_64, %lt3A_73 : i32
      %convert_element_type3A_75 = arith.extui %lt3A_74 : i1 to i32
      %cond3A_76 = arith.constant 0 : i32
      %cond3A_77 = arith.cmpi ne, %convert_element_type3A_75, %cond3A_76 : i32
      scf.if %cond3A_77 {
        %scan3A_115 = arith.constant 0 : i32
        %scan3A_116 = arith.constant 0 : i32
        %scan3A_117 = arith.constant 80 : i32
        %scan3A_118 = arith.addi %scan3A_116, %scan3A_117 : i32
        %scan3A_119 = arith.constant 1 : i32
        %scan3A_120 = scf.for %scan3A_129 = %scan3A_116 to %scan3A_118 step %scan3A_119 iter_args(%scan3A_130 = %scan3A_115) -> (i32)  : i32 {
          %get3A = arith.index_cast %scan3A_129 : i32 to index
          %get3A_131 = arith.constant 0 : index
          %get3A_132 = tpu.vector_load %arg9[%get3A, %get3A_131] {strides = array<i32>} : memref<80x128xf32, #tpu.memory_space<vmem>>, vector<16xf32>,
          %get3A_133 = arith.index_cast %scan3A_129 : i32 to index
          %get3A_134 = arith.constant 0 : index
          %get3A_135 = tpu.vector_load %arg11[%get3A_133, %get3A_134] {strides = array<i32>} : memref<80x128xf32, #tpu.memory_space<vmem>>, vector<16xf32>,
          %add3A_136 = arith.addf %get3A_132, %get3A_135 : vector<16xf32>
          %max3A = arith.constant 0.000000e+00 : f32
          %max3A_137 = vector.broadcast %max3A : f32 to vector<16xf32>
          %max3A_138 = arith.maximumf %add3A_136, %max3A_137 : vector<16xf32>
          %swap3A = arith.index_cast %scan3A_129 : i32 to index
          %swap3A_139 = arith.constant 0 : index
          %swap3A_140 = tpu.vector_load %arg13[%swap3A, %swap3A_139] {strides = array<i32>} : memref<80x128xf32, #tpu.memory_space<vmem>>, vector<16xf32>,
          tpu.vector_store %arg13[%swap3A, %swap3A_139], %max3A_138 {strides = array<i32>} : memref<80x128xf32, #tpu.memory_space<vmem>>, vector<16xf32>,
          %get3A_141 = arith.index_cast %scan3A_129 : i32 to index
          %get3A_142 = arith.constant 16 : index
          %get3A_143 = tpu.vector_load %arg9[%get3A_141, %get3A_142] {strides = array<i32>} : memref<80x128xf32, #tpu.memory_space<vmem>>, vector<16xf32>,
          %get3A_144 = arith.index_cast %scan3A_129 : i32 to index
          %get3A_145 = arith.constant 16 : index
          %get3A_146 = tpu.vector_load %arg11[%get3A_144, %get3A_145] {strides = array<i32>} : memref<80x128xf32, #tpu.memory_space<vmem>>, vector<16xf32>,
          %add3A_147 = arith.addf %get3A_143, %get3A_146 : vector<16xf32>
          %max3A_148 = arith.constant 0.000000e+00 : f32
          %max3A_149 = vector.broadcast %max3A_148 : f32 to vector<16xf32>
          %max3A_150 = arith.maximumf %add3A_147, %max3A_149 : vector<16xf32>
          %swap3A_151 = arith.index_cast %scan3A_129 : i32 to index
          %swap3A_152 = arith.constant 16 : index
          %swap3A_153 = tpu.vector_load %arg13[%swap3A_151, %swap3A_152] {strides = array<i32>} : memref<80x128xf32, #tpu.memory_space<vmem>>, vector<16xf32>,
          tpu.vector_store %arg13[%swap3A_151, %swap3A_152], %max3A_150 {strides = array<i32>} : memref<80x128xf32, #tpu.memory_space<vmem>>, vector<16xf32>,
          %get3A_154 = arith.index_cast %scan3A_129 : i32 to index
          %get3A_155 = arith.constant 32 : index
          %get3A_156 = tpu.vector_load %arg9[%get3A_154, %get3A_155] {strides = array<i32>} : memref<80x128xf32, #tpu.memory_space<vmem>>, vector<16xf32>,
          %get3A_157 = arith.index_cast %scan3A_129 : i32 to index
          %get3A_158 = arith.constant 32 : index
          %get3A_159 = tpu.vector_load %arg11[%get3A_157, %get3A_158] {strides = array<i32>} : memref<80x128xf32, #tpu.memory_space<vmem>>, vector<16xf32>,
          %add3A_160 = arith.addf %get3A_156, %get3A_159 : vector<16xf32>
          %max3A_161 = arith.constant 0.000000e+00 : f32
          %max3A_162 = vector.broadcast %max3A_161 : f32 to vector<16xf32>
          %max3A_163 = arith.maximumf %add3A_160, %max3A_162 : vector<16xf32>
          %swap3A_164 = arith.index_cast %scan3A_129 : i32 to index
          %swap3A_165 = arith.constant 32 : index
          %swap3A_166 = tpu.vector_load %arg13[%swap3A_164, %swap3A_165] {strides = array<i32>} : memref<80x128xf32, #tpu.memory_space<vmem>>, vector<16xf32>,
          tpu.vector_store %arg13[%swap3A_164, %swap3A_165], %max3A_163 {strides = array<i32>} : memref<80x128xf32, #tpu.memory_space<vmem>>, vector<16xf32>,
          %get3A_167 = arith.index_cast %scan3A_129 : i32 to index
          %get3A_168 = arith.constant 48 : index
          %get3A_169 = tpu.vector_load %arg9[%get3A_167, %get3A_168] {strides = array<i32>} : memref<80x128xf32, #tpu.memory_space<vmem>>, vector<16xf32>,
          %get3A_170 = arith.index_cast %scan3A_129 : i32 to index
          %get3A_171 = arith.constant 48 : index
          %get3A_172 = tpu.vector_load %arg11[%get3A_170, %get3A_171] {strides = array<i32>} : memref<80x128xf32, #tpu.memory_space<vmem>>, vector<16xf32>,
          %add3A_173 = arith.addf %get3A_169, %get3A_172 : vector<16xf32>
          %max3A_174 = arith.constant 0.000000e+00 : f32
          %max3A_175 = vector.broadcast %max3A_174 : f32 to vector<16xf32>
          %max3A_176 = arith.maximumf %add3A_173, %max3A_175 : vector<16xf32>
          %swap3A_177 = arith.index_cast %scan3A_129 : i32 to index
          %swap3A_178 = arith.constant 48 : index
          %swap3A_179 = tpu.vector_load %arg13[%swap3A_177, %swap3A_178] {strides = array<i32>} : memref<80x128xf32, #tpu.memory_space<vmem>>, vector<16xf32>,
          tpu.vector_store %arg13[%swap3A_177, %swap3A_178], %max3A_176 {strides = array<i32>} : memref<80x128xf32, #tpu.memory_space<vmem>>, vector<16xf32>,
          %get3A_180 = arith.index_cast %scan3A_129 : i32 to index
          %get3A_181 = arith.constant 64 : index
          %get3A_182 = tpu.vector_load %arg9[%get3A_180, %get3A_181] {strides = array<i32>} : memref<80x128xf32, #tpu.memory_space<vmem>>, vector<16xf32>,
          %get3A_183 = arith.index_cast %scan3A_129 : i32 to index
          %get3A_184 = arith.constant 64 : index
          %get3A_185 = tpu.vector_load %arg11[%get3A_183, %get3A_184] {strides = array<i32>} : memref<80x128xf32, #tpu.memory_space<vmem>>, vector<16xf32>,
          %add3A_186 = arith.addf %get3A_182, %get3A_185 : vector<16xf32>
          %max3A_187 = arith.constant 0.000000e+00 : f32
          %max3A_188 = vector.broadcast %max3A_187 : f32 to vector<16xf32>
          %max3A_189 = arith.maximumf %add3A_186, %max3A_188 : vector<16xf32>
          %swap3A_190 = arith.index_cast %scan3A_129 : i32 to index
          %swap3A_191 = arith.constant 64 : index
          %swap3A_192 = tpu.vector_load %arg13[%swap3A_190, %swap3A_191] {strides = array<i32>} : memref<80x128xf32, #tpu.memory_space<vmem>>, vector<16xf32>,
          tpu.vector_store %arg13[%swap3A_190, %swap3A_191], %max3A_189 {strides = array<i32>} : memref<80x128xf32, #tpu.memory_space<vmem>>, vector<16xf32>,
          %get3A_193 = arith.index_cast %scan3A_129 : i32 to index
          %get3A_194 = arith.constant 80 : index
          %get3A_195 = tpu.vector_load %arg9[%get3A_193, %get3A_194] {strides = array<i32>} : memref<80x128xf32, #tpu.memory_space<vmem>>, vector<16xf32>,
          %get3A_196 = arith.index_cast %scan3A_129 : i32 to index
          %get3A_197 = arith.constant 80 : index
          %get3A_198 = tpu.vector_load %arg11[%get3A_196, %get3A_197] {strides = array<i32>} : memref<80x128xf32, #tpu.memory_space<vmem>>, vector<16xf32>,
          %add3A_199 = arith.addf %get3A_195, %get3A_198 : vector<16xf32>
          %max3A_200 = arith.constant 0.000000e+00 : f32
          %max3A_201 = vector.broadcast %max3A_200 : f32 to vector<16xf32>
          %max3A_202 = arith.maximumf %add3A_199, %max3A_201 : vector<16xf32>
          %swap3A_203 = arith.index_cast %scan3A_129 : i32 to index
          %swap3A_204 = arith.constant 80 : index
          %swap3A_205 = tpu.vector_load %arg13[%swap3A_203, %swap3A_204] {strides = array<i32>} : memref<80x128xf32, #tpu.memory_space<vmem>>, vector<16xf32>,
          tpu.vector_store %arg13[%swap3A_203, %swap3A_204], %max3A_202 {strides = array<i32>} : memref<80x128xf32, #tpu.memory_space<vmem>>, vector<16xf32>,
          %get3A_206 = arith.index_cast %scan3A_129 : i32 to index
          %get3A_207 = arith.constant 96 : index
          %get3A_208 = tpu.vector_load %arg9[%get3A_206, %get3A_207] {strides = array<i32>} : memref<80x128xf32, #tpu.memory_space<vmem>>, vector<16xf32>,
          %get3A_209 = arith.index_cast %scan3A_129 : i32 to index
          %get3A_210 = arith.constant 96 : index
          %get3A_211 = tpu.vector_load %arg11[%get3A_209, %get3A_210] {strides = array<i32>} : memref<80x128xf32, #tpu.memory_space<vmem>>, vector<16xf32>,
          %add3A_212 = arith.addf %get3A_208, %get3A_211 : vector<16xf32>
          %max3A_213 = arith.constant 0.000000e+00 : f32
          %max3A_214 = vector.broadcast %max3A_213 : f32 to vector<16xf32>
          %max3A_215 = arith.maximumf %add3A_212, %max3A_214 : vector<16xf32>
          %swap3A_216 = arith.index_cast %scan3A_129 : i32 to index
          %swap3A_217 = arith.constant 96 : index
          %swap3A_218 = tpu.vector_load %arg13[%swap3A_216, %swap3A_217] {strides = array<i32>} : memref<80x128xf32, #tpu.memory_space<vmem>>, vector<16xf32>,
          tpu.vector_store %arg13[%swap3A_216, %swap3A_217], %max3A_215 {strides = array<i32>} : memref<80x128xf32, #tpu.memory_space<vmem>>, vector<16xf32>,
          %get3A_219 = arith.index_cast %scan3A_129 : i32 to index
          %get3A_220 = arith.constant 112 : index
          %get3A_221 = tpu.vector_load %arg9[%get3A_219, %get3A_220] {strides = array<i32>} : memref<80x128xf32, #tpu.memory_space<vmem>>, vector<16xf32>,
          %get3A_222 = arith.index_cast %scan3A_129 : i32 to index
          %get3A_223 = arith.constant 112 : index
          %get3A_224 = tpu.vector_load %arg11[%get3A_222, %get3A_223] {strides = array<i32>} : memref<80x128xf32, #tpu.memory_space<vmem>>, vector<16xf32>,
          %add3A_225 = arith.addf %get3A_221, %get3A_224 : vector<16xf32>
          %max3A_226 = arith.constant 0.000000e+00 : f32
          %max3A_227 = vector.broadcast %max3A_226 : f32 to vector<16xf32>
          %max3A_228 = arith.maximumf %add3A_225, %max3A_227 : vector<16xf32>
          %swap3A_229 = arith.index_cast %scan3A_129 : i32 to index
          %swap3A_230 = arith.constant 112 : index
          %swap3A_231 = tpu.vector_load %arg13[%swap3A_229, %swap3A_230] {strides = array<i32>} : memref<80x128xf32, #tpu.memory_space<vmem>>, vector<16xf32>,
          tpu.vector_store %arg13[%swap3A_229, %swap3A_230], %max3A_228 {strides = array<i32>} : memref<80x128xf32, #tpu.memory_space<vmem>>, vector<16xf32>,
          %scan3A_232 = arith.constant 0 : i32
          scf.yield %scan3A_232 : i32
        }
        %scan3A_121 = arith.constant 80 : i32
        %mul3A_122 = arith.constant 80 : i32
        %mul3A_123 = arith.muli %add3A_64, %mul3A_122 : i32
        %add3A_124 = arith.addi %mul3A_2, %mul3A_123 : i32
        %dma_start3A_125 = arith.constant 0 : i32
        %dma_start3A_126 = tpu.memref_slice %arg6[%add3A_124, %dma_start3A_125] : memref<320000x128xf32, #tpu.memory_space<hbm>> -> memref<80x128xf32, #tpu.memory_space<hbm>>
        %dma_start3A_127 = arith.constant 0 : i32
        %dma_start3A_128 = tpu.memref_slice %arg6[%add3A_124, %dma_start3A_127] : memref<320000x128xf32, #tpu.memory_space<hbm>> -> memref<80x128xf32, #tpu.memory_space<hbm>>
        tpu.enqueue_dma source(%arg13 : memref<80x128xf32, #tpu.memory_space<vmem>>) target(%dma_start3A_128 : memref<80x128xf32, #tpu.memory_space<hbm>>) target_semaphore(%arg19 : memref<!tpu.dma_semaphore, #tpu.memory_space<semaphore_mem>>)
      } else {
      }
      %add3A_78 = arith.constant 2 : i32
      %add3A_79 = arith.addi %add3A_64, %add3A_78 : i32
      %lt3A_80 = arith.constant 125 : i32
      %lt3A_81 = arith.cmpi slt, %add3A_79, %lt3A_80 : i32
      %convert_element_type3A_82 = arith.extui %lt3A_81 : i1 to i32
      %cond3A_83 = arith.constant 0 : i32
      %cond3A_84 = arith.cmpi ne, %convert_element_type3A_82, %cond3A_83 : i32
      scf.if %cond3A_84 {
        %add3A_115 = arith.constant 2 : i32
        %add3A_116 = arith.addi %add3A_64, %add3A_115 : i32
        %mul3A_117 = arith.constant 80 : i32
        %mul3A_118 = arith.muli %add3A_116, %mul3A_117 : i32
        %dma_start3A_119 = tpu.memref_slice %arg8[%mul3A_118] : memref<10000xi32, #tpu.memory_space<vmem>> -> memref<80xi32, #tpu.memory_space<vmem>>
        %dma_start3A_120 = arith.constant 0 : i32
        %dma_start3A_121 = arith.constant 0 : i32
        %dma_start3A_122 = tpu.memref_slice %arg2[%dma_start3A_120, %dma_start3A_121] : memref<10240x128xf32, #tpu.memory_space<hbm>> -> memref<10240x128xf32, #tpu.memory_space<hbm>>
        tpu.enqueue_indirect_dma source(%dma_start3A_122 : memref<10240x128xf32, #tpu.memory_space<hbm>>) target(%arg9 : memref<80x128xf32, #tpu.memory_space<vmem>>) offsets(%dma_start3A_119 : memref<80xi32, #tpu.memory_space<vmem>>) semaphore(%arg15 : memref<!tpu.dma_semaphore, #tpu.memory_space<semaphore_mem>>)
        %dma_start3A_123 = tpu.memref_slice %arg7[%mul3A_118] : memref<10000xi32, #tpu.memory_space<vmem>> -> memref<80xi32, #tpu.memory_space<vmem>>
        %dma_start3A_124 = arith.constant 0 : i32
        %dma_start3A_125 = arith.constant 0 : i32
        %dma_start3A_126 = tpu.memref_slice %arg3[%dma_start3A_124, %dma_start3A_125] : memref<10240x128xf32, #tpu.memory_space<hbm>> -> memref<10240x128xf32, #tpu.memory_space<hbm>>
        tpu.enqueue_indirect_dma source(%dma_start3A_126 : memref<10240x128xf32, #tpu.memory_space<hbm>>) target(%arg11 : memref<80x128xf32, #tpu.memory_space<vmem>>) offsets(%dma_start3A_123 : memref<80xi32, #tpu.memory_space<vmem>>) semaphore(%arg17 : memref<!tpu.dma_semaphore, #tpu.memory_space<semaphore_mem>>)
      } else {
      }
      %mul3A_85 = arith.constant 2 : i32
      %mul3A_86 = arith.muli %scan3A_59, %mul3A_85 : i32
      %add3A_87 = arith.constant 1 : i32
      %add3A_88 = arith.addi %mul3A_86, %add3A_87 : i32
      %lt3A_89 = arith.constant 125 : i32
      %lt3A_90 = arith.cmpi slt, %add3A_88, %lt3A_89 : i32
      %convert_element_type3A_91 = arith.extui %lt3A_90 : i1 to i32
      %cond3A_92 = arith.constant 0 : i32
      %cond3A_93 = arith.cmpi ne, %convert_element_type3A_91, %cond3A_92 : i32
      scf.if %cond3A_93 {
        %dma_wait3A = arith.constant 0 : i32
        %dma_wait3A_115 = arith.constant 0 : i32
        %dma_wait3A_116 = tpu.memref_slice %arg2[%dma_wait3A, %dma_wait3A_115] : memref<10240x128xf32, #tpu.memory_space<hbm>> -> memref<80x128xf32, #tpu.memory_space<hbm>>
        %dma_wait3A_117 = arith.constant 0 : i32
        %dma_wait3A_118 = arith.constant 0 : i32
        %dma_wait3A_119 = tpu.memref_slice %arg2[%dma_wait3A_117, %dma_wait3A_118] : memref<10240x128xf32, #tpu.memory_space<hbm>> -> memref<80x128xf32, #tpu.memory_space<hbm>>
        tpu.wait_dma2 semaphore(%arg16 : memref<!tpu.dma_semaphore, #tpu.memory_space<semaphore_mem>>) src(%dma_wait3A_119 : memref<80x128xf32, #tpu.memory_space<hbm>>) dst(%arg10 : memref<80x128xf32, #tpu.memory_space<vmem>>)
        %dma_wait3A_120 = arith.constant 0 : i32
        %dma_wait3A_121 = arith.constant 0 : i32
        %dma_wait3A_122 = tpu.memref_slice %arg3[%dma_wait3A_120, %dma_wait3A_121] : memref<10240x128xf32, #tpu.memory_space<hbm>> -> memref<80x128xf32, #tpu.memory_space<hbm>>
        %dma_wait3A_123 = arith.constant 0 : i32
        %dma_wait3A_124 = arith.constant 0 : i32
        %dma_wait3A_125 = tpu.memref_slice %arg3[%dma_wait3A_123, %dma_wait3A_124] : memref<10240x128xf32, #tpu.memory_space<hbm>> -> memref<80x128xf32, #tpu.memory_space<hbm>>
        tpu.wait_dma2 semaphore(%arg18 : memref<!tpu.dma_semaphore, #tpu.memory_space<semaphore_mem>>) src(%dma_wait3A_125 : memref<80x128xf32, #tpu.memory_space<hbm>>) dst(%arg12 : memref<80x128xf32, #tpu.memory_space<vmem>>)
      } else {
      }
      %ge3A_94 = arith.constant 2 : i32
      %ge3A_95 = arith.cmpi sge, %add3A_88, %ge3A_94 : i32
      %lt3A_96 = arith.constant 127 : i32
      %lt3A_97 = arith.cmpi slt, %add3A_88, %lt3A_96 : i32
      %and3A_98 = arith.andi %ge3A_95, %lt3A_97 : i1
      %convert_element_type3A_99 = arith.extui %and3A_98 : i1 to i32
      %cond3A_100 = arith.constant 0 : i32
      %cond3A_101 = arith.cmpi ne, %convert_element_type3A_99, %cond3A_100 : i32
      scf.if %cond3A_101 {
        %dma_wait3A = arith.constant 0 : i32
        %dma_wait3A_115 = arith.constant 0 : i32
        %dma_wait3A_116 = tpu.memref_slice %arg6[%dma_wait3A, %dma_wait3A_115] : memref<320000x128xf32, #tpu.memory_space<hbm>> -> memref<80x128xf32, #tpu.memory_space<hbm>>
        %dma_wait3A_117 = arith.constant 0 : i32
        %dma_wait3A_118 = arith.constant 0 : i32
        %dma_wait3A_119 = tpu.memref_slice %arg6[%dma_wait3A_117, %dma_wait3A_118] : memref<320000x128xf32, #tpu.memory_space<hbm>> -> memref<80x128xf32, #tpu.memory_space<hbm>>
        tpu.wait_dma2 semaphore(%arg20 : memref<!tpu.dma_semaphore, #tpu.memory_space<semaphore_mem>>) src(%arg14 : memref<80x128xf32, #tpu.memory_space<vmem>>) dst(%dma_wait3A_119 : memref<80x128xf32, #tpu.memory_space<hbm>>)
      } else {
      }
      %lt3A_102 = arith.constant 125 : i32
      %lt3A_103 = arith.cmpi slt, %add3A_88, %lt3A_102 : i32
      %convert_element_type3A_104 = arith.extui %lt3A_103 : i1 to i32
      %cond3A_105 = arith.constant 0 : i32
      %cond3A_106 = arith.cmpi ne, %convert_element_type3A_104, %cond3A_105 : i32
      scf.if %cond3A_106 {
        %scan3A_115 = arith.constant 0 : i32
        %scan3A_116 = arith.constant 0 : i32
        %scan3A_117 = arith.constant 80 : i32
        %scan3A_118 = arith.addi %scan3A_116, %scan3A_117 : i32
        %scan3A_119 = arith.constant 1 : i32
        %scan3A_120 = scf.for %scan3A_129 = %scan3A_116 to %scan3A_118 step %scan3A_119 iter_args(%scan3A_130 = %scan3A_115) -> (i32)  : i32 {
          %get3A = arith.index_cast %scan3A_129 : i32 to index
          %get3A_131 = arith.constant 0 : index
          %get3A_132 = tpu.vector_load %arg10[%get3A, %get3A_131] {strides = array<i32>} : memref<80x128xf32, #tpu.memory_space<vmem>>, vector<16xf32>,
          %get3A_133 = arith.index_cast %scan3A_129 : i32 to index
          %get3A_134 = arith.constant 0 : index
          %get3A_135 = tpu.vector_load %arg12[%get3A_133, %get3A_134] {strides = array<i32>} : memref<80x128xf32, #tpu.memory_space<vmem>>, vector<16xf32>,
          %add3A_136 = arith.addf %get3A_132, %get3A_135 : vector<16xf32>
          %max3A = arith.constant 0.000000e+00 : f32
          %max3A_137 = vector.broadcast %max3A : f32 to vector<16xf32>
          %max3A_138 = arith.maximumf %add3A_136, %max3A_137 : vector<16xf32>
          %swap3A = arith.index_cast %scan3A_129 : i32 to index
          %swap3A_139 = arith.constant 0 : index
          %swap3A_140 = tpu.vector_load %arg14[%swap3A, %swap3A_139] {strides = array<i32>} : memref<80x128xf32, #tpu.memory_space<vmem>>, vector<16xf32>,
          tpu.vector_store %arg14[%swap3A, %swap3A_139], %max3A_138 {strides = array<i32>} : memref<80x128xf32, #tpu.memory_space<vmem>>, vector<16xf32>,
          %get3A_141 = arith.index_cast %scan3A_129 : i32 to index
          %get3A_142 = arith.constant 16 : index
          %get3A_143 = tpu.vector_load %arg10[%get3A_141, %get3A_142] {strides = array<i32>} : memref<80x128xf32, #tpu.memory_space<vmem>>, vector<16xf32>,
          %get3A_144 = arith.index_cast %scan3A_129 : i32 to index
          %get3A_145 = arith.constant 16 : index
          %get3A_146 = tpu.vector_load %arg12[%get3A_144, %get3A_145] {strides = array<i32>} : memref<80x128xf32, #tpu.memory_space<vmem>>, vector<16xf32>,
          %add3A_147 = arith.addf %get3A_143, %get3A_146 : vector<16xf32>
          %max3A_148 = arith.constant 0.000000e+00 : f32
          %max3A_149 = vector.broadcast %max3A_148 : f32 to vector<16xf32>
          %max3A_150 = arith.maximumf %add3A_147, %max3A_149 : vector<16xf32>
          %swap3A_151 = arith.index_cast %scan3A_129 : i32 to index
          %swap3A_152 = arith.constant 16 : index
          %swap3A_153 = tpu.vector_load %arg14[%swap3A_151, %swap3A_152] {strides = array<i32>} : memref<80x128xf32, #tpu.memory_space<vmem>>, vector<16xf32>,
          tpu.vector_store %arg14[%swap3A_151, %swap3A_152], %max3A_150 {strides = array<i32>} : memref<80x128xf32, #tpu.memory_space<vmem>>, vector<16xf32>,
          %get3A_154 = arith.index_cast %scan3A_129 : i32 to index
          %get3A_155 = arith.constant 32 : index
          %get3A_156 = tpu.vector_load %arg10[%get3A_154, %get3A_155] {strides = array<i32>} : memref<80x128xf32, #tpu.memory_space<vmem>>, vector<16xf32>,
          %get3A_157 = arith.index_cast %scan3A_129 : i32 to index
          %get3A_158 = arith.constant 32 : index
          %get3A_159 = tpu.vector_load %arg12[%get3A_157, %get3A_158] {strides = array<i32>} : memref<80x128xf32, #tpu.memory_space<vmem>>, vector<16xf32>,
          %add3A_160 = arith.addf %get3A_156, %get3A_159 : vector<16xf32>
          %max3A_161 = arith.constant 0.000000e+00 : f32
          %max3A_162 = vector.broadcast %max3A_161 : f32 to vector<16xf32>
          %max3A_163 = arith.maximumf %add3A_160, %max3A_162 : vector<16xf32>
          %swap3A_164 = arith.index_cast %scan3A_129 : i32 to index
          %swap3A_165 = arith.constant 32 : index
          %swap3A_166 = tpu.vector_load %arg14[%swap3A_164, %swap3A_165] {strides = array<i32>} : memref<80x128xf32, #tpu.memory_space<vmem>>, vector<16xf32>,
          tpu.vector_store %arg14[%swap3A_164, %swap3A_165], %max3A_163 {strides = array<i32>} : memref<80x128xf32, #tpu.memory_space<vmem>>, vector<16xf32>,
          %get3A_167 = arith.index_cast %scan3A_129 : i32 to index
          %get3A_168 = arith.constant 48 : index
          %get3A_169 = tpu.vector_load %arg10[%get3A_167, %get3A_168] {strides = array<i32>} : memref<80x128xf32, #tpu.memory_space<vmem>>, vector<16xf32>,
          %get3A_170 = arith.index_cast %scan3A_129 : i32 to index
          %get3A_171 = arith.constant 48 : index
          %get3A_172 = tpu.vector_load %arg12[%get3A_170, %get3A_171] {strides = array<i32>} : memref<80x128xf32, #tpu.memory_space<vmem>>, vector<16xf32>,
          %add3A_173 = arith.addf %get3A_169, %get3A_172 : vector<16xf32>
          %max3A_174 = arith.constant 0.000000e+00 : f32
          %max3A_175 = vector.broadcast %max3A_174 : f32 to vector<16xf32>
          %max3A_176 = arith.maximumf %add3A_173, %max3A_175 : vector<16xf32>
          %swap3A_177 = arith.index_cast %scan3A_129 : i32 to index
          %swap3A_178 = arith.constant 48 : index
          %swap3A_179 = tpu.vector_load %arg14[%swap3A_177, %swap3A_178] {strides = array<i32>} : memref<80x128xf32, #tpu.memory_space<vmem>>, vector<16xf32>,
          tpu.vector_store %arg14[%swap3A_177, %swap3A_178], %max3A_176 {strides = array<i32>} : memref<80x128xf32, #tpu.memory_space<vmem>>, vector<16xf32>,
          %get3A_180 = arith.index_cast %scan3A_129 : i32 to index
          %get3A_181 = arith.constant 64 : index
          %get3A_182 = tpu.vector_load %arg10[%get3A_180, %get3A_181] {strides = array<i32>} : memref<80x128xf32, #tpu.memory_space<vmem>>, vector<16xf32>,
          %get3A_183 = arith.index_cast %scan3A_129 : i32 to index
          %get3A_184 = arith.constant 64 : index
          %get3A_185 = tpu.vector_load %arg12[%get3A_183, %get3A_184] {strides = array<i32>} : memref<80x128xf32, #tpu.memory_space<vmem>>, vector<16xf32>,
          %add3A_186 = arith.addf %get3A_182, %get3A_185 : vector<16xf32>
          %max3A_187 = arith.constant 0.000000e+00 : f32
          %max3A_188 = vector.broadcast %max3A_187 : f32 to vector<16xf32>
          %max3A_189 = arith.maximumf %add3A_186, %max3A_188 : vector<16xf32>
          %swap3A_190 = arith.index_cast %scan3A_129 : i32 to index
          %swap3A_191 = arith.constant 64 : index
          %swap3A_192 = tpu.vector_load %arg14[%swap3A_190, %swap3A_191] {strides = array<i32>} : memref<80x128xf32, #tpu.memory_space<vmem>>, vector<16xf32>,
          tpu.vector_store %arg14[%swap3A_190, %swap3A_191], %max3A_189 {strides = array<i32>} : memref<80x128xf32, #tpu.memory_space<vmem>>, vector<16xf32>,
          %get3A_193 = arith.index_cast %scan3A_129 : i32 to index
          %get3A_194 = arith.constant 80 : index
          %get3A_195 = tpu.vector_load %arg10[%get3A_193, %get3A_194] {strides = array<i32>} : memref<80x128xf32, #tpu.memory_space<vmem>>, vector<16xf32>,
          %get3A_196 = arith.index_cast %scan3A_129 : i32 to index
          %get3A_197 = arith.constant 80 : index
          %get3A_198 = tpu.vector_load %arg12[%get3A_196, %get3A_197] {strides = array<i32>} : memref<80x128xf32, #tpu.memory_space<vmem>>, vector<16xf32>,
          %add3A_199 = arith.addf %get3A_195, %get3A_198 : vector<16xf32>
          %max3A_200 = arith.constant 0.000000e+00 : f32
          %max3A_201 = vector.broadcast %max3A_200 : f32 to vector<16xf32>
          %max3A_202 = arith.maximumf %add3A_199, %max3A_201 : vector<16xf32>
          %swap3A_203 = arith.index_cast %scan3A_129 : i32 to index
          %swap3A_204 = arith.constant 80 : index
          %swap3A_205 = tpu.vector_load %arg14[%swap3A_203, %swap3A_204] {strides = array<i32>} : memref<80x128xf32, #tpu.memory_space<vmem>>, vector<16xf32>,
          tpu.vector_store %arg14[%swap3A_203, %swap3A_204], %max3A_202 {strides = array<i32>} : memref<80x128xf32, #tpu.memory_space<vmem>>, vector<16xf32>,
          %get3A_206 = arith.index_cast %scan3A_129 : i32 to index
          %get3A_207 = arith.constant 96 : index
          %get3A_208 = tpu.vector_load %arg10[%get3A_206, %get3A_207] {strides = array<i32>} : memref<80x128xf32, #tpu.memory_space<vmem>>, vector<16xf32>,
          %get3A_209 = arith.index_cast %scan3A_129 : i32 to index
          %get3A_210 = arith.constant 96 : index
          %get3A_211 = tpu.vector_load %arg12[%get3A_209, %get3A_210] {strides = array<i32>} : memref<80x128xf32, #tpu.memory_space<vmem>>, vector<16xf32>,
          %add3A_212 = arith.addf %get3A_208, %get3A_211 : vector<16xf32>
          %max3A_213 = arith.constant 0.000000e+00 : f32
          %max3A_214 = vector.broadcast %max3A_213 : f32 to vector<16xf32>
          %max3A_215 = arith.maximumf %add3A_212, %max3A_214 : vector<16xf32>
          %swap3A_216 = arith.index_cast %scan3A_129 : i32 to index
          %swap3A_217 = arith.constant 96 : index
          %swap3A_218 = tpu.vector_load %arg14[%swap3A_216, %swap3A_217] {strides = array<i32>} : memref<80x128xf32, #tpu.memory_space<vmem>>, vector<16xf32>,
          tpu.vector_store %arg14[%swap3A_216, %swap3A_217], %max3A_215 {strides = array<i32>} : memref<80x128xf32, #tpu.memory_space<vmem>>, vector<16xf32>,
          %get3A_219 = arith.index_cast %scan3A_129 : i32 to index
          %get3A_220 = arith.constant 112 : index
          %get3A_221 = tpu.vector_load %arg10[%get3A_219, %get3A_220] {strides = array<i32>} : memref<80x128xf32, #tpu.memory_space<vmem>>, vector<16xf32>,
          %get3A_222 = arith.index_cast %scan3A_129 : i32 to index
          %get3A_223 = arith.constant 112 : index
          %get3A_224 = tpu.vector_load %arg12[%get3A_222, %get3A_223] {strides = array<i32>} : memref<80x128xf32, #tpu.memory_space<vmem>>, vector<16xf32>,
          %add3A_225 = arith.addf %get3A_221, %get3A_224 : vector<16xf32>
          %max3A_226 = arith.constant 0.000000e+00 : f32
          %max3A_227 = vector.broadcast %max3A_226 : f32 to vector<16xf32>
          %max3A_228 = arith.maximumf %add3A_225, %max3A_227 : vector<16xf32>
          %swap3A_229 = arith.index_cast %scan3A_129 : i32 to index
          %swap3A_230 = arith.constant 112 : index
          %swap3A_231 = tpu.vector_load %arg14[%swap3A_229, %swap3A_230] {strides = array<i32>} : memref<80x128xf32, #tpu.memory_space<vmem>>, vector<16xf32>,
          tpu.vector_store %arg14[%swap3A_229, %swap3A_230], %max3A_228 {strides = array<i32>} : memref<80x128xf32, #tpu.memory_space<vmem>>, vector<16xf32>,
          %scan3A_232 = arith.constant 0 : i32
          scf.yield %scan3A_232 : i32
        }
        %scan3A_121 = arith.constant 80 : i32
        %mul3A_122 = arith.constant 80 : i32
        %mul3A_123 = arith.muli %add3A_88, %mul3A_122 : i32
        %add3A_124 = arith.addi %mul3A_2, %mul3A_123 : i32
        %dma_start3A_125 = arith.constant 0 : i32
        %dma_start3A_126 = tpu.memref_slice %arg6[%add3A_124, %dma_start3A_125] : memref<320000x128xf32, #tpu.memory_space<hbm>> -> memref<80x128xf32, #tpu.memory_space<hbm>>
        %dma_start3A_127 = arith.constant 0 : i32
        %dma_start3A_128 = tpu.memref_slice %arg6[%add3A_124, %dma_start3A_127] : memref<320000x128xf32, #tpu.memory_space<hbm>> -> memref<80x128xf32, #tpu.memory_space<hbm>>
        tpu.enqueue_dma source(%arg14 : memref<80x128xf32, #tpu.memory_space<vmem>>) target(%dma_start3A_128 : memref<80x128xf32, #tpu.memory_space<hbm>>) target_semaphore(%arg20 : memref<!tpu.dma_semaphore, #tpu.memory_space<semaphore_mem>>)
      } else {
      }
      %add3A_107 = arith.constant 2 : i32
      %add3A_108 = arith.addi %add3A_88, %add3A_107 : i32
      %lt3A_109 = arith.constant 125 : i32
      %lt3A_110 = arith.cmpi slt, %add3A_108, %lt3A_109 : i32
      %convert_element_type3A_111 = arith.extui %lt3A_110 : i1 to i32
      %cond3A_112 = arith.constant 0 : i32
      %cond3A_113 = arith.cmpi ne, %convert_element_type3A_111, %cond3A_112 : i32
      scf.if %cond3A_113 {
        %add3A_115 = arith.constant 2 : i32
        %add3A_116 = arith.addi %add3A_88, %add3A_115 : i32
        %mul3A_117 = arith.constant 80 : i32
        %mul3A_118 = arith.muli %add3A_116, %mul3A_117 : i32
        %dma_start3A_119 = tpu.memref_slice %arg8[%mul3A_118] : memref<10000xi32, #tpu.memory_space<vmem>> -> memref<80xi32, #tpu.memory_space<vmem>>
        %dma_start3A_120 = arith.constant 0 : i32
        %dma_start3A_121 = arith.constant 0 : i32
        %dma_start3A_122 = tpu.memref_slice %arg2[%dma_start3A_120, %dma_start3A_121] : memref<10240x128xf32, #tpu.memory_space<hbm>> -> memref<10240x128xf32, #tpu.memory_space<hbm>>
        tpu.enqueue_indirect_dma source(%dma_start3A_122 : memref<10240x128xf32, #tpu.memory_space<hbm>>) target(%arg10 : memref<80x128xf32, #tpu.memory_space<vmem>>) offsets(%dma_start3A_119 : memref<80xi32, #tpu.memory_space<vmem>>) semaphore(%arg16 : memref<!tpu.dma_semaphore, #tpu.memory_space<semaphore_mem>>)
        %dma_start3A_123 = tpu.memref_slice %arg7[%mul3A_118] : memref<10000xi32, #tpu.memory_space<vmem>> -> memref<80xi32, #tpu.memory_space<vmem>>
        %dma_start3A_124 = arith.constant 0 : i32
        %dma_start3A_125 = arith.constant 0 : i32
        %dma_start3A_126 = tpu.memref_slice %arg3[%dma_start3A_124, %dma_start3A_125] : memref<10240x128xf32, #tpu.memory_space<hbm>> -> memref<10240x128xf32, #tpu.memory_space<hbm>>
        tpu.enqueue_indirect_dma source(%dma_start3A_126 : memref<10240x128xf32, #tpu.memory_space<hbm>>) target(%arg12 : memref<80x128xf32, #tpu.memory_space<vmem>>) offsets(%dma_start3A_123 : memref<80xi32, #tpu.memory_space<vmem>>) semaphore(%arg18 : memref<!tpu.dma_semaphore, #tpu.memory_space<semaphore_mem>>)
      } else {
      }
      %scan3A_114 = arith.constant 0 : i32
      scf.yield %scan3A_114 : i32
    }
    %scan3A_58 = arith.constant 64 : i32
    return
  }
}

#map = affine_map<(d0, d1) -> (0)>
#map1 = affine_map<(d0, d1) -> (0, 0)>
module attributes {stable_mosaic.version = 14 : i64} {
  func.func @_prepass_body(%arg0: i32, %arg1: i32, %arg2: memref<320000xi32, #tpu.memory_space<hbm>>, %arg3: memref<32x327680xi32, #tpu.memory_space<hbm>>, %arg4: memref<32x327680xi32, #tpu.memory_space<hbm>>, %arg5: memref<512xi32, #tpu.memory_space<hbm>>, %arg6: memref<6400xi32, #tpu.memory_space<vmem>>, %arg7: memref<14608xi32, #tpu.memory_space<vmem>>, %arg8: memref<14608xi32, #tpu.memory_space<vmem>>, %arg9: memref<16xi32, #tpu.memory_space<vmem>>) attributes {dimension_semantics = [#tpu.dimension_semantics<core_parallel>, #tpu.dimension_semantics<subcore_parallel>], iteration_bounds = array<i64: 2, 16>, scalar_prefetch = 0 : i64, scratch_operands = 4 : i64, tpu.core_type = #tpu.core_type<sc_vector_subcore>, window_params = [{transform_indices = #map}, {transform_indices = #map1}, {transform_indices = #map1}, {transform_indices = #map}]} {
    %mul3A = arith.constant 2 : i32
    %mul3A_0 = arith.muli %arg1, %mul3A : i32
    %add3A = arith.addi %mul3A_0, %arg0 : i32
    %mul3A_1 = arith.constant 320 : i32
    %mul3A_2 = arith.muli %add3A, %mul3A_1 : i32
    %add3A_3 = arith.constant 320 : i32
    %add3A_4 = arith.addi %mul3A_2, %add3A_3 : i32
    %scan3A = arith.constant 0 : i32
    %scan3A_5 = arith.constant 0 : i32
    %scan3A_6 = arith.constant 913 : i32
    %scan3A_7 = arith.addi %scan3A_5, %scan3A_6 : i32
    %scan3A_8 = arith.constant 1 : i32
    %scan3A_9 = scf.for %scan3A_32 = %scan3A_5 to %scan3A_7 step %scan3A_8 iter_args(%scan3A_33 = %scan3A) -> (i32)  : i32 {
      %broadcast_in_dim3A_34 = arith.constant 0 : i32
      %broadcast_in_dim3A_35 = vector.broadcast %broadcast_in_dim3A_34 : i32 to vector<16xi32>
      %mul3A_36 = arith.constant 16 : i32
      %mul3A_37 = arith.muli %scan3A_32, %mul3A_36 : i32
      %swap3A_38 = arith.index_cast %mul3A_37 : i32 to index
      %swap3A_39 = tpu.vector_load %arg7[%swap3A_38] {strides = array<i32>} : memref<14608xi32, #tpu.memory_space<vmem>>, vector<16xi32>,
      tpu.vector_store %arg7[%swap3A_38], %broadcast_in_dim3A_35 {strides = array<i32>} : memref<14608xi32, #tpu.memory_space<vmem>>, vector<16xi32>,
      %broadcast_in_dim3A_40 = arith.constant 320 : i32
      %broadcast_in_dim3A_41 = vector.broadcast %broadcast_in_dim3A_40 : i32 to vector<16xi32>
      %mul3A_42 = arith.constant 16 : i32
      %mul3A_43 = arith.muli %scan3A_32, %mul3A_42 : i32
      %swap3A_44 = arith.index_cast %mul3A_43 : i32 to index
      %swap3A_45 = tpu.vector_load %arg8[%swap3A_44] {strides = array<i32>} : memref<14608xi32, #tpu.memory_space<vmem>>, vector<16xi32>,
      tpu.vector_store %arg8[%swap3A_44], %broadcast_in_dim3A_41 {strides = array<i32>} : memref<14608xi32, #tpu.memory_space<vmem>>, vector<16xi32>,
      %scan3A_46 = arith.constant 0 : i32
      scf.yield %scan3A_46 : i32
    }
    %scan3A_10 = arith.constant 913 : i32
    %scan3A_11 = arith.constant 0 : i32
    %scan3A_12 = arith.constant 0 : i32
    %scan3A_13 = arith.constant 0 : i32
    %scan3A_14 = arith.constant 50 : i32
    %scan3A_15 = arith.addi %scan3A_13, %scan3A_14 : i32
    %scan3A_16 = arith.constant 1 : i32
    %scan3A_17:2 = scf.for %scan3A_32 = %scan3A_13 to %scan3A_15 step %scan3A_16 iter_args(%scan3A_33 = %scan3A_11, %scan3A_34 = %scan3A_12) -> (i32, i32)  : i32 {
      %mul3A_35 = arith.constant 6400 : i32
      %mul3A_36 = arith.muli %scan3A_32, %mul3A_35 : i32
      "tpu.region"() ({
        %run_scoped3A = tpu.sem_alloc : memref<!tpu.dma_semaphore, #tpu.memory_space<semaphore_mem>>
        %dma_start3A = tpu.memref_slice %arg2[%mul3A_36] : memref<320000xi32, #tpu.memory_space<hbm>> -> memref<6400xi32, #tpu.memory_space<hbm>>
        %dma_start3A_46 = tpu.memref_slice %arg2[%mul3A_36] : memref<320000xi32, #tpu.memory_space<hbm>> -> memref<6400xi32, #tpu.memory_space<hbm>>
        tpu.enqueue_dma source(%dma_start3A_46 : memref<6400xi32, #tpu.memory_space<hbm>>) target(%arg6 : memref<6400xi32, #tpu.memory_space<vmem>>) target_semaphore(%run_scoped3A : memref<!tpu.dma_semaphore, #tpu.memory_space<semaphore_mem>>)
        %dma_wait3A = tpu.memref_slice %arg2[%mul3A_36] : memref<320000xi32, #tpu.memory_space<hbm>> -> memref<6400xi32, #tpu.memory_space<hbm>>
        %dma_wait3A_47 = tpu.memref_slice %arg2[%mul3A_36] : memref<320000xi32, #tpu.memory_space<hbm>> -> memref<6400xi32, #tpu.memory_space<hbm>>
        tpu.wait_dma2 semaphore(%run_scoped3A : memref<!tpu.dma_semaphore, #tpu.memory_space<semaphore_mem>>) src(%dma_wait3A_47 : memref<6400xi32, #tpu.memory_space<hbm>>) dst(%arg6 : memref<6400xi32, #tpu.memory_space<vmem>>)
        tpu.yield
      }) : () -> ()
      %scan3A_37 = arith.constant 0 : i32
      %scan3A_38 = arith.constant 400 : i32
      %scan3A_39 = arith.addi %scan3A_37, %scan3A_38 : i32
      %scan3A_40 = arith.constant 1 : i32
      %scan3A_41 = scf.for %scan3A_46 = %scan3A_37 to %scan3A_39 step %scan3A_40 iter_args(%scan3A_47 = %scan3A_33) -> (i32)  : i32 {
        %mul3A_48 = arith.constant 16 : i32
        %mul3A_49 = arith.muli %scan3A_46, %mul3A_48 : i32
        %get3A = arith.index_cast %mul3A_49 : i32 to index
        %get3A_50 = tpu.vector_load %arg6[%get3A] {strides = array<i32>} : memref<6400xi32, #tpu.memory_space<vmem>>, vector<16xi32>,
        %ge3A_51 = vector.broadcast %mul3A_2 : i32 to vector<16xi32>
        %ge3A_52 = arith.cmpi sge, %get3A_50, %ge3A_51 : vector<16xi32>
        %lt3A = vector.broadcast %add3A_4 : i32 to vector<16xi32>
        %lt3A_53 = arith.cmpi slt, %get3A_50, %lt3A : vector<16xi32>
        %and3A = arith.andi %ge3A_52, %lt3A_53 : vector<16xi1>
        %iota3A = tpu.iota {dimensions = array<i32: 0>} : vector<16xi32>
        %mul3A_54 = arith.constant 6400 : i32
        %mul3A_55 = arith.muli %scan3A_32, %mul3A_54 : i32
        %mul3A_56 = arith.constant 16 : i32
        %mul3A_57 = arith.muli %scan3A_46, %mul3A_56 : i32
        %add3A_58 = arith.addi %mul3A_55, %mul3A_57 : i32
        %add3A_59 = vector.broadcast %add3A_58 : i32 to vector<16xi32>
        %add3A_60 = arith.addi %iota3A, %add3A_59 : vector<16xi32>
        %convert_element_type3A_61 = arith.extui %and3A : vector<16xi1> to vector<16xi32>
        %broadcast_in_dim3A_62 = arith.constant true
        %broadcast_in_dim3A_63 = vector.broadcast %broadcast_in_dim3A_62 : i1 to vector<16xi1>
        %masked_cumsum3A = tpu.scan <sum>, %convert_element_type3A_61 masked %broadcast_in_dim3A_63 : vector<16xi32>, vector<16xi1> -> vector<16xi32>
        %sub3A = arith.constant 1 : i32
        %sub3A_64 = arith.subi %scan3A_47, %sub3A : i32
        %add3A_65 = vector.broadcast %sub3A_64 : i32 to vector<16xi32>
        %add3A_66 = arith.addi %masked_cumsum3A, %add3A_65 : vector<16xi32>
        tpu.vector_store_idx %arg7[%add3A_66], %add3A_60 masked %and3A : memref<14608xi32, #tpu.memory_space<vmem>>[vector<16xi32>], vector<16xi32>, vector<16xi1>
        %sub3A_67 = vector.broadcast %mul3A_2 : i32 to vector<16xi32>
        %sub3A_68 = arith.subi %get3A_50, %sub3A_67 : vector<16xi32>
        tpu.vector_store_idx %arg8[%add3A_66], %sub3A_68 masked %and3A : memref<14608xi32, #tpu.memory_space<vmem>>[vector<16xi32>], vector<16xi32>, vector<16xi1>
        %reduce_max3A = arith.constant true
        %reduce_max3A_69 = vector.broadcast %reduce_max3A : i1 to vector<16xi1>
        %reduce_max3A_70 = arith.constant -2147483648 : i32
        %reduce_max3A_71 = vector.broadcast %reduce_max3A_70 : i32 to vector<16xi32>
        %reduce_max3A_72 = arith.xori %masked_cumsum3A, %reduce_max3A_71 : vector<16xi32>
        %reduce_max3A_73 = tpu.scan <max>, %reduce_max3A_72 masked %reduce_max3A_69 : vector<16xi32>, vector<16xi1> -> vector<16xi32>
        %reduce_max3A_74 = arith.xori %reduce_max3A_73, %reduce_max3A_71 : vector<16xi32>
        %reduce_max3A_75 = vector.extract %reduce_max3A_74[15] : i32 from vector<16xi32>
        %add3A_76 = arith.addi %scan3A_47, %reduce_max3A_75 : i32
        scf.yield %add3A_76 : i32
      }
      %scan3A_42 = arith.constant 400 : i32
      %ge3A = arith.constant 8192 : i32
      %ge3A_43 = arith.cmpi sge, %scan3A_41, %ge3A : i32
      %convert_element_type3A = arith.extui %ge3A_43 : i1 to i32
      %cond3A = arith.constant 0 : i32
      %cond3A_44 = arith.cmpi ne, %convert_element_type3A, %cond3A : i32
      %cond3A_45:2 = scf.if %cond3A_44 -> (i32, i32) {
        %mul3A_46 = arith.constant 8192 : i32
        %mul3A_47 = arith.muli %scan3A_34, %mul3A_46 : i32
        "tpu.region"() ({
          %run_scoped3A = tpu.sem_alloc : memref<!tpu.dma_semaphore, #tpu.memory_space<semaphore_mem>>
          %dma_start3A = arith.constant 0 : i32
          %dma_start3A_85 = tpu.memref_slice %arg7[%dma_start3A] : memref<14608xi32, #tpu.memory_space<vmem>> -> memref<8192xi32, #tpu.memory_space<vmem>>
          %dma_start3A_86 = tpu.memref_slice %arg3[%add3A, %mul3A_47] : memref<32x327680xi32, #tpu.memory_space<hbm>> -> memref<1x8192xi32, #tpu.memory_space<hbm>>
          %dma_start3A_87 = tpu.memref_squeeze %dma_start3A_86 : memref<1x8192xi32, #tpu.memory_space<hbm>> -> memref<8192xi32, #tpu.memory_space<hbm>>
          %dma_start3A_88 = tpu.memref_slice %arg3[%add3A, %mul3A_47] : memref<32x327680xi32, #tpu.memory_space<hbm>> -> memref<1x8192xi32, #tpu.memory_space<hbm>>
          %dma_start3A_89 = tpu.memref_squeeze %dma_start3A_88 : memref<1x8192xi32, #tpu.memory_space<hbm>> -> memref<8192xi32, #tpu.memory_space<hbm>>
          %dma_start3A_90 = arith.constant 0 : i32
          %dma_start3A_91 = tpu.memref_slice %arg7[%dma_start3A_90] : memref<14608xi32, #tpu.memory_space<vmem>> -> memref<8192xi32, #tpu.memory_space<vmem>>
          tpu.enqueue_dma source(%dma_start3A_91 : memref<8192xi32, #tpu.memory_space<vmem>>) target(%dma_start3A_89 : memref<8192xi32, #tpu.memory_space<hbm>>) target_semaphore(%run_scoped3A : memref<!tpu.dma_semaphore, #tpu.memory_space<semaphore_mem>>)
          %dma_wait3A = arith.constant 0 : i32
          %dma_wait3A_92 = tpu.memref_slice %arg7[%dma_wait3A] : memref<14608xi32, #tpu.memory_space<vmem>> -> memref<8192xi32, #tpu.memory_space<vmem>>
          %dma_wait3A_93 = tpu.memref_slice %arg3[%add3A, %mul3A_47] : memref<32x327680xi32, #tpu.memory_space<hbm>> -> memref<1x8192xi32, #tpu.memory_space<hbm>>
          %dma_wait3A_94 = tpu.memref_squeeze %dma_wait3A_93 : memref<1x8192xi32, #tpu.memory_space<hbm>> -> memref<8192xi32, #tpu.memory_space<hbm>>
          %dma_wait3A_95 = tpu.memref_slice %arg3[%add3A, %mul3A_47] : memref<32x327680xi32, #tpu.memory_space<hbm>> -> memref<1x8192xi32, #tpu.memory_space<hbm>>
          %dma_wait3A_96 = tpu.memref_squeeze %dma_wait3A_95 : memref<1x8192xi32, #tpu.memory_space<hbm>> -> memref<8192xi32, #tpu.memory_space<hbm>>
          %dma_wait3A_97 = arith.constant 0 : i32
          %dma_wait3A_98 = tpu.memref_slice %arg7[%dma_wait3A_97] : memref<14608xi32, #tpu.memory_space<vmem>> -> memref<8192xi32, #tpu.memory_space<vmem>>
          tpu.wait_dma2 semaphore(%run_scoped3A : memref<!tpu.dma_semaphore, #tpu.memory_space<semaphore_mem>>) src(%dma_wait3A_98 : memref<8192xi32, #tpu.memory_space<vmem>>) dst(%dma_wait3A_96 : memref<8192xi32, #tpu.memory_space<hbm>>)
          tpu.yield
        }) : () -> ()
        %mul3A_48 = arith.constant 8192 : i32
        %mul3A_49 = arith.muli %scan3A_34, %mul3A_48 : i32
        "tpu.region"() ({
          %run_scoped3A = tpu.sem_alloc : memref<!tpu.dma_semaphore, #tpu.memory_space<semaphore_mem>>
          %dma_start3A = arith.constant 0 : i32
          %dma_start3A_85 = tpu.memref_slice %arg8[%dma_start3A] : memref<14608xi32, #tpu.memory_space<vmem>> -> memref<8192xi32, #tpu.memory_space<vmem>>
          %dma_start3A_86 = tpu.memref_slice %arg4[%add3A, %mul3A_49] : memref<32x327680xi32, #tpu.memory_space<hbm>> -> memref<1x8192xi32, #tpu.memory_space<hbm>>
          %dma_start3A_87 = tpu.memref_squeeze %dma_start3A_86 : memref<1x8192xi32, #tpu.memory_space<hbm>> -> memref<8192xi32, #tpu.memory_space<hbm>>
          %dma_start3A_88 = tpu.memref_slice %arg4[%add3A, %mul3A_49] : memref<32x327680xi32, #tpu.memory_space<hbm>> -> memref<1x8192xi32, #tpu.memory_space<hbm>>
          %dma_start3A_89 = tpu.memref_squeeze %dma_start3A_88 : memref<1x8192xi32, #tpu.memory_space<hbm>> -> memref<8192xi32, #tpu.memory_space<hbm>>
          %dma_start3A_90 = arith.constant 0 : i32
          %dma_start3A_91 = tpu.memref_slice %arg8[%dma_start3A_90] : memref<14608xi32, #tpu.memory_space<vmem>> -> memref<8192xi32, #tpu.memory_space<vmem>>
          tpu.enqueue_dma source(%dma_start3A_91 : memref<8192xi32, #tpu.memory_space<vmem>>) target(%dma_start3A_89 : memref<8192xi32, #tpu.memory_space<hbm>>) target_semaphore(%run_scoped3A : memref<!tpu.dma_semaphore, #tpu.memory_space<semaphore_mem>>)
          %dma_wait3A = arith.constant 0 : i32
          %dma_wait3A_92 = tpu.memref_slice %arg8[%dma_wait3A] : memref<14608xi32, #tpu.memory_space<vmem>> -> memref<8192xi32, #tpu.memory_space<vmem>>
          %dma_wait3A_93 = tpu.memref_slice %arg4[%add3A, %mul3A_49] : memref<32x327680xi32, #tpu.memory_space<hbm>> -> memref<1x8192xi32, #tpu.memory_space<hbm>>
          %dma_wait3A_94 = tpu.memref_squeeze %dma_wait3A_93 : memref<1x8192xi32, #tpu.memory_space<hbm>> -> memref<8192xi32, #tpu.memory_space<hbm>>
          %dma_wait3A_95 = tpu.memref_slice %arg4[%add3A, %mul3A_49] : memref<32x327680xi32, #tpu.memory_space<hbm>> -> memref<1x8192xi32, #tpu.memory_space<hbm>>
          %dma_wait3A_96 = tpu.memref_squeeze %dma_wait3A_95 : memref<1x8192xi32, #tpu.memory_space<hbm>> -> memref<8192xi32, #tpu.memory_space<hbm>>
          %dma_wait3A_97 = arith.constant 0 : i32
          %dma_wait3A_98 = tpu.memref_slice %arg8[%dma_wait3A_97] : memref<14608xi32, #tpu.memory_space<vmem>> -> memref<8192xi32, #tpu.memory_space<vmem>>
          tpu.wait_dma2 semaphore(%run_scoped3A : memref<!tpu.dma_semaphore, #tpu.memory_space<semaphore_mem>>) src(%dma_wait3A_98 : memref<8192xi32, #tpu.memory_space<vmem>>) dst(%dma_wait3A_96 : memref<8192xi32, #tpu.memory_space<hbm>>)
          tpu.yield
        }) : () -> ()
        %sub3A = arith.constant 8192 : i32
        %sub3A_50 = arith.subi %scan3A_41, %sub3A : i32
        %add3A_51 = arith.constant 16 : i32
        %add3A_52 = arith.addi %sub3A_50, %add3A_51 : i32
        %sub3A_53 = arith.constant 1 : i32
        %sub3A_54 = arith.subi %add3A_52, %sub3A_53 : i32
        %jit3A = arith.constant 16 : i32
        %div3A = arith.divsi %sub3A_54, %jit3A : i32
        %sign3A = arith.constant 0 : i32
        %sign3A_55 = arith.cmpi sgt, %sub3A_54, %sign3A : i32
        %sign3A_56 = arith.extui %sign3A_55 : i1 to i32
        %sign3A_57 = arith.constant 0 : i32
        %sign3A_58 = arith.cmpi slt, %sub3A_54, %sign3A_57 : i32
        %sign3A_59 = arith.extui %sign3A_58 : i1 to i32
        %sign3A_60 = arith.subi %sign3A_56, %sign3A_59 : i32
        %sign3A_61 = arith.constant 0 : i32
        %sign3A_62 = arith.cmpi sgt, %jit3A, %sign3A_61 : i32
        %sign3A_63 = arith.extui %sign3A_62 : i1 to i32
        %sign3A_64 = arith.constant 0 : i32
        %sign3A_65 = arith.cmpi slt, %jit3A, %sign3A_64 : i32
        %sign3A_66 = arith.extui %sign3A_65 : i1 to i32
        %sign3A_67 = arith.subi %sign3A_63, %sign3A_66 : i32
        %ne3A = arith.cmpi ne, %sign3A_60, %sign3A_67 : i32
        %rem3A = arith.remsi %sub3A_54, %jit3A : i32
        %ne3A_68 = arith.constant 0 : i32
        %ne3A_69 = arith.cmpi ne, %rem3A, %ne3A_68 : i32
        %and3A = arith.andi %ne3A, %ne3A_69 : i1
        %sub3A_70 = arith.constant 1 : i32
        %sub3A_71 = arith.subi %div3A, %sub3A_70 : i32
        %select_n3A = arith.select %and3A, %sub3A_71, %div3A : i32
        %while3A = arith.constant 0 : i32
        %while3A_72 = arith.constant 0 : i32
        %while3A_73 = arith.subi %select_n3A, %while3A : i32
        %while3A_74 = arith.addi %while3A, %while3A_73 : i32
        %while3A_75 = arith.constant 1 : i32
        %while3A_76 = arith.divsi %while3A_73, %while3A_75 : i32
        %while3A_77 = arith.muli %while3A_76, %while3A_75 : i32
        %while3A_78 = arith.addi %while3A, %while3A_77 : i32
        %while3A_79 = arith.constant 1 : i32
        %while3A_80 = scf.for %while3A_85 = %while3A to %while3A_78 step %while3A_79 iter_args(%while3A_86 = %while3A_72) -> (i32)  : i32 {
          %mul3A_87 = arith.constant 16 : i32
          %mul3A_88 = arith.muli %while3A_85, %mul3A_87 : i32
          %add3A_89 = arith.constant 8192 : i32
          %add3A_90 = arith.addi %add3A_89, %mul3A_88 : i32
          %get3A = arith.index_cast %add3A_90 : i32 to index
          %get3A_91 = tpu.vector_load %arg7[%get3A] {strides = array<i32>} : memref<14608xi32, #tpu.memory_space<vmem>>, vector<16xi32>,
          %mul3A_92 = arith.constant 16 : i32
          %mul3A_93 = arith.muli %while3A_85, %mul3A_92 : i32
          %swap3A_94 = arith.index_cast %mul3A_93 : i32 to index
          %swap3A_95 = tpu.vector_load %arg7[%swap3A_94] {strides = array<i32>} : memref<14608xi32, #tpu.memory_space<vmem>>, vector<16xi32>,
          tpu.vector_store %arg7[%swap3A_94], %get3A_91 {strides = array<i32>} : memref<14608xi32, #tpu.memory_space<vmem>>, vector<16xi32>,
          %mul3A_96 = arith.constant 16 : i32
          %mul3A_97 = arith.muli %while3A_85, %mul3A_96 : i32
          %add3A_98 = arith.constant 8192 : i32
          %add3A_99 = arith.addi %add3A_98, %mul3A_97 : i32
          %get3A_100 = arith.index_cast %add3A_99 : i32 to index
          %get3A_101 = tpu.vector_load %arg8[%get3A_100] {strides = array<i32>} : memref<14608xi32, #tpu.memory_space<vmem>>, vector<16xi32>,
          %mul3A_102 = arith.constant 16 : i32
          %mul3A_103 = arith.muli %while3A_85, %mul3A_102 : i32
          %swap3A_104 = arith.index_cast %mul3A_103 : i32 to index
          %swap3A_105 = tpu.vector_load %arg8[%swap3A_104] {strides = array<i32>} : memref<14608xi32, #tpu.memory_space<vmem>>, vector<16xi32>,
          tpu.vector_store %arg8[%swap3A_104], %get3A_101 {strides = array<i32>} : memref<14608xi32, #tpu.memory_space<vmem>>, vector<16xi32>,
          %while3A_106 = arith.constant 0 : i32
          scf.yield %while3A_106 : i32
        }
        %while3A_81 = arith.constant 1 : i32
        %while3A_82 = scf.for %while3A_85 = %while3A_78 to %while3A_74 step %while3A_81 iter_args(%while3A_86 = %while3A_80) -> (i32)  : i32 {
          %mul3A_87 = arith.constant 16 : i32
          %mul3A_88 = arith.muli %while3A_85, %mul3A_87 : i32
          %add3A_89 = arith.constant 8192 : i32
          %add3A_90 = arith.addi %add3A_89, %mul3A_88 : i32
          %get3A = arith.index_cast %add3A_90 : i32 to index
          %get3A_91 = tpu.vector_load %arg7[%get3A] {strides = array<i32>} : memref<14608xi32, #tpu.memory_space<vmem>>, vector<16xi32>,
          %mul3A_92 = arith.constant 16 : i32
          %mul3A_93 = arith.muli %while3A_85, %mul3A_92 : i32
          %swap3A_94 = arith.index_cast %mul3A_93 : i32 to index
          %swap3A_95 = tpu.vector_load %arg7[%swap3A_94] {strides = array<i32>} : memref<14608xi32, #tpu.memory_space<vmem>>, vector<16xi32>,
          tpu.vector_store %arg7[%swap3A_94], %get3A_91 {strides = array<i32>} : memref<14608xi32, #tpu.memory_space<vmem>>, vector<16xi32>,
          %mul3A_96 = arith.constant 16 : i32
          %mul3A_97 = arith.muli %while3A_85, %mul3A_96 : i32
          %add3A_98 = arith.constant 8192 : i32
          %add3A_99 = arith.addi %add3A_98, %mul3A_97 : i32
          %get3A_100 = arith.index_cast %add3A_99 : i32 to index
          %get3A_101 = tpu.vector_load %arg8[%get3A_100] {strides = array<i32>} : memref<14608xi32, #tpu.memory_space<vmem>>, vector<16xi32>,
          %mul3A_102 = arith.constant 16 : i32
          %mul3A_103 = arith.muli %while3A_85, %mul3A_102 : i32
          %swap3A_104 = arith.index_cast %mul3A_103 : i32 to index
          %swap3A_105 = tpu.vector_load %arg8[%swap3A_104] {strides = array<i32>} : memref<14608xi32, #tpu.memory_space<vmem>>, vector<16xi32>,
          tpu.vector_store %arg8[%swap3A_104], %get3A_101 {strides = array<i32>} : memref<14608xi32, #tpu.memory_space<vmem>>, vector<16xi32>,
          %while3A_106 = arith.constant 0 : i32
          scf.yield %while3A_106 : i32
        }
        %add3A_83 = arith.constant 1 : i32
        %add3A_84 = arith.addi %scan3A_34, %add3A_83 : i32
        scf.yield %sub3A_50, %add3A_84 : i32, i32
      } else {
        scf.yield %scan3A_41, %scan3A_34 : i32, i32
      }
      scf.yield %cond3A_45#0, %cond3A_45#1 : i32, i32
    }
    %scan3A_18 = arith.constant 50 : i32
    %mul3A_19 = arith.constant 8192 : i32
    %mul3A_20 = arith.muli %scan3A_17#1, %mul3A_19 : i32
    "tpu.region"() ({
      %run_scoped3A = tpu.sem_alloc : memref<!tpu.dma_semaphore, #tpu.memory_space<semaphore_mem>>
      %dma_start3A = arith.constant 0 : i32
      %dma_start3A_32 = tpu.memref_slice %arg7[%dma_start3A] : memref<14608xi32, #tpu.memory_space<vmem>> -> memref<8192xi32, #tpu.memory_space<vmem>>
      %dma_start3A_33 = tpu.memref_slice %arg3[%add3A, %mul3A_20] : memref<32x327680xi32, #tpu.memory_space<hbm>> -> memref<1x8192xi32, #tpu.memory_space<hbm>>
      %dma_start3A_34 = tpu.memref_squeeze %dma_start3A_33 : memref<1x8192xi32, #tpu.memory_space<hbm>> -> memref<8192xi32, #tpu.memory_space<hbm>>
      %dma_start3A_35 = tpu.memref_slice %arg3[%add3A, %mul3A_20] : memref<32x327680xi32, #tpu.memory_space<hbm>> -> memref<1x8192xi32, #tpu.memory_space<hbm>>
      %dma_start3A_36 = tpu.memref_squeeze %dma_start3A_35 : memref<1x8192xi32, #tpu.memory_space<hbm>> -> memref<8192xi32, #tpu.memory_space<hbm>>
      %dma_start3A_37 = arith.constant 0 : i32
      %dma_start3A_38 = tpu.memref_slice %arg7[%dma_start3A_37] : memref<14608xi32, #tpu.memory_space<vmem>> -> memref<8192xi32, #tpu.memory_space<vmem>>
      tpu.enqueue_dma source(%dma_start3A_38 : memref<8192xi32, #tpu.memory_space<vmem>>) target(%dma_start3A_36 : memref<8192xi32, #tpu.memory_space<hbm>>) target_semaphore(%run_scoped3A : memref<!tpu.dma_semaphore, #tpu.memory_space<semaphore_mem>>)
      %dma_wait3A = arith.constant 0 : i32
      %dma_wait3A_39 = tpu.memref_slice %arg7[%dma_wait3A] : memref<14608xi32, #tpu.memory_space<vmem>> -> memref<8192xi32, #tpu.memory_space<vmem>>
      %dma_wait3A_40 = tpu.memref_slice %arg3[%add3A, %mul3A_20] : memref<32x327680xi32, #tpu.memory_space<hbm>> -> memref<1x8192xi32, #tpu.memory_space<hbm>>
      %dma_wait3A_41 = tpu.memref_squeeze %dma_wait3A_40 : memref<1x8192xi32, #tpu.memory_space<hbm>> -> memref<8192xi32, #tpu.memory_space<hbm>>
      %dma_wait3A_42 = tpu.memref_slice %arg3[%add3A, %mul3A_20] : memref<32x327680xi32, #tpu.memory_space<hbm>> -> memref<1x8192xi32, #tpu.memory_space<hbm>>
      %dma_wait3A_43 = tpu.memref_squeeze %dma_wait3A_42 : memref<1x8192xi32, #tpu.memory_space<hbm>> -> memref<8192xi32, #tpu.memory_space<hbm>>
      %dma_wait3A_44 = arith.constant 0 : i32
      %dma_wait3A_45 = tpu.memref_slice %arg7[%dma_wait3A_44] : memref<14608xi32, #tpu.memory_space<vmem>> -> memref<8192xi32, #tpu.memory_space<vmem>>
      tpu.wait_dma2 semaphore(%run_scoped3A : memref<!tpu.dma_semaphore, #tpu.memory_space<semaphore_mem>>) src(%dma_wait3A_45 : memref<8192xi32, #tpu.memory_space<vmem>>) dst(%dma_wait3A_43 : memref<8192xi32, #tpu.memory_space<hbm>>)
      tpu.yield
    }) : () -> ()
    %mul3A_21 = arith.constant 8192 : i32
    %mul3A_22 = arith.muli %scan3A_17#1, %mul3A_21 : i32
    "tpu.region"() ({
      %run_scoped3A = tpu.sem_alloc : memref<!tpu.dma_semaphore, #tpu.memory_space<semaphore_mem>>
      %dma_start3A = arith.constant 0 : i32
      %dma_start3A_32 = tpu.memref_slice %arg8[%dma_start3A] : memref<14608xi32, #tpu.memory_space<vmem>> -> memref<8192xi32, #tpu.memory_space<vmem>>
      %dma_start3A_33 = tpu.memref_slice %arg4[%add3A, %mul3A_22] : memref<32x327680xi32, #tpu.memory_space<hbm>> -> memref<1x8192xi32, #tpu.memory_space<hbm>>
      %dma_start3A_34 = tpu.memref_squeeze %dma_start3A_33 : memref<1x8192xi32, #tpu.memory_space<hbm>> -> memref<8192xi32, #tpu.memory_space<hbm>>
      %dma_start3A_35 = tpu.memref_slice %arg4[%add3A, %mul3A_22] : memref<32x327680xi32, #tpu.memory_space<hbm>> -> memref<1x8192xi32, #tpu.memory_space<hbm>>
      %dma_start3A_36 = tpu.memref_squeeze %dma_start3A_35 : memref<1x8192xi32, #tpu.memory_space<hbm>> -> memref<8192xi32, #tpu.memory_space<hbm>>
      %dma_start3A_37 = arith.constant 0 : i32
      %dma_start3A_38 = tpu.memref_slice %arg8[%dma_start3A_37] : memref<14608xi32, #tpu.memory_space<vmem>> -> memref<8192xi32, #tpu.memory_space<vmem>>
      tpu.enqueue_dma source(%dma_start3A_38 : memref<8192xi32, #tpu.memory_space<vmem>>) target(%dma_start3A_36 : memref<8192xi32, #tpu.memory_space<hbm>>) target_semaphore(%run_scoped3A : memref<!tpu.dma_semaphore, #tpu.memory_space<semaphore_mem>>)
      %dma_wait3A = arith.constant 0 : i32
      %dma_wait3A_39 = tpu.memref_slice %arg8[%dma_wait3A] : memref<14608xi32, #tpu.memory_space<vmem>> -> memref<8192xi32, #tpu.memory_space<vmem>>
      %dma_wait3A_40 = tpu.memref_slice %arg4[%add3A, %mul3A_22] : memref<32x327680xi32, #tpu.memory_space<hbm>> -> memref<1x8192xi32, #tpu.memory_space<hbm>>
      %dma_wait3A_41 = tpu.memref_squeeze %dma_wait3A_40 : memref<1x8192xi32, #tpu.memory_space<hbm>> -> memref<8192xi32, #tpu.memory_space<hbm>>
      %dma_wait3A_42 = tpu.memref_slice %arg4[%add3A, %mul3A_22] : memref<32x327680xi32, #tpu.memory_space<hbm>> -> memref<1x8192xi32, #tpu.memory_space<hbm>>
      %dma_wait3A_43 = tpu.memref_squeeze %dma_wait3A_42 : memref<1x8192xi32, #tpu.memory_space<hbm>> -> memref<8192xi32, #tpu.memory_space<hbm>>
      %dma_wait3A_44 = arith.constant 0 : i32
      %dma_wait3A_45 = tpu.memref_slice %arg8[%dma_wait3A_44] : memref<14608xi32, #tpu.memory_space<vmem>> -> memref<8192xi32, #tpu.memory_space<vmem>>
      tpu.wait_dma2 semaphore(%run_scoped3A : memref<!tpu.dma_semaphore, #tpu.memory_space<semaphore_mem>>) src(%dma_wait3A_45 : memref<8192xi32, #tpu.memory_space<vmem>>) dst(%dma_wait3A_43 : memref<8192xi32, #tpu.memory_space<hbm>>)
      tpu.yield
    }) : () -> ()
    %mul3A_23 = arith.constant 8192 : i32
    %mul3A_24 = arith.muli %scan3A_17#1, %mul3A_23 : i32
    %add3A_25 = arith.addi %mul3A_24, %scan3A_17#0 : i32
    %broadcast_in_dim3A = arith.constant 0 : i32
    %broadcast_in_dim3A_26 = vector.broadcast %broadcast_in_dim3A : i32 to vector<16xi32>
    %add3A_27 = vector.broadcast %add3A_25 : i32 to vector<16xi32>
    %add3A_28 = arith.addi %broadcast_in_dim3A_26, %add3A_27 : vector<16xi32>
    %swap3A = arith.constant 0 : index
    %swap3A_29 = tpu.vector_load %arg9[%swap3A] {strides = array<i32>} : memref<16xi32, #tpu.memory_space<vmem>>, vector<16xi32>,
    tpu.vector_store %arg9[%swap3A], %add3A_28 {strides = array<i32>} : memref<16xi32, #tpu.memory_space<vmem>>, vector<16xi32>,
    %mul3A_30 = arith.constant 16 : i32
    %mul3A_31 = arith.muli %add3A, %mul3A_30 : i32
    "tpu.region"() ({
      %run_scoped3A = tpu.sem_alloc : memref<!tpu.dma_semaphore, #tpu.memory_space<semaphore_mem>>
      %dma_start3A = tpu.memref_slice %arg5[%mul3A_31] : memref<512xi32, #tpu.memory_space<hbm>> -> memref<16xi32, #tpu.memory_space<hbm>>
      %dma_start3A_32 = tpu.memref_slice %arg5[%mul3A_31] : memref<512xi32, #tpu.memory_space<hbm>> -> memref<16xi32, #tpu.memory_space<hbm>>
      tpu.enqueue_dma source(%arg9 : memref<16xi32, #tpu.memory_space<vmem>>) target(%dma_start3A_32 : memref<16xi32, #tpu.memory_space<hbm>>) target_semaphore(%run_scoped3A : memref<!tpu.dma_semaphore, #tpu.memory_space<semaphore_mem>>)
      %dma_wait3A = tpu.memref_slice %arg5[%mul3A_31] : memref<512xi32, #tpu.memory_space<hbm>> -> memref<16xi32, #tpu.memory_space<hbm>>
      %dma_wait3A_33 = tpu.memref_slice %arg5[%mul3A_31] : memref<512xi32, #tpu.memory_space<hbm>> -> memref<16xi32, #tpu.memory_space<hbm>>
      tpu.wait_dma2 semaphore(%run_scoped3A : memref<!tpu.dma_semaphore, #tpu.memory_space<semaphore_mem>>) src(%arg9 : memref<16xi32, #tpu.memory_space<vmem>>) dst(%dma_wait3A_33 : memref<16xi32, #tpu.memory_space<hbm>>)
      tpu.yield
    }) : () -> ()
    return
  }
}

#map = affine_map<(d0, d1) -> (0, 0)>
#map1 = affine_map<(d0, d1) -> (0)>
module attributes {stable_mosaic.version = 14 : i64} {
  func.func @_gather_body(%arg0: i32, %arg1: i32, %arg2: memref<10240x128xf32, #tpu.memory_space<hbm>>, %arg3: memref<10240x128xf32, #tpu.memory_space<hbm>>, %arg4: memref<320000xi32, #tpu.memory_space<hbm>>, %arg5: memref<320000xi32, #tpu.memory_space<hbm>>, %arg6: memref<320000x128xf32, #tpu.memory_space<hbm>>, %arg7: memref<10000xi32, #tpu.memory_space<vmem>>, %arg8: memref<10000xi32, #tpu.memory_space<vmem>>, %arg9: memref<80x128xf32, #tpu.memory_space<vmem>>, %arg10: memref<80x128xf32, #tpu.memory_space<vmem>>, %arg11: memref<80x128xf32, #tpu.memory_space<vmem>>, %arg12: memref<80x128xf32, #tpu.memory_space<vmem>>, %arg13: memref<80x128xf32, #tpu.memory_space<vmem>>, %arg14: memref<80x128xf32, #tpu.memory_space<vmem>>, %arg15: memref<!tpu.dma_semaphore, #tpu.memory_space<semaphore_mem>>, %arg16: memref<!tpu.dma_semaphore, #tpu.memory_space<semaphore_mem>>, %arg17: memref<!tpu.dma_semaphore, #tpu.memory_space<semaphore_mem>>, %arg18: memref<!tpu.dma_semaphore, #tpu.memory_space<semaphore_mem>>, %arg19: memref<!tpu.dma_semaphore, #tpu.memory_space<semaphore_mem>>, %arg20: memref<!tpu.dma_semaphore, #tpu.memory_space<semaphore_mem>>) attributes {dimension_semantics = [#tpu.dimension_semantics<core_parallel>, #tpu.dimension_semantics<subcore_parallel>], iteration_bounds = array<i64: 2, 16>, scalar_prefetch = 0 : i64, scratch_operands = 14 : i64, tpu.core_type = #tpu.core_type<sc_vector_subcore>, window_params = [{transform_indices = #map}, {transform_indices = #map}, {transform_indices = #map1}, {transform_indices = #map1}, {transform_indices = #map}]} {
    %mul3A = arith.constant 2 : i32
    %mul3A_0 = arith.muli %arg1, %mul3A : i32
    %add3A = arith.addi %mul3A_0, %arg0 : i32
    %mul3A_1 = arith.constant 10000 : i32
    %mul3A_2 = arith.muli %add3A, %mul3A_1 : i32
    %iota3A = tpu.iota {dimensions = array<i32: 0>} : vector<16xi32>
    %add3A_3 = arith.constant 0 : i32
    %add3A_4 = vector.broadcast %add3A_3 : i32 to vector<16xi32>
    %add3A_5 = arith.addi %add3A_4, %iota3A : vector<16xi32>
    %iota3A_6 = tpu.iota {dimensions = array<i32: 0>} : vector<16xi32>
    %add3A_7 = arith.constant 16 : i32
    %add3A_8 = vector.broadcast %add3A_7 : i32 to vector<16xi32>
    %add3A_9 = arith.addi %add3A_8, %iota3A_6 : vector<16xi32>
    %iota3A_10 = tpu.iota {dimensions = array<i32: 0>} : vector<16xi32>
    %add3A_11 = arith.constant 32 : i32
    %add3A_12 = vector.broadcast %add3A_11 : i32 to vector<16xi32>
    %add3A_13 = arith.addi %add3A_12, %iota3A_10 : vector<16xi32>
    %iota3A_14 = tpu.iota {dimensions = array<i32: 0>} : vector<16xi32>
    %add3A_15 = arith.constant 48 : i32
    %add3A_16 = vector.broadcast %add3A_15 : i32 to vector<16xi32>
    %add3A_17 = arith.addi %add3A_16, %iota3A_14 : vector<16xi32>
    %iota3A_18 = tpu.iota {dimensions = array<i32: 0>} : vector<16xi32>
    %add3A_19 = arith.constant 64 : i32
    %add3A_20 = vector.broadcast %add3A_19 : i32 to vector<16xi32>
    %add3A_21 = arith.addi %add3A_20, %iota3A_18 : vector<16xi32>
    %iota3A_22 = tpu.iota {dimensions = array<i32: 0>} : vector<16xi32>
    %add3A_23 = arith.constant 80 : i32
    %add3A_24 = vector.broadcast %add3A_23 : i32 to vector<16xi32>
    %add3A_25 = arith.addi %add3A_24, %iota3A_22 : vector<16xi32>
    %iota3A_26 = tpu.iota {dimensions = array<i32: 0>} : vector<16xi32>
    %add3A_27 = arith.constant 96 : i32
    %add3A_28 = vector.broadcast %add3A_27 : i32 to vector<16xi32>
    %add3A_29 = arith.addi %add3A_28, %iota3A_26 : vector<16xi32>
    %iota3A_30 = tpu.iota {dimensions = array<i32: 0>} : vector<16xi32>
    %add3A_31 = arith.constant 112 : i32
    %add3A_32 = vector.broadcast %add3A_31 : i32 to vector<16xi32>
    %add3A_33 = arith.addi %add3A_32, %iota3A_30 : vector<16xi32>
    "tpu.region"() ({
      %run_scoped3A = tpu.sem_alloc : memref<!tpu.dma_semaphore, #tpu.memory_space<semaphore_mem>>
      %dma_start3A_59 = tpu.memref_slice %arg4[%mul3A_2] : memref<320000xi32, #tpu.memory_space<hbm>> -> memref<10000xi32, #tpu.memory_space<hbm>>
      %dma_start3A_60 = tpu.memref_slice %arg4[%mul3A_2] : memref<320000xi32, #tpu.memory_space<hbm>> -> memref<10000xi32, #tpu.memory_space<hbm>>
      tpu.enqueue_dma source(%dma_start3A_60 : memref<10000xi32, #tpu.memory_space<hbm>>) target(%arg7 : memref<10000xi32, #tpu.memory_space<vmem>>) target_semaphore(%run_scoped3A : memref<!tpu.dma_semaphore, #tpu.memory_space<semaphore_mem>>)
      %dma_wait3A = tpu.memref_slice %arg4[%mul3A_2] : memref<320000xi32, #tpu.memory_space<hbm>> -> memref<10000xi32, #tpu.memory_space<hbm>>
      %dma_wait3A_61 = tpu.memref_slice %arg4[%mul3A_2] : memref<320000xi32, #tpu.memory_space<hbm>> -> memref<10000xi32, #tpu.memory_space<hbm>>
      tpu.wait_dma2 semaphore(%run_scoped3A : memref<!tpu.dma_semaphore, #tpu.memory_space<semaphore_mem>>) src(%dma_wait3A_61 : memref<10000xi32, #tpu.memory_space<hbm>>) dst(%arg7 : memref<10000xi32, #tpu.memory_space<vmem>>)
      tpu.yield
    }) : () -> ()
    "tpu.region"() ({
      %run_scoped3A = tpu.sem_alloc : memref<!tpu.dma_semaphore, #tpu.memory_space<semaphore_mem>>
      %dma_start3A_59 = tpu.memref_slice %arg5[%mul3A_2] : memref<320000xi32, #tpu.memory_space<hbm>> -> memref<10000xi32, #tpu.memory_space<hbm>>
      %dma_start3A_60 = tpu.memref_slice %arg5[%mul3A_2] : memref<320000xi32, #tpu.memory_space<hbm>> -> memref<10000xi32, #tpu.memory_space<hbm>>
      tpu.enqueue_dma source(%dma_start3A_60 : memref<10000xi32, #tpu.memory_space<hbm>>) target(%arg8 : memref<10000xi32, #tpu.memory_space<vmem>>) target_semaphore(%run_scoped3A : memref<!tpu.dma_semaphore, #tpu.memory_space<semaphore_mem>>)
      %dma_wait3A = tpu.memref_slice %arg5[%mul3A_2] : memref<320000xi32, #tpu.memory_space<hbm>> -> memref<10000xi32, #tpu.memory_space<hbm>>
      %dma_wait3A_61 = tpu.memref_slice %arg5[%mul3A_2] : memref<320000xi32, #tpu.memory_space<hbm>> -> memref<10000xi32, #tpu.memory_space<hbm>>
      tpu.wait_dma2 semaphore(%run_scoped3A : memref<!tpu.dma_semaphore, #tpu.memory_space<semaphore_mem>>) src(%dma_wait3A_61 : memref<10000xi32, #tpu.memory_space<hbm>>) dst(%arg8 : memref<10000xi32, #tpu.memory_space<vmem>>)
      tpu.yield
    }) : () -> ()
    %dma_start3A = arith.constant 0 : i32
    %dma_start3A_34 = tpu.memref_slice %arg8[%dma_start3A] : memref<10000xi32, #tpu.memory_space<vmem>> -> memref<80xi32, #tpu.memory_space<vmem>>
    %dma_start3A_35 = arith.constant 0 : i32
    %dma_start3A_36 = arith.constant 0 : i32
    %dma_start3A_37 = tpu.memref_slice %arg2[%dma_start3A_35, %dma_start3A_36] : memref<10240x128xf32, #tpu.memory_space<hbm>> -> memref<10240x128xf32, #tpu.memory_space<hbm>>
    tpu.enqueue_indirect_dma source(%dma_start3A_37 : memref<10240x128xf32, #tpu.memory_space<hbm>>) target(%arg9 : memref<80x128xf32, #tpu.memory_space<vmem>>) offsets(%dma_start3A_34 : memref<80xi32, #tpu.memory_space<vmem>>) semaphore(%arg15 : memref<!tpu.dma_semaphore, #tpu.memory_space<semaphore_mem>>)
    %dma_start3A_38 = arith.constant 0 : i32
    %dma_start3A_39 = tpu.memref_slice %arg7[%dma_start3A_38] : memref<10000xi32, #tpu.memory_space<vmem>> -> memref<80xi32, #tpu.memory_space<vmem>>
    %dma_start3A_40 = arith.constant 0 : i32
    %dma_start3A_41 = arith.constant 0 : i32
    %dma_start3A_42 = tpu.memref_slice %arg3[%dma_start3A_40, %dma_start3A_41] : memref<10240x128xf32, #tpu.memory_space<hbm>> -> memref<10240x128xf32, #tpu.memory_space<hbm>>
    tpu.enqueue_indirect_dma source(%dma_start3A_42 : memref<10240x128xf32, #tpu.memory_space<hbm>>) target(%arg11 : memref<80x128xf32, #tpu.memory_space<vmem>>) offsets(%dma_start3A_39 : memref<80xi32, #tpu.memory_space<vmem>>) semaphore(%arg17 : memref<!tpu.dma_semaphore, #tpu.memory_space<semaphore_mem>>)
    %dma_start3A_43 = arith.constant 80 : i32
    %dma_start3A_44 = tpu.memref_slice %arg8[%dma_start3A_43] : memref<10000xi32, #tpu.memory_space<vmem>> -> memref<80xi32, #tpu.memory_space<vmem>>
    %dma_start3A_45 = arith.constant 0 : i32
    %dma_start3A_46 = arith.constant 0 : i32
    %dma_start3A_47 = tpu.memref_slice %arg2[%dma_start3A_45, %dma_start3A_46] : memref<10240x128xf32, #tpu.memory_space<hbm>> -> memref<10240x128xf32, #tpu.memory_space<hbm>>
    tpu.enqueue_indirect_dma source(%dma_start3A_47 : memref<10240x128xf32, #tpu.memory_space<hbm>>) target(%arg10 : memref<80x128xf32, #tpu.memory_space<vmem>>) offsets(%dma_start3A_44 : memref<80xi32, #tpu.memory_space<vmem>>) semaphore(%arg16 : memref<!tpu.dma_semaphore, #tpu.memory_space<semaphore_mem>>)
    %dma_start3A_48 = arith.constant 80 : i32
    %dma_start3A_49 = tpu.memref_slice %arg7[%dma_start3A_48] : memref<10000xi32, #tpu.memory_space<vmem>> -> memref<80xi32, #tpu.memory_space<vmem>>
    %dma_start3A_50 = arith.constant 0 : i32
    %dma_start3A_51 = arith.constant 0 : i32
    %dma_start3A_52 = tpu.memref_slice %arg3[%dma_start3A_50, %dma_start3A_51] : memref<10240x128xf32, #tpu.memory_space<hbm>> -> memref<10240x128xf32, #tpu.memory_space<hbm>>
    tpu.enqueue_indirect_dma source(%dma_start3A_52 : memref<10240x128xf32, #tpu.memory_space<hbm>>) target(%arg12 : memref<80x128xf32, #tpu.memory_space<vmem>>) offsets(%dma_start3A_49 : memref<80xi32, #tpu.memory_space<vmem>>) semaphore(%arg18 : memref<!tpu.dma_semaphore, #tpu.memory_space<semaphore_mem>>)
    %scan3A = arith.constant 0 : i32
    %scan3A_53 = arith.constant 0 : i32
    %scan3A_54 = arith.constant 64 : i32
    %scan3A_55 = arith.addi %scan3A_53, %scan3A_54 : i32
    %scan3A_56 = arith.constant 1 : i32
    %scan3A_57 = scf.for %scan3A_59 = %scan3A_53 to %scan3A_55 step %scan3A_56 iter_args(%scan3A_60 = %scan3A) -> (i32)  : i32 {
      %mul3A_61 = arith.constant 2 : i32
      %mul3A_62 = arith.muli %scan3A_59, %mul3A_61 : i32
      %add3A_63 = arith.constant 0 : i32
      %add3A_64 = arith.addi %mul3A_62, %add3A_63 : i32
      %lt3A = arith.constant 125 : i32
      %lt3A_65 = arith.cmpi slt, %add3A_64, %lt3A : i32
      %convert_element_type3A = arith.extui %lt3A_65 : i1 to i32
      %cond3A = arith.constant 0 : i32
      %cond3A_66 = arith.cmpi ne, %convert_element_type3A, %cond3A : i32
      scf.if %cond3A_66 {
        %dma_wait3A = arith.constant 0 : i32
        %dma_wait3A_115 = arith.constant 0 : i32
        %dma_wait3A_116 = tpu.memref_slice %arg2[%dma_wait3A, %dma_wait3A_115] : memref<10240x128xf32, #tpu.memory_space<hbm>> -> memref<80x128xf32, #tpu.memory_space<hbm>>
        %dma_wait3A_117 = arith.constant 0 : i32
        %dma_wait3A_118 = arith.constant 0 : i32
        %dma_wait3A_119 = tpu.memref_slice %arg2[%dma_wait3A_117, %dma_wait3A_118] : memref<10240x128xf32, #tpu.memory_space<hbm>> -> memref<80x128xf32, #tpu.memory_space<hbm>>
        tpu.wait_dma2 semaphore(%arg15 : memref<!tpu.dma_semaphore, #tpu.memory_space<semaphore_mem>>) src(%dma_wait3A_119 : memref<80x128xf32, #tpu.memory_space<hbm>>) dst(%arg9 : memref<80x128xf32, #tpu.memory_space<vmem>>)
        %dma_wait3A_120 = arith.constant 0 : i32
        %dma_wait3A_121 = arith.constant 0 : i32
        %dma_wait3A_122 = tpu.memref_slice %arg3[%dma_wait3A_120, %dma_wait3A_121] : memref<10240x128xf32, #tpu.memory_space<hbm>> -> memref<80x128xf32, #tpu.memory_space<hbm>>
        %dma_wait3A_123 = arith.constant 0 : i32
        %dma_wait3A_124 = arith.constant 0 : i32
        %dma_wait3A_125 = tpu.memref_slice %arg3[%dma_wait3A_123, %dma_wait3A_124] : memref<10240x128xf32, #tpu.memory_space<hbm>> -> memref<80x128xf32, #tpu.memory_space<hbm>>
        tpu.wait_dma2 semaphore(%arg17 : memref<!tpu.dma_semaphore, #tpu.memory_space<semaphore_mem>>) src(%dma_wait3A_125 : memref<80x128xf32, #tpu.memory_space<hbm>>) dst(%arg11 : memref<80x128xf32, #tpu.memory_space<vmem>>)
      } else {
      }
      %ge3A = arith.constant 2 : i32
      %ge3A_67 = arith.cmpi sge, %add3A_64, %ge3A : i32
      %lt3A_68 = arith.constant 127 : i32
      %lt3A_69 = arith.cmpi slt, %add3A_64, %lt3A_68 : i32
      %and3A = arith.andi %ge3A_67, %lt3A_69 : i1
      %convert_element_type3A_70 = arith.extui %and3A : i1 to i32
      %cond3A_71 = arith.constant 0 : i32
      %cond3A_72 = arith.cmpi ne, %convert_element_type3A_70, %cond3A_71 : i32
      scf.if %cond3A_72 {
        %dma_wait3A = arith.constant 0 : i32
        %dma_wait3A_115 = arith.constant 0 : i32
        %dma_wait3A_116 = tpu.memref_slice %arg6[%dma_wait3A, %dma_wait3A_115] : memref<320000x128xf32, #tpu.memory_space<hbm>> -> memref<80x128xf32, #tpu.memory_space<hbm>>
        %dma_wait3A_117 = arith.constant 0 : i32
        %dma_wait3A_118 = arith.constant 0 : i32
        %dma_wait3A_119 = tpu.memref_slice %arg6[%dma_wait3A_117, %dma_wait3A_118] : memref<320000x128xf32, #tpu.memory_space<hbm>> -> memref<80x128xf32, #tpu.memory_space<hbm>>
        tpu.wait_dma2 semaphore(%arg19 : memref<!tpu.dma_semaphore, #tpu.memory_space<semaphore_mem>>) src(%arg13 : memref<80x128xf32, #tpu.memory_space<vmem>>) dst(%dma_wait3A_119 : memref<80x128xf32, #tpu.memory_space<hbm>>)
      } else {
      }
      %lt3A_73 = arith.constant 125 : i32
      %lt3A_74 = arith.cmpi slt, %add3A_64, %lt3A_73 : i32
      %convert_element_type3A_75 = arith.extui %lt3A_74 : i1 to i32
      %cond3A_76 = arith.constant 0 : i32
      %cond3A_77 = arith.cmpi ne, %convert_element_type3A_75, %cond3A_76 : i32
      scf.if %cond3A_77 {
        %scan3A_115 = arith.constant 0 : i32
        %scan3A_116 = arith.constant 0 : i32
        %scan3A_117 = arith.constant 80 : i32
        %scan3A_118 = arith.addi %scan3A_116, %scan3A_117 : i32
        %scan3A_119 = arith.constant 1 : i32
        %scan3A_120 = scf.for %scan3A_129 = %scan3A_116 to %scan3A_118 step %scan3A_119 iter_args(%scan3A_130 = %scan3A_115) -> (i32)  : i32 {
          %get3A = arith.index_cast %scan3A_129 : i32 to index
          %get3A_131 = arith.constant 0 : index
          %get3A_132 = tpu.vector_load %arg9[%get3A, %get3A_131] {strides = array<i32>} : memref<80x128xf32, #tpu.memory_space<vmem>>, vector<16xf32>,
          %get3A_133 = arith.index_cast %scan3A_129 : i32 to index
          %get3A_134 = arith.constant 0 : index
          %get3A_135 = tpu.vector_load %arg11[%get3A_133, %get3A_134] {strides = array<i32>} : memref<80x128xf32, #tpu.memory_space<vmem>>, vector<16xf32>,
          %add3A_136 = arith.addf %get3A_132, %get3A_135 : vector<16xf32>
          %max3A = arith.constant 0.000000e+00 : f32
          %max3A_137 = vector.broadcast %max3A : f32 to vector<16xf32>
          %max3A_138 = arith.maximumf %add3A_136, %max3A_137 : vector<16xf32>
          %swap3A = arith.index_cast %scan3A_129 : i32 to index
          %swap3A_139 = arith.constant 0 : index
          %swap3A_140 = tpu.vector_load %arg13[%swap3A, %swap3A_139] {strides = array<i32>} : memref<80x128xf32, #tpu.memory_space<vmem>>, vector<16xf32>,
          tpu.vector_store %arg13[%swap3A, %swap3A_139], %max3A_138 {strides = array<i32>} : memref<80x128xf32, #tpu.memory_space<vmem>>, vector<16xf32>,
          %get3A_141 = arith.index_cast %scan3A_129 : i32 to index
          %get3A_142 = arith.constant 16 : index
          %get3A_143 = tpu.vector_load %arg9[%get3A_141, %get3A_142] {strides = array<i32>} : memref<80x128xf32, #tpu.memory_space<vmem>>, vector<16xf32>,
          %get3A_144 = arith.index_cast %scan3A_129 : i32 to index
          %get3A_145 = arith.constant 16 : index
          %get3A_146 = tpu.vector_load %arg11[%get3A_144, %get3A_145] {strides = array<i32>} : memref<80x128xf32, #tpu.memory_space<vmem>>, vector<16xf32>,
          %add3A_147 = arith.addf %get3A_143, %get3A_146 : vector<16xf32>
          %max3A_148 = arith.constant 0.000000e+00 : f32
          %max3A_149 = vector.broadcast %max3A_148 : f32 to vector<16xf32>
          %max3A_150 = arith.maximumf %add3A_147, %max3A_149 : vector<16xf32>
          %swap3A_151 = arith.index_cast %scan3A_129 : i32 to index
          %swap3A_152 = arith.constant 16 : index
          %swap3A_153 = tpu.vector_load %arg13[%swap3A_151, %swap3A_152] {strides = array<i32>} : memref<80x128xf32, #tpu.memory_space<vmem>>, vector<16xf32>,
          tpu.vector_store %arg13[%swap3A_151, %swap3A_152], %max3A_150 {strides = array<i32>} : memref<80x128xf32, #tpu.memory_space<vmem>>, vector<16xf32>,
          %get3A_154 = arith.index_cast %scan3A_129 : i32 to index
          %get3A_155 = arith.constant 32 : index
          %get3A_156 = tpu.vector_load %arg9[%get3A_154, %get3A_155] {strides = array<i32>} : memref<80x128xf32, #tpu.memory_space<vmem>>, vector<16xf32>,
          %get3A_157 = arith.index_cast %scan3A_129 : i32 to index
          %get3A_158 = arith.constant 32 : index
          %get3A_159 = tpu.vector_load %arg11[%get3A_157, %get3A_158] {strides = array<i32>} : memref<80x128xf32, #tpu.memory_space<vmem>>, vector<16xf32>,
          %add3A_160 = arith.addf %get3A_156, %get3A_159 : vector<16xf32>
          %max3A_161 = arith.constant 0.000000e+00 : f32
          %max3A_162 = vector.broadcast %max3A_161 : f32 to vector<16xf32>
          %max3A_163 = arith.maximumf %add3A_160, %max3A_162 : vector<16xf32>
          %swap3A_164 = arith.index_cast %scan3A_129 : i32 to index
          %swap3A_165 = arith.constant 32 : index
          %swap3A_166 = tpu.vector_load %arg13[%swap3A_164, %swap3A_165] {strides = array<i32>} : memref<80x128xf32, #tpu.memory_space<vmem>>, vector<16xf32>,
          tpu.vector_store %arg13[%swap3A_164, %swap3A_165], %max3A_163 {strides = array<i32>} : memref<80x128xf32, #tpu.memory_space<vmem>>, vector<16xf32>,
          %get3A_167 = arith.index_cast %scan3A_129 : i32 to index
          %get3A_168 = arith.constant 48 : index
          %get3A_169 = tpu.vector_load %arg9[%get3A_167, %get3A_168] {strides = array<i32>} : memref<80x128xf32, #tpu.memory_space<vmem>>, vector<16xf32>,
          %get3A_170 = arith.index_cast %scan3A_129 : i32 to index
          %get3A_171 = arith.constant 48 : index
          %get3A_172 = tpu.vector_load %arg11[%get3A_170, %get3A_171] {strides = array<i32>} : memref<80x128xf32, #tpu.memory_space<vmem>>, vector<16xf32>,
          %add3A_173 = arith.addf %get3A_169, %get3A_172 : vector<16xf32>
          %max3A_174 = arith.constant 0.000000e+00 : f32
          %max3A_175 = vector.broadcast %max3A_174 : f32 to vector<16xf32>
          %max3A_176 = arith.maximumf %add3A_173, %max3A_175 : vector<16xf32>
          %swap3A_177 = arith.index_cast %scan3A_129 : i32 to index
          %swap3A_178 = arith.constant 48 : index
          %swap3A_179 = tpu.vector_load %arg13[%swap3A_177, %swap3A_178] {strides = array<i32>} : memref<80x128xf32, #tpu.memory_space<vmem>>, vector<16xf32>,
          tpu.vector_store %arg13[%swap3A_177, %swap3A_178], %max3A_176 {strides = array<i32>} : memref<80x128xf32, #tpu.memory_space<vmem>>, vector<16xf32>,
          %get3A_180 = arith.index_cast %scan3A_129 : i32 to index
          %get3A_181 = arith.constant 64 : index
          %get3A_182 = tpu.vector_load %arg9[%get3A_180, %get3A_181] {strides = array<i32>} : memref<80x128xf32, #tpu.memory_space<vmem>>, vector<16xf32>,
          %get3A_183 = arith.index_cast %scan3A_129 : i32 to index
          %get3A_184 = arith.constant 64 : index
          %get3A_185 = tpu.vector_load %arg11[%get3A_183, %get3A_184] {strides = array<i32>} : memref<80x128xf32, #tpu.memory_space<vmem>>, vector<16xf32>,
          %add3A_186 = arith.addf %get3A_182, %get3A_185 : vector<16xf32>
          %max3A_187 = arith.constant 0.000000e+00 : f32
          %max3A_188 = vector.broadcast %max3A_187 : f32 to vector<16xf32>
          %max3A_189 = arith.maximumf %add3A_186, %max3A_188 : vector<16xf32>
          %swap3A_190 = arith.index_cast %scan3A_129 : i32 to index
          %swap3A_191 = arith.constant 64 : index
          %swap3A_192 = tpu.vector_load %arg13[%swap3A_190, %swap3A_191] {strides = array<i32>} : memref<80x128xf32, #tpu.memory_space<vmem>>, vector<16xf32>,
          tpu.vector_store %arg13[%swap3A_190, %swap3A_191], %max3A_189 {strides = array<i32>} : memref<80x128xf32, #tpu.memory_space<vmem>>, vector<16xf32>,
          %get3A_193 = arith.index_cast %scan3A_129 : i32 to index
          %get3A_194 = arith.constant 80 : index
          %get3A_195 = tpu.vector_load %arg9[%get3A_193, %get3A_194] {strides = array<i32>} : memref<80x128xf32, #tpu.memory_space<vmem>>, vector<16xf32>,
          %get3A_196 = arith.index_cast %scan3A_129 : i32 to index
          %get3A_197 = arith.constant 80 : index
          %get3A_198 = tpu.vector_load %arg11[%get3A_196, %get3A_197] {strides = array<i32>} : memref<80x128xf32, #tpu.memory_space<vmem>>, vector<16xf32>,
          %add3A_199 = arith.addf %get3A_195, %get3A_198 : vector<16xf32>
          %max3A_200 = arith.constant 0.000000e+00 : f32
          %max3A_201 = vector.broadcast %max3A_200 : f32 to vector<16xf32>
          %max3A_202 = arith.maximumf %add3A_199, %max3A_201 : vector<16xf32>
          %swap3A_203 = arith.index_cast %scan3A_129 : i32 to index
          %swap3A_204 = arith.constant 80 : index
          %swap3A_205 = tpu.vector_load %arg13[%swap3A_203, %swap3A_204] {strides = array<i32>} : memref<80x128xf32, #tpu.memory_space<vmem>>, vector<16xf32>,
          tpu.vector_store %arg13[%swap3A_203, %swap3A_204], %max3A_202 {strides = array<i32>} : memref<80x128xf32, #tpu.memory_space<vmem>>, vector<16xf32>,
          %get3A_206 = arith.index_cast %scan3A_129 : i32 to index
          %get3A_207 = arith.constant 96 : index
          %get3A_208 = tpu.vector_load %arg9[%get3A_206, %get3A_207] {strides = array<i32>} : memref<80x128xf32, #tpu.memory_space<vmem>>, vector<16xf32>,
          %get3A_209 = arith.index_cast %scan3A_129 : i32 to index
          %get3A_210 = arith.constant 96 : index
          %get3A_211 = tpu.vector_load %arg11[%get3A_209, %get3A_210] {strides = array<i32>} : memref<80x128xf32, #tpu.memory_space<vmem>>, vector<16xf32>,
          %add3A_212 = arith.addf %get3A_208, %get3A_211 : vector<16xf32>
          %max3A_213 = arith.constant 0.000000e+00 : f32
          %max3A_214 = vector.broadcast %max3A_213 : f32 to vector<16xf32>
          %max3A_215 = arith.maximumf %add3A_212, %max3A_214 : vector<16xf32>
          %swap3A_216 = arith.index_cast %scan3A_129 : i32 to index
          %swap3A_217 = arith.constant 96 : index
          %swap3A_218 = tpu.vector_load %arg13[%swap3A_216, %swap3A_217] {strides = array<i32>} : memref<80x128xf32, #tpu.memory_space<vmem>>, vector<16xf32>,
          tpu.vector_store %arg13[%swap3A_216, %swap3A_217], %max3A_215 {strides = array<i32>} : memref<80x128xf32, #tpu.memory_space<vmem>>, vector<16xf32>,
          %get3A_219 = arith.index_cast %scan3A_129 : i32 to index
          %get3A_220 = arith.constant 112 : index
          %get3A_221 = tpu.vector_load %arg9[%get3A_219, %get3A_220] {strides = array<i32>} : memref<80x128xf32, #tpu.memory_space<vmem>>, vector<16xf32>,
          %get3A_222 = arith.index_cast %scan3A_129 : i32 to index
          %get3A_223 = arith.constant 112 : index
          %get3A_224 = tpu.vector_load %arg11[%get3A_222, %get3A_223] {strides = array<i32>} : memref<80x128xf32, #tpu.memory_space<vmem>>, vector<16xf32>,
          %add3A_225 = arith.addf %get3A_221, %get3A_224 : vector<16xf32>
          %max3A_226 = arith.constant 0.000000e+00 : f32
          %max3A_227 = vector.broadcast %max3A_226 : f32 to vector<16xf32>
          %max3A_228 = arith.maximumf %add3A_225, %max3A_227 : vector<16xf32>
          %swap3A_229 = arith.index_cast %scan3A_129 : i32 to index
          %swap3A_230 = arith.constant 112 : index
          %swap3A_231 = tpu.vector_load %arg13[%swap3A_229, %swap3A_230] {strides = array<i32>} : memref<80x128xf32, #tpu.memory_space<vmem>>, vector<16xf32>,
          tpu.vector_store %arg13[%swap3A_229, %swap3A_230], %max3A_228 {strides = array<i32>} : memref<80x128xf32, #tpu.memory_space<vmem>>, vector<16xf32>,
          %scan3A_232 = arith.constant 0 : i32
          scf.yield %scan3A_232 : i32
        }
        %scan3A_121 = arith.constant 80 : i32
        %mul3A_122 = arith.constant 80 : i32
        %mul3A_123 = arith.muli %add3A_64, %mul3A_122 : i32
        %add3A_124 = arith.addi %mul3A_2, %mul3A_123 : i32
        %dma_start3A_125 = arith.constant 0 : i32
        %dma_start3A_126 = tpu.memref_slice %arg6[%add3A_124, %dma_start3A_125] : memref<320000x128xf32, #tpu.memory_space<hbm>> -> memref<80x128xf32, #tpu.memory_space<hbm>>
        %dma_start3A_127 = arith.constant 0 : i32
        %dma_start3A_128 = tpu.memref_slice %arg6[%add3A_124, %dma_start3A_127] : memref<320000x128xf32, #tpu.memory_space<hbm>> -> memref<80x128xf32, #tpu.memory_space<hbm>>
        tpu.enqueue_dma source(%arg13 : memref<80x128xf32, #tpu.memory_space<vmem>>) target(%dma_start3A_128 : memref<80x128xf32, #tpu.memory_space<hbm>>) target_semaphore(%arg19 : memref<!tpu.dma_semaphore, #tpu.memory_space<semaphore_mem>>)
      } else {
      }
      %add3A_78 = arith.constant 2 : i32
      %add3A_79 = arith.addi %add3A_64, %add3A_78 : i32
      %lt3A_80 = arith.constant 125 : i32
      %lt3A_81 = arith.cmpi slt, %add3A_79, %lt3A_80 : i32
      %convert_element_type3A_82 = arith.extui %lt3A_81 : i1 to i32
      %cond3A_83 = arith.constant 0 : i32
      %cond3A_84 = arith.cmpi ne, %convert_element_type3A_82, %cond3A_83 : i32
      scf.if %cond3A_84 {
        %add3A_115 = arith.constant 2 : i32
        %add3A_116 = arith.addi %add3A_64, %add3A_115 : i32
        %mul3A_117 = arith.constant 80 : i32
        %mul3A_118 = arith.muli %add3A_116, %mul3A_117 : i32
        %dma_start3A_119 = tpu.memref_slice %arg8[%mul3A_118] : memref<10000xi32, #tpu.memory_space<vmem>> -> memref<80xi32, #tpu.memory_space<vmem>>
        %dma_start3A_120 = arith.constant 0 : i32
        %dma_start3A_121 = arith.constant 0 : i32
        %dma_start3A_122 = tpu.memref_slice %arg2[%dma_start3A_120, %dma_start3A_121] : memref<10240x128xf32, #tpu.memory_space<hbm>> -> memref<10240x128xf32, #tpu.memory_space<hbm>>
        tpu.enqueue_indirect_dma source(%dma_start3A_122 : memref<10240x128xf32, #tpu.memory_space<hbm>>) target(%arg9 : memref<80x128xf32, #tpu.memory_space<vmem>>) offsets(%dma_start3A_119 : memref<80xi32, #tpu.memory_space<vmem>>) semaphore(%arg15 : memref<!tpu.dma_semaphore, #tpu.memory_space<semaphore_mem>>)
        %dma_start3A_123 = tpu.memref_slice %arg7[%mul3A_118] : memref<10000xi32, #tpu.memory_space<vmem>> -> memref<80xi32, #tpu.memory_space<vmem>>
        %dma_start3A_124 = arith.constant 0 : i32
        %dma_start3A_125 = arith.constant 0 : i32
        %dma_start3A_126 = tpu.memref_slice %arg3[%dma_start3A_124, %dma_start3A_125] : memref<10240x128xf32, #tpu.memory_space<hbm>> -> memref<10240x128xf32, #tpu.memory_space<hbm>>
        tpu.enqueue_indirect_dma source(%dma_start3A_126 : memref<10240x128xf32, #tpu.memory_space<hbm>>) target(%arg11 : memref<80x128xf32, #tpu.memory_space<vmem>>) offsets(%dma_start3A_123 : memref<80xi32, #tpu.memory_space<vmem>>) semaphore(%arg17 : memref<!tpu.dma_semaphore, #tpu.memory_space<semaphore_mem>>)
      } else {
      }
      %mul3A_85 = arith.constant 2 : i32
      %mul3A_86 = arith.muli %scan3A_59, %mul3A_85 : i32
      %add3A_87 = arith.constant 1 : i32
      %add3A_88 = arith.addi %mul3A_86, %add3A_87 : i32
      %lt3A_89 = arith.constant 125 : i32
      %lt3A_90 = arith.cmpi slt, %add3A_88, %lt3A_89 : i32
      %convert_element_type3A_91 = arith.extui %lt3A_90 : i1 to i32
      %cond3A_92 = arith.constant 0 : i32
      %cond3A_93 = arith.cmpi ne, %convert_element_type3A_91, %cond3A_92 : i32
      scf.if %cond3A_93 {
        %dma_wait3A = arith.constant 0 : i32
        %dma_wait3A_115 = arith.constant 0 : i32
        %dma_wait3A_116 = tpu.memref_slice %arg2[%dma_wait3A, %dma_wait3A_115] : memref<10240x128xf32, #tpu.memory_space<hbm>> -> memref<80x128xf32, #tpu.memory_space<hbm>>
        %dma_wait3A_117 = arith.constant 0 : i32
        %dma_wait3A_118 = arith.constant 0 : i32
        %dma_wait3A_119 = tpu.memref_slice %arg2[%dma_wait3A_117, %dma_wait3A_118] : memref<10240x128xf32, #tpu.memory_space<hbm>> -> memref<80x128xf32, #tpu.memory_space<hbm>>
        tpu.wait_dma2 semaphore(%arg16 : memref<!tpu.dma_semaphore, #tpu.memory_space<semaphore_mem>>) src(%dma_wait3A_119 : memref<80x128xf32, #tpu.memory_space<hbm>>) dst(%arg10 : memref<80x128xf32, #tpu.memory_space<vmem>>)
        %dma_wait3A_120 = arith.constant 0 : i32
        %dma_wait3A_121 = arith.constant 0 : i32
        %dma_wait3A_122 = tpu.memref_slice %arg3[%dma_wait3A_120, %dma_wait3A_121] : memref<10240x128xf32, #tpu.memory_space<hbm>> -> memref<80x128xf32, #tpu.memory_space<hbm>>
        %dma_wait3A_123 = arith.constant 0 : i32
        %dma_wait3A_124 = arith.constant 0 : i32
        %dma_wait3A_125 = tpu.memref_slice %arg3[%dma_wait3A_123, %dma_wait3A_124] : memref<10240x128xf32, #tpu.memory_space<hbm>> -> memref<80x128xf32, #tpu.memory_space<hbm>>
        tpu.wait_dma2 semaphore(%arg18 : memref<!tpu.dma_semaphore, #tpu.memory_space<semaphore_mem>>) src(%dma_wait3A_125 : memref<80x128xf32, #tpu.memory_space<hbm>>) dst(%arg12 : memref<80x128xf32, #tpu.memory_space<vmem>>)
      } else {
      }
      %ge3A_94 = arith.constant 2 : i32
      %ge3A_95 = arith.cmpi sge, %add3A_88, %ge3A_94 : i32
      %lt3A_96 = arith.constant 127 : i32
      %lt3A_97 = arith.cmpi slt, %add3A_88, %lt3A_96 : i32
      %and3A_98 = arith.andi %ge3A_95, %lt3A_97 : i1
      %convert_element_type3A_99 = arith.extui %and3A_98 : i1 to i32
      %cond3A_100 = arith.constant 0 : i32
      %cond3A_101 = arith.cmpi ne, %convert_element_type3A_99, %cond3A_100 : i32
      scf.if %cond3A_101 {
        %dma_wait3A = arith.constant 0 : i32
        %dma_wait3A_115 = arith.constant 0 : i32
        %dma_wait3A_116 = tpu.memref_slice %arg6[%dma_wait3A, %dma_wait3A_115] : memref<320000x128xf32, #tpu.memory_space<hbm>> -> memref<80x128xf32, #tpu.memory_space<hbm>>
        %dma_wait3A_117 = arith.constant 0 : i32
        %dma_wait3A_118 = arith.constant 0 : i32
        %dma_wait3A_119 = tpu.memref_slice %arg6[%dma_wait3A_117, %dma_wait3A_118] : memref<320000x128xf32, #tpu.memory_space<hbm>> -> memref<80x128xf32, #tpu.memory_space<hbm>>
        tpu.wait_dma2 semaphore(%arg20 : memref<!tpu.dma_semaphore, #tpu.memory_space<semaphore_mem>>) src(%arg14 : memref<80x128xf32, #tpu.memory_space<vmem>>) dst(%dma_wait3A_119 : memref<80x128xf32, #tpu.memory_space<hbm>>)
      } else {
      }
      %lt3A_102 = arith.constant 125 : i32
      %lt3A_103 = arith.cmpi slt, %add3A_88, %lt3A_102 : i32
      %convert_element_type3A_104 = arith.extui %lt3A_103 : i1 to i32
      %cond3A_105 = arith.constant 0 : i32
      %cond3A_106 = arith.cmpi ne, %convert_element_type3A_104, %cond3A_105 : i32
      scf.if %cond3A_106 {
        %scan3A_115 = arith.constant 0 : i32
        %scan3A_116 = arith.constant 0 : i32
        %scan3A_117 = arith.constant 80 : i32
        %scan3A_118 = arith.addi %scan3A_116, %scan3A_117 : i32
        %scan3A_119 = arith.constant 1 : i32
        %scan3A_120 = scf.for %scan3A_129 = %scan3A_116 to %scan3A_118 step %scan3A_119 iter_args(%scan3A_130 = %scan3A_115) -> (i32)  : i32 {
          %get3A = arith.index_cast %scan3A_129 : i32 to index
          %get3A_131 = arith.constant 0 : index
          %get3A_132 = tpu.vector_load %arg10[%get3A, %get3A_131] {strides = array<i32>} : memref<80x128xf32, #tpu.memory_space<vmem>>, vector<16xf32>,
          %get3A_133 = arith.index_cast %scan3A_129 : i32 to index
          %get3A_134 = arith.constant 0 : index
          %get3A_135 = tpu.vector_load %arg12[%get3A_133, %get3A_134] {strides = array<i32>} : memref<80x128xf32, #tpu.memory_space<vmem>>, vector<16xf32>,
          %add3A_136 = arith.addf %get3A_132, %get3A_135 : vector<16xf32>
          %max3A = arith.constant 0.000000e+00 : f32
          %max3A_137 = vector.broadcast %max3A : f32 to vector<16xf32>
          %max3A_138 = arith.maximumf %add3A_136, %max3A_137 : vector<16xf32>
          %swap3A = arith.index_cast %scan3A_129 : i32 to index
          %swap3A_139 = arith.constant 0 : index
          %swap3A_140 = tpu.vector_load %arg14[%swap3A, %swap3A_139] {strides = array<i32>} : memref<80x128xf32, #tpu.memory_space<vmem>>, vector<16xf32>,
          tpu.vector_store %arg14[%swap3A, %swap3A_139], %max3A_138 {strides = array<i32>} : memref<80x128xf32, #tpu.memory_space<vmem>>, vector<16xf32>,
          %get3A_141 = arith.index_cast %scan3A_129 : i32 to index
          %get3A_142 = arith.constant 16 : index
          %get3A_143 = tpu.vector_load %arg10[%get3A_141, %get3A_142] {strides = array<i32>} : memref<80x128xf32, #tpu.memory_space<vmem>>, vector<16xf32>,
          %get3A_144 = arith.index_cast %scan3A_129 : i32 to index
          %get3A_145 = arith.constant 16 : index
          %get3A_146 = tpu.vector_load %arg12[%get3A_144, %get3A_145] {strides = array<i32>} : memref<80x128xf32, #tpu.memory_space<vmem>>, vector<16xf32>,
          %add3A_147 = arith.addf %get3A_143, %get3A_146 : vector<16xf32>
          %max3A_148 = arith.constant 0.000000e+00 : f32
          %max3A_149 = vector.broadcast %max3A_148 : f32 to vector<16xf32>
          %max3A_150 = arith.maximumf %add3A_147, %max3A_149 : vector<16xf32>
          %swap3A_151 = arith.index_cast %scan3A_129 : i32 to index
          %swap3A_152 = arith.constant 16 : index
          %swap3A_153 = tpu.vector_load %arg14[%swap3A_151, %swap3A_152] {strides = array<i32>} : memref<80x128xf32, #tpu.memory_space<vmem>>, vector<16xf32>,
          tpu.vector_store %arg14[%swap3A_151, %swap3A_152], %max3A_150 {strides = array<i32>} : memref<80x128xf32, #tpu.memory_space<vmem>>, vector<16xf32>,
          %get3A_154 = arith.index_cast %scan3A_129 : i32 to index
          %get3A_155 = arith.constant 32 : index
          %get3A_156 = tpu.vector_load %arg10[%get3A_154, %get3A_155] {strides = array<i32>} : memref<80x128xf32, #tpu.memory_space<vmem>>, vector<16xf32>,
          %get3A_157 = arith.index_cast %scan3A_129 : i32 to index
          %get3A_158 = arith.constant 32 : index
          %get3A_159 = tpu.vector_load %arg12[%get3A_157, %get3A_158] {strides = array<i32>} : memref<80x128xf32, #tpu.memory_space<vmem>>, vector<16xf32>,
          %add3A_160 = arith.addf %get3A_156, %get3A_159 : vector<16xf32>
          %max3A_161 = arith.constant 0.000000e+00 : f32
          %max3A_162 = vector.broadcast %max3A_161 : f32 to vector<16xf32>
          %max3A_163 = arith.maximumf %add3A_160, %max3A_162 : vector<16xf32>
          %swap3A_164 = arith.index_cast %scan3A_129 : i32 to index
          %swap3A_165 = arith.constant 32 : index
          %swap3A_166 = tpu.vector_load %arg14[%swap3A_164, %swap3A_165] {strides = array<i32>} : memref<80x128xf32, #tpu.memory_space<vmem>>, vector<16xf32>,
          tpu.vector_store %arg14[%swap3A_164, %swap3A_165], %max3A_163 {strides = array<i32>} : memref<80x128xf32, #tpu.memory_space<vmem>>, vector<16xf32>,
          %get3A_167 = arith.index_cast %scan3A_129 : i32 to index
          %get3A_168 = arith.constant 48 : index
          %get3A_169 = tpu.vector_load %arg10[%get3A_167, %get3A_168] {strides = array<i32>} : memref<80x128xf32, #tpu.memory_space<vmem>>, vector<16xf32>,
          %get3A_170 = arith.index_cast %scan3A_129 : i32 to index
          %get3A_171 = arith.constant 48 : index
          %get3A_172 = tpu.vector_load %arg12[%get3A_170, %get3A_171] {strides = array<i32>} : memref<80x128xf32, #tpu.memory_space<vmem>>, vector<16xf32>,
          %add3A_173 = arith.addf %get3A_169, %get3A_172 : vector<16xf32>
          %max3A_174 = arith.constant 0.000000e+00 : f32
          %max3A_175 = vector.broadcast %max3A_174 : f32 to vector<16xf32>
          %max3A_176 = arith.maximumf %add3A_173, %max3A_175 : vector<16xf32>
          %swap3A_177 = arith.index_cast %scan3A_129 : i32 to index
          %swap3A_178 = arith.constant 48 : index
          %swap3A_179 = tpu.vector_load %arg14[%swap3A_177, %swap3A_178] {strides = array<i32>} : memref<80x128xf32, #tpu.memory_space<vmem>>, vector<16xf32>,
          tpu.vector_store %arg14[%swap3A_177, %swap3A_178], %max3A_176 {strides = array<i32>} : memref<80x128xf32, #tpu.memory_space<vmem>>, vector<16xf32>,
          %get3A_180 = arith.index_cast %scan3A_129 : i32 to index
          %get3A_181 = arith.constant 64 : index
          %get3A_182 = tpu.vector_load %arg10[%get3A_180, %get3A_181] {strides = array<i32>} : memref<80x128xf32, #tpu.memory_space<vmem>>, vector<16xf32>,
          %get3A_183 = arith.index_cast %scan3A_129 : i32 to index
          %get3A_184 = arith.constant 64 : index
          %get3A_185 = tpu.vector_load %arg12[%get3A_183, %get3A_184] {strides = array<i32>} : memref<80x128xf32, #tpu.memory_space<vmem>>, vector<16xf32>,
          %add3A_186 = arith.addf %get3A_182, %get3A_185 : vector<16xf32>
          %max3A_187 = arith.constant 0.000000e+00 : f32
          %max3A_188 = vector.broadcast %max3A_187 : f32 to vector<16xf32>
          %max3A_189 = arith.maximumf %add3A_186, %max3A_188 : vector<16xf32>
          %swap3A_190 = arith.index_cast %scan3A_129 : i32 to index
          %swap3A_191 = arith.constant 64 : index
          %swap3A_192 = tpu.vector_load %arg14[%swap3A_190, %swap3A_191] {strides = array<i32>} : memref<80x128xf32, #tpu.memory_space<vmem>>, vector<16xf32>,
          tpu.vector_store %arg14[%swap3A_190, %swap3A_191], %max3A_189 {strides = array<i32>} : memref<80x128xf32, #tpu.memory_space<vmem>>, vector<16xf32>,
          %get3A_193 = arith.index_cast %scan3A_129 : i32 to index
          %get3A_194 = arith.constant 80 : index
          %get3A_195 = tpu.vector_load %arg10[%get3A_193, %get3A_194] {strides = array<i32>} : memref<80x128xf32, #tpu.memory_space<vmem>>, vector<16xf32>,
          %get3A_196 = arith.index_cast %scan3A_129 : i32 to index
          %get3A_197 = arith.constant 80 : index
          %get3A_198 = tpu.vector_load %arg12[%get3A_196, %get3A_197] {strides = array<i32>} : memref<80x128xf32, #tpu.memory_space<vmem>>, vector<16xf32>,
          %add3A_199 = arith.addf %get3A_195, %get3A_198 : vector<16xf32>
          %max3A_200 = arith.constant 0.000000e+00 : f32
          %max3A_201 = vector.broadcast %max3A_200 : f32 to vector<16xf32>
          %max3A_202 = arith.maximumf %add3A_199, %max3A_201 : vector<16xf32>
          %swap3A_203 = arith.index_cast %scan3A_129 : i32 to index
          %swap3A_204 = arith.constant 80 : index
          %swap3A_205 = tpu.vector_load %arg14[%swap3A_203, %swap3A_204] {strides = array<i32>} : memref<80x128xf32, #tpu.memory_space<vmem>>, vector<16xf32>,
          tpu.vector_store %arg14[%swap3A_203, %swap3A_204], %max3A_202 {strides = array<i32>} : memref<80x128xf32, #tpu.memory_space<vmem>>, vector<16xf32>,
          %get3A_206 = arith.index_cast %scan3A_129 : i32 to index
          %get3A_207 = arith.constant 96 : index
          %get3A_208 = tpu.vector_load %arg10[%get3A_206, %get3A_207] {strides = array<i32>} : memref<80x128xf32, #tpu.memory_space<vmem>>, vector<16xf32>,
          %get3A_209 = arith.index_cast %scan3A_129 : i32 to index
          %get3A_210 = arith.constant 96 : index
          %get3A_211 = tpu.vector_load %arg12[%get3A_209, %get3A_210] {strides = array<i32>} : memref<80x128xf32, #tpu.memory_space<vmem>>, vector<16xf32>,
          %add3A_212 = arith.addf %get3A_208, %get3A_211 : vector<16xf32>
          %max3A_213 = arith.constant 0.000000e+00 : f32
          %max3A_214 = vector.broadcast %max3A_213 : f32 to vector<16xf32>
          %max3A_215 = arith.maximumf %add3A_212, %max3A_214 : vector<16xf32>
          %swap3A_216 = arith.index_cast %scan3A_129 : i32 to index
          %swap3A_217 = arith.constant 96 : index
          %swap3A_218 = tpu.vector_load %arg14[%swap3A_216, %swap3A_217] {strides = array<i32>} : memref<80x128xf32, #tpu.memory_space<vmem>>, vector<16xf32>,
          tpu.vector_store %arg14[%swap3A_216, %swap3A_217], %max3A_215 {strides = array<i32>} : memref<80x128xf32, #tpu.memory_space<vmem>>, vector<16xf32>,
          %get3A_219 = arith.index_cast %scan3A_129 : i32 to index
          %get3A_220 = arith.constant 112 : index
          %get3A_221 = tpu.vector_load %arg10[%get3A_219, %get3A_220] {strides = array<i32>} : memref<80x128xf32, #tpu.memory_space<vmem>>, vector<16xf32>,
          %get3A_222 = arith.index_cast %scan3A_129 : i32 to index
          %get3A_223 = arith.constant 112 : index
          %get3A_224 = tpu.vector_load %arg12[%get3A_222, %get3A_223] {strides = array<i32>} : memref<80x128xf32, #tpu.memory_space<vmem>>, vector<16xf32>,
          %add3A_225 = arith.addf %get3A_221, %get3A_224 : vector<16xf32>
          %max3A_226 = arith.constant 0.000000e+00 : f32
          %max3A_227 = vector.broadcast %max3A_226 : f32 to vector<16xf32>
          %max3A_228 = arith.maximumf %add3A_225, %max3A_227 : vector<16xf32>
          %swap3A_229 = arith.index_cast %scan3A_129 : i32 to index
          %swap3A_230 = arith.constant 112 : index
          %swap3A_231 = tpu.vector_load %arg14[%swap3A_229, %swap3A_230] {strides = array<i32>} : memref<80x128xf32, #tpu.memory_space<vmem>>, vector<16xf32>,
          tpu.vector_store %arg14[%swap3A_229, %swap3A_230], %max3A_228 {strides = array<i32>} : memref<80x128xf32, #tpu.memory_space<vmem>>, vector<16xf32>,
          %scan3A_232 = arith.constant 0 : i32
          scf.yield %scan3A_232 : i32
        }
        %scan3A_121 = arith.constant 80 : i32
        %mul3A_122 = arith.constant 80 : i32
        %mul3A_123 = arith.muli %add3A_88, %mul3A_122 : i32
        %add3A_124 = arith.addi %mul3A_2, %mul3A_123 : i32
        %dma_start3A_125 = arith.constant 0 : i32
        %dma_start3A_126 = tpu.memref_slice %arg6[%add3A_124, %dma_start3A_125] : memref<320000x128xf32, #tpu.memory_space<hbm>> -> memref<80x128xf32, #tpu.memory_space<hbm>>
        %dma_start3A_127 = arith.constant 0 : i32
        %dma_start3A_128 = tpu.memref_slice %arg6[%add3A_124, %dma_start3A_127] : memref<320000x128xf32, #tpu.memory_space<hbm>> -> memref<80x128xf32, #tpu.memory_space<hbm>>
        tpu.enqueue_dma source(%arg14 : memref<80x128xf32, #tpu.memory_space<vmem>>) target(%dma_start3A_128 : memref<80x128xf32, #tpu.memory_space<hbm>>) target_semaphore(%arg20 : memref<!tpu.dma_semaphore, #tpu.memory_space<semaphore_mem>>)
      } else {
      }
      %add3A_107 = arith.constant 2 : i32
      %add3A_108 = arith.addi %add3A_88, %add3A_107 : i32
      %lt3A_109 = arith.constant 125 : i32
      %lt3A_110 = arith.cmpi slt, %add3A_108, %lt3A_109 : i32
      %convert_element_type3A_111 = arith.extui %lt3A_110 : i1 to i32
      %cond3A_112 = arith.constant 0 : i32
      %cond3A_113 = arith.cmpi ne, %convert_element_type3A_111, %cond3A_112 : i32
      scf.if %cond3A_113 {
        %add3A_115 = arith.constant 2 : i32
        %add3A_116 = arith.addi %add3A_88, %add3A_115 : i32
        %mul3A_117 = arith.constant 80 : i32
        %mul3A_118 = arith.muli %add3A_116, %mul3A_117 : i32
        %dma_start3A_119 = tpu.memref_slice %arg8[%mul3A_118] : memref<10000xi32, #tpu.memory_space<vmem>> -> memref<80xi32, #tpu.memory_space<vmem>>
        %dma_start3A_120 = arith.constant 0 : i32
        %dma_start3A_121 = arith.constant 0 : i32
        %dma_start3A_122 = tpu.memref_slice %arg2[%dma_start3A_120, %dma_start3A_121] : memref<10240x128xf32, #tpu.memory_space<hbm>> -> memref<10240x128xf32, #tpu.memory_space<hbm>>
        tpu.enqueue_indirect_dma source(%dma_start3A_122 : memref<10240x128xf32, #tpu.memory_space<hbm>>) target(%arg10 : memref<80x128xf32, #tpu.memory_space<vmem>>) offsets(%dma_start3A_119 : memref<80xi32, #tpu.memory_space<vmem>>) semaphore(%arg16 : memref<!tpu.dma_semaphore, #tpu.memory_space<semaphore_mem>>)
        %dma_start3A_123 = tpu.memref_slice %arg7[%mul3A_118] : memref<10000xi32, #tpu.memory_space<vmem>> -> memref<80xi32, #tpu.memory_space<vmem>>
        %dma_start3A_124 = arith.constant 0 : i32
        %dma_start3A_125 = arith.constant 0 : i32
        %dma_start3A_126 = tpu.memref_slice %arg3[%dma_start3A_124, %dma_start3A_125] : memref<10240x128xf32, #tpu.memory_space<hbm>> -> memref<10240x128xf32, #tpu.memory_space<hbm>>
        tpu.enqueue_indirect_dma source(%dma_start3A_126 : memref<10240x128xf32, #tpu.memory_space<hbm>>) target(%arg12 : memref<80x128xf32, #tpu.memory_space<vmem>>) offsets(%dma_start3A_123 : memref<80xi32, #tpu.memory_space<vmem>>) semaphore(%arg18 : memref<!tpu.dma_semaphore, #tpu.memory_space<semaphore_mem>>)
      } else {
      }
      %scan3A_114 = arith.constant 0 : i32
      scf.yield %scan3A_114 : i32
    }
    %scan3A_58 = arith.constant 64 : i32
    return
  }
}

#map = affine_map<(d0, d1) -> (0, 0)>
#map1 = affine_map<(d0, d1) -> (0)>
module attributes {stable_mosaic.version = 14 : i64} {
  func.func @_scatter_body(%arg0: i32, %arg1: i32, %arg2: memref<320000x128xf32, #tpu.memory_space<hbm>>, %arg3: memref<32x327680xi32, #tpu.memory_space<hbm>>, %arg4: memref<32x327680xi32, #tpu.memory_space<hbm>>, %arg5: memref<512xi32, #tpu.memory_space<hbm>>, %arg6: memref<1310720xf32, #tpu.memory_space<hbm>>, %arg7: memref<128xi32, #tpu.memory_space<vmem>>, %arg8: memref<128xi32, #tpu.memory_space<vmem>>, %arg9: memref<128x128xf32, #tpu.memory_space<vmem>>, %arg10: memref<16xi32, #tpu.memory_space<vmem>>, %arg11: memref<41088xf32, #tpu.memory_space<vmem>>, %arg12: memref<!tpu.dma_semaphore, #tpu.memory_space<semaphore_mem>>) attributes {dimension_semantics = [#tpu.dimension_semantics<core_parallel>, #tpu.dimension_semantics<subcore_parallel>], iteration_bounds = array<i64: 2, 16>, scalar_prefetch = 0 : i64, scratch_operands = 6 : i64, tpu.core_type = #tpu.core_type<sc_vector_subcore>, window_params = [{transform_indices = #map}, {transform_indices = #map}, {transform_indices = #map}, {transform_indices = #map1}, {transform_indices = #map1}]} {
    %mul3A = arith.constant 2 : i32
    %mul3A_0 = arith.muli %arg1, %mul3A : i32
    %add3A = arith.addi %mul3A_0, %arg0 : i32
    %mul3A_1 = arith.constant 320 : i32
    %mul3A_2 = arith.muli %add3A, %mul3A_1 : i32
    %iota3A = tpu.iota {dimensions = array<i32: 0>} : vector<16xi32>
    %add3A_3 = arith.constant 0 : i32
    %add3A_4 = vector.broadcast %add3A_3 : i32 to vector<16xi32>
    %add3A_5 = arith.addi %add3A_4, %iota3A : vector<16xi32>
    %iota3A_6 = tpu.iota {dimensions = array<i32: 0>} : vector<16xi32>
    %add3A_7 = arith.constant 16 : i32
    %add3A_8 = vector.broadcast %add3A_7 : i32 to vector<16xi32>
    %add3A_9 = arith.addi %add3A_8, %iota3A_6 : vector<16xi32>
    %iota3A_10 = tpu.iota {dimensions = array<i32: 0>} : vector<16xi32>
    %add3A_11 = arith.constant 32 : i32
    %add3A_12 = vector.broadcast %add3A_11 : i32 to vector<16xi32>
    %add3A_13 = arith.addi %add3A_12, %iota3A_10 : vector<16xi32>
    %iota3A_14 = tpu.iota {dimensions = array<i32: 0>} : vector<16xi32>
    %add3A_15 = arith.constant 48 : i32
    %add3A_16 = vector.broadcast %add3A_15 : i32 to vector<16xi32>
    %add3A_17 = arith.addi %add3A_16, %iota3A_14 : vector<16xi32>
    %iota3A_18 = tpu.iota {dimensions = array<i32: 0>} : vector<16xi32>
    %add3A_19 = arith.constant 64 : i32
    %add3A_20 = vector.broadcast %add3A_19 : i32 to vector<16xi32>
    %add3A_21 = arith.addi %add3A_20, %iota3A_18 : vector<16xi32>
    %iota3A_22 = tpu.iota {dimensions = array<i32: 0>} : vector<16xi32>
    %add3A_23 = arith.constant 80 : i32
    %add3A_24 = vector.broadcast %add3A_23 : i32 to vector<16xi32>
    %add3A_25 = arith.addi %add3A_24, %iota3A_22 : vector<16xi32>
    %iota3A_26 = tpu.iota {dimensions = array<i32: 0>} : vector<16xi32>
    %add3A_27 = arith.constant 96 : i32
    %add3A_28 = vector.broadcast %add3A_27 : i32 to vector<16xi32>
    %add3A_29 = arith.addi %add3A_28, %iota3A_26 : vector<16xi32>
    %iota3A_30 = tpu.iota {dimensions = array<i32: 0>} : vector<16xi32>
    %add3A_31 = arith.constant 112 : i32
    %add3A_32 = vector.broadcast %add3A_31 : i32 to vector<16xi32>
    %add3A_33 = arith.addi %add3A_32, %iota3A_30 : vector<16xi32>
    %scan3A = arith.constant 0 : i32
    %scan3A_34 = arith.constant 0 : i32
    %scan3A_35 = arith.constant 2568 : i32
    %scan3A_36 = arith.addi %scan3A_34, %scan3A_35 : i32
    %scan3A_37 = arith.constant 1 : i32
    %scan3A_38 = scf.for %scan3A_83 = %scan3A_34 to %scan3A_36 step %scan3A_37 iter_args(%scan3A_84 = %scan3A) -> (i32)  : i32 {
      %broadcast_in_dim3A = arith.constant 0.000000e+00 : f32
      %broadcast_in_dim3A_85 = vector.broadcast %broadcast_in_dim3A : f32 to vector<16xf32>
      %mul3A_86 = arith.constant 16 : i32
      %mul3A_87 = arith.muli %scan3A_83, %mul3A_86 : i32
      %swap3A = arith.index_cast %mul3A_87 : i32 to index
      %swap3A_88 = tpu.vector_load %arg11[%swap3A] {strides = array<i32>} : memref<41088xf32, #tpu.memory_space<vmem>>, vector<16xf32>,
      tpu.vector_store %arg11[%swap3A], %broadcast_in_dim3A_85 {strides = array<i32>} : memref<41088xf32, #tpu.memory_space<vmem>>, vector<16xf32>,
      %scan3A_89 = arith.constant 0 : i32
      scf.yield %scan3A_89 : i32
    }
    %scan3A_39 = arith.constant 2568 : i32
    %mul3A_40 = arith.constant 16 : i32
    %mul3A_41 = arith.muli %add3A, %mul3A_40 : i32
    "tpu.region"() ({
      %run_scoped3A = tpu.sem_alloc : memref<!tpu.dma_semaphore, #tpu.memory_space<semaphore_mem>>
      %dma_start3A = tpu.memref_slice %arg5[%mul3A_41] : memref<512xi32, #tpu.memory_space<hbm>> -> memref<16xi32, #tpu.memory_space<hbm>>
      %dma_start3A_83 = tpu.memref_slice %arg5[%mul3A_41] : memref<512xi32, #tpu.memory_space<hbm>> -> memref<16xi32, #tpu.memory_space<hbm>>
      tpu.enqueue_dma source(%dma_start3A_83 : memref<16xi32, #tpu.memory_space<hbm>>) target(%arg10 : memref<16xi32, #tpu.memory_space<vmem>>) target_semaphore(%run_scoped3A : memref<!tpu.dma_semaphore, #tpu.memory_space<semaphore_mem>>)
      %dma_wait3A = tpu.memref_slice %arg5[%mul3A_41] : memref<512xi32, #tpu.memory_space<hbm>> -> memref<16xi32, #tpu.memory_space<hbm>>
      %dma_wait3A_84 = tpu.memref_slice %arg5[%mul3A_41] : memref<512xi32, #tpu.memory_space<hbm>> -> memref<16xi32, #tpu.memory_space<hbm>>
      tpu.wait_dma2 semaphore(%run_scoped3A : memref<!tpu.dma_semaphore, #tpu.memory_space<semaphore_mem>>) src(%dma_wait3A_84 : memref<16xi32, #tpu.memory_space<hbm>>) dst(%arg10 : memref<16xi32, #tpu.memory_space<vmem>>)
      tpu.yield
    }) : () -> ()
    %get3A = arith.constant 0 : index
    %get3A_42 = tpu.vector_load %arg10[%get3A] {strides = array<i32>} : memref<16xi32, #tpu.memory_space<vmem>>, vector<16xi32>,
    %reduce_max3A = arith.constant true
    %reduce_max3A_43 = vector.broadcast %reduce_max3A : i1 to vector<16xi1>
    %reduce_max3A_44 = arith.constant -2147483648 : i32
    %reduce_max3A_45 = vector.broadcast %reduce_max3A_44 : i32 to vector<16xi32>
    %reduce_max3A_46 = arith.xori %get3A_42, %reduce_max3A_45 : vector<16xi32>
    %reduce_max3A_47 = tpu.scan <max>, %reduce_max3A_46 masked %reduce_max3A_43 : vector<16xi32>, vector<16xi1> -> vector<16xi32>
    %reduce_max3A_48 = arith.xori %reduce_max3A_47, %reduce_max3A_45 : vector<16xi32>
    %reduce_max3A_49 = vector.extract %reduce_max3A_48[15] : i32 from vector<16xi32>
    %add3A_50 = arith.constant 128 : i32
    %add3A_51 = arith.addi %reduce_max3A_49, %add3A_50 : i32
    %sub3A = arith.constant 1 : i32
    %sub3A_52 = arith.subi %add3A_51, %sub3A : i32
    %jit3A = arith.constant 128 : i32
    %div3A = arith.divsi %sub3A_52, %jit3A : i32
    %sign3A = arith.constant 0 : i32
    %sign3A_53 = arith.cmpi sgt, %sub3A_52, %sign3A : i32
    %sign3A_54 = arith.extui %sign3A_53 : i1 to i32
    %sign3A_55 = arith.constant 0 : i32
    %sign3A_56 = arith.cmpi slt, %sub3A_52, %sign3A_55 : i32
    %sign3A_57 = arith.extui %sign3A_56 : i1 to i32
    %sign3A_58 = arith.subi %sign3A_54, %sign3A_57 : i32
    %sign3A_59 = arith.constant 0 : i32
    %sign3A_60 = arith.cmpi sgt, %jit3A, %sign3A_59 : i32
    %sign3A_61 = arith.extui %sign3A_60 : i1 to i32
    %sign3A_62 = arith.constant 0 : i32
    %sign3A_63 = arith.cmpi slt, %jit3A, %sign3A_62 : i32
    %sign3A_64 = arith.extui %sign3A_63 : i1 to i32
    %sign3A_65 = arith.subi %sign3A_61, %sign3A_64 : i32
    %ne3A = arith.cmpi ne, %sign3A_58, %sign3A_65 : i32
    %rem3A = arith.remsi %sub3A_52, %jit3A : i32
    %ne3A_66 = arith.constant 0 : i32
    %ne3A_67 = arith.cmpi ne, %rem3A, %ne3A_66 : i32
    %and3A = arith.andi %ne3A, %ne3A_67 : i1
    %sub3A_68 = arith.constant 1 : i32
    %sub3A_69 = arith.subi %div3A, %sub3A_68 : i32
    %select_n3A = arith.select %and3A, %sub3A_69, %div3A : i32
    %while3A = arith.constant 0 : i32
    %while3A_70 = arith.constant 0 : i32
    %while3A_71 = arith.subi %select_n3A, %while3A : i32
    %while3A_72 = arith.addi %while3A, %while3A_71 : i32
    %while3A_73 = arith.constant 1 : i32
    %while3A_74 = arith.divsi %while3A_71, %while3A_73 : i32
    %while3A_75 = arith.muli %while3A_74, %while3A_73 : i32
    %while3A_76 = arith.addi %while3A, %while3A_75 : i32
    %while3A_77 = arith.constant 1 : i32
    %while3A_78 = scf.for %while3A_83 = %while3A to %while3A_76 step %while3A_77 iter_args(%while3A_84 = %while3A_70) -> (i32)  : i32 {
      %mul3A_85 = arith.constant 128 : i32
      %mul3A_86 = arith.muli %while3A_83, %mul3A_85 : i32
      "tpu.region"() ({
        %run_scoped3A = tpu.sem_alloc : memref<!tpu.dma_semaphore, #tpu.memory_space<semaphore_mem>>
        %dma_start3A_99 = tpu.memref_slice %arg3[%add3A, %mul3A_86] : memref<32x327680xi32, #tpu.memory_space<hbm>> -> memref<1x128xi32, #tpu.memory_space<hbm>>
        %dma_start3A_100 = tpu.memref_squeeze %dma_start3A_99 : memref<1x128xi32, #tpu.memory_space<hbm>> -> memref<128xi32, #tpu.memory_space<hbm>>
        %dma_start3A_101 = tpu.memref_slice %arg3[%add3A, %mul3A_86] : memref<32x327680xi32, #tpu.memory_space<hbm>> -> memref<1x128xi32, #tpu.memory_space<hbm>>
        %dma_start3A_102 = tpu.memref_squeeze %dma_start3A_101 : memref<1x128xi32, #tpu.memory_space<hbm>> -> memref<128xi32, #tpu.memory_space<hbm>>
        tpu.enqueue_dma source(%dma_start3A_102 : memref<128xi32, #tpu.memory_space<hbm>>) target(%arg7 : memref<128xi32, #tpu.memory_space<vmem>>) target_semaphore(%run_scoped3A : memref<!tpu.dma_semaphore, #tpu.memory_space<semaphore_mem>>)
        %dma_wait3A_103 = tpu.memref_slice %arg3[%add3A, %mul3A_86] : memref<32x327680xi32, #tpu.memory_space<hbm>> -> memref<1x128xi32, #tpu.memory_space<hbm>>
        %dma_wait3A_104 = tpu.memref_squeeze %dma_wait3A_103 : memref<1x128xi32, #tpu.memory_space<hbm>> -> memref<128xi32, #tpu.memory_space<hbm>>
        %dma_wait3A_105 = tpu.memref_slice %arg3[%add3A, %mul3A_86] : memref<32x327680xi32, #tpu.memory_space<hbm>> -> memref<1x128xi32, #tpu.memory_space<hbm>>
        %dma_wait3A_106 = tpu.memref_squeeze %dma_wait3A_105 : memref<1x128xi32, #tpu.memory_space<hbm>> -> memref<128xi32, #tpu.memory_space<hbm>>
        tpu.wait_dma2 semaphore(%run_scoped3A : memref<!tpu.dma_semaphore, #tpu.memory_space<semaphore_mem>>) src(%dma_wait3A_106 : memref<128xi32, #tpu.memory_space<hbm>>) dst(%arg7 : memref<128xi32, #tpu.memory_space<vmem>>)
        tpu.yield
      }) : () -> ()
      "tpu.region"() ({
        %run_scoped3A = tpu.sem_alloc : memref<!tpu.dma_semaphore, #tpu.memory_space<semaphore_mem>>
        %dma_start3A_99 = tpu.memref_slice %arg4[%add3A, %mul3A_86] : memref<32x327680xi32, #tpu.memory_space<hbm>> -> memref<1x128xi32, #tpu.memory_space<hbm>>
        %dma_start3A_100 = tpu.memref_squeeze %dma_start3A_99 : memref<1x128xi32, #tpu.memory_space<hbm>> -> memref<128xi32, #tpu.memory_space<hbm>>
        %dma_start3A_101 = tpu.memref_slice %arg4[%add3A, %mul3A_86] : memref<32x327680xi32, #tpu.memory_space<hbm>> -> memref<1x128xi32, #tpu.memory_space<hbm>>
        %dma_start3A_102 = tpu.memref_squeeze %dma_start3A_101 : memref<1x128xi32, #tpu.memory_space<hbm>> -> memref<128xi32, #tpu.memory_space<hbm>>
        tpu.enqueue_dma source(%dma_start3A_102 : memref<128xi32, #tpu.memory_space<hbm>>) target(%arg8 : memref<128xi32, #tpu.memory_space<vmem>>) target_semaphore(%run_scoped3A : memref<!tpu.dma_semaphore, #tpu.memory_space<semaphore_mem>>)
        %dma_wait3A_103 = tpu.memref_slice %arg4[%add3A, %mul3A_86] : memref<32x327680xi32, #tpu.memory_space<hbm>> -> memref<1x128xi32, #tpu.memory_space<hbm>>
        %dma_wait3A_104 = tpu.memref_squeeze %dma_wait3A_103 : memref<1x128xi32, #tpu.memory_space<hbm>> -> memref<128xi32, #tpu.memory_space<hbm>>
        %dma_wait3A_105 = tpu.memref_slice %arg4[%add3A, %mul3A_86] : memref<32x327680xi32, #tpu.memory_space<hbm>> -> memref<1x128xi32, #tpu.memory_space<hbm>>
        %dma_wait3A_106 = tpu.memref_squeeze %dma_wait3A_105 : memref<1x128xi32, #tpu.memory_space<hbm>> -> memref<128xi32, #tpu.memory_space<hbm>>
        tpu.wait_dma2 semaphore(%run_scoped3A : memref<!tpu.dma_semaphore, #tpu.memory_space<semaphore_mem>>) src(%dma_wait3A_106 : memref<128xi32, #tpu.memory_space<hbm>>) dst(%arg8 : memref<128xi32, #tpu.memory_space<vmem>>)
        tpu.yield
      }) : () -> ()
      %dma_start3A = arith.constant 0 : i32
      %dma_start3A_87 = arith.constant 0 : i32
      %dma_start3A_88 = tpu.memref_slice %arg2[%dma_start3A, %dma_start3A_87] : memref<320000x128xf32, #tpu.memory_space<hbm>> -> memref<320000x128xf32, #tpu.memory_space<hbm>>
      tpu.enqueue_indirect_dma source(%dma_start3A_88 : memref<320000x128xf32, #tpu.memory_space<hbm>>) target(%arg9 : memref<128x128xf32, #tpu.memory_space<vmem>>) offsets(%arg7 : memref<128xi32, #tpu.memory_space<vmem>>) semaphore(%arg12 : memref<!tpu.dma_semaphore, #tpu.memory_space<semaphore_mem>>)
      %dma_wait3A = arith.constant 0 : i32
      %dma_wait3A_89 = arith.constant 0 : i32
      %dma_wait3A_90 = tpu.memref_slice %arg2[%dma_wait3A, %dma_wait3A_89] : memref<320000x128xf32, #tpu.memory_space<hbm>> -> memref<320000x128xf32, #tpu.memory_space<hbm>>
      tpu.wait_indirect_dma semaphore(%arg12 : memref<!tpu.dma_semaphore, #tpu.memory_space<semaphore_mem>>) src(%dma_wait3A_90 : memref<320000x128xf32, #tpu.memory_space<hbm>>) dst(%arg9 : memref<128x128xf32, #tpu.memory_space<vmem>>)
      %scan3A_91 = arith.constant 0 : i32
      %scan3A_92 = arith.constant 0 : i32
      %scan3A_93 = arith.constant 128 : i32
      %scan3A_94 = arith.addi %scan3A_92, %scan3A_93 : i32
      %scan3A_95 = arith.constant 1 : i32
      %scan3A_96 = scf.for %scan3A_99 = %scan3A_92 to %scan3A_94 step %scan3A_95 iter_args(%scan3A_100 = %scan3A_91) -> (i32)  : i32 {
        %broadcast_in_dim3A = arith.constant 0 : i32
        %broadcast_in_dim3A_101 = vector.broadcast %broadcast_in_dim3A : i32 to vector<16xi32>
        %add3A_102 = vector.broadcast %scan3A_99 : i32 to vector<16xi32>
        %add3A_103 = arith.addi %broadcast_in_dim3A_101, %add3A_102 : vector<16xi32>
        %gather3A = tpu.vector_load_idx %arg8[%add3A_103] : memref<128xi32, #tpu.memory_space<vmem>>[vector<16xi32>], vector<16xi32>,
        %reduce_max3A_104 = arith.constant true
        %reduce_max3A_105 = vector.broadcast %reduce_max3A_104 : i1 to vector<16xi1>
        %reduce_max3A_106 = arith.constant -2147483648 : i32
        %reduce_max3A_107 = vector.broadcast %reduce_max3A_106 : i32 to vector<16xi32>
        %reduce_max3A_108 = arith.xori %gather3A, %reduce_max3A_107 : vector<16xi32>
        %reduce_max3A_109 = tpu.scan <max>, %reduce_max3A_108 masked %reduce_max3A_105 : vector<16xi32>, vector<16xi1> -> vector<16xi32>
        %reduce_max3A_110 = arith.xori %reduce_max3A_109, %reduce_max3A_107 : vector<16xi32>
        %reduce_max3A_111 = vector.extract %reduce_max3A_110[15] : i32 from vector<16xi32>
        %mul3A_112 = arith.constant 128 : i32
        %mul3A_113 = arith.muli %reduce_max3A_111, %mul3A_112 : i32
        %add3A_114 = arith.constant 0 : i32
        %add3A_115 = arith.addi %mul3A_113, %add3A_114 : i32
        %get3A_116 = arith.index_cast %add3A_115 : i32 to index
        %get3A_117 = tpu.vector_load %arg11[%get3A_116] {strides = array<i32>} : memref<41088xf32, #tpu.memory_space<vmem>>, vector<16xf32>,
        %get3A_118 = arith.index_cast %scan3A_99 : i32 to index
        %get3A_119 = arith.constant 0 : index
        %get3A_120 = tpu.vector_load %arg9[%get3A_118, %get3A_119] {strides = array<i32>} : memref<128x128xf32, #tpu.memory_space<vmem>>, vector<16xf32>,
        %max3A = arith.maximumf %get3A_117, %get3A_120 : vector<16xf32>
        %swap3A = arith.index_cast %add3A_115 : i32 to index
        %swap3A_121 = tpu.vector_load %arg11[%swap3A] {strides = array<i32>} : memref<41088xf32, #tpu.memory_space<vmem>>, vector<16xf32>,
        tpu.vector_store %arg11[%swap3A], %max3A {strides = array<i32>} : memref<41088xf32, #tpu.memory_space<vmem>>, vector<16xf32>,
        %add3A_122 = arith.constant 16 : i32
        %add3A_123 = arith.addi %mul3A_113, %add3A_122 : i32
        %get3A_124 = arith.index_cast %add3A_123 : i32 to index
        %get3A_125 = tpu.vector_load %arg11[%get3A_124] {strides = array<i32>} : memref<41088xf32, #tpu.memory_space<vmem>>, vector<16xf32>,
        %get3A_126 = arith.index_cast %scan3A_99 : i32 to index
        %get3A_127 = arith.constant 16 : index
        %get3A_128 = tpu.vector_load %arg9[%get3A_126, %get3A_127] {strides = array<i32>} : memref<128x128xf32, #tpu.memory_space<vmem>>, vector<16xf32>,
        %max3A_129 = arith.maximumf %get3A_125, %get3A_128 : vector<16xf32>
        %swap3A_130 = arith.index_cast %add3A_123 : i32 to index
        %swap3A_131 = tpu.vector_load %arg11[%swap3A_130] {strides = array<i32>} : memref<41088xf32, #tpu.memory_space<vmem>>, vector<16xf32>,
        tpu.vector_store %arg11[%swap3A_130], %max3A_129 {strides = array<i32>} : memref<41088xf32, #tpu.memory_space<vmem>>, vector<16xf32>,
        %add3A_132 = arith.constant 32 : i32
        %add3A_133 = arith.addi %mul3A_113, %add3A_132 : i32
        %get3A_134 = arith.index_cast %add3A_133 : i32 to index
        %get3A_135 = tpu.vector_load %arg11[%get3A_134] {strides = array<i32>} : memref<41088xf32, #tpu.memory_space<vmem>>, vector<16xf32>,
        %get3A_136 = arith.index_cast %scan3A_99 : i32 to index
        %get3A_137 = arith.constant 32 : index
        %get3A_138 = tpu.vector_load %arg9[%get3A_136, %get3A_137] {strides = array<i32>} : memref<128x128xf32, #tpu.memory_space<vmem>>, vector<16xf32>,
        %max3A_139 = arith.maximumf %get3A_135, %get3A_138 : vector<16xf32>
        %swap3A_140 = arith.index_cast %add3A_133 : i32 to index
        %swap3A_141 = tpu.vector_load %arg11[%swap3A_140] {strides = array<i32>} : memref<41088xf32, #tpu.memory_space<vmem>>, vector<16xf32>,
        tpu.vector_store %arg11[%swap3A_140], %max3A_139 {strides = array<i32>} : memref<41088xf32, #tpu.memory_space<vmem>>, vector<16xf32>,
        %add3A_142 = arith.constant 48 : i32
        %add3A_143 = arith.addi %mul3A_113, %add3A_142 : i32
        %get3A_144 = arith.index_cast %add3A_143 : i32 to index
        %get3A_145 = tpu.vector_load %arg11[%get3A_144] {strides = array<i32>} : memref<41088xf32, #tpu.memory_space<vmem>>, vector<16xf32>,
        %get3A_146 = arith.index_cast %scan3A_99 : i32 to index
        %get3A_147 = arith.constant 48 : index
        %get3A_148 = tpu.vector_load %arg9[%get3A_146, %get3A_147] {strides = array<i32>} : memref<128x128xf32, #tpu.memory_space<vmem>>, vector<16xf32>,
        %max3A_149 = arith.maximumf %get3A_145, %get3A_148 : vector<16xf32>
        %swap3A_150 = arith.index_cast %add3A_143 : i32 to index
        %swap3A_151 = tpu.vector_load %arg11[%swap3A_150] {strides = array<i32>} : memref<41088xf32, #tpu.memory_space<vmem>>, vector<16xf32>,
        tpu.vector_store %arg11[%swap3A_150], %max3A_149 {strides = array<i32>} : memref<41088xf32, #tpu.memory_space<vmem>>, vector<16xf32>,
        %add3A_152 = arith.constant 64 : i32
        %add3A_153 = arith.addi %mul3A_113, %add3A_152 : i32
        %get3A_154 = arith.index_cast %add3A_153 : i32 to index
        %get3A_155 = tpu.vector_load %arg11[%get3A_154] {strides = array<i32>} : memref<41088xf32, #tpu.memory_space<vmem>>, vector<16xf32>,
        %get3A_156 = arith.index_cast %scan3A_99 : i32 to index
        %get3A_157 = arith.constant 64 : index
        %get3A_158 = tpu.vector_load %arg9[%get3A_156, %get3A_157] {strides = array<i32>} : memref<128x128xf32, #tpu.memory_space<vmem>>, vector<16xf32>,
        %max3A_159 = arith.maximumf %get3A_155, %get3A_158 : vector<16xf32>
        %swap3A_160 = arith.index_cast %add3A_153 : i32 to index
        %swap3A_161 = tpu.vector_load %arg11[%swap3A_160] {strides = array<i32>} : memref<41088xf32, #tpu.memory_space<vmem>>, vector<16xf32>,
        tpu.vector_store %arg11[%swap3A_160], %max3A_159 {strides = array<i32>} : memref<41088xf32, #tpu.memory_space<vmem>>, vector<16xf32>,
        %add3A_162 = arith.constant 80 : i32
        %add3A_163 = arith.addi %mul3A_113, %add3A_162 : i32
        %get3A_164 = arith.index_cast %add3A_163 : i32 to index
        %get3A_165 = tpu.vector_load %arg11[%get3A_164] {strides = array<i32>} : memref<41088xf32, #tpu.memory_space<vmem>>, vector<16xf32>,
        %get3A_166 = arith.index_cast %scan3A_99 : i32 to index
        %get3A_167 = arith.constant 80 : index
        %get3A_168 = tpu.vector_load %arg9[%get3A_166, %get3A_167] {strides = array<i32>} : memref<128x128xf32, #tpu.memory_space<vmem>>, vector<16xf32>,
        %max3A_169 = arith.maximumf %get3A_165, %get3A_168 : vector<16xf32>
        %swap3A_170 = arith.index_cast %add3A_163 : i32 to index
        %swap3A_171 = tpu.vector_load %arg11[%swap3A_170] {strides = array<i32>} : memref<41088xf32, #tpu.memory_space<vmem>>, vector<16xf32>,
        tpu.vector_store %arg11[%swap3A_170], %max3A_169 {strides = array<i32>} : memref<41088xf32, #tpu.memory_space<vmem>>, vector<16xf32>,
        %add3A_172 = arith.constant 96 : i32
        %add3A_173 = arith.addi %mul3A_113, %add3A_172 : i32
        %get3A_174 = arith.index_cast %add3A_173 : i32 to index
        %get3A_175 = tpu.vector_load %arg11[%get3A_174] {strides = array<i32>} : memref<41088xf32, #tpu.memory_space<vmem>>, vector<16xf32>,
        %get3A_176 = arith.index_cast %scan3A_99 : i32 to index
        %get3A_177 = arith.constant 96 : index
        %get3A_178 = tpu.vector_load %arg9[%get3A_176, %get3A_177] {strides = array<i32>} : memref<128x128xf32, #tpu.memory_space<vmem>>, vector<16xf32>,
        %max3A_179 = arith.maximumf %get3A_175, %get3A_178 : vector<16xf32>
        %swap3A_180 = arith.index_cast %add3A_173 : i32 to index
        %swap3A_181 = tpu.vector_load %arg11[%swap3A_180] {strides = array<i32>} : memref<41088xf32, #tpu.memory_space<vmem>>, vector<16xf32>,
        tpu.vector_store %arg11[%swap3A_180], %max3A_179 {strides = array<i32>} : memref<41088xf32, #tpu.memory_space<vmem>>, vector<16xf32>,
        %add3A_182 = arith.constant 112 : i32
        %add3A_183 = arith.addi %mul3A_113, %add3A_182 : i32
        %get3A_184 = arith.index_cast %add3A_183 : i32 to index
        %get3A_185 = tpu.vector_load %arg11[%get3A_184] {strides = array<i32>} : memref<41088xf32, #tpu.memory_space<vmem>>, vector<16xf32>,
        %get3A_186 = arith.index_cast %scan3A_99 : i32 to index
        %get3A_187 = arith.constant 112 : index
        %get3A_188 = tpu.vector_load %arg9[%get3A_186, %get3A_187] {strides = array<i32>} : memref<128x128xf32, #tpu.memory_space<vmem>>, vector<16xf32>,
        %max3A_189 = arith.maximumf %get3A_185, %get3A_188 : vector<16xf32>
        %swap3A_190 = arith.index_cast %add3A_183 : i32 to index
        %swap3A_191 = tpu.vector_load %arg11[%swap3A_190] {strides = array<i32>} : memref<41088xf32, #tpu.memory_space<vmem>>, vector<16xf32>,
        tpu.vector_store %arg11[%swap3A_190], %max3A_189 {strides = array<i32>} : memref<41088xf32, #tpu.memory_space<vmem>>, vector<16xf32>,
        %scan3A_192 = arith.constant 0 : i32
        scf.yield %scan3A_192 : i32
      }
      %scan3A_97 = arith.constant 128 : i32
      %while3A_98 = arith.constant 0 : i32
      scf.yield %while3A_98 : i32
    }
    %while3A_79 = arith.constant 1 : i32
    %while3A_80 = scf.for %while3A_83 = %while3A_76 to %while3A_72 step %while3A_79 iter_args(%while3A_84 = %while3A_78) -> (i32)  : i32 {
      %mul3A_85 = arith.constant 128 : i32
      %mul3A_86 = arith.muli %while3A_83, %mul3A_85 : i32
      "tpu.region"() ({
        %run_scoped3A = tpu.sem_alloc : memref<!tpu.dma_semaphore, #tpu.memory_space<semaphore_mem>>
        %dma_start3A_99 = tpu.memref_slice %arg3[%add3A, %mul3A_86] : memref<32x327680xi32, #tpu.memory_space<hbm>> -> memref<1x128xi32, #tpu.memory_space<hbm>>
        %dma_start3A_100 = tpu.memref_squeeze %dma_start3A_99 : memref<1x128xi32, #tpu.memory_space<hbm>> -> memref<128xi32, #tpu.memory_space<hbm>>
        %dma_start3A_101 = tpu.memref_slice %arg3[%add3A, %mul3A_86] : memref<32x327680xi32, #tpu.memory_space<hbm>> -> memref<1x128xi32, #tpu.memory_space<hbm>>
        %dma_start3A_102 = tpu.memref_squeeze %dma_start3A_101 : memref<1x128xi32, #tpu.memory_space<hbm>> -> memref<128xi32, #tpu.memory_space<hbm>>
        tpu.enqueue_dma source(%dma_start3A_102 : memref<128xi32, #tpu.memory_space<hbm>>) target(%arg7 : memref<128xi32, #tpu.memory_space<vmem>>) target_semaphore(%run_scoped3A : memref<!tpu.dma_semaphore, #tpu.memory_space<semaphore_mem>>)
        %dma_wait3A_103 = tpu.memref_slice %arg3[%add3A, %mul3A_86] : memref<32x327680xi32, #tpu.memory_space<hbm>> -> memref<1x128xi32, #tpu.memory_space<hbm>>
        %dma_wait3A_104 = tpu.memref_squeeze %dma_wait3A_103 : memref<1x128xi32, #tpu.memory_space<hbm>> -> memref<128xi32, #tpu.memory_space<hbm>>
        %dma_wait3A_105 = tpu.memref_slice %arg3[%add3A, %mul3A_86] : memref<32x327680xi32, #tpu.memory_space<hbm>> -> memref<1x128xi32, #tpu.memory_space<hbm>>
        %dma_wait3A_106 = tpu.memref_squeeze %dma_wait3A_105 : memref<1x128xi32, #tpu.memory_space<hbm>> -> memref<128xi32, #tpu.memory_space<hbm>>
        tpu.wait_dma2 semaphore(%run_scoped3A : memref<!tpu.dma_semaphore, #tpu.memory_space<semaphore_mem>>) src(%dma_wait3A_106 : memref<128xi32, #tpu.memory_space<hbm>>) dst(%arg7 : memref<128xi32, #tpu.memory_space<vmem>>)
        tpu.yield
      }) : () -> ()
      "tpu.region"() ({
        %run_scoped3A = tpu.sem_alloc : memref<!tpu.dma_semaphore, #tpu.memory_space<semaphore_mem>>
        %dma_start3A_99 = tpu.memref_slice %arg4[%add3A, %mul3A_86] : memref<32x327680xi32, #tpu.memory_space<hbm>> -> memref<1x128xi32, #tpu.memory_space<hbm>>
        %dma_start3A_100 = tpu.memref_squeeze %dma_start3A_99 : memref<1x128xi32, #tpu.memory_space<hbm>> -> memref<128xi32, #tpu.memory_space<hbm>>
        %dma_start3A_101 = tpu.memref_slice %arg4[%add3A, %mul3A_86] : memref<32x327680xi32, #tpu.memory_space<hbm>> -> memref<1x128xi32, #tpu.memory_space<hbm>>
        %dma_start3A_102 = tpu.memref_squeeze %dma_start3A_101 : memref<1x128xi32, #tpu.memory_space<hbm>> -> memref<128xi32, #tpu.memory_space<hbm>>
        tpu.enqueue_dma source(%dma_start3A_102 : memref<128xi32, #tpu.memory_space<hbm>>) target(%arg8 : memref<128xi32, #tpu.memory_space<vmem>>) target_semaphore(%run_scoped3A : memref<!tpu.dma_semaphore, #tpu.memory_space<semaphore_mem>>)
        %dma_wait3A_103 = tpu.memref_slice %arg4[%add3A, %mul3A_86] : memref<32x327680xi32, #tpu.memory_space<hbm>> -> memref<1x128xi32, #tpu.memory_space<hbm>>
        %dma_wait3A_104 = tpu.memref_squeeze %dma_wait3A_103 : memref<1x128xi32, #tpu.memory_space<hbm>> -> memref<128xi32, #tpu.memory_space<hbm>>
        %dma_wait3A_105 = tpu.memref_slice %arg4[%add3A, %mul3A_86] : memref<32x327680xi32, #tpu.memory_space<hbm>> -> memref<1x128xi32, #tpu.memory_space<hbm>>
        %dma_wait3A_106 = tpu.memref_squeeze %dma_wait3A_105 : memref<1x128xi32, #tpu.memory_space<hbm>> -> memref<128xi32, #tpu.memory_space<hbm>>
        tpu.wait_dma2 semaphore(%run_scoped3A : memref<!tpu.dma_semaphore, #tpu.memory_space<semaphore_mem>>) src(%dma_wait3A_106 : memref<128xi32, #tpu.memory_space<hbm>>) dst(%arg8 : memref<128xi32, #tpu.memory_space<vmem>>)
        tpu.yield
      }) : () -> ()
      %dma_start3A = arith.constant 0 : i32
      %dma_start3A_87 = arith.constant 0 : i32
      %dma_start3A_88 = tpu.memref_slice %arg2[%dma_start3A, %dma_start3A_87] : memref<320000x128xf32, #tpu.memory_space<hbm>> -> memref<320000x128xf32, #tpu.memory_space<hbm>>
      tpu.enqueue_indirect_dma source(%dma_start3A_88 : memref<320000x128xf32, #tpu.memory_space<hbm>>) target(%arg9 : memref<128x128xf32, #tpu.memory_space<vmem>>) offsets(%arg7 : memref<128xi32, #tpu.memory_space<vmem>>) semaphore(%arg12 : memref<!tpu.dma_semaphore, #tpu.memory_space<semaphore_mem>>)
      %dma_wait3A = arith.constant 0 : i32
      %dma_wait3A_89 = arith.constant 0 : i32
      %dma_wait3A_90 = tpu.memref_slice %arg2[%dma_wait3A, %dma_wait3A_89] : memref<320000x128xf32, #tpu.memory_space<hbm>> -> memref<320000x128xf32, #tpu.memory_space<hbm>>
      tpu.wait_indirect_dma semaphore(%arg12 : memref<!tpu.dma_semaphore, #tpu.memory_space<semaphore_mem>>) src(%dma_wait3A_90 : memref<320000x128xf32, #tpu.memory_space<hbm>>) dst(%arg9 : memref<128x128xf32, #tpu.memory_space<vmem>>)
      %scan3A_91 = arith.constant 0 : i32
      %scan3A_92 = arith.constant 0 : i32
      %scan3A_93 = arith.constant 128 : i32
      %scan3A_94 = arith.addi %scan3A_92, %scan3A_93 : i32
      %scan3A_95 = arith.constant 1 : i32
      %scan3A_96 = scf.for %scan3A_99 = %scan3A_92 to %scan3A_94 step %scan3A_95 iter_args(%scan3A_100 = %scan3A_91) -> (i32)  : i32 {
        %broadcast_in_dim3A = arith.constant 0 : i32
        %broadcast_in_dim3A_101 = vector.broadcast %broadcast_in_dim3A : i32 to vector<16xi32>
        %add3A_102 = vector.broadcast %scan3A_99 : i32 to vector<16xi32>
        %add3A_103 = arith.addi %broadcast_in_dim3A_101, %add3A_102 : vector<16xi32>
        %gather3A = tpu.vector_load_idx %arg8[%add3A_103] : memref<128xi32, #tpu.memory_space<vmem>>[vector<16xi32>], vector<16xi32>,
        %reduce_max3A_104 = arith.constant true
        %reduce_max3A_105 = vector.broadcast %reduce_max3A_104 : i1 to vector<16xi1>
        %reduce_max3A_106 = arith.constant -2147483648 : i32
        %reduce_max3A_107 = vector.broadcast %reduce_max3A_106 : i32 to vector<16xi32>
        %reduce_max3A_108 = arith.xori %gather3A, %reduce_max3A_107 : vector<16xi32>
        %reduce_max3A_109 = tpu.scan <max>, %reduce_max3A_108 masked %reduce_max3A_105 : vector<16xi32>, vector<16xi1> -> vector<16xi32>
        %reduce_max3A_110 = arith.xori %reduce_max3A_109, %reduce_max3A_107 : vector<16xi32>
        %reduce_max3A_111 = vector.extract %reduce_max3A_110[15] : i32 from vector<16xi32>
        %mul3A_112 = arith.constant 128 : i32
        %mul3A_113 = arith.muli %reduce_max3A_111, %mul3A_112 : i32
        %add3A_114 = arith.constant 0 : i32
        %add3A_115 = arith.addi %mul3A_113, %add3A_114 : i32
        %get3A_116 = arith.index_cast %add3A_115 : i32 to index
        %get3A_117 = tpu.vector_load %arg11[%get3A_116] {strides = array<i32>} : memref<41088xf32, #tpu.memory_space<vmem>>, vector<16xf32>,
        %get3A_118 = arith.index_cast %scan3A_99 : i32 to index
        %get3A_119 = arith.constant 0 : index
        %get3A_120 = tpu.vector_load %arg9[%get3A_118, %get3A_119] {strides = array<i32>} : memref<128x128xf32, #tpu.memory_space<vmem>>, vector<16xf32>,
        %max3A = arith.maximumf %get3A_117, %get3A_120 : vector<16xf32>
        %swap3A = arith.index_cast %add3A_115 : i32 to index
        %swap3A_121 = tpu.vector_load %arg11[%swap3A] {strides = array<i32>} : memref<41088xf32, #tpu.memory_space<vmem>>, vector<16xf32>,
        tpu.vector_store %arg11[%swap3A], %max3A {strides = array<i32>} : memref<41088xf32, #tpu.memory_space<vmem>>, vector<16xf32>,
        %add3A_122 = arith.constant 16 : i32
        %add3A_123 = arith.addi %mul3A_113, %add3A_122 : i32
        %get3A_124 = arith.index_cast %add3A_123 : i32 to index
        %get3A_125 = tpu.vector_load %arg11[%get3A_124] {strides = array<i32>} : memref<41088xf32, #tpu.memory_space<vmem>>, vector<16xf32>,
        %get3A_126 = arith.index_cast %scan3A_99 : i32 to index
        %get3A_127 = arith.constant 16 : index
        %get3A_128 = tpu.vector_load %arg9[%get3A_126, %get3A_127] {strides = array<i32>} : memref<128x128xf32, #tpu.memory_space<vmem>>, vector<16xf32>,
        %max3A_129 = arith.maximumf %get3A_125, %get3A_128 : vector<16xf32>
        %swap3A_130 = arith.index_cast %add3A_123 : i32 to index
        %swap3A_131 = tpu.vector_load %arg11[%swap3A_130] {strides = array<i32>} : memref<41088xf32, #tpu.memory_space<vmem>>, vector<16xf32>,
        tpu.vector_store %arg11[%swap3A_130], %max3A_129 {strides = array<i32>} : memref<41088xf32, #tpu.memory_space<vmem>>, vector<16xf32>,
        %add3A_132 = arith.constant 32 : i32
        %add3A_133 = arith.addi %mul3A_113, %add3A_132 : i32
        %get3A_134 = arith.index_cast %add3A_133 : i32 to index
        %get3A_135 = tpu.vector_load %arg11[%get3A_134] {strides = array<i32>} : memref<41088xf32, #tpu.memory_space<vmem>>, vector<16xf32>,
        %get3A_136 = arith.index_cast %scan3A_99 : i32 to index
        %get3A_137 = arith.constant 32 : index
        %get3A_138 = tpu.vector_load %arg9[%get3A_136, %get3A_137] {strides = array<i32>} : memref<128x128xf32, #tpu.memory_space<vmem>>, vector<16xf32>,
        %max3A_139 = arith.maximumf %get3A_135, %get3A_138 : vector<16xf32>
        %swap3A_140 = arith.index_cast %add3A_133 : i32 to index
        %swap3A_141 = tpu.vector_load %arg11[%swap3A_140] {strides = array<i32>} : memref<41088xf32, #tpu.memory_space<vmem>>, vector<16xf32>,
        tpu.vector_store %arg11[%swap3A_140], %max3A_139 {strides = array<i32>} : memref<41088xf32, #tpu.memory_space<vmem>>, vector<16xf32>,
        %add3A_142 = arith.constant 48 : i32
        %add3A_143 = arith.addi %mul3A_113, %add3A_142 : i32
        %get3A_144 = arith.index_cast %add3A_143 : i32 to index
        %get3A_145 = tpu.vector_load %arg11[%get3A_144] {strides = array<i32>} : memref<41088xf32, #tpu.memory_space<vmem>>, vector<16xf32>,
        %get3A_146 = arith.index_cast %scan3A_99 : i32 to index
        %get3A_147 = arith.constant 48 : index
        %get3A_148 = tpu.vector_load %arg9[%get3A_146, %get3A_147] {strides = array<i32>} : memref<128x128xf32, #tpu.memory_space<vmem>>, vector<16xf32>,
        %max3A_149 = arith.maximumf %get3A_145, %get3A_148 : vector<16xf32>
        %swap3A_150 = arith.index_cast %add3A_143 : i32 to index
        %swap3A_151 = tpu.vector_load %arg11[%swap3A_150] {strides = array<i32>} : memref<41088xf32, #tpu.memory_space<vmem>>, vector<16xf32>,
        tpu.vector_store %arg11[%swap3A_150], %max3A_149 {strides = array<i32>} : memref<41088xf32, #tpu.memory_space<vmem>>, vector<16xf32>,
        %add3A_152 = arith.constant 64 : i32
        %add3A_153 = arith.addi %mul3A_113, %add3A_152 : i32
        %get3A_154 = arith.index_cast %add3A_153 : i32 to index
        %get3A_155 = tpu.vector_load %arg11[%get3A_154] {strides = array<i32>} : memref<41088xf32, #tpu.memory_space<vmem>>, vector<16xf32>,
        %get3A_156 = arith.index_cast %scan3A_99 : i32 to index
        %get3A_157 = arith.constant 64 : index
        %get3A_158 = tpu.vector_load %arg9[%get3A_156, %get3A_157] {strides = array<i32>} : memref<128x128xf32, #tpu.memory_space<vmem>>, vector<16xf32>,
        %max3A_159 = arith.maximumf %get3A_155, %get3A_158 : vector<16xf32>
        %swap3A_160 = arith.index_cast %add3A_153 : i32 to index
        %swap3A_161 = tpu.vector_load %arg11[%swap3A_160] {strides = array<i32>} : memref<41088xf32, #tpu.memory_space<vmem>>, vector<16xf32>,
        tpu.vector_store %arg11[%swap3A_160], %max3A_159 {strides = array<i32>} : memref<41088xf32, #tpu.memory_space<vmem>>, vector<16xf32>,
        %add3A_162 = arith.constant 80 : i32
        %add3A_163 = arith.addi %mul3A_113, %add3A_162 : i32
        %get3A_164 = arith.index_cast %add3A_163 : i32 to index
        %get3A_165 = tpu.vector_load %arg11[%get3A_164] {strides = array<i32>} : memref<41088xf32, #tpu.memory_space<vmem>>, vector<16xf32>,
        %get3A_166 = arith.index_cast %scan3A_99 : i32 to index
        %get3A_167 = arith.constant 80 : index
        %get3A_168 = tpu.vector_load %arg9[%get3A_166, %get3A_167] {strides = array<i32>} : memref<128x128xf32, #tpu.memory_space<vmem>>, vector<16xf32>,
        %max3A_169 = arith.maximumf %get3A_165, %get3A_168 : vector<16xf32>
        %swap3A_170 = arith.index_cast %add3A_163 : i32 to index
        %swap3A_171 = tpu.vector_load %arg11[%swap3A_170] {strides = array<i32>} : memref<41088xf32, #tpu.memory_space<vmem>>, vector<16xf32>,
        tpu.vector_store %arg11[%swap3A_170], %max3A_169 {strides = array<i32>} : memref<41088xf32, #tpu.memory_space<vmem>>, vector<16xf32>,
        %add3A_172 = arith.constant 96 : i32
        %add3A_173 = arith.addi %mul3A_113, %add3A_172 : i32
        %get3A_174 = arith.index_cast %add3A_173 : i32 to index
        %get3A_175 = tpu.vector_load %arg11[%get3A_174] {strides = array<i32>} : memref<41088xf32, #tpu.memory_space<vmem>>, vector<16xf32>,
        %get3A_176 = arith.index_cast %scan3A_99 : i32 to index
        %get3A_177 = arith.constant 96 : index
        %get3A_178 = tpu.vector_load %arg9[%get3A_176, %get3A_177] {strides = array<i32>} : memref<128x128xf32, #tpu.memory_space<vmem>>, vector<16xf32>,
        %max3A_179 = arith.maximumf %get3A_175, %get3A_178 : vector<16xf32>
        %swap3A_180 = arith.index_cast %add3A_173 : i32 to index
        %swap3A_181 = tpu.vector_load %arg11[%swap3A_180] {strides = array<i32>} : memref<41088xf32, #tpu.memory_space<vmem>>, vector<16xf32>,
        tpu.vector_store %arg11[%swap3A_180], %max3A_179 {strides = array<i32>} : memref<41088xf32, #tpu.memory_space<vmem>>, vector<16xf32>,
        %add3A_182 = arith.constant 112 : i32
        %add3A_183 = arith.addi %mul3A_113, %add3A_182 : i32
        %get3A_184 = arith.index_cast %add3A_183 : i32 to index
        %get3A_185 = tpu.vector_load %arg11[%get3A_184] {strides = array<i32>} : memref<41088xf32, #tpu.memory_space<vmem>>, vector<16xf32>,
        %get3A_186 = arith.index_cast %scan3A_99 : i32 to index
        %get3A_187 = arith.constant 112 : index
        %get3A_188 = tpu.vector_load %arg9[%get3A_186, %get3A_187] {strides = array<i32>} : memref<128x128xf32, #tpu.memory_space<vmem>>, vector<16xf32>,
        %max3A_189 = arith.maximumf %get3A_185, %get3A_188 : vector<16xf32>
        %swap3A_190 = arith.index_cast %add3A_183 : i32 to index
        %swap3A_191 = tpu.vector_load %arg11[%swap3A_190] {strides = array<i32>} : memref<41088xf32, #tpu.memory_space<vmem>>, vector<16xf32>,
        tpu.vector_store %arg11[%swap3A_190], %max3A_189 {strides = array<i32>} : memref<41088xf32, #tpu.memory_space<vmem>>, vector<16xf32>,
        %scan3A_192 = arith.constant 0 : i32
        scf.yield %scan3A_192 : i32
      }
      %scan3A_97 = arith.constant 128 : i32
      %while3A_98 = arith.constant 0 : i32
      scf.yield %while3A_98 : i32
    }
    %mul3A_81 = arith.constant 128 : i32
    %mul3A_82 = arith.muli %mul3A_2, %mul3A_81 : i32
    "tpu.region"() ({
      %run_scoped3A = tpu.sem_alloc : memref<!tpu.dma_semaphore, #tpu.memory_space<semaphore_mem>>
      %dma_start3A = arith.constant 0 : i32
      %dma_start3A_83 = tpu.memref_slice %arg11[%dma_start3A] : memref<41088xf32, #tpu.memory_space<vmem>> -> memref<40960xf32, #tpu.memory_space<vmem>>
      %dma_start3A_84 = tpu.memref_slice %arg6[%mul3A_82] : memref<1310720xf32, #tpu.memory_space<hbm>> -> memref<40960xf32, #tpu.memory_space<hbm>>
      %dma_start3A_85 = tpu.memref_slice %arg6[%mul3A_82] : memref<1310720xf32, #tpu.memory_space<hbm>> -> memref<40960xf32, #tpu.memory_space<hbm>>
      %dma_start3A_86 = arith.constant 0 : i32
      %dma_start3A_87 = tpu.memref_slice %arg11[%dma_start3A_86] : memref<41088xf32, #tpu.memory_space<vmem>> -> memref<40960xf32, #tpu.memory_space<vmem>>
      tpu.enqueue_dma source(%dma_start3A_87 : memref<40960xf32, #tpu.memory_space<vmem>>) target(%dma_start3A_85 : memref<40960xf32, #tpu.memory_space<hbm>>) target_semaphore(%run_scoped3A : memref<!tpu.dma_semaphore, #tpu.memory_space<semaphore_mem>>)
      %dma_wait3A = arith.constant 0 : i32
      %dma_wait3A_88 = tpu.memref_slice %arg11[%dma_wait3A] : memref<41088xf32, #tpu.memory_space<vmem>> -> memref<40960xf32, #tpu.memory_space<vmem>>
      %dma_wait3A_89 = tpu.memref_slice %arg6[%mul3A_82] : memref<1310720xf32, #tpu.memory_space<hbm>> -> memref<40960xf32, #tpu.memory_space<hbm>>
      %dma_wait3A_90 = tpu.memref_slice %arg6[%mul3A_82] : memref<1310720xf32, #tpu.memory_space<hbm>> -> memref<40960xf32, #tpu.memory_space<hbm>>
      %dma_wait3A_91 = arith.constant 0 : i32
      %dma_wait3A_92 = tpu.memref_slice %arg11[%dma_wait3A_91] : memref<41088xf32, #tpu.memory_space<vmem>> -> memref<40960xf32, #tpu.memory_space<vmem>>
      tpu.wait_dma2 semaphore(%run_scoped3A : memref<!tpu.dma_semaphore, #tpu.memory_space<semaphore_mem>>) src(%dma_wait3A_92 : memref<40960xf32, #tpu.memory_space<vmem>>) dst(%dma_wait3A_90 : memref<40960xf32, #tpu.memory_space<hbm>>)
      tpu.yield
    }) : () -> ()
    return
  }
}

#map = affine_map<(d0, d1) -> (0, 0)>
#map1 = affine_map<(d0, d1) -> (0)>
module attributes {stable_mosaic.version = 14 : i64} {
  func.func @_scatter_body(%arg0: i32, %arg1: i32, %arg2: memref<320000x128xf32, #tpu.memory_space<hbm>>, %arg3: memref<32x327680xi32, #tpu.memory_space<hbm>>, %arg4: memref<32x327680xi32, #tpu.memory_space<hbm>>, %arg5: memref<512xi32, #tpu.memory_space<hbm>>, %arg6: memref<1310720xf32, #tpu.memory_space<hbm>>, %arg7: memref<128xi32, #tpu.memory_space<vmem>>, %arg8: memref<128xi32, #tpu.memory_space<vmem>>, %arg9: memref<128x128xf32, #tpu.memory_space<vmem>>, %arg10: memref<16xi32, #tpu.memory_space<vmem>>, %arg11: memref<41088xf32, #tpu.memory_space<vmem>>, %arg12: memref<!tpu.dma_semaphore, #tpu.memory_space<semaphore_mem>>) attributes {dimension_semantics = [#tpu.dimension_semantics<core_parallel>, #tpu.dimension_semantics<subcore_parallel>], iteration_bounds = array<i64: 2, 16>, scalar_prefetch = 0 : i64, scratch_operands = 6 : i64, tpu.core_type = #tpu.core_type<sc_vector_subcore>, window_params = [{transform_indices = #map}, {transform_indices = #map}, {transform_indices = #map}, {transform_indices = #map1}, {transform_indices = #map1}]} {
    %mul3A = arith.constant 2 : i32
    %mul3A_0 = arith.muli %arg1, %mul3A : i32
    %add3A = arith.addi %mul3A_0, %arg0 : i32
    %mul3A_1 = arith.constant 320 : i32
    %mul3A_2 = arith.muli %add3A, %mul3A_1 : i32
    %iota3A = tpu.iota {dimensions = array<i32: 0>} : vector<16xi32>
    %add3A_3 = arith.constant 0 : i32
    %add3A_4 = vector.broadcast %add3A_3 : i32 to vector<16xi32>
    %add3A_5 = arith.addi %add3A_4, %iota3A : vector<16xi32>
    %iota3A_6 = tpu.iota {dimensions = array<i32: 0>} : vector<16xi32>
    %add3A_7 = arith.constant 16 : i32
    %add3A_8 = vector.broadcast %add3A_7 : i32 to vector<16xi32>
    %add3A_9 = arith.addi %add3A_8, %iota3A_6 : vector<16xi32>
    %iota3A_10 = tpu.iota {dimensions = array<i32: 0>} : vector<16xi32>
    %add3A_11 = arith.constant 32 : i32
    %add3A_12 = vector.broadcast %add3A_11 : i32 to vector<16xi32>
    %add3A_13 = arith.addi %add3A_12, %iota3A_10 : vector<16xi32>
    %iota3A_14 = tpu.iota {dimensions = array<i32: 0>} : vector<16xi32>
    %add3A_15 = arith.constant 48 : i32
    %add3A_16 = vector.broadcast %add3A_15 : i32 to vector<16xi32>
    %add3A_17 = arith.addi %add3A_16, %iota3A_14 : vector<16xi32>
    %iota3A_18 = tpu.iota {dimensions = array<i32: 0>} : vector<16xi32>
    %add3A_19 = arith.constant 64 : i32
    %add3A_20 = vector.broadcast %add3A_19 : i32 to vector<16xi32>
    %add3A_21 = arith.addi %add3A_20, %iota3A_18 : vector<16xi32>
    %iota3A_22 = tpu.iota {dimensions = array<i32: 0>} : vector<16xi32>
    %add3A_23 = arith.constant 80 : i32
    %add3A_24 = vector.broadcast %add3A_23 : i32 to vector<16xi32>
    %add3A_25 = arith.addi %add3A_24, %iota3A_22 : vector<16xi32>
    %iota3A_26 = tpu.iota {dimensions = array<i32: 0>} : vector<16xi32>
    %add3A_27 = arith.constant 96 : i32
    %add3A_28 = vector.broadcast %add3A_27 : i32 to vector<16xi32>
    %add3A_29 = arith.addi %add3A_28, %iota3A_26 : vector<16xi32>
    %iota3A_30 = tpu.iota {dimensions = array<i32: 0>} : vector<16xi32>
    %add3A_31 = arith.constant 112 : i32
    %add3A_32 = vector.broadcast %add3A_31 : i32 to vector<16xi32>
    %add3A_33 = arith.addi %add3A_32, %iota3A_30 : vector<16xi32>
    %scan3A = arith.constant 0 : i32
    %scan3A_34 = arith.constant 0 : i32
    %scan3A_35 = arith.constant 2568 : i32
    %scan3A_36 = arith.addi %scan3A_34, %scan3A_35 : i32
    %scan3A_37 = arith.constant 1 : i32
    %scan3A_38 = scf.for %scan3A_90 = %scan3A_34 to %scan3A_36 step %scan3A_37 iter_args(%scan3A_91 = %scan3A) -> (i32)  : i32 {
      %broadcast_in_dim3A = arith.constant 0xFF800000 : f32
      %broadcast_in_dim3A_92 = vector.broadcast %broadcast_in_dim3A : f32 to vector<16xf32>
      %mul3A_93 = arith.constant 16 : i32
      %mul3A_94 = arith.muli %scan3A_90, %mul3A_93 : i32
      %swap3A = arith.index_cast %mul3A_94 : i32 to index
      %swap3A_95 = tpu.vector_load %arg11[%swap3A] {strides = array<i32>} : memref<41088xf32, #tpu.memory_space<vmem>>, vector<16xf32>,
      tpu.vector_store %arg11[%swap3A], %broadcast_in_dim3A_92 {strides = array<i32>} : memref<41088xf32, #tpu.memory_space<vmem>>, vector<16xf32>,
      %scan3A_96 = arith.constant 0 : i32
      scf.yield %scan3A_96 : i32
    }
    %scan3A_39 = arith.constant 2568 : i32
    %mul3A_40 = arith.constant 16 : i32
    %mul3A_41 = arith.muli %add3A, %mul3A_40 : i32
    "tpu.region"() ({
      %run_scoped3A = tpu.sem_alloc : memref<!tpu.dma_semaphore, #tpu.memory_space<semaphore_mem>>
      %dma_start3A = tpu.memref_slice %arg5[%mul3A_41] : memref<512xi32, #tpu.memory_space<hbm>> -> memref<16xi32, #tpu.memory_space<hbm>>
      %dma_start3A_90 = tpu.memref_slice %arg5[%mul3A_41] : memref<512xi32, #tpu.memory_space<hbm>> -> memref<16xi32, #tpu.memory_space<hbm>>
      tpu.enqueue_dma source(%dma_start3A_90 : memref<16xi32, #tpu.memory_space<hbm>>) target(%arg10 : memref<16xi32, #tpu.memory_space<vmem>>) target_semaphore(%run_scoped3A : memref<!tpu.dma_semaphore, #tpu.memory_space<semaphore_mem>>)
      %dma_wait3A = tpu.memref_slice %arg5[%mul3A_41] : memref<512xi32, #tpu.memory_space<hbm>> -> memref<16xi32, #tpu.memory_space<hbm>>
      %dma_wait3A_91 = tpu.memref_slice %arg5[%mul3A_41] : memref<512xi32, #tpu.memory_space<hbm>> -> memref<16xi32, #tpu.memory_space<hbm>>
      tpu.wait_dma2 semaphore(%run_scoped3A : memref<!tpu.dma_semaphore, #tpu.memory_space<semaphore_mem>>) src(%dma_wait3A_91 : memref<16xi32, #tpu.memory_space<hbm>>) dst(%arg10 : memref<16xi32, #tpu.memory_space<vmem>>)
      tpu.yield
    }) : () -> ()
    %get3A = arith.constant 0 : index
    %get3A_42 = tpu.vector_load %arg10[%get3A] {strides = array<i32>} : memref<16xi32, #tpu.memory_space<vmem>>, vector<16xi32>,
    %reduce_max3A = arith.constant true
    %reduce_max3A_43 = vector.broadcast %reduce_max3A : i1 to vector<16xi1>
    %reduce_max3A_44 = arith.constant -2147483648 : i32
    %reduce_max3A_45 = vector.broadcast %reduce_max3A_44 : i32 to vector<16xi32>
    %reduce_max3A_46 = arith.xori %get3A_42, %reduce_max3A_45 : vector<16xi32>
    %reduce_max3A_47 = tpu.scan <max>, %reduce_max3A_46 masked %reduce_max3A_43 : vector<16xi32>, vector<16xi1> -> vector<16xi32>
    %reduce_max3A_48 = arith.xori %reduce_max3A_47, %reduce_max3A_45 : vector<16xi32>
    %reduce_max3A_49 = vector.extract %reduce_max3A_48[15] : i32 from vector<16xi32>
    %add3A_50 = arith.constant 128 : i32
    %add3A_51 = arith.addi %reduce_max3A_49, %add3A_50 : i32
    %sub3A = arith.constant 1 : i32
    %sub3A_52 = arith.subi %add3A_51, %sub3A : i32
    %jit3A = arith.constant 128 : i32
    %div3A = arith.divsi %sub3A_52, %jit3A : i32
    %sign3A = arith.constant 0 : i32
    %sign3A_53 = arith.cmpi sgt, %sub3A_52, %sign3A : i32
    %sign3A_54 = arith.extui %sign3A_53 : i1 to i32
    %sign3A_55 = arith.constant 0 : i32
    %sign3A_56 = arith.cmpi slt, %sub3A_52, %sign3A_55 : i32
    %sign3A_57 = arith.extui %sign3A_56 : i1 to i32
    %sign3A_58 = arith.subi %sign3A_54, %sign3A_57 : i32
    %sign3A_59 = arith.constant 0 : i32
    %sign3A_60 = arith.cmpi sgt, %jit3A, %sign3A_59 : i32
    %sign3A_61 = arith.extui %sign3A_60 : i1 to i32
    %sign3A_62 = arith.constant 0 : i32
    %sign3A_63 = arith.cmpi slt, %jit3A, %sign3A_62 : i32
    %sign3A_64 = arith.extui %sign3A_63 : i1 to i32
    %sign3A_65 = arith.subi %sign3A_61, %sign3A_64 : i32
    %ne3A = arith.cmpi ne, %sign3A_58, %sign3A_65 : i32
    %rem3A = arith.remsi %sub3A_52, %jit3A : i32
    %ne3A_66 = arith.constant 0 : i32
    %ne3A_67 = arith.cmpi ne, %rem3A, %ne3A_66 : i32
    %and3A = arith.andi %ne3A, %ne3A_67 : i1
    %sub3A_68 = arith.constant 1 : i32
    %sub3A_69 = arith.subi %div3A, %sub3A_68 : i32
    %select_n3A = arith.select %and3A, %sub3A_69, %div3A : i32
    %while3A = arith.constant 0 : i32
    %while3A_70 = arith.constant 0 : i32
    %while3A_71 = arith.subi %select_n3A, %while3A : i32
    %while3A_72 = arith.addi %while3A, %while3A_71 : i32
    %while3A_73 = arith.constant 1 : i32
    %while3A_74 = arith.divsi %while3A_71, %while3A_73 : i32
    %while3A_75 = arith.muli %while3A_74, %while3A_73 : i32
    %while3A_76 = arith.addi %while3A, %while3A_75 : i32
    %while3A_77 = arith.constant 1 : i32
    %while3A_78 = scf.for %while3A_90 = %while3A to %while3A_76 step %while3A_77 iter_args(%while3A_91 = %while3A_70) -> (i32)  : i32 {
      %mul3A_92 = arith.constant 128 : i32
      %mul3A_93 = arith.muli %while3A_90, %mul3A_92 : i32
      "tpu.region"() ({
        %run_scoped3A = tpu.sem_alloc : memref<!tpu.dma_semaphore, #tpu.memory_space<semaphore_mem>>
        %dma_start3A_106 = tpu.memref_slice %arg3[%add3A, %mul3A_93] : memref<32x327680xi32, #tpu.memory_space<hbm>> -> memref<1x128xi32, #tpu.memory_space<hbm>>
        %dma_start3A_107 = tpu.memref_squeeze %dma_start3A_106 : memref<1x128xi32, #tpu.memory_space<hbm>> -> memref<128xi32, #tpu.memory_space<hbm>>
        %dma_start3A_108 = tpu.memref_slice %arg3[%add3A, %mul3A_93] : memref<32x327680xi32, #tpu.memory_space<hbm>> -> memref<1x128xi32, #tpu.memory_space<hbm>>
        %dma_start3A_109 = tpu.memref_squeeze %dma_start3A_108 : memref<1x128xi32, #tpu.memory_space<hbm>> -> memref<128xi32, #tpu.memory_space<hbm>>
        tpu.enqueue_dma source(%dma_start3A_109 : memref<128xi32, #tpu.memory_space<hbm>>) target(%arg7 : memref<128xi32, #tpu.memory_space<vmem>>) target_semaphore(%run_scoped3A : memref<!tpu.dma_semaphore, #tpu.memory_space<semaphore_mem>>)
        %dma_wait3A_110 = tpu.memref_slice %arg3[%add3A, %mul3A_93] : memref<32x327680xi32, #tpu.memory_space<hbm>> -> memref<1x128xi32, #tpu.memory_space<hbm>>
        %dma_wait3A_111 = tpu.memref_squeeze %dma_wait3A_110 : memref<1x128xi32, #tpu.memory_space<hbm>> -> memref<128xi32, #tpu.memory_space<hbm>>
        %dma_wait3A_112 = tpu.memref_slice %arg3[%add3A, %mul3A_93] : memref<32x327680xi32, #tpu.memory_space<hbm>> -> memref<1x128xi32, #tpu.memory_space<hbm>>
        %dma_wait3A_113 = tpu.memref_squeeze %dma_wait3A_112 : memref<1x128xi32, #tpu.memory_space<hbm>> -> memref<128xi32, #tpu.memory_space<hbm>>
        tpu.wait_dma2 semaphore(%run_scoped3A : memref<!tpu.dma_semaphore, #tpu.memory_space<semaphore_mem>>) src(%dma_wait3A_113 : memref<128xi32, #tpu.memory_space<hbm>>) dst(%arg7 : memref<128xi32, #tpu.memory_space<vmem>>)
        tpu.yield
      }) : () -> ()
      "tpu.region"() ({
        %run_scoped3A = tpu.sem_alloc : memref<!tpu.dma_semaphore, #tpu.memory_space<semaphore_mem>>
        %dma_start3A_106 = tpu.memref_slice %arg4[%add3A, %mul3A_93] : memref<32x327680xi32, #tpu.memory_space<hbm>> -> memref<1x128xi32, #tpu.memory_space<hbm>>
        %dma_start3A_107 = tpu.memref_squeeze %dma_start3A_106 : memref<1x128xi32, #tpu.memory_space<hbm>> -> memref<128xi32, #tpu.memory_space<hbm>>
        %dma_start3A_108 = tpu.memref_slice %arg4[%add3A, %mul3A_93] : memref<32x327680xi32, #tpu.memory_space<hbm>> -> memref<1x128xi32, #tpu.memory_space<hbm>>
        %dma_start3A_109 = tpu.memref_squeeze %dma_start3A_108 : memref<1x128xi32, #tpu.memory_space<hbm>> -> memref<128xi32, #tpu.memory_space<hbm>>
        tpu.enqueue_dma source(%dma_start3A_109 : memref<128xi32, #tpu.memory_space<hbm>>) target(%arg8 : memref<128xi32, #tpu.memory_space<vmem>>) target_semaphore(%run_scoped3A : memref<!tpu.dma_semaphore, #tpu.memory_space<semaphore_mem>>)
        %dma_wait3A_110 = tpu.memref_slice %arg4[%add3A, %mul3A_93] : memref<32x327680xi32, #tpu.memory_space<hbm>> -> memref<1x128xi32, #tpu.memory_space<hbm>>
        %dma_wait3A_111 = tpu.memref_squeeze %dma_wait3A_110 : memref<1x128xi32, #tpu.memory_space<hbm>> -> memref<128xi32, #tpu.memory_space<hbm>>
        %dma_wait3A_112 = tpu.memref_slice %arg4[%add3A, %mul3A_93] : memref<32x327680xi32, #tpu.memory_space<hbm>> -> memref<1x128xi32, #tpu.memory_space<hbm>>
        %dma_wait3A_113 = tpu.memref_squeeze %dma_wait3A_112 : memref<1x128xi32, #tpu.memory_space<hbm>> -> memref<128xi32, #tpu.memory_space<hbm>>
        tpu.wait_dma2 semaphore(%run_scoped3A : memref<!tpu.dma_semaphore, #tpu.memory_space<semaphore_mem>>) src(%dma_wait3A_113 : memref<128xi32, #tpu.memory_space<hbm>>) dst(%arg8 : memref<128xi32, #tpu.memory_space<vmem>>)
        tpu.yield
      }) : () -> ()
      %dma_start3A = arith.constant 0 : i32
      %dma_start3A_94 = arith.constant 0 : i32
      %dma_start3A_95 = tpu.memref_slice %arg2[%dma_start3A, %dma_start3A_94] : memref<320000x128xf32, #tpu.memory_space<hbm>> -> memref<320000x128xf32, #tpu.memory_space<hbm>>
      tpu.enqueue_indirect_dma source(%dma_start3A_95 : memref<320000x128xf32, #tpu.memory_space<hbm>>) target(%arg9 : memref<128x128xf32, #tpu.memory_space<vmem>>) offsets(%arg7 : memref<128xi32, #tpu.memory_space<vmem>>) semaphore(%arg12 : memref<!tpu.dma_semaphore, #tpu.memory_space<semaphore_mem>>)
      %dma_wait3A = arith.constant 0 : i32
      %dma_wait3A_96 = arith.constant 0 : i32
      %dma_wait3A_97 = tpu.memref_slice %arg2[%dma_wait3A, %dma_wait3A_96] : memref<320000x128xf32, #tpu.memory_space<hbm>> -> memref<320000x128xf32, #tpu.memory_space<hbm>>
      tpu.wait_indirect_dma semaphore(%arg12 : memref<!tpu.dma_semaphore, #tpu.memory_space<semaphore_mem>>) src(%dma_wait3A_97 : memref<320000x128xf32, #tpu.memory_space<hbm>>) dst(%arg9 : memref<128x128xf32, #tpu.memory_space<vmem>>)
      %scan3A_98 = arith.constant 0 : i32
      %scan3A_99 = arith.constant 0 : i32
      %scan3A_100 = arith.constant 128 : i32
      %scan3A_101 = arith.addi %scan3A_99, %scan3A_100 : i32
      %scan3A_102 = arith.constant 1 : i32
      %scan3A_103 = scf.for %scan3A_106 = %scan3A_99 to %scan3A_101 step %scan3A_102 iter_args(%scan3A_107 = %scan3A_98) -> (i32)  : i32 {
        %broadcast_in_dim3A = arith.constant 0 : i32
        %broadcast_in_dim3A_108 = vector.broadcast %broadcast_in_dim3A : i32 to vector<16xi32>
        %add3A_109 = vector.broadcast %scan3A_106 : i32 to vector<16xi32>
        %add3A_110 = arith.addi %broadcast_in_dim3A_108, %add3A_109 : vector<16xi32>
        %gather3A = tpu.vector_load_idx %arg8[%add3A_110] : memref<128xi32, #tpu.memory_space<vmem>>[vector<16xi32>], vector<16xi32>,
        %reduce_max3A_111 = arith.constant true
        %reduce_max3A_112 = vector.broadcast %reduce_max3A_111 : i1 to vector<16xi1>
        %reduce_max3A_113 = arith.constant -2147483648 : i32
        %reduce_max3A_114 = vector.broadcast %reduce_max3A_113 : i32 to vector<16xi32>
        %reduce_max3A_115 = arith.xori %gather3A, %reduce_max3A_114 : vector<16xi32>
        %reduce_max3A_116 = tpu.scan <max>, %reduce_max3A_115 masked %reduce_max3A_112 : vector<16xi32>, vector<16xi1> -> vector<16xi32>
        %reduce_max3A_117 = arith.xori %reduce_max3A_116, %reduce_max3A_114 : vector<16xi32>
        %reduce_max3A_118 = vector.extract %reduce_max3A_117[15] : i32 from vector<16xi32>
        %mul3A_119 = arith.constant 128 : i32
        %mul3A_120 = arith.muli %reduce_max3A_118, %mul3A_119 : i32
        %add3A_121 = arith.constant 0 : i32
        %add3A_122 = arith.addi %mul3A_120, %add3A_121 : i32
        %get3A_123 = arith.index_cast %add3A_122 : i32 to index
        %get3A_124 = tpu.vector_load %arg11[%get3A_123] {strides = array<i32>} : memref<41088xf32, #tpu.memory_space<vmem>>, vector<16xf32>,
        %get3A_125 = arith.index_cast %scan3A_106 : i32 to index
        %get3A_126 = arith.constant 0 : index
        %get3A_127 = tpu.vector_load %arg9[%get3A_125, %get3A_126] {strides = array<i32>} : memref<128x128xf32, #tpu.memory_space<vmem>>, vector<16xf32>,
        %max3A = arith.maximumf %get3A_124, %get3A_127 : vector<16xf32>
        %swap3A = arith.index_cast %add3A_122 : i32 to index
        %swap3A_128 = tpu.vector_load %arg11[%swap3A] {strides = array<i32>} : memref<41088xf32, #tpu.memory_space<vmem>>, vector<16xf32>,
        tpu.vector_store %arg11[%swap3A], %max3A {strides = array<i32>} : memref<41088xf32, #tpu.memory_space<vmem>>, vector<16xf32>,
        %add3A_129 = arith.constant 16 : i32
        %add3A_130 = arith.addi %mul3A_120, %add3A_129 : i32
        %get3A_131 = arith.index_cast %add3A_130 : i32 to index
        %get3A_132 = tpu.vector_load %arg11[%get3A_131] {strides = array<i32>} : memref<41088xf32, #tpu.memory_space<vmem>>, vector<16xf32>,
        %get3A_133 = arith.index_cast %scan3A_106 : i32 to index
        %get3A_134 = arith.constant 16 : index
        %get3A_135 = tpu.vector_load %arg9[%get3A_133, %get3A_134] {strides = array<i32>} : memref<128x128xf32, #tpu.memory_space<vmem>>, vector<16xf32>,
        %max3A_136 = arith.maximumf %get3A_132, %get3A_135 : vector<16xf32>
        %swap3A_137 = arith.index_cast %add3A_130 : i32 to index
        %swap3A_138 = tpu.vector_load %arg11[%swap3A_137] {strides = array<i32>} : memref<41088xf32, #tpu.memory_space<vmem>>, vector<16xf32>,
        tpu.vector_store %arg11[%swap3A_137], %max3A_136 {strides = array<i32>} : memref<41088xf32, #tpu.memory_space<vmem>>, vector<16xf32>,
        %add3A_139 = arith.constant 32 : i32
        %add3A_140 = arith.addi %mul3A_120, %add3A_139 : i32
        %get3A_141 = arith.index_cast %add3A_140 : i32 to index
        %get3A_142 = tpu.vector_load %arg11[%get3A_141] {strides = array<i32>} : memref<41088xf32, #tpu.memory_space<vmem>>, vector<16xf32>,
        %get3A_143 = arith.index_cast %scan3A_106 : i32 to index
        %get3A_144 = arith.constant 32 : index
        %get3A_145 = tpu.vector_load %arg9[%get3A_143, %get3A_144] {strides = array<i32>} : memref<128x128xf32, #tpu.memory_space<vmem>>, vector<16xf32>,
        %max3A_146 = arith.maximumf %get3A_142, %get3A_145 : vector<16xf32>
        %swap3A_147 = arith.index_cast %add3A_140 : i32 to index
        %swap3A_148 = tpu.vector_load %arg11[%swap3A_147] {strides = array<i32>} : memref<41088xf32, #tpu.memory_space<vmem>>, vector<16xf32>,
        tpu.vector_store %arg11[%swap3A_147], %max3A_146 {strides = array<i32>} : memref<41088xf32, #tpu.memory_space<vmem>>, vector<16xf32>,
        %add3A_149 = arith.constant 48 : i32
        %add3A_150 = arith.addi %mul3A_120, %add3A_149 : i32
        %get3A_151 = arith.index_cast %add3A_150 : i32 to index
        %get3A_152 = tpu.vector_load %arg11[%get3A_151] {strides = array<i32>} : memref<41088xf32, #tpu.memory_space<vmem>>, vector<16xf32>,
        %get3A_153 = arith.index_cast %scan3A_106 : i32 to index
        %get3A_154 = arith.constant 48 : index
        %get3A_155 = tpu.vector_load %arg9[%get3A_153, %get3A_154] {strides = array<i32>} : memref<128x128xf32, #tpu.memory_space<vmem>>, vector<16xf32>,
        %max3A_156 = arith.maximumf %get3A_152, %get3A_155 : vector<16xf32>
        %swap3A_157 = arith.index_cast %add3A_150 : i32 to index
        %swap3A_158 = tpu.vector_load %arg11[%swap3A_157] {strides = array<i32>} : memref<41088xf32, #tpu.memory_space<vmem>>, vector<16xf32>,
        tpu.vector_store %arg11[%swap3A_157], %max3A_156 {strides = array<i32>} : memref<41088xf32, #tpu.memory_space<vmem>>, vector<16xf32>,
        %add3A_159 = arith.constant 64 : i32
        %add3A_160 = arith.addi %mul3A_120, %add3A_159 : i32
        %get3A_161 = arith.index_cast %add3A_160 : i32 to index
        %get3A_162 = tpu.vector_load %arg11[%get3A_161] {strides = array<i32>} : memref<41088xf32, #tpu.memory_space<vmem>>, vector<16xf32>,
        %get3A_163 = arith.index_cast %scan3A_106 : i32 to index
        %get3A_164 = arith.constant 64 : index
        %get3A_165 = tpu.vector_load %arg9[%get3A_163, %get3A_164] {strides = array<i32>} : memref<128x128xf32, #tpu.memory_space<vmem>>, vector<16xf32>,
        %max3A_166 = arith.maximumf %get3A_162, %get3A_165 : vector<16xf32>
        %swap3A_167 = arith.index_cast %add3A_160 : i32 to index
        %swap3A_168 = tpu.vector_load %arg11[%swap3A_167] {strides = array<i32>} : memref<41088xf32, #tpu.memory_space<vmem>>, vector<16xf32>,
        tpu.vector_store %arg11[%swap3A_167], %max3A_166 {strides = array<i32>} : memref<41088xf32, #tpu.memory_space<vmem>>, vector<16xf32>,
        %add3A_169 = arith.constant 80 : i32
        %add3A_170 = arith.addi %mul3A_120, %add3A_169 : i32
        %get3A_171 = arith.index_cast %add3A_170 : i32 to index
        %get3A_172 = tpu.vector_load %arg11[%get3A_171] {strides = array<i32>} : memref<41088xf32, #tpu.memory_space<vmem>>, vector<16xf32>,
        %get3A_173 = arith.index_cast %scan3A_106 : i32 to index
        %get3A_174 = arith.constant 80 : index
        %get3A_175 = tpu.vector_load %arg9[%get3A_173, %get3A_174] {strides = array<i32>} : memref<128x128xf32, #tpu.memory_space<vmem>>, vector<16xf32>,
        %max3A_176 = arith.maximumf %get3A_172, %get3A_175 : vector<16xf32>
        %swap3A_177 = arith.index_cast %add3A_170 : i32 to index
        %swap3A_178 = tpu.vector_load %arg11[%swap3A_177] {strides = array<i32>} : memref<41088xf32, #tpu.memory_space<vmem>>, vector<16xf32>,
        tpu.vector_store %arg11[%swap3A_177], %max3A_176 {strides = array<i32>} : memref<41088xf32, #tpu.memory_space<vmem>>, vector<16xf32>,
        %add3A_179 = arith.constant 96 : i32
        %add3A_180 = arith.addi %mul3A_120, %add3A_179 : i32
        %get3A_181 = arith.index_cast %add3A_180 : i32 to index
        %get3A_182 = tpu.vector_load %arg11[%get3A_181] {strides = array<i32>} : memref<41088xf32, #tpu.memory_space<vmem>>, vector<16xf32>,
        %get3A_183 = arith.index_cast %scan3A_106 : i32 to index
        %get3A_184 = arith.constant 96 : index
        %get3A_185 = tpu.vector_load %arg9[%get3A_183, %get3A_184] {strides = array<i32>} : memref<128x128xf32, #tpu.memory_space<vmem>>, vector<16xf32>,
        %max3A_186 = arith.maximumf %get3A_182, %get3A_185 : vector<16xf32>
        %swap3A_187 = arith.index_cast %add3A_180 : i32 to index
        %swap3A_188 = tpu.vector_load %arg11[%swap3A_187] {strides = array<i32>} : memref<41088xf32, #tpu.memory_space<vmem>>, vector<16xf32>,
        tpu.vector_store %arg11[%swap3A_187], %max3A_186 {strides = array<i32>} : memref<41088xf32, #tpu.memory_space<vmem>>, vector<16xf32>,
        %add3A_189 = arith.constant 112 : i32
        %add3A_190 = arith.addi %mul3A_120, %add3A_189 : i32
        %get3A_191 = arith.index_cast %add3A_190 : i32 to index
        %get3A_192 = tpu.vector_load %arg11[%get3A_191] {strides = array<i32>} : memref<41088xf32, #tpu.memory_space<vmem>>, vector<16xf32>,
        %get3A_193 = arith.index_cast %scan3A_106 : i32 to index
        %get3A_194 = arith.constant 112 : index
        %get3A_195 = tpu.vector_load %arg9[%get3A_193, %get3A_194] {strides = array<i32>} : memref<128x128xf32, #tpu.memory_space<vmem>>, vector<16xf32>,
        %max3A_196 = arith.maximumf %get3A_192, %get3A_195 : vector<16xf32>
        %swap3A_197 = arith.index_cast %add3A_190 : i32 to index
        %swap3A_198 = tpu.vector_load %arg11[%swap3A_197] {strides = array<i32>} : memref<41088xf32, #tpu.memory_space<vmem>>, vector<16xf32>,
        tpu.vector_store %arg11[%swap3A_197], %max3A_196 {strides = array<i32>} : memref<41088xf32, #tpu.memory_space<vmem>>, vector<16xf32>,
        %scan3A_199 = arith.constant 0 : i32
        scf.yield %scan3A_199 : i32
      }
      %scan3A_104 = arith.constant 128 : i32
      %while3A_105 = arith.constant 0 : i32
      scf.yield %while3A_105 : i32
    }
    %while3A_79 = arith.constant 1 : i32
    %while3A_80 = scf.for %while3A_90 = %while3A_76 to %while3A_72 step %while3A_79 iter_args(%while3A_91 = %while3A_78) -> (i32)  : i32 {
      %mul3A_92 = arith.constant 128 : i32
      %mul3A_93 = arith.muli %while3A_90, %mul3A_92 : i32
      "tpu.region"() ({
        %run_scoped3A = tpu.sem_alloc : memref<!tpu.dma_semaphore, #tpu.memory_space<semaphore_mem>>
        %dma_start3A_106 = tpu.memref_slice %arg3[%add3A, %mul3A_93] : memref<32x327680xi32, #tpu.memory_space<hbm>> -> memref<1x128xi32, #tpu.memory_space<hbm>>
        %dma_start3A_107 = tpu.memref_squeeze %dma_start3A_106 : memref<1x128xi32, #tpu.memory_space<hbm>> -> memref<128xi32, #tpu.memory_space<hbm>>
        %dma_start3A_108 = tpu.memref_slice %arg3[%add3A, %mul3A_93] : memref<32x327680xi32, #tpu.memory_space<hbm>> -> memref<1x128xi32, #tpu.memory_space<hbm>>
        %dma_start3A_109 = tpu.memref_squeeze %dma_start3A_108 : memref<1x128xi32, #tpu.memory_space<hbm>> -> memref<128xi32, #tpu.memory_space<hbm>>
        tpu.enqueue_dma source(%dma_start3A_109 : memref<128xi32, #tpu.memory_space<hbm>>) target(%arg7 : memref<128xi32, #tpu.memory_space<vmem>>) target_semaphore(%run_scoped3A : memref<!tpu.dma_semaphore, #tpu.memory_space<semaphore_mem>>)
        %dma_wait3A_110 = tpu.memref_slice %arg3[%add3A, %mul3A_93] : memref<32x327680xi32, #tpu.memory_space<hbm>> -> memref<1x128xi32, #tpu.memory_space<hbm>>
        %dma_wait3A_111 = tpu.memref_squeeze %dma_wait3A_110 : memref<1x128xi32, #tpu.memory_space<hbm>> -> memref<128xi32, #tpu.memory_space<hbm>>
        %dma_wait3A_112 = tpu.memref_slice %arg3[%add3A, %mul3A_93] : memref<32x327680xi32, #tpu.memory_space<hbm>> -> memref<1x128xi32, #tpu.memory_space<hbm>>
        %dma_wait3A_113 = tpu.memref_squeeze %dma_wait3A_112 : memref<1x128xi32, #tpu.memory_space<hbm>> -> memref<128xi32, #tpu.memory_space<hbm>>
        tpu.wait_dma2 semaphore(%run_scoped3A : memref<!tpu.dma_semaphore, #tpu.memory_space<semaphore_mem>>) src(%dma_wait3A_113 : memref<128xi32, #tpu.memory_space<hbm>>) dst(%arg7 : memref<128xi32, #tpu.memory_space<vmem>>)
        tpu.yield
      }) : () -> ()
      "tpu.region"() ({
        %run_scoped3A = tpu.sem_alloc : memref<!tpu.dma_semaphore, #tpu.memory_space<semaphore_mem>>
        %dma_start3A_106 = tpu.memref_slice %arg4[%add3A, %mul3A_93] : memref<32x327680xi32, #tpu.memory_space<hbm>> -> memref<1x128xi32, #tpu.memory_space<hbm>>
        %dma_start3A_107 = tpu.memref_squeeze %dma_start3A_106 : memref<1x128xi32, #tpu.memory_space<hbm>> -> memref<128xi32, #tpu.memory_space<hbm>>
        %dma_start3A_108 = tpu.memref_slice %arg4[%add3A, %mul3A_93] : memref<32x327680xi32, #tpu.memory_space<hbm>> -> memref<1x128xi32, #tpu.memory_space<hbm>>
        %dma_start3A_109 = tpu.memref_squeeze %dma_start3A_108 : memref<1x128xi32, #tpu.memory_space<hbm>> -> memref<128xi32, #tpu.memory_space<hbm>>
        tpu.enqueue_dma source(%dma_start3A_109 : memref<128xi32, #tpu.memory_space<hbm>>) target(%arg8 : memref<128xi32, #tpu.memory_space<vmem>>) target_semaphore(%run_scoped3A : memref<!tpu.dma_semaphore, #tpu.memory_space<semaphore_mem>>)
        %dma_wait3A_110 = tpu.memref_slice %arg4[%add3A, %mul3A_93] : memref<32x327680xi32, #tpu.memory_space<hbm>> -> memref<1x128xi32, #tpu.memory_space<hbm>>
        %dma_wait3A_111 = tpu.memref_squeeze %dma_wait3A_110 : memref<1x128xi32, #tpu.memory_space<hbm>> -> memref<128xi32, #tpu.memory_space<hbm>>
        %dma_wait3A_112 = tpu.memref_slice %arg4[%add3A, %mul3A_93] : memref<32x327680xi32, #tpu.memory_space<hbm>> -> memref<1x128xi32, #tpu.memory_space<hbm>>
        %dma_wait3A_113 = tpu.memref_squeeze %dma_wait3A_112 : memref<1x128xi32, #tpu.memory_space<hbm>> -> memref<128xi32, #tpu.memory_space<hbm>>
        tpu.wait_dma2 semaphore(%run_scoped3A : memref<!tpu.dma_semaphore, #tpu.memory_space<semaphore_mem>>) src(%dma_wait3A_113 : memref<128xi32, #tpu.memory_space<hbm>>) dst(%arg8 : memref<128xi32, #tpu.memory_space<vmem>>)
        tpu.yield
      }) : () -> ()
      %dma_start3A = arith.constant 0 : i32
      %dma_start3A_94 = arith.constant 0 : i32
      %dma_start3A_95 = tpu.memref_slice %arg2[%dma_start3A, %dma_start3A_94] : memref<320000x128xf32, #tpu.memory_space<hbm>> -> memref<320000x128xf32, #tpu.memory_space<hbm>>
      tpu.enqueue_indirect_dma source(%dma_start3A_95 : memref<320000x128xf32, #tpu.memory_space<hbm>>) target(%arg9 : memref<128x128xf32, #tpu.memory_space<vmem>>) offsets(%arg7 : memref<128xi32, #tpu.memory_space<vmem>>) semaphore(%arg12 : memref<!tpu.dma_semaphore, #tpu.memory_space<semaphore_mem>>)
      %dma_wait3A = arith.constant 0 : i32
      %dma_wait3A_96 = arith.constant 0 : i32
      %dma_wait3A_97 = tpu.memref_slice %arg2[%dma_wait3A, %dma_wait3A_96] : memref<320000x128xf32, #tpu.memory_space<hbm>> -> memref<320000x128xf32, #tpu.memory_space<hbm>>
      tpu.wait_indirect_dma semaphore(%arg12 : memref<!tpu.dma_semaphore, #tpu.memory_space<semaphore_mem>>) src(%dma_wait3A_97 : memref<320000x128xf32, #tpu.memory_space<hbm>>) dst(%arg9 : memref<128x128xf32, #tpu.memory_space<vmem>>)
      %scan3A_98 = arith.constant 0 : i32
      %scan3A_99 = arith.constant 0 : i32
      %scan3A_100 = arith.constant 128 : i32
      %scan3A_101 = arith.addi %scan3A_99, %scan3A_100 : i32
      %scan3A_102 = arith.constant 1 : i32
      %scan3A_103 = scf.for %scan3A_106 = %scan3A_99 to %scan3A_101 step %scan3A_102 iter_args(%scan3A_107 = %scan3A_98) -> (i32)  : i32 {
        %broadcast_in_dim3A = arith.constant 0 : i32
        %broadcast_in_dim3A_108 = vector.broadcast %broadcast_in_dim3A : i32 to vector<16xi32>
        %add3A_109 = vector.broadcast %scan3A_106 : i32 to vector<16xi32>
        %add3A_110 = arith.addi %broadcast_in_dim3A_108, %add3A_109 : vector<16xi32>
        %gather3A = tpu.vector_load_idx %arg8[%add3A_110] : memref<128xi32, #tpu.memory_space<vmem>>[vector<16xi32>], vector<16xi32>,
        %reduce_max3A_111 = arith.constant true
        %reduce_max3A_112 = vector.broadcast %reduce_max3A_111 : i1 to vector<16xi1>
        %reduce_max3A_113 = arith.constant -2147483648 : i32
        %reduce_max3A_114 = vector.broadcast %reduce_max3A_113 : i32 to vector<16xi32>
        %reduce_max3A_115 = arith.xori %gather3A, %reduce_max3A_114 : vector<16xi32>
        %reduce_max3A_116 = tpu.scan <max>, %reduce_max3A_115 masked %reduce_max3A_112 : vector<16xi32>, vector<16xi1> -> vector<16xi32>
        %reduce_max3A_117 = arith.xori %reduce_max3A_116, %reduce_max3A_114 : vector<16xi32>
        %reduce_max3A_118 = vector.extract %reduce_max3A_117[15] : i32 from vector<16xi32>
        %mul3A_119 = arith.constant 128 : i32
        %mul3A_120 = arith.muli %reduce_max3A_118, %mul3A_119 : i32
        %add3A_121 = arith.constant 0 : i32
        %add3A_122 = arith.addi %mul3A_120, %add3A_121 : i32
        %get3A_123 = arith.index_cast %add3A_122 : i32 to index
        %get3A_124 = tpu.vector_load %arg11[%get3A_123] {strides = array<i32>} : memref<41088xf32, #tpu.memory_space<vmem>>, vector<16xf32>,
        %get3A_125 = arith.index_cast %scan3A_106 : i32 to index
        %get3A_126 = arith.constant 0 : index
        %get3A_127 = tpu.vector_load %arg9[%get3A_125, %get3A_126] {strides = array<i32>} : memref<128x128xf32, #tpu.memory_space<vmem>>, vector<16xf32>,
        %max3A = arith.maximumf %get3A_124, %get3A_127 : vector<16xf32>
        %swap3A = arith.index_cast %add3A_122 : i32 to index
        %swap3A_128 = tpu.vector_load %arg11[%swap3A] {strides = array<i32>} : memref<41088xf32, #tpu.memory_space<vmem>>, vector<16xf32>,
        tpu.vector_store %arg11[%swap3A], %max3A {strides = array<i32>} : memref<41088xf32, #tpu.memory_space<vmem>>, vector<16xf32>,
        %add3A_129 = arith.constant 16 : i32
        %add3A_130 = arith.addi %mul3A_120, %add3A_129 : i32
        %get3A_131 = arith.index_cast %add3A_130 : i32 to index
        %get3A_132 = tpu.vector_load %arg11[%get3A_131] {strides = array<i32>} : memref<41088xf32, #tpu.memory_space<vmem>>, vector<16xf32>,
        %get3A_133 = arith.index_cast %scan3A_106 : i32 to index
        %get3A_134 = arith.constant 16 : index
        %get3A_135 = tpu.vector_load %arg9[%get3A_133, %get3A_134] {strides = array<i32>} : memref<128x128xf32, #tpu.memory_space<vmem>>, vector<16xf32>,
        %max3A_136 = arith.maximumf %get3A_132, %get3A_135 : vector<16xf32>
        %swap3A_137 = arith.index_cast %add3A_130 : i32 to index
        %swap3A_138 = tpu.vector_load %arg11[%swap3A_137] {strides = array<i32>} : memref<41088xf32, #tpu.memory_space<vmem>>, vector<16xf32>,
        tpu.vector_store %arg11[%swap3A_137], %max3A_136 {strides = array<i32>} : memref<41088xf32, #tpu.memory_space<vmem>>, vector<16xf32>,
        %add3A_139 = arith.constant 32 : i32
        %add3A_140 = arith.addi %mul3A_120, %add3A_139 : i32
        %get3A_141 = arith.index_cast %add3A_140 : i32 to index
        %get3A_142 = tpu.vector_load %arg11[%get3A_141] {strides = array<i32>} : memref<41088xf32, #tpu.memory_space<vmem>>, vector<16xf32>,
        %get3A_143 = arith.index_cast %scan3A_106 : i32 to index
        %get3A_144 = arith.constant 32 : index
        %get3A_145 = tpu.vector_load %arg9[%get3A_143, %get3A_144] {strides = array<i32>} : memref<128x128xf32, #tpu.memory_space<vmem>>, vector<16xf32>,
        %max3A_146 = arith.maximumf %get3A_142, %get3A_145 : vector<16xf32>
        %swap3A_147 = arith.index_cast %add3A_140 : i32 to index
        %swap3A_148 = tpu.vector_load %arg11[%swap3A_147] {strides = array<i32>} : memref<41088xf32, #tpu.memory_space<vmem>>, vector<16xf32>,
        tpu.vector_store %arg11[%swap3A_147], %max3A_146 {strides = array<i32>} : memref<41088xf32, #tpu.memory_space<vmem>>, vector<16xf32>,
        %add3A_149 = arith.constant 48 : i32
        %add3A_150 = arith.addi %mul3A_120, %add3A_149 : i32
        %get3A_151 = arith.index_cast %add3A_150 : i32 to index
        %get3A_152 = tpu.vector_load %arg11[%get3A_151] {strides = array<i32>} : memref<41088xf32, #tpu.memory_space<vmem>>, vector<16xf32>,
        %get3A_153 = arith.index_cast %scan3A_106 : i32 to index
        %get3A_154 = arith.constant 48 : index
        %get3A_155 = tpu.vector_load %arg9[%get3A_153, %get3A_154] {strides = array<i32>} : memref<128x128xf32, #tpu.memory_space<vmem>>, vector<16xf32>,
        %max3A_156 = arith.maximumf %get3A_152, %get3A_155 : vector<16xf32>
        %swap3A_157 = arith.index_cast %add3A_150 : i32 to index
        %swap3A_158 = tpu.vector_load %arg11[%swap3A_157] {strides = array<i32>} : memref<41088xf32, #tpu.memory_space<vmem>>, vector<16xf32>,
        tpu.vector_store %arg11[%swap3A_157], %max3A_156 {strides = array<i32>} : memref<41088xf32, #tpu.memory_space<vmem>>, vector<16xf32>,
        %add3A_159 = arith.constant 64 : i32
        %add3A_160 = arith.addi %mul3A_120, %add3A_159 : i32
        %get3A_161 = arith.index_cast %add3A_160 : i32 to index
        %get3A_162 = tpu.vector_load %arg11[%get3A_161] {strides = array<i32>} : memref<41088xf32, #tpu.memory_space<vmem>>, vector<16xf32>,
        %get3A_163 = arith.index_cast %scan3A_106 : i32 to index
        %get3A_164 = arith.constant 64 : index
        %get3A_165 = tpu.vector_load %arg9[%get3A_163, %get3A_164] {strides = array<i32>} : memref<128x128xf32, #tpu.memory_space<vmem>>, vector<16xf32>,
        %max3A_166 = arith.maximumf %get3A_162, %get3A_165 : vector<16xf32>
        %swap3A_167 = arith.index_cast %add3A_160 : i32 to index
        %swap3A_168 = tpu.vector_load %arg11[%swap3A_167] {strides = array<i32>} : memref<41088xf32, #tpu.memory_space<vmem>>, vector<16xf32>,
        tpu.vector_store %arg11[%swap3A_167], %max3A_166 {strides = array<i32>} : memref<41088xf32, #tpu.memory_space<vmem>>, vector<16xf32>,
        %add3A_169 = arith.constant 80 : i32
        %add3A_170 = arith.addi %mul3A_120, %add3A_169 : i32
        %get3A_171 = arith.index_cast %add3A_170 : i32 to index
        %get3A_172 = tpu.vector_load %arg11[%get3A_171] {strides = array<i32>} : memref<41088xf32, #tpu.memory_space<vmem>>, vector<16xf32>,
        %get3A_173 = arith.index_cast %scan3A_106 : i32 to index
        %get3A_174 = arith.constant 80 : index
        %get3A_175 = tpu.vector_load %arg9[%get3A_173, %get3A_174] {strides = array<i32>} : memref<128x128xf32, #tpu.memory_space<vmem>>, vector<16xf32>,
        %max3A_176 = arith.maximumf %get3A_172, %get3A_175 : vector<16xf32>
        %swap3A_177 = arith.index_cast %add3A_170 : i32 to index
        %swap3A_178 = tpu.vector_load %arg11[%swap3A_177] {strides = array<i32>} : memref<41088xf32, #tpu.memory_space<vmem>>, vector<16xf32>,
        tpu.vector_store %arg11[%swap3A_177], %max3A_176 {strides = array<i32>} : memref<41088xf32, #tpu.memory_space<vmem>>, vector<16xf32>,
        %add3A_179 = arith.constant 96 : i32
        %add3A_180 = arith.addi %mul3A_120, %add3A_179 : i32
        %get3A_181 = arith.index_cast %add3A_180 : i32 to index
        %get3A_182 = tpu.vector_load %arg11[%get3A_181] {strides = array<i32>} : memref<41088xf32, #tpu.memory_space<vmem>>, vector<16xf32>,
        %get3A_183 = arith.index_cast %scan3A_106 : i32 to index
        %get3A_184 = arith.constant 96 : index
        %get3A_185 = tpu.vector_load %arg9[%get3A_183, %get3A_184] {strides = array<i32>} : memref<128x128xf32, #tpu.memory_space<vmem>>, vector<16xf32>,
        %max3A_186 = arith.maximumf %get3A_182, %get3A_185 : vector<16xf32>
        %swap3A_187 = arith.index_cast %add3A_180 : i32 to index
        %swap3A_188 = tpu.vector_load %arg11[%swap3A_187] {strides = array<i32>} : memref<41088xf32, #tpu.memory_space<vmem>>, vector<16xf32>,
        tpu.vector_store %arg11[%swap3A_187], %max3A_186 {strides = array<i32>} : memref<41088xf32, #tpu.memory_space<vmem>>, vector<16xf32>,
        %add3A_189 = arith.constant 112 : i32
        %add3A_190 = arith.addi %mul3A_120, %add3A_189 : i32
        %get3A_191 = arith.index_cast %add3A_190 : i32 to index
        %get3A_192 = tpu.vector_load %arg11[%get3A_191] {strides = array<i32>} : memref<41088xf32, #tpu.memory_space<vmem>>, vector<16xf32>,
        %get3A_193 = arith.index_cast %scan3A_106 : i32 to index
        %get3A_194 = arith.constant 112 : index
        %get3A_195 = tpu.vector_load %arg9[%get3A_193, %get3A_194] {strides = array<i32>} : memref<128x128xf32, #tpu.memory_space<vmem>>, vector<16xf32>,
        %max3A_196 = arith.maximumf %get3A_192, %get3A_195 : vector<16xf32>
        %swap3A_197 = arith.index_cast %add3A_190 : i32 to index
        %swap3A_198 = tpu.vector_load %arg11[%swap3A_197] {strides = array<i32>} : memref<41088xf32, #tpu.memory_space<vmem>>, vector<16xf32>,
        tpu.vector_store %arg11[%swap3A_197], %max3A_196 {strides = array<i32>} : memref<41088xf32, #tpu.memory_space<vmem>>, vector<16xf32>,
        %scan3A_199 = arith.constant 0 : i32
        scf.yield %scan3A_199 : i32
      }
      %scan3A_104 = arith.constant 128 : i32
      %while3A_105 = arith.constant 0 : i32
      scf.yield %while3A_105 : i32
    }
    %scan3A_81 = arith.constant 0 : i32
    %scan3A_82 = arith.constant 0 : i32
    %scan3A_83 = arith.constant 2560 : i32
    %scan3A_84 = arith.addi %scan3A_82, %scan3A_83 : i32
    %scan3A_85 = arith.constant 1 : i32
    %scan3A_86 = scf.for %scan3A_90 = %scan3A_82 to %scan3A_84 step %scan3A_85 iter_args(%scan3A_91 = %scan3A_81) -> (i32)  : i32 {
      %mul3A_92 = arith.constant 16 : i32
      %mul3A_93 = arith.muli %scan3A_90, %mul3A_92 : i32
      %get3A_94 = arith.index_cast %mul3A_93 : i32 to index
      %get3A_95 = tpu.vector_load %arg11[%get3A_94] {strides = array<i32>} : memref<41088xf32, #tpu.memory_space<vmem>>, vector<16xf32>,
      %eq3A = arith.constant 0xFF800000 : f32
      %eq3A_96 = vector.broadcast %eq3A : f32 to vector<16xf32>
      %eq3A_97 = arith.cmpf oeq, %get3A_95, %eq3A_96 : vector<16xf32>
      %jit3A_98 = arith.constant 0.000000e+00 : f32
      %broadcast_in_dim3A = vector.broadcast %jit3A_98 : f32 to vector<16xf32>
      %select_n3A_99 = arith.select %eq3A_97, %broadcast_in_dim3A, %get3A_95 : vector<16xi1>, vector<16xf32>
      %swap3A = arith.index_cast %mul3A_93 : i32 to index
      %swap3A_100 = tpu.vector_load %arg11[%swap3A] {strides = array<i32>} : memref<41088xf32, #tpu.memory_space<vmem>>, vector<16xf32>,
      tpu.vector_store %arg11[%swap3A], %select_n3A_99 {strides = array<i32>} : memref<41088xf32, #tpu.memory_space<vmem>>, vector<16xf32>,
      %scan3A_101 = arith.constant 0 : i32
      scf.yield %scan3A_101 : i32
    }
    %scan3A_87 = arith.constant 2560 : i32
    %mul3A_88 = arith.constant 128 : i32
    %mul3A_89 = arith.muli %mul3A_2, %mul3A_88 : i32
    "tpu.region"() ({
      %run_scoped3A = tpu.sem_alloc : memref<!tpu.dma_semaphore, #tpu.memory_space<semaphore_mem>>
      %dma_start3A = arith.constant 0 : i32
      %dma_start3A_90 = tpu.memref_slice %arg11[%dma_start3A] : memref<41088xf32, #tpu.memory_space<vmem>> -> memref<40960xf32, #tpu.memory_space<vmem>>
      %dma_start3A_91 = tpu.memref_slice %arg6[%mul3A_89] : memref<1310720xf32, #tpu.memory_space<hbm>> -> memref<40960xf32, #tpu.memory_space<hbm>>
      %dma_start3A_92 = tpu.memref_slice %arg6[%mul3A_89] : memref<1310720xf32, #tpu.memory_space<hbm>> -> memref<40960xf32, #tpu.memory_space<hbm>>
      %dma_start3A_93 = arith.constant 0 : i32
      %dma_start3A_94 = tpu.memref_slice %arg11[%dma_start3A_93] : memref<41088xf32, #tpu.memory_space<vmem>> -> memref<40960xf32, #tpu.memory_space<vmem>>
      tpu.enqueue_dma source(%dma_start3A_94 : memref<40960xf32, #tpu.memory_space<vmem>>) target(%dma_start3A_92 : memref<40960xf32, #tpu.memory_space<hbm>>) target_semaphore(%run_scoped3A : memref<!tpu.dma_semaphore, #tpu.memory_space<semaphore_mem>>)
      %dma_wait3A = arith.constant 0 : i32
      %dma_wait3A_95 = tpu.memref_slice %arg11[%dma_wait3A] : memref<41088xf32, #tpu.memory_space<vmem>> -> memref<40960xf32, #tpu.memory_space<vmem>>
      %dma_wait3A_96 = tpu.memref_slice %arg6[%mul3A_89] : memref<1310720xf32, #tpu.memory_space<hbm>> -> memref<40960xf32, #tpu.memory_space<hbm>>
      %dma_wait3A_97 = tpu.memref_slice %arg6[%mul3A_89] : memref<1310720xf32, #tpu.memory_space<hbm>> -> memref<40960xf32, #tpu.memory_space<hbm>>
      %dma_wait3A_98 = arith.constant 0 : i32
      %dma_wait3A_99 = tpu.memref_slice %arg11[%dma_wait3A_98] : memref<41088xf32, #tpu.memory_space<vmem>> -> memref<40960xf32, #tpu.memory_space<vmem>>
      tpu.wait_dma2 semaphore(%run_scoped3A : memref<!tpu.dma_semaphore, #tpu.memory_space<semaphore_mem>>) src(%dma_wait3A_99 : memref<40960xf32, #tpu.memory_space<vmem>>) dst(%dma_wait3A_97 : memref<40960xf32, #tpu.memory_space<hbm>>)
      tpu.yield
    }) : () -> ()
    return
  }
}

module attributes {stable_mosaic.version = 14 : i64} {
  func.func @_ab_body(%arg0: i32, %arg1: memref<1024x128xf32, #tpu.memory_space<vmem>>, %arg2: memref<128x128xf32, #tpu.memory_space<vmem>>, %arg3: memref<128x128xf32, #tpu.memory_space<vmem>>, %arg4: memref<1x128xf32, #tpu.memory_space<vmem>>, %arg5: memref<1024x128xf32, #tpu.memory_space<vmem>>, %arg6: memref<1024x128xf32, #tpu.memory_space<vmem>>) attributes {dimension_semantics = [#tpu.dimension_semantics<arbitrary>], iteration_bounds = array<i64: 10>, scalar_prefetch = 0 : i64, scratch_operands = 0 : i64, tpu.core_type = #tpu.core_type<tc>, window_params = [{transform_indices = @transform_0, window_bounds = array<i64: 1024, 128>}, {pipeline_mode = #tpu.pipeline_mode<synchronous>, transform_indices = @transform_1, window_bounds = array<i64: 128, 128>}, {pipeline_mode = #tpu.pipeline_mode<synchronous>, transform_indices = @transform_2, window_bounds = array<i64: 128, 128>}, {pipeline_mode = #tpu.pipeline_mode<synchronous>, transform_indices = @transform_3, window_bounds = array<i64: 1, 128>}, {transform_indices = @transform_4, window_bounds = array<i64: 1024, 128>}, {transform_indices = @transform_5, window_bounds = array<i64: 1024, 128>}]} {
    %get3A = arith.constant 0 : index
    %get3A_0 = arith.constant 0 : index
    %get3A_1 = vector.load %arg1[%get3A, %get3A_0] : memref<1024x128xf32, #tpu.memory_space<vmem>>, vector<1024x128xf32>
    %get3A_2 = arith.constant 0 : index
    %get3A_3 = arith.constant 0 : index
    %get3A_4 = vector.load %arg2[%get3A_2, %get3A_3] : memref<128x128xf32, #tpu.memory_space<vmem>>, vector<128x128xf32>
    %dot_general3A = arith.constant dense<0.000000e+00> : vector<1024x128xf32>
    %dot_general3A_5 = tpu.matmul %get3A_1, %get3A_4, %dot_general3A {dimension_numbers = #tpu.dot_dimension_numbers<[1], [0], [0], [1], [0, 0, 1, 1], [], []>, transpose_lhs_hint = false} : vector<1024x128xf32>, vector<128x128xf32>, vector<1024x128xf32> -> vector<1024x128xf32>
    %get3A_6 = arith.constant 0 : index
    %get3A_7 = arith.constant 0 : index
    %get3A_8 = vector.load %arg4[%get3A_6, %get3A_7] : memref<1x128xf32, #tpu.memory_space<vmem>>, vector<1x128xf32>
    %add3A = vector.broadcast %get3A_8 : vector<1x128xf32> to vector<1024x128xf32>
    %add3A_9 = arith.addf %dot_general3A_5, %add3A : vector<1024x128xf32>
    %swap3A = arith.constant 0 : index
    %swap3A_10 = arith.constant 0 : index
    %swap3A_11 = vector.load %arg5[%swap3A, %swap3A_10] : memref<1024x128xf32, #tpu.memory_space<vmem>>, vector<1024x128xf32>
    tpu.vector_store %arg5[%swap3A, %swap3A_10], %add3A_9 {strides = array<i32>} : memref<1024x128xf32, #tpu.memory_space<vmem>>, vector<1024x128xf32>,
    %get3A_12 = arith.constant 0 : index
    %get3A_13 = arith.constant 0 : index
    %get3A_14 = vector.load %arg3[%get3A_12, %get3A_13] : memref<128x128xf32, #tpu.memory_space<vmem>>, vector<128x128xf32>
    %dot_general3A_15 = arith.constant dense<0.000000e+00> : vector<1024x128xf32>
    %dot_general3A_16 = tpu.matmul %get3A_1, %get3A_14, %dot_general3A_15 {dimension_numbers = #tpu.dot_dimension_numbers<[1], [0], [0], [1], [0, 0, 1, 1], [], []>, transpose_lhs_hint = false} : vector<1024x128xf32>, vector<128x128xf32>, vector<1024x128xf32> -> vector<1024x128xf32>
    %swap3A_17 = arith.constant 0 : index
    %swap3A_18 = arith.constant 0 : index
    %swap3A_19 = vector.load %arg6[%swap3A_17, %swap3A_18] : memref<1024x128xf32, #tpu.memory_space<vmem>>, vector<1024x128xf32>
    tpu.vector_store %arg6[%swap3A_17, %swap3A_18], %dot_general3A_16 {strides = array<i32>} : memref<1024x128xf32, #tpu.memory_space<vmem>>, vector<1024x128xf32>,
    return
  }
  func.func @transform_0(%arg0: i32) -> (i32, i32) {
    %c0_i32 = arith.constant 0 : i32
    %c0_i32_0 = arith.constant 0 : i32
    return %arg0, %c0_i32 : i32, i32
  }
  func.func @transform_1(%arg0: i32) -> (i32, i32) {
    %c0_i32 = arith.constant 0 : i32
    %c0_i32_0 = arith.constant 0 : i32
    %c0_i32_1 = arith.constant 0 : i32
    return %c0_i32, %c0_i32_0 : i32, i32
  }
  func.func @transform_2(%arg0: i32) -> (i32, i32) {
    %c0_i32 = arith.constant 0 : i32
    %c0_i32_0 = arith.constant 0 : i32
    %c0_i32_1 = arith.constant 0 : i32
    return %c0_i32, %c0_i32_0 : i32, i32
  }
  func.func @transform_3(%arg0: i32) -> (i32, i32) {
    %c0_i32 = arith.constant 0 : i32
    %c0_i32_0 = arith.constant 0 : i32
    %c0_i32_1 = arith.constant 0 : i32
    return %c0_i32, %c0_i32_0 : i32, i32
  }
  func.func @transform_4(%arg0: i32) -> (i32, i32) {
    %c0_i32 = arith.constant 0 : i32
    %c0_i32_0 = arith.constant 0 : i32
    return %arg0, %c0_i32 : i32, i32
  }
  func.func @transform_5(%arg0: i32) -> (i32, i32) {
    %c0_i32 = arith.constant 0 : i32
    %c0_i32_0 = arith.constant 0 : i32
    return %arg0, %c0_i32 : i32, i32
  }
}

module attributes {stable_mosaic.version = 14 : i64} {
  func.func @_mm_body(%arg0: i32, %arg1: memref<2000x128xf32, #tpu.memory_space<vmem>>, %arg2: memref<128x128xf32, #tpu.memory_space<vmem>>, %arg3: memref<1x128xf32, #tpu.memory_space<vmem>>, %arg4: memref<2000x128xf32, #tpu.memory_space<vmem>>) attributes {dimension_semantics = [#tpu.dimension_semantics<arbitrary>], iteration_bounds = array<i64: 160>, scalar_prefetch = 0 : i64, scratch_operands = 0 : i64, tpu.core_type = #tpu.core_type<tc>, window_params = [{transform_indices = @transform_0, window_bounds = array<i64: 2000, 128>}, {pipeline_mode = #tpu.pipeline_mode<synchronous>, transform_indices = @transform_1, window_bounds = array<i64: 128, 128>}, {pipeline_mode = #tpu.pipeline_mode<synchronous>, transform_indices = @transform_2, window_bounds = array<i64: 1, 128>}, {transform_indices = @transform_3, window_bounds = array<i64: 2000, 128>}]} {
    %get3A = arith.constant 0 : index
    %get3A_0 = arith.constant 0 : index
    %get3A_1 = vector.load %arg1[%get3A, %get3A_0] : memref<2000x128xf32, #tpu.memory_space<vmem>>, vector<2000x128xf32>
    %get3A_2 = arith.constant 0 : index
    %get3A_3 = arith.constant 0 : index
    %get3A_4 = vector.load %arg2[%get3A_2, %get3A_3] : memref<128x128xf32, #tpu.memory_space<vmem>>, vector<128x128xf32>
    %dot_general3A = arith.constant dense<0.000000e+00> : vector<2000x128xf32>
    %dot_general3A_5 = tpu.matmul %get3A_1, %get3A_4, %dot_general3A {dimension_numbers = #tpu.dot_dimension_numbers<[1], [0], [0], [1], [0, 0, 1, 1], [], []>, transpose_lhs_hint = false} : vector<2000x128xf32>, vector<128x128xf32>, vector<2000x128xf32> -> vector<2000x128xf32>
    %get3A_6 = arith.constant 0 : index
    %get3A_7 = arith.constant 0 : index
    %get3A_8 = vector.load %arg3[%get3A_6, %get3A_7] : memref<1x128xf32, #tpu.memory_space<vmem>>, vector<1x128xf32>
    %add3A = vector.broadcast %get3A_8 : vector<1x128xf32> to vector<2000x128xf32>
    %add3A_9 = arith.addf %dot_general3A_5, %add3A : vector<2000x128xf32>
    %swap3A = arith.constant 0 : index
    %swap3A_10 = arith.constant 0 : index
    %swap3A_11 = vector.load %arg4[%swap3A, %swap3A_10] : memref<2000x128xf32, #tpu.memory_space<vmem>>, vector<2000x128xf32>
    tpu.vector_store %arg4[%swap3A, %swap3A_10], %add3A_9 {strides = array<i32>} : memref<2000x128xf32, #tpu.memory_space<vmem>>, vector<2000x128xf32>,
    return
  }
  func.func @transform_0(%arg0: i32) -> (i32, i32) {
    %c0_i32 = arith.constant 0 : i32
    %c0_i32_0 = arith.constant 0 : i32
    return %arg0, %c0_i32 : i32, i32
  }
  func.func @transform_1(%arg0: i32) -> (i32, i32) {
    %c0_i32 = arith.constant 0 : i32
    %c0_i32_0 = arith.constant 0 : i32
    %c0_i32_1 = arith.constant 0 : i32
    return %c0_i32, %c0_i32_0 : i32, i32
  }
  func.func @transform_2(%arg0: i32) -> (i32, i32) {
    %c0_i32 = arith.constant 0 : i32
    %c0_i32_0 = arith.constant 0 : i32
    %c0_i32_1 = arith.constant 0 : i32
    return %c0_i32, %c0_i32_0 : i32, i32
  }
  func.func @transform_3(%arg0: i32) -> (i32, i32) {
    %c0_i32 = arith.constant 0 : i32
    %c0_i32_0 = arith.constant 0 : i32
    return %arg0, %c0_i32 : i32, i32
  }
}

</mosaic_0001>

<sc_bundles>
// kernel: kernel.11.cloned.1.call-start
scs
__scs_entry_jumppad:
0x0: {  	(pc) =	sbr.rel $0x88, $3  }
0x1: {  	(tag) =	ssettag $0x0;
	lr =	simm.s32 $0x1  }
0x2: {  	[smem:$0x3F97] =	sst lr;
	_ =	strace $0xD0000000  }
0x3: {  	_ = 	snop  }
0x4: {  	_ = 	snop  }
0x5: {  	_ = 	snop  }
0x6: {  	_ = 	snop  }
0x7: {  	_ = 	snop  }
__scs_overlays_trampoline_lowered:
0x8: {  	[smem:$0x3FA6] =	sst s0  }
0x9: {  	[smem:$0x3FA7] =	sst s1  }
0xa: {  	[smem:$0x3FA8] =	sst s2  }
0xb: {  	[smem:$0x3FA9] =	sst s3  }
0xc: {  	[smem:$0x3FAA] =	sst s4  }
0xd: {  	[smem:$0x3FAB] =	sst s5  }
0xe: {  	[smem:$0x3FAC] =	sst s6  }
0xf: {  	[smem:$0x3FAD] =	sst s7  }
0x10: {  	[smem:$0x3FAE] =	sst s8  }
0x11: {  	[smem:$0x3FAF] =	sst s9;
	s0 =	simm.s32 @!p0 $0x0  }
0x12: {  	s1 =	sld [smem:$0x3F95];
	s0 =	simm.s32 @p0 $0x1  }
0x13: {  	[smem:$0x3FB0] =	sst s0;
	s0 =	simm.s32 @!p1 $0x0  }
0x14: {  	s2 =	sld [smem:$0x3F94];
	s0 =	simm.s32 @p1 $0x1  }
0x15: {  	[smem:$0x3FB1] =	sst s0;
	s0 =	simm.s32 @!p2 $0x0  }
0x16: {  	s3 =	sld [smem:$0x3FDB];
	s0 =	simm.s32 @p2 $0x1  }
0x17: {  	s4 =	simm.s32 $0x1BF5;
	[smem:$0x3FB3] =	sst s0  }
0x18: {  	s0 =	sld [smem:$0x3F96];
	_ =	swait.ge [sflag:s4], $0x0  }
0x19: {  	s7 =	sld [smem:$0x3F97]  }
0x1a: {  	s8 =	sadd.s32 $0xFFFFE003, lr  }
0x1b: {  	s9 =	sadd.s32 $0xFFFFFEF7, lr;
	s5 =	simm.s32 $0xFFFFFFFF;
	p2 =	slt.u32 s8, $0xFFFFF086  }
0x1c: {  	p1 =	slt.u32 s9, $0xF7A;
	s5 =	simm.s32 @!p2 $0x0  }
0x1d: {  	s5 =	simm.s32 @p1 $0x1;
	p0 =	seq.s32 s7, s2  }
0x1e: {  	s7 =	smul.u32 @!p0 $0xF7A, s2;
	p2 =	seq.s32 @!p0 s5, $0x0  }
0x1f: {  	s9 =	smul.u32 $0xF7A, s1;
	s8 =	simm.s32 @!p0 $0x1BF5;
	p2 =	por !p2, p0  }
0x20: {  	[sflag:s8] =	ssyncset.s32 @!p0 $0xFFFFF086;
	s6 =	sadd.s32 @!p0 s3, s7;
	s7 =	simm.s32 @!p0 $0x108  }
0x21: {  	s3 =	sadd.s32 s3, s9;
	s6 =	sadd.s32 @!p0 $0x88, s6;
	s7 =	simm.s32 @p2 $0x1082  }
0x22: {  	[simem:s7], [sflag:s8] =	dma.local @!p0 [hbm:s6], $0xF7A  }
0x23: {  	s9 =	sor.u32 $0xD0000000, s2;
	s6 =	simm.s32 $0x108;
	_ =	swait.ge @!p0 [sflag:s8], $0x0  }
0x24: {  	s3 =	sadd.s32 $0x88, s3;
	s6 =	simm.s32 @!p1 $0x1082;
	[sflag:s4] =	ssyncset.s32 $0xFFFFF086  }
0x25: {  	[simem:s6], [sflag:s4] =	dma.local [hbm:s3], $0xF7A  }
0x26: {  	[smem:$0x3F97] =	sst s1;
	(tag) =	ssettag s2;
	_ =	strace s9  }
0x27: {  	s1 =	sld [smem:$0x3FA7]  }
0x28: {  	s2 =	sld [smem:$0x3FA8]  }
0x29: {  	s4 =	sld [smem:$0x3FAA]  }
0x2a: {  	p0 =	seq.s32 s5, $0x0;
	s5 =	sld [smem:$0x3FAB]  }
0x2b: {  	s6 =	sld [smem:$0x3FAC]  }
0x2c: {  	s7 =	sld [smem:$0x3FAD]  }
0x2d: {  	s3 =	simm.s32 $0x108;
	s8 =	sld [smem:$0x3FAE]  }
0x2e: {  	s3 =	simm.s32 @!p0 $0x1082;
	s9 =	sld [smem:$0x3FAF]  }
0x2f: {  	lr =	sadd.s32 s0, s3;
	s0 =	sld [smem:$0x3FA6]  }
0x30: {  	s3 =	sld [smem:$0x3FA9]  }
0x31: {  	[smem:$0x3FB2] =	sst s10  }
0x32: {  	s10 =	sld [smem:$0x3FB0];
	_ =	sdelay $0x3  }
0x33: {  	p0 =	seq.s32 s10, $0x1;
	s10 =	sld [smem:$0x3FB2];
	_ =	sdelay $0x3  }
0x34: {  	[smem:$0x3FB2] =	sst s10  }
0x35: {  	s10 =	sld [smem:$0x3FB1];
	_ =	sdelay $0x3  }
0x36: {  	p1 =	seq.s32 s10, $0x1;
	s10 =	sld [smem:$0x3FB2];
	_ =	sdelay $0x3  }
0x37: {  	[smem:$0x3FB2] =	sst s10  }
0x38: {  	s10 =	sld [smem:$0x3FB3]  }
0x39: {  	_ = 	snop;
	(pc) =	sbr.ind lr, $3  }
0x3a: {  	_ = 	snop  }
0x3b: {  	_ = 	snop  }
0x3c: {  	p2 =	seq.s32 s10, $0x1;
	s10 =	sld [smem:$0x3FB2]  }
0x3d: {  	_ =	shalt  }
0x3e: {  	_ =	shalt  }
0x3f: {  	_ =	shalt  }
0x40: {  	_ =	shalt  }
0x41: {  	_ =	shalt  }
0x42: {  	_ =	shalt  }
0x43: {  	_ =	shalt  }
0x44: {  	_ =	shalt  }
0x45: {  	_ =	shalt  }
0x46: {  	_ =	shalt  }
0x47: {  	_ =	shalt  }
0x48: {  	_ =	shalt  }
0x49: {  	_ =	shalt  }
0x4a: {  	_ =	shalt  }
0x4b: {  	_ =	shalt  }
0x4c: {  	_ =	shalt  }
0x4d: {  	_ =	shalt  }
0x4e: {  	_ =	shalt  }
0x4f: {  	_ =	shalt  }
0x50: {  	_ =	shalt  }
0x51: {  	_ =	shalt  }
0x52: {  	_ =	shalt  }
0x53: {  	_ =	shalt  }
0x54: {  	_ =	shalt  }
0x55: {  	_ =	shalt  }
0x56: {  	_ =	shalt  }
0x57: {  	_ =	shalt  }
0x58: {  	_ =	shalt  }
0x59: {  	_ =	shalt  }
0x5a: {  	_ =	shalt  }
0x5b: {  	_ =	shalt  }
0x5c: {  	_ =	shalt  }
0x5d: {  	_ =	shalt  }
0x5e: {  	_ =	shalt  }
0x5f: {  	_ =	shalt  }
0x60: {  	_ =	shalt  }
0x61: {  	_ =	shalt  }
0x62: {  	_ =	shalt  }
0x63: {  	_ =	shalt  }
0x64: {  	_ =	shalt  }
0x65: {  	_ =	shalt  }
0x66: {  	_ =	shalt  }
0x67: {  	_ =	shalt  }
0x68: {  	_ =	shalt  }
0x69: {  	_ =	shalt  }
0x6a: {  	_ =	shalt  }
0x6b: {  	_ =	shalt  }
0x6c: {  	_ =	shalt  }
0x6d: {  	_ =	shalt  }
0x6e: {  	_ =	shalt  }
0x6f: {  	_ =	shalt  }
0x70: {  	_ =	shalt  }
0x71: {  	_ =	shalt  }
0x72: {  	_ =	shalt  }
0x73: {  	_ =	shalt  }
0x74: {  	_ =	shalt  }
0x75: {  	_ =	shalt  }
0x76: {  	_ =	shalt  }
0x77: {  	_ =	shalt  }
0x78: {  	_ =	shalt  }
0x79: {  	_ =	shalt  }
0x7a: {  	_ =	shalt  }
0x7b: {  	_ =	shalt  }
0x7c: {  	_ =	shalt  }
0x7d: {  	_ =	shalt  }
0x7e: {  	_ =	shalt  }
0x7f: {  	_ =	shalt  }
0x80: {  	_ =	shalt  }
0x81: {  	_ =	shalt  }
0x82: {  	_ =	shalt  }
0x83: {  	_ =	shalt  }
0x84: {  	_ =	shalt  }
0x85: {  	_ =	shalt  }
0x86: {  	_ =	shalt  }
0x87: {  	_ =	shalt  }
.Lfunc_end0:
.L_simem_size_0:
called_computation_lowered:
.L_overlay_start_0:
0x88: {  	s2 =	sld [smem:$0x3FD9]  }
0x89: {  	s3 =	sld [smem:$0x3FFE];
	_ =	sdelay $0x1  }
0x8a: {  	s1 =	srdreg.scid  }
0x8b: {  	s0 =	sand.u32 $0x1, s1  }
0x8c: {  	s17 =	sshll.u32 s0, $0xA;
	s2 =	sadd.s32 s3, s2  }
0x8d: {  	s2 =	sadd.s32 s2, s17  }
0x8e: {  	[smem:$0x3FBE] =	sst s2  }
0x8f: {  	_ = 	snop  }
0x90: {  	s18 =	sld [smem:$0x3FD0];
	(tm) =	ssettm $0x1  }
0x91: {  	s19 =	sld [smem:$0x3FFB];
	_ =	sdelay $0x3  }
0x92: {  	_ =	strace s19  }
0x93: {  	s2 =	sld [smem:$0x3FFC];
	_ =	sdelay $0x3  }
0x94: {  	_ =	strace s2  }
0x95: {  	s2 =	sld [smem:$0x3FFD];
	_ =	sdelay $0x3  }
0x96: {  	_ =	strace s2  }
0x97: {  	_ =	strace $0x8FFFFFFF  }
0x98: {  	s20 =	sld [smem:$0x3FDB];
	_ =	sdelay $0x1  }
0x99: {  	s4 =	simm.s32 $_scs_section_size  }
0x9a: {  	s5 =	simm.s32 $_size__tile_overlayer_lowered;
	s6 =	simm.s32 $_tile_overlayer_lowered  }
0x9b: {  	s7 =	simm.s32 $0x1BFF;
	s21 =	sshll.u32 s6, $0x1;
	s4 =	sadd.s32 s4, s20  }
0x9c: {  	s22 =	simm.s32 $0x0;
	s5 =	sshll.u32 s5, $0x1;
	s6 =	sadd.s32 s21, s4  }
0x9d: {  	[timem:s22], [sflag:s7] =	dma.local [hbm:s6], s5  }
0x9e: {  	_ =	swait.ge [sflag:s7], s5  }
0x9f: {  	s5 =	ssub.s32 $0x0, s5;
	[sflag:s7] =	ssyncset.done $0x0  }
0xa0: {  	[sflag:s7] =	ssyncadd.s32 s5;
	_ =	sdelay $0x1  }
0xa1: {  	s23 =	simm.s32 $0x1B8B  }
0xa2: {  	_ =	swait.ge [sflag:s23], $0x1  }
0xa3: {  	[sflag:s23] =	ssyncset.done $0x0  }
0xa4: {  	[sflag:s23] =	ssyncadd.s32 $0xFFFFFFFF  }
0xa5: {  	s5 =	sld [smem:$0x0]  }
0xa6: {  	s6 =	sand.u32 $0xFFFFFFFE, s1  }
0xa7: {  	p0 =	sne.s32 s1, s6  }
0xa8: {  	s6 =	sshll.u32 @p0 s6, $0xE  }
0xa9: {  	s6 =	sadd.s32 @p0 $0x11B8D, s6;
	s7 =	sshll.u32 @p0 s5, $0x11  }
0xaa: {  	s6 =	sor.u32 @p0 s7, s6  }
0xab: {  	[sflag:s6] =	ssyncadd.remote.s32 @p0 $0x1;
	_ =	sdelay $0x1  }
0xac: {  	s6 =	simm.s32 @p0 $0x1B8D  }
0xad: {  	_ =	swait.eq @p0 [sflag:s6], $0x1  }
0xae: {  	[sflag:s6] =	ssyncadd.s32 @p0 $0xFFFFFFFF  }
0xaf: {  	s7 =	sshll.u32 @!p0 s1, $0xE  }
0xb0: {  	s7 =	sor.u32 @!p0 $0x4000, s7;
	s6 =	simm.s32 @!p0 $0x1B8D  }
0xb1: {  	s5 =	sshll.u32 @!p0 s5, $0x11;
	s7 =	sadd.s32 @!p0 $0x11B8D, s7;
	_ =	swait.eq @!p0 [sflag:s6], $0x1  }
0xb2: {  	s5 =	sor.u32 @!p0 s5, s7;
	[sflag:s6] =	ssyncadd.s32 @!p0 $0xFFFFFFFF  }
0xb3: {  	s25 =	simm.s32 $0x1B8E;
	s24 =	sld [smem:$0x3FFE];
	[sflag:s5] =	ssyncadd.remote.s32 @!p0 $0x1  }
0xb4: {  	s26 =	simm.s32 $execute0_lowered;
	[smem:$0x3FD2] =	sst s25  }
0xb5: {  	s6 =	sshll.u32 s26, $0x1;
	_ =	strace $0x80000049;
	[dreg:$0x1] =	wrdreg $0xFFFFFFFF  }
0xb6: {  	s28 =	simm.s32 $_size_execute0_lowered;
	s4 =	sadd.s32 s4, s6;
	[dreg:$0x0] =	wrdreg $0x0  }
0xb7: {  	s6 =	sshll.u32 s28, $0x1;
	[dreg:$0x2] =	wrdreg s4  }
0xb8: {  	[dreg:$0x3] =	wrdreg s6  }
0xb9: {  	[dreg:$0x4] =	wrdreg $0xC0  }
0xba: {  	_ =	task [dreg:s22], $0x5FFFF  }
0xbb: {  	[dreg:$0x1] =	wrdreg $0xFFFFFFFF  }
0xbc: {  	[dreg:$0x0] =	wrdreg $0x60  }
0xbd: {  	[dreg:$0x2] =	wrdreg s18  }
0xbe: {  	[dreg:$0x3] =	wrdreg s24  }
0xbf: {  	[dreg:$0x4] =	wrdreg $0x9  }
0xc0: {  	_ =	task.clear_ibuf [dreg:s22], $0x5FFFF;
	_ =	strace $0x90000049  }
0xc1: {  	s29 =	simm.s32 $0x9;
	_ =	strace $0x8000004B  }
0xc2: {  	_ =	swait.ge [sflag:s29], $0x1  }
0xc3: {  	[sflag:s29] =	ssyncadd.s32 $0xFFFFFFFF  }
0xc4: {  	_ =	strace $0x9000004B  }
0xc5: {  	_ =	sfence  }
0xc6: {  	s30 =	sld [smem:$0x0];
	_ =	sdelay $0x2  }
0xc7: {  	s31 =	sshll.u32 s1, $0xD;
	s1 =	sshrl.u32 s1, $0x2  }
0xc8: {  	s4 =	sand.u32 $0x4000, s31;
	s1 =	sadd.s32 s1, s30  }
0xc9: {  	s0 =	sor.u32 s4, s0;
	s1 =	sshll.u32 s1, $0x11  }
0xca: {  	s0 =	sor.u32 s1, s0  }
0xcb: {  	s0 =	sadd.s32 $0x8F2B, s0  }
0xcc: {  	[sflag:s0] =	ssyncadd.remote.s32 $0x1  }
0xcd: {  	_ =	sfence.sel $0xFFFF  }
0xce: {  	[dreg:$0x0] =	wrdreg $0xFFFFFFFF;
	(pc) =	sbr.abs _section_cstart, $3  }
0xcf: {  	[dreg:$0x1] =	wrdreg $0xFFFFFFFF  }
0xd0: {  	_ =	task.clear_ibuf [dreg:s22], $0x2FFFF;
	_ =	strace $0x9FFFFFFF  }
0xd1: {  	(tm) =	ssettm $0x7FFFFFFF  }
tec
execute0_lowered:
.L_overlay_start_1:
0x0: {  	(tag) =	ssettag $0x1  }
0x1: {  	s1 =	rddreg [dreg:$0x0]  }
0x2: {  	s6 =	rddreg [dreg:$0x1]  }
0x3: {  	s0 =	rddreg [dreg:$0x2];
	s3 =	simm.s32 $0x0;
	s4 =	srdreg.scid  }
0x4: {  	s2 =	stileid.u32;
	s14 =	simm.s32 $0x8C00;
	s15 =	simm.s32 $0x0  }
0x5: {  	[smem:$0x7FF] =	sst s3;
	s7 =	sand.u32 $0x1, s4;
	s8 =	sshll.u32 s2, $0x1  }
0x6: {  	s4 =	sadd.s32 $0x53F000, s6;
	s5 =	sadd.s32 $0x67F000, s6;
	s11 =	sshrl.u32 s2, $0x2  }
0x7: {  	_ =	strace $0x8000004A;
	s8 =	sor.u32 s7, s8;
	s11 =	smul.u32 $0x280000, s11  }
0x8: {  	s7 =	ssub.s32 $0x2, s7;
	s9 =	sshll.u32 s8, $0x1;
	s10 =	smul.u32 $0x140, s8  }
.Ltmp0:
0x9: {  	s8 =	sshll.u32 s8, $0x7;
	s31 =	sshrl.u32 s7, $0x1;
	(pc) =	sbr.rel .LBB2_1-.Ltmp0, $4  }
0xa: {  	s9 =	sadd.s32 s9, s6;
	s8 =	sand.u32 $0x380, s8;
	s12 =	ssub.s32 s7, s31  }
0xb: {  	s13 =	sadd.s32 $0x140, s10;
	s6 =	sor.u32 s8, s11;
	s7 =	sadd.s32 $0x7BF000, s9  }
0xc: {  	v2 =	vimm.s32 $0x0;
	s8 =	smax.u32 s12, $0x1;
	s9 =	simm.s32 $0x1;
	v0 =	vmov s10;
	s10 =	simm.s32 $0x1900  }
0xd: {  	v3 =	vimm.s32 $0x140;
	v4 =	vlaneseq.u32;
	s11 =	simm.s32 $0x5280;
	s12 =	simm.s32 $0x80;
	v1 =	vmov s13;
	s13 =	simm.s32 $0x400  }
.LBB2_16:
0xe: {  	s17 =	sshll.u32 s16, $0x10  }
0xf: {  	s17 =	sadd.s32 s6, s17  }
0x10: {  	s17 =	sshrl.u32 s17, $0x3  }
0x11: {  	s19 =	sadd.s32 s4, s17  }
0x12: {  	[hbm4b:s19+s12] =	stream.strided.scatter [tilespmem:s10], [sflag:$0x1], $0x2000, s13, s12, $0x38;
	[tilespmem:$0x8C80] =	vst v63  }
0x13: {  	_ =	swait.ge [sflag:s9], $0x2000  }
0x14: {  	[sflag:s9] =	ssyncset.done $0x0  }
0x15: {  	s17 =	sadd.s32 s5, s17;
	[sflag:s9] =	ssyncadd.s32 $0xFFFFE000  }
0x16: {  	[hbm4b:s17+s12] =	stream.strided.scatter [tilespmem:s11], [sflag:$0x1], $0x2000, s13, s12, $0x38;
	[tilespmem:$0x8C80] =	vst v63  }
0x17: {  	s31 =	sshll.u32 s16, $0xD;
	_ =	swait.ge [sflag:s9], $0x2000  }
0x18: {  	s15 =	sadd.s32 $0x1, s15;
	s16 =	sadd.s32 s18, s31;
	[sflag:s9] =	ssyncset.done $0x0  }
0x19: {  	p0 =	sne.s32 s15, s8;
	v5 =	vmov s16;
	[sflag:s9] =	ssyncadd.s32 $0xFFFFE000  }
.Ltmp1:
0x1a: {  	[tilespmem:$0x8C00] =	vst v5;
	(pc) =	sbr.rel @!p0 .LBB2_17-.Ltmp1, $4  }
0x1b: {  	[hbm4b:s7+s3] =	stream.linear.scatter [tilespmem:s14], [sflag:$0x1], $0x10, $0x38;
	[tilespmem:$0x8C80] =	vst v63  }
0x1c: {  	_ =	swait.ge [sflag:s9], $0x10  }
0x1d: {  	[sflag:s9] =	ssyncset.done $0x0  }
0x1e: {  	[sflag:s9] =	ssyncadd.s32 $0xFFFFFFF0  }
.LBB2_1:
0x1f: {  	s16 =	simm.s32 $0x40;
	s18 =	simm.s32 $0x0  }
.LBB2_2:
0x20: {  	p0 =	sne.s32 s16, $0xE400;
	[tilespmem:s18+$0x1900] =	vst v2;
	s17 =	smov.u32 s16;
	s16 =	sadd.s32 $0x40, s16  }
.Ltmp2:
0x21: {  	[tilespmem:s18+$0x5280] =	vst v3;
	(pc) =	sbr.rel @p0 .LBB2_2-.Ltmp2, $2  }
0x22: {  	_ =	sdelay $0x2  }
0x23: {  	s18 =	sshra.s32 s17, $0x2  }
.Ltmp3:
0x24: {  	(pc) =	sbr.rel .LBB2_4-.Ltmp3, $3  }
0x25: {  	_ =	sdelay $0x1  }
0x26: {  	[tilespmem:s18+$0x1900] =	vst v2;
	s17 =	simm.s32 $0x0;
	s19 =	simm.s32 $0x0  }
0x27: {  	[tilespmem:s18+$0x5280] =	vst v3;
	s16 =	simm.s32 $0x0;
	s18 =	simm.s32 $0x0;
	s20 =	simm.s32 $0x0  }
.LBB2_9:
0x28: {  	s25 =	simm.s32 $0x1900;
	s24 =	simm.s32 $0x5280  }
.LBB2_13:
0x29: {  	v5 =	vld [tilespmem:s23+$0x3900];
	_ =	sdelay $0x2  }
0x2a: {  	s25 =	sadd.s32 @p0 $0x10, s25  }
0x2b: {  	s21 =	smov.u32 @p0 s25  }
0x2c: {  	[tilespmem:s21+$0x0] =	vst v5  }
0x2d: {  	v5 =	vld [tilespmem:s23+$0x7280];
	_ =	sdelay $0x2  }
0x2e: {  	s21 =	sadd.s32 @p0 $0x10, s24  }
0x2f: {  	s22 =	smov.u32 @p0 s21  }
0x30: {  	[tilespmem:s22+$0x0] =	vst v5  }
.LBB2_14:
0x31: {  	s18 =	sadd.s32 $0xFFFFE000, s18;
	s16 =	sadd.s32 $0x1, s16  }
.LBB2_15:
0x32: {  	s20 =	sadd.s32 $0x1, s20  }
0x33: {  	p0 =	sne.s32 s20, $0x32  }
.Ltmp4:
0x34: {  	_ = 	snop;
	(pc) =	sbr.rel @!p0 .LBB2_16-.Ltmp4, $2  }
0x35: {  	_ =	sdelay $0x2  }
0x36: {  	s19 =	sadd.s32 $0x1900, s19  }
.LBB2_4:
0x37: {  	s21 =	smul.u32 $0x1900, s20;
	_ =	sdelay $0x1  }
0x38: {  	s21 =	sshrl.u32 s21, $0x3  }
0x39: {  	s21 =	sadd.s32 s1, s21  }
0x3a: {  	[tilespmem:s17], [sflag:$0x1] =	stream.linear.gather [hbm4b:s21+s17], $0x1900, $0x38;
	[tilespmem:$0x8C80] =	vst v63  }
0x3b: {  	_ =	swait.ge [sflag:s9], $0x1900  }
0x3c: {  	[sflag:s9] =	ssyncset.done $0x0  }
0x3d: {  	s30 =	simm.s32 $0x0;
	[sflag:s9] =	ssyncadd.s32 $0xFFFFE700  }
0x3e: {  	v5 =	vld [tilespmem:s30+$0x0];
	_ =	sdelay $0x4  }
0x3f: {  	vm0 =	vge.s32 v5, v0;
	vm1 =	vlt.s32 v5, v1  }
0x40: {  	vm0 =	vmand vm0, vm1  }
0x41: {  	v6 =	vsel vm0, $0x1, v2  }
0x42: {  	(xrf0) =	vadd.scan.msk.s32 $0xffff, v6;
	_ =	sdelay $0x5  }
0x43: {  	v6, _, _ =	vpop (xrf0)  }
0x44: {  	v7 =	vxor.u32 $0x80000000, v6  }
0x45: {  	s31 =	sadd.s32 $0xFFFFFFFF, s18;
	(xrf0) =	vmax.scan.msk.u32 $0xffff, v7  }
0x46: {  	v6 =	vadd.s32 s31, v6;
	_ =	sdelay $0x1  }
0x47: {  	v7 =	vor.u32 s19, v4;
	_ =	sdelay $0x2  }
0x48: {  	[tilespmem:v6+s10+$0x0] =	vst.idx.msk vm0, v7;
	v7, _, _ =	vpop (xrf0)  }
0x49: {  	v5 =	vsub.s32 v5, v0;
	(v2sf) =	vpush v7, $0xF  }
0x4a: {  	s23 =	simm.s32 $0x10;
	s22 =	simm.s32 $0x80;
	s21 =	smov.u32 s19;
	[tilespmem:v6+s11+$0x0] =	vst.idx.msk vm0, v5  }
.LBB2_5:
0x4b: {  	p0 =	sne.s32 s22, $0x63C0;
	v5 =	vld [tilespmem:s23+$0x0];
	_ =	sdelay $0x4  }
0x4c: {  	vm0 =	vge.s32 v5, v0;
	vm1 =	vlt.s32 v5, v1;
	v5 =	vsub.s32 v5, v0  }
0x4d: {  	vm0 =	vmand vm0, vm1  }
0x4e: {  	v6 =	vsel vm0, $0x1, v2  }
0x4f: {  	(xrf0) =	vadd.scan.msk.s32 $0xffff, v6;
	_ =	sdelay $0x4  }
0x50: {  	s23 =	spop (v2sf)  }
0x51: {  	v6, _, _ =	vpop (xrf0);
	s18 =	sadd.s32 s23, s18  }
0x52: {  	v7 =	vxor.u32 $0x80000000, v6;
	s18 =	sadd.s32 $0x80000000, s18  }
0x53: {  	s23 =	sadd.s32 $0xFFFFFFFF, s18;
	(xrf0) =	vmax.scan.msk.u32 $0xffff, v7  }
0x54: {  	v6 =	vadd.s32 s23, v6;
	_ =	sdelay $0x2  }
.Ltmp5:
0x55: {  	s21 =	sadd.s32 $0x10, s21;
	(pc) =	sbr.rel @p0 .LBB2_5-.Ltmp5, $4  }
0x56: {  	v8 =	vor.u32 s21, v4  }
0x57: {  	[tilespmem:v6+s10+$0x0] =	vst.idx.msk vm0, v8;
	v7, _, _ =	vpop (xrf0)  }
0x58: {  	[tilespmem:v6+s11+$0x0] =	vst.idx.msk vm0, v5;
	(v2sf) =	vpush v7, $0xF  }
0x59: {  	s23 =	sshra.s32 s22, $0x2;
	s22 =	sadd.s32 $0x40, s22  }
0x5a: {  	v5 =	vld [tilespmem:s23+$0x0];
	_ =	sdelay $0x4  }
0x5b: {  	vm0 =	vge.s32 v5, v0;
	vm1 =	vlt.s32 v5, v1  }
0x5c: {  	vm0 =	vmand vm0, vm1  }
0x5d: {  	v6 =	vsel vm0, $0x1, v2  }
0x5e: {  	(xrf0) =	vadd.scan.msk.s32 $0xffff, v6;
	_ =	sdelay $0x5  }
0x5f: {  	v6, _, _ =	vpop (xrf0)  }
0x60: {  	v7 =	vxor.u32 $0x80000000, v6  }
0x61: {  	(xrf0) =	vmax.scan.msk.u32 $0xffff, v7;
	_ =	sdelay $0x5  }
0x62: {  	v7, _, _ =	vpop (xrf0)  }
0x63: {  	(v2sf) =	vpush v7, $0xF;
	_ =	sdelay $0xc  }
0x64: {  	s22 =	spop (v2sf)  }
0x65: {  	s18 =	sadd.s32 s22, s18  }
0x66: {  	s18 =	sadd.s32 $0x80000000, s18;
	s31 =	spop (v2sf)  }
0x67: {  	s30 =	sadd.s32 $0xFFFFFFFF, s18;
	s18 =	sadd.s32 s31, s18  }
0x68: {  	v6 =	vadd.s32 s30, v6;
	s18 =	sadd.s32 $0x80000000, s18  }
0x69: {  	p0 =	slt.s32 s18, $0x2000  }
.Ltmp6:
0x6a: {  	_ = 	snop;
	(pc) =	sbr.rel @p0 .LBB2_15-.Ltmp6, $4  }
0x6b: {  	s21 =	sadd.s32 $0x10, s21  }
0x6c: {  	v7 =	vor.u32 s21, v4  }
0x6d: {  	v5 =	vsub.s32 v5, v0;
	[tilespmem:v6+s10+$0x0] =	vst.idx.msk vm0, v7  }
0x6e: {  	[tilespmem:v6+s11+$0x0] =	vst.idx.msk vm0, v5  }
0x6f: {  	s21 =	sshll.u32 s16, $0x10  }
0x70: {  	s21 =	sadd.s32 s6, s21  }
0x71: {  	s22 =	sshrl.u32 s21, $0x3  }
0x72: {  	s31 =	sadd.s32 $0xFFFFE00F, s18;
	s21 =	simm.s32 $0x1900;
	s23 =	sadd.s32 s4, s22  }
0x73: {  	[hbm4b:s23+s12] =	stream.strided.scatter [tilespmem:s21], [sflag:$0x1], $0x2000, s13, s12, $0x38;
	[tilespmem:$0x8C80] =	vst v63  }
0x74: {  	s25 =	sshrl.u32 s31, $0x4;
	_ =	swait.ge [sflag:s9], $0x2000  }
0x75: {  	p0 =	seq.s32 s25, $0x0;
	s30 =	sadd.s32 s5, s22;
	[sflag:s9] =	ssyncset.done $0x0  }
.Ltmp7:
0x76: {  	s22 =	simm.s32 $0x5280;
	[sflag:s9] =	ssyncadd.s32 $0xFFFFE000;
	(pc) =	sbr.rel @p0 .LBB2_14-.Ltmp7, $4  }
0x77: {  	[hbm4b:s30+s12] =	stream.strided.scatter [tilespmem:s22], [sflag:$0x1], $0x2000, s13, s12, $0x38;
	[tilespmem:$0x8C80] =	vst v63  }
0x78: {  	_ =	swait.ge [sflag:s9], $0x2000  }
0x79: {  	[sflag:s9] =	ssyncset.done $0x0  }
0x7a: {  	s24 =	simm.s32 $0x0;
	[sflag:s9] =	ssyncadd.s32 $0xFFFFE000  }
0x7b: {  	p1 =	sne.s32 s25, $0x1  }
.Ltmp8:
0x7c: {  	_ = 	snop;
	(pc) =	sbr.rel @!p1 .LBB2_9-.Ltmp8, $2  }
0x7d: {  	_ =	sdelay $0x2  }
0x7e: {  	s23 =	sand.u32 $0xFFFFFFF0, s24;
	s25 =	sadd.s32 $0xFFFFFFFF, s25;
	p0 =	por $0x0, $0x0  }
0x7f: {  	v5 =	vld [tilespmem:s23+$0x3900];
	_ =	sdelay $0x4  }
0x80: {  	[tilespmem:s21+$0x0] =	vst v5  }
0x81: {  	p1 =	sne.s32 s25, $0x1;
	v5 =	vld [tilespmem:s23+$0x7280]  }
.Ltmp9:
0x82: {  	_ = 	snop;
	(pc) =	sbr.rel @!p1 .LBB2_11-.Ltmp9, $3  }
0x83: {  	_ =	sdelay $0x1  }
0x84: {  	s26 =	sadd.s32 $0x10, s24;
	s28 =	sadd.s32 $0xFFFFFFFF, s25;
	p0 =	por $0x1, $0x1  }
0x85: {  	s25 =	simm.s32 $0x1900;
	s24 =	simm.s32 $0x5280;
	s23 =	sand.u32 $0xFFFFFFF0, s26;
	[tilespmem:s22+$0x0] =	vst v5  }
.LBB2_12:
0x86: {  	p1 =	sne.s32 s28, $0x1;
	v5 =	vld [tilespmem:s23+$0x3900];
	_ =	sdelay $0x3  }
0x87: {  	s25 =	sadd.s32 $0x10, s25  }
0x88: {  	[tilespmem:s25+$0x0] =	vst v5  }
0x89: {  	v5 =	vld [tilespmem:s23+$0x7280]  }
.Ltmp10:
0x8a: {  	(pc) =	sbr.rel @p1 .LBB2_12-.Ltmp10, $3  }
0x8b: {  	_ =	sdelay $0x1  }
0x8c: {  	s26 =	sadd.s32 $0x10, s26;
	s24 =	sadd.s32 $0x10, s24  }
0x8d: {  	s28 =	sadd.s32 $0xFFFFFFFF, s28;
	s23 =	sand.u32 $0xFFFFFFF0, s26;
	[tilespmem:s24+$0x0] =	vst v5  }
.Ltmp11:
0x8e: {  	_ = 	snop;
	(pc) =	sbr.rel .LBB2_13-.Ltmp11, $1  }
0x8f: {  	_ =	sdelay $0x3  }
.LBB2_11:
.Ltmp12:
0x90: {  	(pc) =	sbr.rel .LBB2_13-.Ltmp12, $2  }
0x91: {  	_ =	sdelay $0x2  }
0x92: {  	s25 =	simm.s32 $0x1900;
	s24 =	simm.s32 $0x5280  }
.LBB2_17:
0x93: {  	_ =	sfence.sel $0x180000  }
0x94: {  	[bflag:$0x0] =	sbarrier.arrive $0xFFFF  }
0x95: {  	p0 =	sne.s32 s2, $0x0;
	_ =	strace $0x9000004A  }
0x96: {  	s0 =	sadd.s32 @!p0 $0x100000, s0;
	[bflag:$0x2] =	sbarrier.arrive $0xFFFF  }
0x97: {  	[sflag:s0] =	ssyncadd.tile.s32 @!p0 $0x1;
	_ =	shalt  }
.Lfunc_end2:
_tile_overlayer_lowered:
.L_overlay_start_2:
0x98: {  	(tag) =	ssettag $0x2  }
0x99: {  	s0 =	rddreg [dreg:$0x0];
	s2 =	stileid.u32  }
0x9a: {  	s1 =	rddreg [dreg:$0x1];
	p0 =	sne.s32 s2, $0x0  }
0x9b: {  	s3 =	rddreg [dreg:$0x2];
	[bflag:$0x3] =	sbarrier.arrive $0xFFFF;
	s2 =	simm.s32 @!p0 $0x1C01  }
0x9c: {  	[timem:s3], [sflag:s2] =	dma.local @!p0 [hbm:s0], s1  }
0x9d: {  	s0 =	simm.s32 @!p0 $0x1  }
0x9e: {  	_ =	swait.ge @!p0 [sflag:s0], s1  }
0x9f: {  	s1 =	ssub.s32 @!p0 $0x0, s1;
	[sflag:s0] =	ssyncset.done @!p0 $0x0  }
0xa0: {  	[sflag:s0] =	ssyncadd.s32 @!p0 s1  }
0xa1: {  	[bflag:$0x3] =	sbarrier.arrive $0xFFFF  }
0xa2: {  	_ =	shalt  }

// kernel: kernel.14.cloned.1.call-start
scs
__scs_entry_jumppad:
0x0: {  	(pc) =	sbr.rel $0x88, $3  }
0x1: {  	(tag) =	ssettag $0x0;
	lr =	simm.s32 $0x1  }
0x2: {  	[smem:$0x3F97] =	sst lr;
	_ =	strace $0xD0000000  }
0x3: {  	_ = 	snop  }
0x4: {  	_ = 	snop  }
0x5: {  	_ = 	snop  }
0x6: {  	_ = 	snop  }
0x7: {  	_ = 	snop  }
__scs_overlays_trampoline_lowered:
0x8: {  	[smem:$0x3FA6] =	sst s0  }
0x9: {  	[smem:$0x3FA7] =	sst s1  }
0xa: {  	[smem:$0x3FA8] =	sst s2  }
0xb: {  	[smem:$0x3FA9] =	sst s3  }
0xc: {  	[smem:$0x3FAA] =	sst s4  }
0xd: {  	[smem:$0x3FAB] =	sst s5  }
0xe: {  	[smem:$0x3FAC] =	sst s6  }
0xf: {  	[smem:$0x3FAD] =	sst s7  }
0x10: {  	[smem:$0x3FAE] =	sst s8  }
0x11: {  	[smem:$0x3FAF] =	sst s9;
	s0 =	simm.s32 @!p0 $0x0  }
0x12: {  	s1 =	sld [smem:$0x3F95];
	s0 =	simm.s32 @p0 $0x1  }
0x13: {  	[smem:$0x3FB0] =	sst s0;
	s0 =	simm.s32 @!p1 $0x0  }
0x14: {  	s2 =	sld [smem:$0x3F94];
	s0 =	simm.s32 @p1 $0x1  }
0x15: {  	[smem:$0x3FB1] =	sst s0;
	s0 =	simm.s32 @!p2 $0x0  }
0x16: {  	s3 =	sld [smem:$0x3FDB];
	s0 =	simm.s32 @p2 $0x1  }
0x17: {  	s4 =	simm.s32 $0x1BF5;
	[smem:$0x3FB3] =	sst s0  }
0x18: {  	s0 =	sld [smem:$0x3F96];
	_ =	swait.ge [sflag:s4], $0x0  }
0x19: {  	s7 =	sld [smem:$0x3F97]  }
0x1a: {  	s8 =	sadd.s32 $0xFFFFE003, lr  }
0x1b: {  	s9 =	sadd.s32 $0xFFFFFEF7, lr;
	s5 =	simm.s32 $0xFFFFFFFF;
	p2 =	slt.u32 s8, $0xFFFFF086  }
0x1c: {  	p1 =	slt.u32 s9, $0xF7A;
	s5 =	simm.s32 @!p2 $0x0  }
0x1d: {  	s5 =	simm.s32 @p1 $0x1;
	p0 =	seq.s32 s7, s2  }
0x1e: {  	s7 =	smul.u32 @!p0 $0xF7A, s2;
	p2 =	seq.s32 @!p0 s5, $0x0  }
0x1f: {  	s9 =	smul.u32 $0xF7A, s1;
	s8 =	simm.s32 @!p0 $0x1BF5;
	p2 =	por !p2, p0  }
0x20: {  	[sflag:s8] =	ssyncset.s32 @!p0 $0xFFFFF086;
	s6 =	sadd.s32 @!p0 s3, s7;
	s7 =	simm.s32 @!p0 $0x108  }
0x21: {  	s3 =	sadd.s32 s3, s9;
	s6 =	sadd.s32 @!p0 $0x88, s6;
	s7 =	simm.s32 @p2 $0x1082  }
0x22: {  	[simem:s7], [sflag:s8] =	dma.local @!p0 [hbm:s6], $0xF7A  }
0x23: {  	s9 =	sor.u32 $0xD0000000, s2;
	s6 =	simm.s32 $0x108;
	_ =	swait.ge @!p0 [sflag:s8], $0x0  }
0x24: {  	s3 =	sadd.s32 $0x88, s3;
	s6 =	simm.s32 @!p1 $0x1082;
	[sflag:s4] =	ssyncset.s32 $0xFFFFF086  }
0x25: {  	[simem:s6], [sflag:s4] =	dma.local [hbm:s3], $0xF7A  }
0x26: {  	[smem:$0x3F97] =	sst s1;
	(tag) =	ssettag s2;
	_ =	strace s9  }
0x27: {  	s1 =	sld [smem:$0x3FA7]  }
0x28: {  	s2 =	sld [smem:$0x3FA8]  }
0x29: {  	s4 =	sld [smem:$0x3FAA]  }
0x2a: {  	p0 =	seq.s32 s5, $0x0;
	s5 =	sld [smem:$0x3FAB]  }
0x2b: {  	s6 =	sld [smem:$0x3FAC]  }
0x2c: {  	s7 =	sld [smem:$0x3FAD]  }
0x2d: {  	s3 =	simm.s32 $0x108;
	s8 =	sld [smem:$0x3FAE]  }
0x2e: {  	s3 =	simm.s32 @!p0 $0x1082;
	s9 =	sld [smem:$0x3FAF]  }
0x2f: {  	lr =	sadd.s32 s0, s3;
	s0 =	sld [smem:$0x3FA6]  }
0x30: {  	s3 =	sld [smem:$0x3FA9]  }
0x31: {  	[smem:$0x3FB2] =	sst s10  }
0x32: {  	s10 =	sld [smem:$0x3FB0];
	_ =	sdelay $0x3  }
0x33: {  	p0 =	seq.s32 s10, $0x1;
	s10 =	sld [smem:$0x3FB2];
	_ =	sdelay $0x3  }
0x34: {  	[smem:$0x3FB2] =	sst s10  }
0x35: {  	s10 =	sld [smem:$0x3FB1];
	_ =	sdelay $0x3  }
0x36: {  	p1 =	seq.s32 s10, $0x1;
	s10 =	sld [smem:$0x3FB2];
	_ =	sdelay $0x3  }
0x37: {  	[smem:$0x3FB2] =	sst s10  }
0x38: {  	s10 =	sld [smem:$0x3FB3]  }
0x39: {  	_ = 	snop;
	(pc) =	sbr.ind lr, $3  }
0x3a: {  	_ = 	snop  }
0x3b: {  	_ = 	snop  }
0x3c: {  	p2 =	seq.s32 s10, $0x1;
	s10 =	sld [smem:$0x3FB2]  }
0x3d: {  	_ =	shalt  }
0x3e: {  	_ =	shalt  }
0x3f: {  	_ =	shalt  }
0x40: {  	_ =	shalt  }
0x41: {  	_ =	shalt  }
0x42: {  	_ =	shalt  }
0x43: {  	_ =	shalt  }
0x44: {  	_ =	shalt  }
0x45: {  	_ =	shalt  }
0x46: {  	_ =	shalt  }
0x47: {  	_ =	shalt  }
0x48: {  	_ =	shalt  }
0x49: {  	_ =	shalt  }
0x4a: {  	_ =	shalt  }
0x4b: {  	_ =	shalt  }
0x4c: {  	_ =	shalt  }
0x4d: {  	_ =	shalt  }
0x4e: {  	_ =	shalt  }
0x4f: {  	_ =	shalt  }
0x50: {  	_ =	shalt  }
0x51: {  	_ =	shalt  }
0x52: {  	_ =	shalt  }
0x53: {  	_ =	shalt  }
0x54: {  	_ =	shalt  }
0x55: {  	_ =	shalt  }
0x56: {  	_ =	shalt  }
0x57: {  	_ =	shalt  }
0x58: {  	_ =	shalt  }
0x59: {  	_ =	shalt  }
0x5a: {  	_ =	shalt  }
0x5b: {  	_ =	shalt  }
0x5c: {  	_ =	shalt  }
0x5d: {  	_ =	shalt  }
0x5e: {  	_ =	shalt  }
0x5f: {  	_ =	shalt  }
0x60: {  	_ =	shalt  }
0x61: {  	_ =	shalt  }
0x62: {  	_ =	shalt  }
0x63: {  	_ =	shalt  }
0x64: {  	_ =	shalt  }
0x65: {  	_ =	shalt  }
0x66: {  	_ =	shalt  }
0x67: {  	_ =	shalt  }
0x68: {  	_ =	shalt  }
0x69: {  	_ =	shalt  }
0x6a: {  	_ =	shalt  }
0x6b: {  	_ =	shalt  }
0x6c: {  	_ =	shalt  }
0x6d: {  	_ =	shalt  }
0x6e: {  	_ =	shalt  }
0x6f: {  	_ =	shalt  }
0x70: {  	_ =	shalt  }
0x71: {  	_ =	shalt  }
0x72: {  	_ =	shalt  }
0x73: {  	_ =	shalt  }
0x74: {  	_ =	shalt  }
0x75: {  	_ =	shalt  }
0x76: {  	_ =	shalt  }
0x77: {  	_ =	shalt  }
0x78: {  	_ =	shalt  }
0x79: {  	_ =	shalt  }
0x7a: {  	_ =	shalt  }
0x7b: {  	_ =	shalt  }
0x7c: {  	_ =	shalt  }
0x7d: {  	_ =	shalt  }
0x7e: {  	_ =	shalt  }
0x7f: {  	_ =	shalt  }
0x80: {  	_ =	shalt  }
0x81: {  	_ =	shalt  }
0x82: {  	_ =	shalt  }
0x83: {  	_ =	shalt  }
0x84: {  	_ =	shalt  }
0x85: {  	_ =	shalt  }
0x86: {  	_ =	shalt  }
0x87: {  	_ =	shalt  }
.Lfunc_end0:
.L_simem_size_0:
called_computation.1_lowered:
.L_overlay_start_0:
0x88: {  	s2 =	sld [smem:$0x3FD9]  }
0x89: {  	s3 =	sld [smem:$0x3FFE];
	_ =	sdelay $0x1  }
0x8a: {  	s1 =	srdreg.scid  }
0x8b: {  	s0 =	sand.u32 $0x1, s1  }
0x8c: {  	s17 =	sshll.u32 s0, $0xA;
	s2 =	sadd.s32 s3, s2  }
0x8d: {  	s2 =	sadd.s32 s2, s17  }
0x8e: {  	[smem:$0x3FBE] =	sst s2  }
0x8f: {  	_ = 	snop  }
0x90: {  	s2 =	sld [smem:$0x3FD0];
	(tm) =	ssettm $0x1  }
0x91: {  	s18 =	sld [smem:$0x3FFB];
	_ =	sdelay $0x3  }
0x92: {  	_ =	strace s18  }
0x93: {  	s3 =	sld [smem:$0x3FFC];
	_ =	sdelay $0x3  }
0x94: {  	_ =	strace s3  }
0x95: {  	s3 =	sld [smem:$0x3FFD];
	_ =	sdelay $0x3  }
0x96: {  	_ =	strace s3  }
0x97: {  	_ =	strace $0x8FFFFFFF  }
0x98: {  	s19 =	sld [smem:$0x3FDB];
	_ =	sdelay $0x1  }
0x99: {  	s4 =	simm.s32 $_scs_section_size  }
0x9a: {  	s5 =	simm.s32 $_size__tile_overlayer_lowered;
	s6 =	simm.s32 $_tile_overlayer_lowered  }
0x9b: {  	s22 =	simm.s32 $0x1BFF;
	s21 =	sshll.u32 s6, $0x1;
	s3 =	sadd.s32 s4, s19  }
0x9c: {  	s7 =	simm.s32 $0x0;
	s20 =	sshll.u32 s5, $0x1;
	s5 =	sadd.s32 s21, s3  }
0x9d: {  	[timem:s7], [sflag:s22] =	dma.local [hbm:s5], s20  }
0x9e: {  	_ =	swait.ge [sflag:s22], s20  }
0x9f: {  	s4 =	ssub.s32 $0x0, s20;
	[sflag:s22] =	ssyncset.done $0x0  }
0xa0: {  	[sflag:s22] =	ssyncadd.s32 s4;
	_ =	sdelay $0x1  }
0xa1: {  	s23 =	simm.s32 $0x1B8B  }
0xa2: {  	_ =	swait.ge [sflag:s23], $0x1  }
0xa3: {  	[sflag:s23] =	ssyncset.done $0x0  }
0xa4: {  	s25 =	simm.s32 $0x1B8E;
	s24 =	sld [smem:$0x3FFE];
	[sflag:s23] =	ssyncadd.s32 $0xFFFFFFFF  }
0xa5: {  	s26 =	simm.s32 $execute0_lowered;
	[smem:$0x3FD2] =	sst s25  }
0xa6: {  	s5 =	sshll.u32 s26, $0x1;
	_ =	strace $0x80000046;
	[dreg:$0x1] =	wrdreg $0xFFFFFFFF  }
0xa7: {  	s28 =	simm.s32 $_size_execute0_lowered;
	s3 =	sadd.s32 s3, s5;
	[dreg:$0x0] =	wrdreg $0x0  }
0xa8: {  	s5 =	sshll.u32 s28, $0x1;
	[dreg:$0x2] =	wrdreg s3  }
0xa9: {  	[dreg:$0x3] =	wrdreg s5  }
0xaa: {  	[dreg:$0x4] =	wrdreg $0xC0  }
0xab: {  	_ =	task [dreg:s7], $0x5FFFF  }
0xac: {  	[dreg:$0x1] =	wrdreg $0xFFFFFFFF  }
0xad: {  	[dreg:$0x0] =	wrdreg $0x60  }
0xae: {  	[dreg:$0x2] =	wrdreg s24  }
0xaf: {  	[dreg:$0x3] =	wrdreg s2  }
0xb0: {  	[dreg:$0x4] =	wrdreg $0xA  }
0xb1: {  	_ =	task.clear_ibuf [dreg:s7], $0x5FFFF;
	_ =	strace $0x90000046  }
0xb2: {  	s29 =	simm.s32 $0xA;
	_ =	strace $0x80000048  }
0xb3: {  	_ =	swait.ge [sflag:s29], $0x1  }
0xb4: {  	[sflag:s29] =	ssyncadd.s32 $0xFFFFFFFF  }
0xb5: {  	_ =	strace $0x90000048  }
0xb6: {  	_ =	sfence  }
0xb7: {  	s30 =	sld [smem:$0x0];
	_ =	sdelay $0x2  }
0xb8: {  	s31 =	sshll.u32 s1, $0xD;
	s1 =	sshrl.u32 s1, $0x2  }
0xb9: {  	s3 =	sand.u32 $0x4000, s31;
	s1 =	sadd.s32 s1, s30  }
0xba: {  	s0 =	sor.u32 s3, s0;
	s1 =	sshll.u32 s1, $0x11  }
0xbb: {  	s0 =	sor.u32 s1, s0  }
0xbc: {  	s0 =	sadd.s32 $0x8F2B, s0  }
0xbd: {  	[sflag:s0] =	ssyncadd.remote.s32 $0x1  }
0xbe: {  	_ =	sfence.sel $0xFFFF  }
0xbf: {  	[dreg:$0x0] =	wrdreg $0xFFFFFFFF;
	(pc) =	sbr.abs _section_cstart, $3  }
0xc0: {  	[dreg:$0x1] =	wrdreg $0xFFFFFFFF  }
0xc1: {  	_ =	task.clear_ibuf [dreg:s7], $0x2FFFF;
	_ =	strace $0x9FFFFFFF  }
0xc2: {  	(tm) =	ssettm $0x7FFFFFFF  }
0xc3: {  	_ =	shalt  }
tec
execute0_lowered:
.L_overlay_start_1:
0x0: {  	(tag) =	ssettag $0x1  }
0x1: {  	s1 =	rddreg [dreg:$0x0]  }
0x2: {  	s2 =	srdreg.scid;
	s0 =	stileid.u32  }
0x3: {  	s8 =	rddreg [dreg:$0x1];
	s12 =	simm.s32 $0x50;
	s13 =	simm.s32 $0x4F00  }
0x4: {  	s14 =	simm.s32 $0x9F00;
	s15 =	simm.s32 $0x27D0;
	s16 =	simm.s32 $0x7700  }
0x5: {  	s17 =	simm.s32 $0xC700;
	s18 =	simm.s32 $0x5;
	s19 =	simm.s32 $0x1  }
0x6: {  	s20 =	simm.s32 $0x3;
	s21 =	simm.s32 $0xEF00;
	s22 =	simm.s32 $0x2  }
0x7: {  	s23 =	simm.s32 $0x4;
	s5 =	sand.u32 $0x1, s2;
	s3 =	sshll.u32 s0, $0x1  }
0x8: {  	s24 =	simm.s32 $0x11700;
	s25 =	simm.s32 $0x0;
	s3 =	sor.u32 s5, s3  }
0x9: {  	s2 =	simm.s32 $0x0;
	s4 =	sadd.s32 $0xD000, s1;
	s3 =	smul.u32 $0x2710, s3  }
.Ltmp0:
0xa: {  	s6 =	sadd.s32 $0x5D000, s1;
	s7 =	ssub.s32 $0x2, s5;
	(pc) =	sbr.rel .LBB2_1-.Ltmp0, $4  }
0xb: {  	[smem:$0x7FF] =	sst s2;
	s5 =	sadd.s32 $0x35000, s1;
	s11 =	sshrl.u32 s7, $0x1  }
0xc: {  	_ =	strace $0x80000047;
	s31 =	ssub.s32 s7, s11;
	s9 =	sshrl.u32 s3, $0x3  }
0xd: {  	s11 =	simm.s32 $0x2780;
	s10 =	sadd.s32 s9, s1;
	s8 =	sadd.s32 s8, s9  }
0xe: {  	s9 =	smax.u32 s31, $0x1;
	s7 =	sadd.s32 $0x3200, s10;
	s10 =	simm.s32 $0x7  }
.LBB2_3:
0xf: {  	_ =	swait.ge [sflag:s18], $0x2800  }
0x10: {  	[sflag:s18] =	ssyncset.done $0x0  }
0x11: {  	[sflag:s18] =	ssyncadd.s32 $0xFFFFD800  }
.LBB2_11:
0x12: {  	s25 =	sadd.s32 $0x1, s25  }
0x13: {  	p0 =	sne.s32 s25, s9  }
.Ltmp1:
0x14: {  	_ = 	snop;
	(pc) =	sbr.rel @!p0 .LBB2_12-.Ltmp1, $1  }
0x15: {  	_ =	sdelay $0x3  }
.LBB2_1:
0x16: {  	[tilespmem:s2], [sflag:$0x7] =	stream.linear.gather [hbm4b:s7+s2], $0x2710, $0x38;
	[tilespmem:$0x13F00] =	vst v63  }
0x17: {  	_ =	swait.ge [sflag:s10], $0x2710  }
0x18: {  	[sflag:s10] =	ssyncset.done $0x0  }
0x19: {  	[sflag:s10] =	ssyncadd.s32 $0xFFFFD8F0  }
0x1a: {  	[tilespmem:s11], [sflag:$0x7] =	stream.linear.gather [hbm4b:s8+s2], $0x2710, $0x38;
	[tilespmem:$0x13F00] =	vst v63  }
0x1b: {  	_ =	swait.ge [sflag:s10], $0x2710  }
0x1c: {  	[sflag:s10] =	ssyncset.done $0x0  }
0x1d: {  	[sflag:s10] =	ssyncadd.s32 $0xFFFFD8F0  }
0x1e: {  	[tilespmem:s13], [sflag:$0x1] =	stream.indirect.gather [hbm4b:s4+s12], $0x80, s11, s12, $0xb8;
	[tilespmem:$0x13F00] =	vst v63  }
0x1f: {  	_ = 	snop  }
0x20: {  	[tilespmem:s14], [sflag:$0x3] =	stream.indirect.gather [hbm4b:s5+s12], $0x80, s2, s12, $0xb8;
	[tilespmem:$0x13F00] =	vst v63  }
.Ltmp2:
0x21: {  	_ = 	snop;
	(pc) =	sbr.rel .LBB2_2-.Ltmp2, $4  }
0x22: {  	_ = 	snop  }
0x23: {  	[tilespmem:s16], [sflag:$0x2] =	stream.indirect.gather [hbm4b:s4+s12], $0x80, s15, s12, $0xb8;
	[tilespmem:$0x13F00] =	vst v63  }
0x24: {  	s26 =	simm.s32 $0x0  }
0x25: {  	[tilespmem:s17], [sflag:$0x4] =	stream.indirect.gather [hbm4b:s5+s12], $0x80, s12, s12, $0xb8;
	[tilespmem:$0x13F00] =	vst v63  }
.LBB2_13:
0x26: {  	p0 =	seq.s32 s26, $0x0  }
0x27: {  	p1 =	sgt.u32 @!p0 s29, $0x7E  }
0x28: {  	p0 =	por p1, p0  }
0x29: {  	s1 =	simm.s32 @!p0 $0x6  }
0x2a: {  	_ =	swait.ge @!p0 [sflag:s1], $0x2800  }
0x2b: {  	[sflag:s1] =	ssyncset.done @!p0 $0x0  }
0x2c: {  	[sflag:s1] =	ssyncadd.s32 @!p0 $0xFFFFD800  }
.LBB2_10:
0x2d: {  	p0 =	sgt.u32 s26, $0x3C  }
0x2e: {  	s1 =	sadd.s32 @!p0 $0x2870, s28;
	s29 =	simm.s32 @!p0 $0x50;
	s30 =	simm.s32 @!p0 $0x7700  }
0x2f: {  	[tilespmem:s30], [sflag:$0x2] =	stream.indirect.gather @!p0 [hbm4b:s4+s29], $0x80, s1, s29, $0xb8;
	[tilespmem:$0x13F00] =	vst v63  }
0x30: {  	s26 =	sadd.s32 $0x1, s26;
	s1 =	sadd.s32 @!p0 $0xF0, s28;
	s28 =	simm.s32 @!p0 $0xC700  }
0x31: {  	[tilespmem:s28], [sflag:$0x4] =	stream.indirect.gather @!p0 [hbm4b:s5+s29], $0x80, s1, s29, $0xb8;
	[tilespmem:$0x13F00] =	vst v63  }
0x32: {  	p0 =	sne.s32 s26, $0x40  }
.Ltmp3:
0x33: {  	_ = 	snop;
	(pc) =	sbr.rel @!p0 .LBB2_11-.Ltmp3, $1  }
0x34: {  	_ =	sdelay $0x3  }
.LBB2_2:
0x35: {  	p0 =	sne.s32 s26, $0x3F  }
.Ltmp4:
0x36: {  	_ = 	snop;
	(pc) =	sbr.rel @!p0 .LBB2_3-.Ltmp4, $1  }
0x37: {  	_ =	sdelay $0x3  }
0x38: {  	_ =	swait.ge [sflag:s19], $0x2800  }
0x39: {  	[sflag:s19] =	ssyncset.done $0x0  }
0x3a: {  	s29 =	sshll.u32 s26, $0x1;
	[sflag:s19] =	ssyncadd.s32 $0xFFFFD800  }
0x3b: {  	s1 =	sadd.s32 $0xFFFFFFFE, s29;
	_ =	swait.ge [sflag:s20], $0x2800  }
0x3c: {  	p0 =	sgt.u32 s1, $0x7C;
	[sflag:s20] =	ssyncset.done $0x0  }
0x3d: {  	s1 =	simm.s32 @!p0 $0x5;
	[sflag:s20] =	ssyncadd.s32 $0xFFFFD800  }
0x3e: {  	_ =	swait.ge @!p0 [sflag:s1], $0x2800  }
0x3f: {  	[sflag:s1] =	ssyncset.done @!p0 $0x0  }
0x40: {  	s28 =	simm.s32 $0x0;
	[sflag:s1] =	ssyncadd.s32 @!p0 $0xFFFFD800  }
0x41: {  	v0 =	vld [tilespmem:s28+$0x4F70]  }
0x42: {  	v1 =	vld [tilespmem:s28+$0x9F70]  }
0x43: {  	v2 =	vld [tilespmem:s28+$0x4F00]  }
0x44: {  	v3 =	vld [tilespmem:s28+$0x9F00]  }
0x45: {  	v4 =	vld [tilespmem:s28+$0x4F10]  }
0x46: {  	v5 =	vld [tilespmem:s28+$0x9F10]  }
0x47: {  	v6 =	vld [tilespmem:s28+$0x4F20]  }
0x48: {  	v0 =	vadd.f32 v1, v0;
	v1 =	vld [tilespmem:s28+$0x9F20]  }
0x49: {  	v7 =	vld [tilespmem:s28+$0x4F30]  }
0x4a: {  	v8 =	vld [tilespmem:s28+$0x9F30];
	v2 =	vadd.f32 v3, v2  }
0x4b: {  	v9 =	vld [tilespmem:s28+$0x4F40];
	v0 =	vmax.f32 v0, $0.0e+00  }
0x4c: {  	[tilespmem:s28+$0xEF70] =	vst v0;
	v0 =	vmax.f32 v2, $0.0e+00;
	v2 =	vadd.f32 v5, v4;
	v5 =	vld [tilespmem:s28+$0x9F40]  }
0x4d: {  	v3 =	vld [tilespmem:s28+$0x9F50];
	v1 =	vadd.f32 v1, v6  }
0x4e: {  	[tilespmem:s28+$0xEF00] =	vst v0;
	v0 =	vld [tilespmem:s28+$0x4F50];
	v2 =	vmax.f32 v2, $0.0e+00  }
0x4f: {  	v4 =	vld [tilespmem:s28+$0x9F60];
	v6 =	vadd.f32 v8, v7;
	[tilespmem:s28+$0xEF10] =	vst v2;
	v2 =	vmax.f32 v1, $0.0e+00  }
0x50: {  	s30 =	simm.s32 $0x80;
	v1 =	vld [tilespmem:s28+$0x4F60];
	[tilespmem:s28+$0xEF20] =	vst v2  }
0x51: {  	s31 =	simm.s32 $0x400;
	v6 =	vmax.f32 v6, $0.0e+00;
	v5 =	vadd.f32 v5, v9;
	v2 =	vld [tilespmem:s30+$0x4F70]  }
.LBB2_5:
0x52: {  	p0 =	sne.s32 s31, $0x9E00;
	v7 =	vld [tilespmem:s30+$0x9F70];
	[tilespmem:s28+$0xEF30] =	vst v6  }
0x53: {  	v6 =	vld [tilespmem:s30+$0x4F00];
	v5 =	vmax.f32 v5, $0.0e+00;
	v0 =	vadd.f32 v3, v0  }
0x54: {  	v3 =	vld [tilespmem:s30+$0x9F00];
	[tilespmem:s28+$0xEF40] =	vst v5  }
0x55: {  	v5 =	vld [tilespmem:s30+$0x4F10];
	v0 =	vmax.f32 v0, $0.0e+00;
	v1 =	vadd.f32 v4, v1  }
0x56: {  	v4 =	vld [tilespmem:s30+$0x9F10];
	[tilespmem:s28+$0xEF50] =	vst v0  }
0x57: {  	v0 =	vld [tilespmem:s30+$0x4F20];
	v2 =	vadd.f32 v7, v2;
	v1 =	vmax.f32 v1, $0.0e+00  }
0x58: {  	v7 =	vld [tilespmem:s30+$0x9F20];
	[tilespmem:s28+$0xEF60] =	vst v1;
	s28 =	smov.u32 s30  }
0x59: {  	v1 =	vadd.f32 v3, v6;
	v6 =	vld [tilespmem:s28+$0x4F30];
	v2 =	vmax.f32 v2, $0.0e+00  }
0x5a: {  	v8 =	vld [tilespmem:s28+$0x9F30];
	[tilespmem:s28+$0xEF70] =	vst v2  }
0x5b: {  	v1 =	vmax.f32 v1, $0.0e+00;
	v2 =	vadd.f32 v4, v5;
	v5 =	vld [tilespmem:s28+$0x4F40]  }
0x5c: {  	[tilespmem:s28+$0xEF00] =	vst v1;
	v9 =	vld [tilespmem:s28+$0x9F40]  }
.Ltmp5:
0x5d: {  	v1 =	vmax.f32 v2, $0.0e+00;
	v2 =	vadd.f32 v7, v0;
	v0 =	vld [tilespmem:s28+$0x4F50];
	(pc) =	sbr.rel @p0 .LBB2_5-.Ltmp5, $4  }
0x5e: {  	[tilespmem:s28+$0xEF10] =	vst v1;
	v3 =	vld [tilespmem:s28+$0x9F50]  }
0x5f: {  	v2 =	vmax.f32 v2, $0.0e+00;
	v6 =	vadd.f32 v8, v6;
	v1 =	vld [tilespmem:s28+$0x4F60]  }
0x60: {  	s30 =	sshra.s32 s31, $0x2;
	[tilespmem:s28+$0xEF20] =	vst v2;
	v4 =	vld [tilespmem:s28+$0x9F60]  }
0x61: {  	s31 =	sadd.s32 $0x200, s31;
	v2 =	vld [tilespmem:s30+$0x4F70];
	v6 =	vmax.f32 v6, $0.0e+00;
	v5 =	vadd.f32 v9, v5  }
0x62: {  	v7 =	vld [tilespmem:s30+$0x9F70];
	[tilespmem:s28+$0xEF30] =	vst v6  }
0x63: {  	v6 =	vld [tilespmem:s30+$0x4F00];
	v5 =	vmax.f32 v5, $0.0e+00;
	v0 =	vadd.f32 v3, v0  }
0x64: {  	v8 =	vld [tilespmem:s30+$0x9F00];
	[tilespmem:s28+$0xEF40] =	vst v5  }
0x65: {  	v52 =	vld [tilespmem:s30+$0x4F10];
	v0 =	vmax.f32 v0, $0.0e+00;
	v1 =	vadd.f32 v4, v1  }
0x66: {  	v5 =	vld [tilespmem:s30+$0x9F10];
	[tilespmem:s28+$0xEF50] =	vst v0  }
0x67: {  	v0 =	vld [tilespmem:s30+$0x4F20];
	v1 =	vmax.f32 v1, $0.0e+00  }
0x68: {  	v53 =	vld [tilespmem:s30+$0x9F20];
	[tilespmem:s28+$0xEF60] =	vst v1  }
0x69: {  	v1 =	vld [tilespmem:s30+$0x4F30]  }
0x6a: {  	v54 =	vld [tilespmem:s30+$0x9F30]  }
0x6b: {  	v56 =	vld [tilespmem:s30+$0x4F40]  }
0x6c: {  	v57 =	vld [tilespmem:s30+$0x9F40]  }
0x6d: {  	v58 =	vld [tilespmem:s30+$0x4F50]  }
0x6e: {  	v2 =	vadd.f32 v7, v2;
	v59 =	vld [tilespmem:s30+$0x9F50]  }
0x6f: {  	v6 =	vadd.f32 v8, v6;
	v60 =	vld [tilespmem:s30+$0x4F60]  }
0x70: {  	v2 =	vmax.f32 v2, $0.0e+00;
	v61 =	vld [tilespmem:s30+$0x9F60];
	v3 =	vadd.f32 v5, v52  }
0x71: {  	[tilespmem:s30+$0xEF70] =	vst v2;
	v55 =	vmax.f32 v6, $0.0e+00;
	v0 =	vadd.f32 v53, v0  }
0x72: {  	[tilespmem:s30+$0xEF00] =	vst v55;
	v3 =	vmax.f32 v3, $0.0e+00;
	v1 =	vadd.f32 v54, v1  }
0x73: {  	[tilespmem:s30+$0xEF10] =	vst v3;
	v0 =	vmax.f32 v0, $0.0e+00;
	v2 =	vadd.f32 v57, v56  }
0x74: {  	s28 =	smul.u32 $0xA0, s26;
	v3 =	vadd.f32 v59, v58;
	[tilespmem:s30+$0xEF20] =	vst v0;
	v1 =	vmax.f32 v1, $0.0e+00  }
0x75: {  	v0 =	vadd.f32 v61, v60;
	v62 =	vmax.f32 v2, $0.0e+00;
	[tilespmem:s30+$0xEF30] =	vst v1  }
0x76: {  	s1 =	sadd.s32 s3, s28;
	v63 =	vmax.f32 v3, $0.0e+00;
	[tilespmem:s30+$0xEF40] =	vst v62  }
0x77: {  	s1 =	sshll.u32 s1, $0x4;
	[tilespmem:s30+$0xEF50] =	vst v63;
	v0 =	vmax.f32 v0, $0.0e+00  }
0x78: {  	p0 =	sgt.u32 s26, $0x3D;
	s1 =	sadd.s32 s6, s1;
	[tilespmem:s30+$0xEF60] =	vst v0  }
0x79: {  	[hbm4b:s1+s2] =	stream.linear.scatter [tilespmem:s21], [sflag:$0x5], $0x2800, $0x38;
	[tilespmem:$0x13F00] =	vst v63  }
0x7a: {  	s31 =	simm.s32 @!p0 $0x4F00;
	s30 =	simm.s32 @!p0 $0x50;
	s1 =	sadd.s32 @!p0 $0x2820, s28  }
0x7b: {  	[tilespmem:s31], [sflag:$0x1] =	stream.indirect.gather @!p0 [hbm4b:s4+s30], $0x80, s1, s30, $0xb8;
	[tilespmem:$0x13F00] =	vst v63  }
0x7c: {  	s29 =	sor.u32 $0x1, s29;
	s1 =	sadd.s32 @!p0 $0xA0, s28;
	s31 =	simm.s32 @!p0 $0x9F00  }
0x7d: {  	[tilespmem:s31], [sflag:$0x3] =	stream.indirect.gather @!p0 [hbm4b:s5+s30], $0x80, s1, s30, $0xb8;
	[tilespmem:$0x13F00] =	vst v63  }
0x7e: {  	p0 =	sgt.u32 s29, $0x7C  }
.Ltmp6:
0x7f: {  	_ = 	snop;
	(pc) =	sbr.rel @p0 .LBB2_13-.Ltmp6, $1  }
0x80: {  	_ =	sdelay $0x3  }
0x81: {  	_ =	swait.ge [sflag:s22], $0x2800  }
0x82: {  	[sflag:s22] =	ssyncset.done $0x0  }
0x83: {  	[sflag:s22] =	ssyncadd.s32 $0xFFFFD800  }
0x84: {  	_ =	swait.ge [sflag:s23], $0x2800  }
0x85: {  	p0 =	seq.s32 s26, $0x0;
	[sflag:s23] =	ssyncset.done $0x0  }
0x86: {  	s1 =	simm.s32 @!p0 $0x6;
	[sflag:s23] =	ssyncadd.s32 $0xFFFFD800  }
0x87: {  	_ =	swait.ge @!p0 [sflag:s1], $0x2800  }
0x88: {  	[sflag:s1] =	ssyncset.done @!p0 $0x0  }
0x89: {  	s30 =	simm.s32 $0x0;
	[sflag:s1] =	ssyncadd.s32 @!p0 $0xFFFFD800  }
0x8a: {  	v0 =	vld [tilespmem:s30+$0x7770]  }
0x8b: {  	v1 =	vld [tilespmem:s30+$0xC770]  }
0x8c: {  	v2 =	vld [tilespmem:s30+$0x7700]  }
0x8d: {  	v3 =	vld [tilespmem:s30+$0xC700]  }
0x8e: {  	v4 =	vld [tilespmem:s30+$0x7710]  }
0x8f: {  	v5 =	vld [tilespmem:s30+$0xC710]  }
0x90: {  	v6 =	vld [tilespmem:s30+$0x7720]  }
0x91: {  	v0 =	vadd.f32 v1, v0;
	v1 =	vld [tilespmem:s30+$0xC720]  }
0x92: {  	v7 =	vld [tilespmem:s30+$0x7730]  }
0x93: {  	v8 =	vld [tilespmem:s30+$0xC730];
	v2 =	vadd.f32 v3, v2  }
0x94: {  	v9 =	vld [tilespmem:s30+$0x7740];
	v0 =	vmax.f32 v0, $0.0e+00  }
0x95: {  	[tilespmem:s30+$0x11770] =	vst v0;
	v0 =	vmax.f32 v2, $0.0e+00;
	v2 =	vadd.f32 v5, v4;
	v5 =	vld [tilespmem:s30+$0xC740]  }
0x96: {  	v3 =	vld [tilespmem:s30+$0xC750];
	v1 =	vadd.f32 v1, v6  }
0x97: {  	[tilespmem:s30+$0x11700] =	vst v0;
	v0 =	vld [tilespmem:s30+$0x7750];
	v2 =	vmax.f32 v2, $0.0e+00  }
0x98: {  	v4 =	vld [tilespmem:s30+$0xC760];
	v6 =	vadd.f32 v8, v7;
	[tilespmem:s30+$0x11710] =	vst v2;
	v2 =	vmax.f32 v1, $0.0e+00  }
0x99: {  	s31 =	simm.s32 $0x80;
	v1 =	vld [tilespmem:s30+$0x7760];
	[tilespmem:s30+$0x11720] =	vst v2  }
0x9a: {  	s1 =	simm.s32 $0x400;
	v6 =	vmax.f32 v6, $0.0e+00;
	v5 =	vadd.f32 v5, v9;
	v2 =	vld [tilespmem:s31+$0x7770]  }
.LBB2_8:
0x9b: {  	p0 =	sne.s32 s1, $0x9E00;
	v7 =	vld [tilespmem:s31+$0xC770];
	[tilespmem:s30+$0x11730] =	vst v6  }
0x9c: {  	v6 =	vld [tilespmem:s31+$0x7700];
	v5 =	vmax.f32 v5, $0.0e+00;
	v0 =	vadd.f32 v3, v0  }
0x9d: {  	v3 =	vld [tilespmem:s31+$0xC700];
	[tilespmem:s30+$0x11740] =	vst v5  }
0x9e: {  	v5 =	vld [tilespmem:s31+$0x7710];
	v0 =	vmax.f32 v0, $0.0e+00;
	v1 =	vadd.f32 v4, v1  }
0x9f: {  	v4 =	vld [tilespmem:s31+$0xC710];
	[tilespmem:s30+$0x11750] =	vst v0  }
0xa0: {  	v0 =	vld [tilespmem:s31+$0x7720];
	v2 =	vadd.f32 v7, v2;
	v1 =	vmax.f32 v1, $0.0e+00  }
0xa1: {  	v7 =	vld [tilespmem:s31+$0xC720];
	[tilespmem:s30+$0x11760] =	vst v1;
	s30 =	smov.u32 s31  }
0xa2: {  	v1 =	vadd.f32 v3, v6;
	v6 =	vld [tilespmem:s30+$0x7730];
	v2 =	vmax.f32 v2, $0.0e+00  }
0xa3: {  	v8 =	vld [tilespmem:s30+$0xC730];
	[tilespmem:s30+$0x11770] =	vst v2  }
0xa4: {  	v1 =	vmax.f32 v1, $0.0e+00;
	v2 =	vadd.f32 v4, v5;
	v5 =	vld [tilespmem:s30+$0x7740]  }
0xa5: {  	[tilespmem:s30+$0x11700] =	vst v1;
	v9 =	vld [tilespmem:s30+$0xC740]  }
.Ltmp7:
0xa6: {  	v1 =	vmax.f32 v2, $0.0e+00;
	v2 =	vadd.f32 v7, v0;
	v0 =	vld [tilespmem:s30+$0x7750];
	(pc) =	sbr.rel @p0 .LBB2_8-.Ltmp7, $4  }
0xa7: {  	[tilespmem:s30+$0x11710] =	vst v1;
	v3 =	vld [tilespmem:s30+$0xC750]  }
0xa8: {  	v2 =	vmax.f32 v2, $0.0e+00;
	v6 =	vadd.f32 v8, v6;
	v1 =	vld [tilespmem:s30+$0x7760]  }
0xa9: {  	s31 =	sshra.s32 s1, $0x2;
	[tilespmem:s30+$0x11720] =	vst v2;
	v4 =	vld [tilespmem:s30+$0xC760]  }
0xaa: {  	s1 =	sadd.s32 $0x200, s1;
	v2 =	vld [tilespmem:s31+$0x7770];
	v6 =	vmax.f32 v6, $0.0e+00;
	v5 =	vadd.f32 v9, v5  }
0xab: {  	v7 =	vld [tilespmem:s31+$0xC770];
	[tilespmem:s30+$0x11730] =	vst v6  }
0xac: {  	v6 =	vld [tilespmem:s31+$0x7700];
	v5 =	vmax.f32 v5, $0.0e+00;
	v0 =	vadd.f32 v3, v0  }
0xad: {  	v8 =	vld [tilespmem:s31+$0xC700];
	[tilespmem:s30+$0x11740] =	vst v5  }
0xae: {  	v52 =	vld [tilespmem:s31+$0x7710];
	v0 =	vmax.f32 v0, $0.0e+00;
	v1 =	vadd.f32 v4, v1  }
0xaf: {  	v5 =	vld [tilespmem:s31+$0xC710];
	[tilespmem:s30+$0x11750] =	vst v0  }
0xb0: {  	v0 =	vld [tilespmem:s31+$0x7720];
	v1 =	vmax.f32 v1, $0.0e+00  }
0xb1: {  	v53 =	vld [tilespmem:s31+$0xC720];
	[tilespmem:s30+$0x11760] =	vst v1  }
0xb2: {  	v1 =	vld [tilespmem:s31+$0x7730]  }
0xb3: {  	v54 =	vld [tilespmem:s31+$0xC730]  }
0xb4: {  	v56 =	vld [tilespmem:s31+$0x7740]  }
0xb5: {  	v57 =	vld [tilespmem:s31+$0xC740]  }
0xb6: {  	v58 =	vld [tilespmem:s31+$0x7750]  }
0xb7: {  	v2 =	vadd.f32 v7, v2;
	v59 =	vld [tilespmem:s31+$0xC750]  }
0xb8: {  	v6 =	vadd.f32 v8, v6;
	v60 =	vld [tilespmem:s31+$0x7760]  }
0xb9: {  	v2 =	vmax.f32 v2, $0.0e+00;
	v61 =	vld [tilespmem:s31+$0xC760];
	v3 =	vadd.f32 v5, v52  }
0xba: {  	[tilespmem:s31+$0x11770] =	vst v2;
	v55 =	vmax.f32 v6, $0.0e+00;
	v0 =	vadd.f32 v53, v0  }
0xbb: {  	[tilespmem:s31+$0x11700] =	vst v55;
	v3 =	vmax.f32 v3, $0.0e+00;
	v1 =	vadd.f32 v54, v1  }
0xbc: {  	[tilespmem:s31+$0x11710] =	vst v3;
	v0 =	vmax.f32 v0, $0.0e+00;
	v2 =	vadd.f32 v57, v56  }
0xbd: {  	s1 =	smul.u32 $0x50, s29;
	v3 =	vadd.f32 v59, v58;
	[tilespmem:s31+$0x11720] =	vst v0;
	v1 =	vmax.f32 v1, $0.0e+00  }
.Ltmp8:
0xbe: {  	v0 =	vadd.f32 v61, v60;
	v62 =	vmax.f32 v2, $0.0e+00;
	[tilespmem:s31+$0x11730] =	vst v1;
	(pc) =	sbr.rel .LBB2_10-.Ltmp8, $4  }
0xbf: {  	s1 =	sadd.s32 s3, s1;
	v63 =	vmax.f32 v3, $0.0e+00;
	[tilespmem:s31+$0x11740] =	vst v62  }
0xc0: {  	s1 =	sshll.u32 s1, $0x4;
	[tilespmem:s31+$0x11750] =	vst v63;
	v0 =	vmax.f32 v0, $0.0e+00  }
0xc1: {  	s1 =	sadd.s32 s6, s1;
	[tilespmem:s31+$0x11760] =	vst v0  }
0xc2: {  	[hbm4b:s1+s2] =	stream.linear.scatter [tilespmem:s24], [sflag:$0x6], $0x2800, $0x38;
	[tilespmem:$0x13F00] =	vst v63  }
.LBB2_12:
0xc3: {  	_ =	sfence.sel $0x180000  }
0xc4: {  	[bflag:$0x0] =	sbarrier.arrive $0xFFFF  }
0xc5: {  	_ =	strace $0x90000047  }
0xc6: {  	[bflag:$0x2] =	sbarrier.arrive $0xFFFF  }
0xc7: {  	p0 =	sne.s32 s0, $0x0;
	s0 =	rddreg [dreg:$0x2]  }
0xc8: {  	s0 =	sadd.s32 @!p0 $0x100000, s0  }
0xc9: {  	[sflag:s0] =	ssyncadd.tile.s32 @!p0 $0x1;
	_ =	shalt  }
.Lfunc_end2:
_tile_overlayer_lowered:
.L_overlay_start_2:
0xca: {  	(tag) =	ssettag $0x2  }
0xcb: {  	s0 =	rddreg [dreg:$0x0];
	s2 =	stileid.u32  }
0xcc: {  	s1 =	rddreg [dreg:$0x1];
	p0 =	sne.s32 s2, $0x0  }
0xcd: {  	s3 =	rddreg [dreg:$0x2];
	[bflag:$0x3] =	sbarrier.arrive $0xFFFF;
	s2 =	simm.s32 @!p0 $0x1C07  }
0xce: {  	[timem:s3], [sflag:s2] =	dma.local @!p0 [hbm:s0], s1  }
0xcf: {  	s0 =	simm.s32 @!p0 $0x7  }
0xd0: {  	_ =	swait.ge @!p0 [sflag:s0], s1  }
0xd1: {  	s1 =	ssub.s32 @!p0 $0x0, s1;
	[sflag:s0] =	ssyncset.done @!p0 $0x0  }
0xd2: {  	[sflag:s0] =	ssyncadd.s32 @!p0 s1  }
0xd3: {  	[bflag:$0x3] =	sbarrier.arrive $0xFFFF  }
0xd4: {  	_ =	shalt  }

// kernel: kernel.17.cloned.1.call-start
scs
__scs_entry_jumppad:
0x0: {  	(pc) =	sbr.rel $0x88, $3  }
0x1: {  	(tag) =	ssettag $0x0;
	lr =	simm.s32 $0x1  }
0x2: {  	[smem:$0x3F97] =	sst lr;
	_ =	strace $0xD0000000  }
0x3: {  	_ = 	snop  }
0x4: {  	_ = 	snop  }
0x5: {  	_ = 	snop  }
0x6: {  	_ = 	snop  }
0x7: {  	_ = 	snop  }
__scs_overlays_trampoline_lowered:
0x8: {  	[smem:$0x3FA6] =	sst s0  }
0x9: {  	[smem:$0x3FA7] =	sst s1  }
0xa: {  	[smem:$0x3FA8] =	sst s2  }
0xb: {  	[smem:$0x3FA9] =	sst s3  }
0xc: {  	[smem:$0x3FAA] =	sst s4  }
0xd: {  	[smem:$0x3FAB] =	sst s5  }
0xe: {  	[smem:$0x3FAC] =	sst s6  }
0xf: {  	[smem:$0x3FAD] =	sst s7  }
0x10: {  	[smem:$0x3FAE] =	sst s8  }
0x11: {  	[smem:$0x3FAF] =	sst s9;
	s0 =	simm.s32 @!p0 $0x0  }
0x12: {  	s1 =	sld [smem:$0x3F95];
	s0 =	simm.s32 @p0 $0x1  }
0x13: {  	[smem:$0x3FB0] =	sst s0;
	s0 =	simm.s32 @!p1 $0x0  }
0x14: {  	s2 =	sld [smem:$0x3F94];
	s0 =	simm.s32 @p1 $0x1  }
0x15: {  	[smem:$0x3FB1] =	sst s0;
	s0 =	simm.s32 @!p2 $0x0  }
0x16: {  	s3 =	sld [smem:$0x3FDB];
	s0 =	simm.s32 @p2 $0x1  }
0x17: {  	s4 =	simm.s32 $0x1BF5;
	[smem:$0x3FB3] =	sst s0  }
0x18: {  	s0 =	sld [smem:$0x3F96];
	_ =	swait.ge [sflag:s4], $0x0  }
0x19: {  	s7 =	sld [smem:$0x3F97]  }
0x1a: {  	s8 =	sadd.s32 $0xFFFFE003, lr  }
0x1b: {  	s9 =	sadd.s32 $0xFFFFFEF7, lr;
	s5 =	simm.s32 $0xFFFFFFFF;
	p2 =	slt.u32 s8, $0xFFFFF086  }
0x1c: {  	p1 =	slt.u32 s9, $0xF7A;
	s5 =	simm.s32 @!p2 $0x0  }
0x1d: {  	s5 =	simm.s32 @p1 $0x1;
	p0 =	seq.s32 s7, s2  }
0x1e: {  	s7 =	smul.u32 @!p0 $0xF7A, s2;
	p2 =	seq.s32 @!p0 s5, $0x0  }
0x1f: {  	s9 =	smul.u32 $0xF7A, s1;
	s8 =	simm.s32 @!p0 $0x1BF5;
	p2 =	por !p2, p0  }
0x20: {  	[sflag:s8] =	ssyncset.s32 @!p0 $0xFFFFF086;
	s6 =	sadd.s32 @!p0 s3, s7;
	s7 =	simm.s32 @!p0 $0x108  }
0x21: {  	s3 =	sadd.s32 s3, s9;
	s6 =	sadd.s32 @!p0 $0x88, s6;
	s7 =	simm.s32 @p2 $0x1082  }
0x22: {  	[simem:s7], [sflag:s8] =	dma.local @!p0 [hbm:s6], $0xF7A  }
0x23: {  	s9 =	sor.u32 $0xD0000000, s2;
	s6 =	simm.s32 $0x108;
	_ =	swait.ge @!p0 [sflag:s8], $0x0  }
0x24: {  	s3 =	sadd.s32 $0x88, s3;
	s6 =	simm.s32 @!p1 $0x1082;
	[sflag:s4] =	ssyncset.s32 $0xFFFFF086  }
0x25: {  	[simem:s6], [sflag:s4] =	dma.local [hbm:s3], $0xF7A  }
0x26: {  	[smem:$0x3F97] =	sst s1;
	(tag) =	ssettag s2;
	_ =	strace s9  }
0x27: {  	s1 =	sld [smem:$0x3FA7]  }
0x28: {  	s2 =	sld [smem:$0x3FA8]  }
0x29: {  	s4 =	sld [smem:$0x3FAA]  }
0x2a: {  	p0 =	seq.s32 s5, $0x0;
	s5 =	sld [smem:$0x3FAB]  }
0x2b: {  	s6 =	sld [smem:$0x3FAC]  }
0x2c: {  	s7 =	sld [smem:$0x3FAD]  }
0x2d: {  	s3 =	simm.s32 $0x108;
	s8 =	sld [smem:$0x3FAE]  }
0x2e: {  	s3 =	simm.s32 @!p0 $0x1082;
	s9 =	sld [smem:$0x3FAF]  }
0x2f: {  	lr =	sadd.s32 s0, s3;
	s0 =	sld [smem:$0x3FA6]  }
0x30: {  	s3 =	sld [smem:$0x3FA9]  }
0x31: {  	[smem:$0x3FB2] =	sst s10  }
0x32: {  	s10 =	sld [smem:$0x3FB0];
	_ =	sdelay $0x3  }
0x33: {  	p0 =	seq.s32 s10, $0x1;
	s10 =	sld [smem:$0x3FB2];
	_ =	sdelay $0x3  }
0x34: {  	[smem:$0x3FB2] =	sst s10  }
0x35: {  	s10 =	sld [smem:$0x3FB1];
	_ =	sdelay $0x3  }
0x36: {  	p1 =	seq.s32 s10, $0x1;
	s10 =	sld [smem:$0x3FB2];
	_ =	sdelay $0x3  }
0x37: {  	[smem:$0x3FB2] =	sst s10  }
0x38: {  	s10 =	sld [smem:$0x3FB3]  }
0x39: {  	_ = 	snop;
	(pc) =	sbr.ind lr, $3  }
0x3a: {  	_ = 	snop  }
0x3b: {  	_ = 	snop  }
0x3c: {  	p2 =	seq.s32 s10, $0x1;
	s10 =	sld [smem:$0x3FB2]  }
0x3d: {  	_ =	shalt  }
0x3e: {  	_ =	shalt  }
0x3f: {  	_ =	shalt  }
0x40: {  	_ =	shalt  }
0x41: {  	_ =	shalt  }
0x42: {  	_ =	shalt  }
0x43: {  	_ =	shalt  }
0x44: {  	_ =	shalt  }
0x45: {  	_ =	shalt  }
0x46: {  	_ =	shalt  }
0x47: {  	_ =	shalt  }
0x48: {  	_ =	shalt  }
0x49: {  	_ =	shalt  }
0x4a: {  	_ =	shalt  }
0x4b: {  	_ =	shalt  }
0x4c: {  	_ =	shalt  }
0x4d: {  	_ =	shalt  }
0x4e: {  	_ =	shalt  }
0x4f: {  	_ =	shalt  }
0x50: {  	_ =	shalt  }
0x51: {  	_ =	shalt  }
0x52: {  	_ =	shalt  }
0x53: {  	_ =	shalt  }
0x54: {  	_ =	shalt  }
0x55: {  	_ =	shalt  }
0x56: {  	_ =	shalt  }
0x57: {  	_ =	shalt  }
0x58: {  	_ =	shalt  }
0x59: {  	_ =	shalt  }
0x5a: {  	_ =	shalt  }
0x5b: {  	_ =	shalt  }
0x5c: {  	_ =	shalt  }
0x5d: {  	_ =	shalt  }
0x5e: {  	_ =	shalt  }
0x5f: {  	_ =	shalt  }
0x60: {  	_ =	shalt  }
0x61: {  	_ =	shalt  }
0x62: {  	_ =	shalt  }
0x63: {  	_ =	shalt  }
0x64: {  	_ =	shalt  }
0x65: {  	_ =	shalt  }
0x66: {  	_ =	shalt  }
0x67: {  	_ =	shalt  }
0x68: {  	_ =	shalt  }
0x69: {  	_ =	shalt  }
0x6a: {  	_ =	shalt  }
0x6b: {  	_ =	shalt  }
0x6c: {  	_ =	shalt  }
0x6d: {  	_ =	shalt  }
0x6e: {  	_ =	shalt  }
0x6f: {  	_ =	shalt  }
0x70: {  	_ =	shalt  }
0x71: {  	_ =	shalt  }
0x72: {  	_ =	shalt  }
0x73: {  	_ =	shalt  }
0x74: {  	_ =	shalt  }
0x75: {  	_ =	shalt  }
0x76: {  	_ =	shalt  }
0x77: {  	_ =	shalt  }
0x78: {  	_ =	shalt  }
0x79: {  	_ =	shalt  }
0x7a: {  	_ =	shalt  }
0x7b: {  	_ =	shalt  }
0x7c: {  	_ =	shalt  }
0x7d: {  	_ =	shalt  }
0x7e: {  	_ =	shalt  }
0x7f: {  	_ =	shalt  }
0x80: {  	_ =	shalt  }
0x81: {  	_ =	shalt  }
0x82: {  	_ =	shalt  }
0x83: {  	_ =	shalt  }
0x84: {  	_ =	shalt  }
0x85: {  	_ =	shalt  }
0x86: {  	_ =	shalt  }
0x87: {  	_ =	shalt  }
.Lfunc_end0:
.L_simem_size_0:
called_computation.2_lowered:
.L_overlay_start_0:
0x88: {  	s2 =	sld [smem:$0x3FD9]  }
0x89: {  	s3 =	sld [smem:$0x3FFE];
	_ =	sdelay $0x1  }
0x8a: {  	s1 =	srdreg.scid  }
0x8b: {  	s0 =	sand.u32 $0x1, s1  }
0x8c: {  	s16 =	sshll.u32 s0, $0xA;
	s2 =	sadd.s32 s3, s2  }
0x8d: {  	s2 =	sadd.s32 s2, s16  }
0x8e: {  	[smem:$0x3FBE] =	sst s2  }
0x8f: {  	_ = 	snop  }
0x90: {  	(tm) =	ssettm $0x1  }
0x91: {  	s17 =	sld [smem:$0x3FFB];
	_ =	sdelay $0x3  }
0x92: {  	_ =	strace s17  }
0x93: {  	s2 =	sld [smem:$0x3FFC];
	_ =	sdelay $0x3  }
0x94: {  	_ =	strace s2  }
0x95: {  	s2 =	sld [smem:$0x3FFD];
	_ =	sdelay $0x3  }
0x96: {  	_ =	strace s2  }
0x97: {  	_ =	strace $0x8FFFFFFF  }
0x98: {  	s18 =	sld [smem:$0x3FDB];
	_ =	sdelay $0x1  }
0x99: {  	s19 =	simm.s32 $_scs_section_size  }
0x9a: {  	s4 =	simm.s32 $_size__tile_overlayer_lowered;
	s5 =	simm.s32 $_tile_overlayer_lowered  }
0x9b: {  	s22 =	simm.s32 $0x1BFF;
	s21 =	sshll.u32 s5, $0x1;
	s2 =	sadd.s32 s19, s18  }
0x9c: {  	s6 =	simm.s32 $0x0;
	s20 =	sshll.u32 s4, $0x1;
	s4 =	sadd.s32 s21, s2  }
0x9d: {  	[timem:s6], [sflag:s22] =	dma.local [hbm:s4], s20  }
0x9e: {  	_ =	swait.ge [sflag:s22], s20  }
0x9f: {  	s3 =	ssub.s32 $0x0, s20;
	[sflag:s22] =	ssyncset.done $0x0  }
0xa0: {  	[sflag:s22] =	ssyncadd.s32 s3;
	_ =	sdelay $0x1  }
0xa1: {  	s23 =	simm.s32 $0x1B8B  }
0xa2: {  	_ =	swait.ge [sflag:s23], $0x1  }
0xa3: {  	[sflag:s23] =	ssyncset.done $0x0  }
0xa4: {  	s25 =	simm.s32 $0x1B8E;
	s24 =	sld [smem:$0x3FFE];
	[sflag:s23] =	ssyncadd.s32 $0xFFFFFFFF  }
0xa5: {  	s26 =	simm.s32 $execute0_lowered;
	[smem:$0x3FD2] =	sst s25  }
0xa6: {  	s4 =	sshll.u32 s26, $0x1;
	_ =	strace $0x8000004C;
	[dreg:$0x1] =	wrdreg $0xFFFFFFFF  }
0xa7: {  	s28 =	simm.s32 $_size_execute0_lowered;
	s2 =	sadd.s32 s2, s4;
	[dreg:$0x0] =	wrdreg $0x0  }
0xa8: {  	s4 =	sshll.u32 s28, $0x1;
	[dreg:$0x2] =	wrdreg s2  }
0xa9: {  	[dreg:$0x3] =	wrdreg s4  }
0xaa: {  	[dreg:$0x4] =	wrdreg $0xC0  }
0xab: {  	_ =	task [dreg:s6], $0x5FFFF  }
0xac: {  	[dreg:$0x1] =	wrdreg $0xFFFFFFFF  }
0xad: {  	[dreg:$0x0] =	wrdreg $0x60  }
0xae: {  	[dreg:$0x2] =	wrdreg s24  }
0xaf: {  	[dreg:$0x3] =	wrdreg $0x9  }
0xb0: {  	_ =	task.clear_ibuf [dreg:s6], $0x4FFFF;
	_ =	strace $0x9000004C  }
0xb1: {  	s29 =	simm.s32 $0x9;
	_ =	strace $0x8000004E  }
0xb2: {  	_ =	swait.ge [sflag:s29], $0x1  }
0xb3: {  	[sflag:s29] =	ssyncadd.s32 $0xFFFFFFFF  }
0xb4: {  	_ =	strace $0x9000004E  }
0xb5: {  	_ =	sfence  }
0xb6: {  	s30 =	sld [smem:$0x0];
	_ =	sdelay $0x2  }
0xb7: {  	s31 =	sshll.u32 s1, $0xD;
	s1 =	sshrl.u32 s1, $0x2  }
0xb8: {  	s3 =	sand.u32 $0x4000, s31;
	s1 =	sadd.s32 s1, s30  }
0xb9: {  	s0 =	sor.u32 s3, s0;
	s1 =	sshll.u32 s1, $0x11  }
0xba: {  	s0 =	sor.u32 s1, s0  }
0xbb: {  	s0 =	sadd.s32 $0x8F2B, s0  }
0xbc: {  	[sflag:s0] =	ssyncadd.remote.s32 $0x1  }
0xbd: {  	_ =	sfence.sel $0xFFFF  }
0xbe: {  	[dreg:$0x0] =	wrdreg $0xFFFFFFFF;
	(pc) =	sbr.abs _section_cstart, $3  }
0xbf: {  	[dreg:$0x1] =	wrdreg $0xFFFFFFFF  }
0xc0: {  	_ =	task.clear_ibuf [dreg:s6], $0x2FFFF;
	_ =	strace $0x9FFFFFFF  }
0xc1: {  	(tm) =	ssettm $0x7FFFFFFF  }
tec
execute0_lowered:
.L_overlay_start_1:
0x0: {  	(tag) =	ssettag $0x1  }
0x1: {  	s6 =	rddreg [dreg:$0x0]  }
0x2: {  	s0 =	rddreg [dreg:$0x1];
	s2 =	simm.s32 $0x0  }
0x3: {  	s3 =	srdreg.scid;
	s1 =	stileid.u32;
	s13 =	simm.s32 $0x80  }
0x4: {  	s14 =	simm.s32 $0x100;
	s15 =	simm.s32 $0x4180;
	s16 =	simm.s32 $0x0  }
0x5: {  	[smem:$0x7FF] =	sst s2;
	s7 =	sand.u32 $0x1, s3;
	s4 =	sshll.u32 s1, $0x1  }
0x6: {  	s3 =	sadd.s32 $0x7BF200, s6;
	s5 =	sadd.s32 $0x67F000, s6;
	s11 =	sshrl.u32 s1, $0x2  }
0x7: {  	_ =	strace $0x8000004D;
	s8 =	sor.u32 s7, s4;
	s11 =	smul.u32 $0x280000, s11  }
0x8: {  	s4 =	sadd.s32 $0x53F000, s6;
	s7 =	ssub.s32 $0x2, s7;
	s10 =	smul.u32 $0x1400, s8  }
.Ltmp0:
0x9: {  	s9 =	sshll.u32 s8, $0x1;
	s8 =	sshll.u32 s8, $0x7;
	(pc) =	sbr.rel .LBB2_1-.Ltmp0, $4  }
0xa: {  	s31 =	sshrl.u32 s7, $0x1;
	s9 =	sadd.s32 s9, s6;
	s8 =	sand.u32 $0x380, s8  }
0xb: {  	s12 =	ssub.s32 s7, s31;
	s10 =	sadd.s32 s10, s6;
	s6 =	sadd.s32 $0x7BF000, s9  }
0xc: {  	s7 =	sor.u32 s8, s11;
	s9 =	smax.u32 s12, $0x1;
	s11 =	simm.s32 $0x2  }
0xd: {  	v0 =	vimm.f32 $0.0e+00;
	s12 =	simm.s32 $0x1;
	s8 =	sadd.s32 $0xD000, s10;
	s10 =	simm.s32 $0x4100  }
.LBB2_7:
0xe: {  	s16 =	sadd.s32 $0x1, s16  }
0xf: {  	p0 =	sne.s32 s16, s9  }
.Ltmp1:
0x10: {  	_ = 	snop;
	(pc) =	sbr.rel @!p0 .LBB2_8-.Ltmp1, $4  }
0x11: {  	[hbm4b:s8+s2] =	stream.linear.scatter [tilespmem:s15], [sflag:$0x2], $0xA000, $0x38;
	[tilespmem:$0xE200] =	vst v63  }
0x12: {  	_ =	swait.ge [sflag:s11], $0xA000  }
0x13: {  	[sflag:s11] =	ssyncset.done $0x0  }
0x14: {  	[sflag:s11] =	ssyncadd.s32 $0xFFFF6000  }
.LBB2_1:
0x15: {  	s17 =	simm.s32 $0x40;
	s18 =	simm.s32 $0x0  }
.LBB2_2:
0x16: {  	p0 =	sne.s32 s17, $0x281C0;
	[tilespmem:s18+$0x4180] =	vst v0;
	s18 =	smov.u32 s17;
	s17 =	sadd.s32 $0x40, s17  }
.Ltmp2:
0x17: {  	(pc) =	sbr.rel @p0 .LBB2_2-.Ltmp2, $2  }
0x18: {  	_ =	sdelay $0x2  }
0x19: {  	s18 =	sshra.s32 s18, $0x2  }
0x1a: {  	[tilespmem:s18+$0x4180] =	vst v0;
	s17 =	simm.s32 $0x0  }
0x1b: {  	[tilespmem:s10], [sflag:$0x2] =	stream.linear.gather [hbm4b:s6+s17], $0x10, $0x38;
	[tilespmem:$0xE200] =	vst v63  }
0x1c: {  	_ =	swait.ge [sflag:s11], $0x10  }
0x1d: {  	[sflag:s11] =	ssyncset.done $0x0  }
0x1e: {  	[sflag:s11] =	ssyncadd.s32 $0xFFFFFFF0  }
0x1f: {  	v1 =	vld [tilespmem:$0x4100];
	_ =	sdelay $0x4  }
0x20: {  	v1 =	vxor.u32 $0x80000000, v1  }
0x21: {  	(xrf0) =	vmax.scan.msk.u32 $0xffff, v1;
	_ =	sdelay $0x5  }
0x22: {  	v1, _, _ =	vpop (xrf0)  }
0x23: {  	(v2sf) =	vpush v1, $0xF;
	_ =	sdelay $0xe  }
0x24: {  	s30 =	spop (v2sf)  }
0x25: {  	s18 =	sadd.s32 $0x8000007F, s30  }
0x26: {  	s19 =	sand.u32 $0x7F, s18  }
0x27: {  	s31 =	sshra.s32 s18, $0x1F;
	p1 =	slt.s32 s18, $0x1;
	p0 =	sne.s32 s19, $0x0  }
0x28: {  	s19 =	sshrl.u32 s31, $0x19;
	p0 =	por !p1, !p0  }
0x29: {  	s18 =	sadd.s32 s19, s18;
	s19 =	simm.s32 $0x1;
	p0 =	por !p0, !p0  }
0x2a: {  	s18 =	sshra.s32 s18, $0x7;
	s19 =	simm.s32 @!p0 $0x0  }
0x2b: {  	s18 =	ssub.s32 s18, s19  }
0x2c: {  	p0 =	slt.s32 s18, $0x1  }
.Ltmp3:
0x2d: {  	_ = 	snop;
	(pc) =	sbr.rel @p0 .LBB2_7-.Ltmp3, $2  }
0x2e: {  	_ =	sdelay $0x2  }
0x2f: {  	s19 =	simm.s32 $0x0  }
.LBB2_4:
0x30: {  	s20 =	sshll.u32 s19, $0xA  }
0x31: {  	s20 =	sadd.s32 s7, s20  }
0x32: {  	s20 =	sshrl.u32 s20, $0x3  }
0x33: {  	s21 =	sadd.s32 s4, s20  }
0x34: {  	[tilespmem:s17], [sflag:$0x2] =	stream.linear.gather [hbm4b:s21+s17], $0x80, $0x38;
	[tilespmem:$0xE200] =	vst v63  }
0x35: {  	_ =	swait.ge [sflag:s11], $0x80  }
0x36: {  	[sflag:s11] =	ssyncset.done $0x0  }
0x37: {  	s20 =	sadd.s32 s5, s20;
	[sflag:s11] =	ssyncadd.s32 $0xFFFFFF80  }
0x38: {  	[tilespmem:s13], [sflag:$0x2] =	stream.linear.gather [hbm4b:s20+s17], $0x80, $0x38;
	[tilespmem:$0xE200] =	vst v63  }
0x39: {  	_ =	swait.ge [sflag:s11], $0x80  }
0x3a: {  	[sflag:s11] =	ssyncset.done $0x0  }
0x3b: {  	v1 =	vmov s17;
	[sflag:s11] =	ssyncadd.s32 $0xFFFFFF80  }
0x3c: {  	[tilespmem:s14], [sflag:$0x1] =	stream.indirect.gather [hbm4b:s3+s13], $0x80, s17, s13, $0xb8;
	[tilespmem:$0xE200] =	vst v63  }
0x3d: {  	_ =	swait.ge [sflag:s12], $0x4000  }
0x3e: {  	[sflag:s12] =	ssyncset.done $0x0  }
0x3f: {  	[sflag:s12] =	ssyncadd.s32 $0xFFFFC000  }
0x40: {  	v1 =	vld.idx.msk [tilespmem:v1+s13+$0x0], $0xffff;
	_ =	sdelay $0x4  }
0x41: {  	v1 =	vxor.u32 $0x80000000, v1  }
0x42: {  	(xrf0) =	vmax.scan.msk.u32 $0xffff, v1;
	_ =	sdelay $0x5  }
0x43: {  	v1, _, _ =	vpop (xrf0)  }
0x44: {  	(v2sf) =	vpush v1, $0xF;
	_ =	sdelay $0xe  }
0x45: {  	s31 =	spop (v2sf)  }
0x46: {  	s20 =	simm.s32 $0x140;
	s21 =	sshll.u32 s31, $0x9  }
0x47: {  	v1 =	vld [tilespmem:s20+$0xFFFFFFC0];
	s22 =	sshra.s32 s21, $0x2  }
0x48: {  	v2 =	vld [tilespmem:s22+$0x4180];
	_ =	sdelay $0x4  }
0x49: {  	v1 =	vmax.f32 v2, v1  }
0x4a: {  	[tilespmem:s22+$0x4180] =	vst v1;
	v1 =	vld [tilespmem:s22+$0x4190]  }
0x4b: {  	v2 =	vld [tilespmem:s20+$0xFFFFFFD0];
	_ =	sdelay $0x4  }
0x4c: {  	v1 =	vmax.f32 v1, v2  }
0x4d: {  	[tilespmem:s22+$0x4190] =	vst v1;
	v1 =	vld [tilespmem:s22+$0x41A0]  }
0x4e: {  	v2 =	vld [tilespmem:s20+$0xFFFFFFE0];
	_ =	sdelay $0x4  }
0x4f: {  	v1 =	vmax.f32 v1, v2  }
0x50: {  	[tilespmem:s22+$0x41A0] =	vst v1;
	v1 =	vld [tilespmem:s22+$0x41B0]  }
0x51: {  	v2 =	vld [tilespmem:s20+$0xFFFFFFF0];
	_ =	sdelay $0x4  }
0x52: {  	v1 =	vmax.f32 v1, v2  }
0x53: {  	[tilespmem:s22+$0x41B0] =	vst v1;
	v1 =	vld [tilespmem:s22+$0x41C0]  }
0x54: {  	v2 =	vld [tilespmem:s20+$0x0];
	_ =	sdelay $0x4  }
0x55: {  	v1 =	vmax.f32 v1, v2  }
0x56: {  	[tilespmem:s22+$0x41C0] =	vst v1;
	v1 =	vld [tilespmem:s22+$0x41D0]  }
0x57: {  	v2 =	vld [tilespmem:s20+$0x10];
	_ =	sdelay $0x4  }
0x58: {  	v1 =	vmax.f32 v1, v2  }
0x59: {  	[tilespmem:s22+$0x41D0] =	vst v1;
	v1 =	vld [tilespmem:s22+$0x41E0]  }
0x5a: {  	v2 =	vld [tilespmem:s20+$0x20];
	_ =	sdelay $0x4  }
0x5b: {  	v1 =	vmax.f32 v1, v2  }
0x5c: {  	v2 =	vld [tilespmem:s22+$0x41F0];
	[tilespmem:s22+$0x41E0] =	vst v1  }
0x5d: {  	v3 =	vld [tilespmem:s20+$0x30];
	_ =	sdelay $0x1  }
0x5e: {  	s23 =	simm.s32 $0x1  }
0x5f: {  	v1 =	vmov s23;
	_ =	sdelay $0x1  }
0x60: {  	s21 =	simm.s32 $0x2;
	v2 =	vmax.f32 v2, v3  }
.LBB2_5:
0x61: {  	p0 =	sne.s32 s21, $0x7F  }
0x62: {  	[tilespmem:s22+$0x41F0] =	vst v2;
	s20 =	sadd.s32 $0x80, s20;
	s23 =	smov.u32 s21;
	s21 =	sadd.s32 $0x1, s21  }
0x63: {  	v1 =	vld.idx.msk [tilespmem:v1+s13+$0x0], $0xffff;
	_ =	sdelay $0x5  }
0x64: {  	v1 =	vxor.u32 $0x80000000, v1  }
0x65: {  	(xrf0) =	vmax.scan.msk.u32 $0xffff, v1;
	_ =	sdelay $0x5  }
0x66: {  	v1, _, _ =	vpop (xrf0)  }
0x67: {  	(v2sf) =	vpush v1, $0xF;
	_ =	sdelay $0xe  }
0x68: {  	s22 =	spop (v2sf)  }
0x69: {  	s22 =	sshll.u32 s22, $0x9  }
0x6a: {  	s22 =	sshra.s32 s22, $0x2;
	v1 =	vld [tilespmem:s20+$0xFFFFFFC0]  }
0x6b: {  	v2 =	vld [tilespmem:s22+$0x4180];
	_ =	sdelay $0x4  }
0x6c: {  	v1 =	vmax.f32 v2, v1  }
0x6d: {  	[tilespmem:s22+$0x4180] =	vst v1;
	v1 =	vld [tilespmem:s22+$0x4190]  }
0x6e: {  	v2 =	vld [tilespmem:s20+$0xFFFFFFD0];
	_ =	sdelay $0x4  }
0x6f: {  	v1 =	vmax.f32 v1, v2  }
0x70: {  	[tilespmem:s22+$0x4190] =	vst v1;
	v1 =	vld [tilespmem:s22+$0x41A0]  }
0x71: {  	v2 =	vld [tilespmem:s20+$0xFFFFFFE0];
	_ =	sdelay $0x4  }
0x72: {  	v1 =	vmax.f32 v1, v2  }
0x73: {  	[tilespmem:s22+$0x41A0] =	vst v1;
	v1 =	vld [tilespmem:s22+$0x41B0]  }
0x74: {  	v2 =	vld [tilespmem:s20+$0xFFFFFFF0];
	_ =	sdelay $0x4  }
0x75: {  	v1 =	vmax.f32 v1, v2  }
0x76: {  	[tilespmem:s22+$0x41B0] =	vst v1;
	v1 =	vld [tilespmem:s22+$0x41C0]  }
0x77: {  	v2 =	vld [tilespmem:s20+$0x0];
	_ =	sdelay $0x4  }
0x78: {  	v1 =	vmax.f32 v1, v2  }
0x79: {  	[tilespmem:s22+$0x41C0] =	vst v1;
	v1 =	vld [tilespmem:s22+$0x41D0]  }
0x7a: {  	v2 =	vld [tilespmem:s20+$0x10];
	_ =	sdelay $0x4  }
0x7b: {  	v1 =	vmax.f32 v1, v2  }
0x7c: {  	[tilespmem:s22+$0x41D0] =	vst v1;
	v1 =	vld [tilespmem:s22+$0x41E0]  }
0x7d: {  	v2 =	vld [tilespmem:s20+$0x20];
	_ =	sdelay $0x4  }
0x7e: {  	v1 =	vmax.f32 v1, v2  }
0x7f: {  	[tilespmem:s22+$0x41E0] =	vst v1;
	v2 =	vld [tilespmem:s22+$0x41F0]  }
0x80: {  	v3 =	vld [tilespmem:s20+$0x30]  }
.Ltmp4:
0x81: {  	(pc) =	sbr.rel @p0 .LBB2_5-.Ltmp4, $2  }
0x82: {  	v1 =	vmov s23;
	_ =	sdelay $0x2  }
0x83: {  	v2 =	vmax.f32 v2, v3  }
0x84: {  	_ =	sdelay $0x2  }
0x85: {  	[tilespmem:s22+$0x41F0] =	vst v2  }
0x86: {  	v1 =	vld.idx.msk [tilespmem:v1+s13+$0x0], $0xffff;
	_ =	sdelay $0x4  }
0x87: {  	v1 =	vxor.u32 $0x80000000, v1  }
0x88: {  	(xrf0) =	vmax.scan.msk.u32 $0xffff, v1;
	_ =	sdelay $0x5  }
0x89: {  	v1, _, _ =	vpop (xrf0)  }
0x8a: {  	(v2sf) =	vpush v1, $0xF;
	_ =	sdelay $0xe  }
0x8b: {  	s21 =	spop (v2sf)  }
0x8c: {  	s20 =	sadd.s32 $0x80, s20;
	s21 =	sshll.u32 s21, $0x9  }
0x8d: {  	v1 =	vld [tilespmem:s20+$0xFFFFFFC0];
	s21 =	sshra.s32 s21, $0x2  }
0x8e: {  	v2 =	vld [tilespmem:s21+$0x4180];
	_ =	sdelay $0x4  }
0x8f: {  	v1 =	vmax.f32 v2, v1  }
0x90: {  	[tilespmem:s21+$0x4180] =	vst v1;
	v1 =	vld [tilespmem:s21+$0x4190]  }
0x91: {  	v2 =	vld [tilespmem:s20+$0xFFFFFFD0];
	_ =	sdelay $0x4  }
0x92: {  	v1 =	vmax.f32 v1, v2  }
0x93: {  	[tilespmem:s21+$0x4190] =	vst v1;
	v1 =	vld [tilespmem:s21+$0x41A0]  }
0x94: {  	v2 =	vld [tilespmem:s20+$0xFFFFFFE0];
	_ =	sdelay $0x4  }
0x95: {  	v1 =	vmax.f32 v1, v2  }
0x96: {  	[tilespmem:s21+$0x41A0] =	vst v1;
	v1 =	vld [tilespmem:s21+$0x41B0]  }
0x97: {  	v2 =	vld [tilespmem:s20+$0xFFFFFFF0];
	_ =	sdelay $0x4  }
0x98: {  	v1 =	vmax.f32 v1, v2  }
0x99: {  	[tilespmem:s21+$0x41B0] =	vst v1;
	v1 =	vld [tilespmem:s21+$0x41C0]  }
0x9a: {  	v2 =	vld [tilespmem:s20+$0x0];
	_ =	sdelay $0x4  }
0x9b: {  	v1 =	vmax.f32 v1, v2  }
0x9c: {  	[tilespmem:s21+$0x41C0] =	vst v1;
	v1 =	vld [tilespmem:s21+$0x41D0]  }
0x9d: {  	v2 =	vld [tilespmem:s20+$0x10];
	_ =	sdelay $0x4  }
0x9e: {  	v1 =	vmax.f32 v1, v2  }
0x9f: {  	[tilespmem:s21+$0x41D0] =	vst v1;
	v1 =	vld [tilespmem:s21+$0x41E0]  }
0xa0: {  	v2 =	vld [tilespmem:s20+$0x20];
	_ =	sdelay $0x4  }
0xa1: {  	v1 =	vmax.f32 v1, v2  }
0xa2: {  	[tilespmem:s21+$0x41E0] =	vst v1;
	v1 =	vld [tilespmem:s21+$0x41F0]  }
0xa3: {  	s19 =	sadd.s32 $0x1, s19;
	v2 =	vld [tilespmem:s20+$0x30]  }
0xa4: {  	p0 =	sne.s32 s19, s18  }
.Ltmp5:
0xa5: {  	_ = 	snop;
	(pc) =	sbr.rel @p0 .LBB2_4-.Ltmp5, $4  }
.Ltmp6:
0xa6: {  	_ = 	snop;
	(pc) =	sbr.rel @!p0 .LBB2_7-.Ltmp6, $4  }
0xa7: {  	_ = 	snop  }
0xa8: {  	v1 =	vmax.f32 v1, v2  }
0xa9: {  	[tilespmem:s21+$0x41F0] =	vst v1  }
0xaa: {  	_ = 	snop  }
.LBB2_8:
0xab: {  	_ =	sfence.sel $0x180000  }
0xac: {  	[bflag:$0x0] =	sbarrier.arrive $0xFFFF  }
0xad: {  	p0 =	sne.s32 s1, $0x0;
	_ =	strace $0x9000004D  }
0xae: {  	s0 =	sadd.s32 @!p0 $0x100000, s0;
	[bflag:$0x2] =	sbarrier.arrive $0xFFFF  }
0xaf: {  	[sflag:s0] =	ssyncadd.tile.s32 @!p0 $0x1;
	_ =	shalt  }
.Lfunc_end2:
_tile_overlayer_lowered:
.L_overlay_start_2:
0xb0: {  	(tag) =	ssettag $0x2  }
0xb1: {  	s0 =	rddreg [dreg:$0x0];
	s2 =	stileid.u32  }
0xb2: {  	s1 =	rddreg [dreg:$0x1];
	p0 =	sne.s32 s2, $0x0  }
0xb3: {  	s3 =	rddreg [dreg:$0x2];
	[bflag:$0x3] =	sbarrier.arrive $0xFFFF;
	s2 =	simm.s32 @!p0 $0x1C02  }
0xb4: {  	[timem:s3], [sflag:s2] =	dma.local @!p0 [hbm:s0], s1  }
0xb5: {  	s0 =	simm.s32 @!p0 $0x2  }
0xb6: {  	_ =	swait.ge @!p0 [sflag:s0], s1  }
0xb7: {  	s1 =	ssub.s32 @!p0 $0x0, s1;
	[sflag:s0] =	ssyncset.done @!p0 $0x0  }
0xb8: {  	[sflag:s0] =	ssyncadd.s32 @!p0 s1  }
0xb9: {  	[bflag:$0x3] =	sbarrier.arrive $0xFFFF  }
0xba: {  	_ =	shalt  }

// kernel: kernel.20.cloned.1.call-start
scs
__scs_entry_jumppad:
0x0: {  	(pc) =	sbr.rel $0x88, $3  }
0x1: {  	(tag) =	ssettag $0x0;
	lr =	simm.s32 $0x1  }
0x2: {  	[smem:$0x3F97] =	sst lr;
	_ =	strace $0xD0000000  }
0x3: {  	_ = 	snop  }
0x4: {  	_ = 	snop  }
0x5: {  	_ = 	snop  }
0x6: {  	_ = 	snop  }
0x7: {  	_ = 	snop  }
__scs_overlays_trampoline_lowered:
0x8: {  	[smem:$0x3FA6] =	sst s0  }
0x9: {  	[smem:$0x3FA7] =	sst s1  }
0xa: {  	[smem:$0x3FA8] =	sst s2  }
0xb: {  	[smem:$0x3FA9] =	sst s3  }
0xc: {  	[smem:$0x3FAA] =	sst s4  }
0xd: {  	[smem:$0x3FAB] =	sst s5  }
0xe: {  	[smem:$0x3FAC] =	sst s6  }
0xf: {  	[smem:$0x3FAD] =	sst s7  }
0x10: {  	[smem:$0x3FAE] =	sst s8  }
0x11: {  	[smem:$0x3FAF] =	sst s9;
	s0 =	simm.s32 @!p0 $0x0  }
0x12: {  	s1 =	sld [smem:$0x3F95];
	s0 =	simm.s32 @p0 $0x1  }
0x13: {  	[smem:$0x3FB0] =	sst s0;
	s0 =	simm.s32 @!p1 $0x0  }
0x14: {  	s2 =	sld [smem:$0x3F94];
	s0 =	simm.s32 @p1 $0x1  }
0x15: {  	[smem:$0x3FB1] =	sst s0;
	s0 =	simm.s32 @!p2 $0x0  }
0x16: {  	s3 =	sld [smem:$0x3FDB];
	s0 =	simm.s32 @p2 $0x1  }
0x17: {  	s4 =	simm.s32 $0x1BF5;
	[smem:$0x3FB3] =	sst s0  }
0x18: {  	s0 =	sld [smem:$0x3F96];
	_ =	swait.ge [sflag:s4], $0x0  }
0x19: {  	s7 =	sld [smem:$0x3F97]  }
0x1a: {  	s8 =	sadd.s32 $0xFFFFE003, lr  }
0x1b: {  	s9 =	sadd.s32 $0xFFFFFEF7, lr;
	s5 =	simm.s32 $0xFFFFFFFF;
	p2 =	slt.u32 s8, $0xFFFFF086  }
0x1c: {  	p1 =	slt.u32 s9, $0xF7A;
	s5 =	simm.s32 @!p2 $0x0  }
0x1d: {  	s5 =	simm.s32 @p1 $0x1;
	p0 =	seq.s32 s7, s2  }
0x1e: {  	s7 =	smul.u32 @!p0 $0xF7A, s2;
	p2 =	seq.s32 @!p0 s5, $0x0  }
0x1f: {  	s9 =	smul.u32 $0xF7A, s1;
	s8 =	simm.s32 @!p0 $0x1BF5;
	p2 =	por !p2, p0  }
0x20: {  	[sflag:s8] =	ssyncset.s32 @!p0 $0xFFFFF086;
	s6 =	sadd.s32 @!p0 s3, s7;
	s7 =	simm.s32 @!p0 $0x108  }
0x21: {  	s3 =	sadd.s32 s3, s9;
	s6 =	sadd.s32 @!p0 $0x88, s6;
	s7 =	simm.s32 @p2 $0x1082  }
0x22: {  	[simem:s7], [sflag:s8] =	dma.local @!p0 [hbm:s6], $0xF7A  }
0x23: {  	s9 =	sor.u32 $0xD0000000, s2;
	s6 =	simm.s32 $0x108;
	_ =	swait.ge @!p0 [sflag:s8], $0x0  }
0x24: {  	s3 =	sadd.s32 $0x88, s3;
	s6 =	simm.s32 @!p1 $0x1082;
	[sflag:s4] =	ssyncset.s32 $0xFFFFF086  }
0x25: {  	[simem:s6], [sflag:s4] =	dma.local [hbm:s3], $0xF7A  }
0x26: {  	[smem:$0x3F97] =	sst s1;
	(tag) =	ssettag s2;
	_ =	strace s9  }
0x27: {  	s1 =	sld [smem:$0x3FA7]  }
0x28: {  	s2 =	sld [smem:$0x3FA8]  }
0x29: {  	s4 =	sld [smem:$0x3FAA]  }
0x2a: {  	p0 =	seq.s32 s5, $0x0;
	s5 =	sld [smem:$0x3FAB]  }
0x2b: {  	s6 =	sld [smem:$0x3FAC]  }
0x2c: {  	s7 =	sld [smem:$0x3FAD]  }
0x2d: {  	s3 =	simm.s32 $0x108;
	s8 =	sld [smem:$0x3FAE]  }
0x2e: {  	s3 =	simm.s32 @!p0 $0x1082;
	s9 =	sld [smem:$0x3FAF]  }
0x2f: {  	lr =	sadd.s32 s0, s3;
	s0 =	sld [smem:$0x3FA6]  }
0x30: {  	s3 =	sld [smem:$0x3FA9]  }
0x31: {  	[smem:$0x3FB2] =	sst s10  }
0x32: {  	s10 =	sld [smem:$0x3FB0];
	_ =	sdelay $0x3  }
0x33: {  	p0 =	seq.s32 s10, $0x1;
	s10 =	sld [smem:$0x3FB2];
	_ =	sdelay $0x3  }
0x34: {  	[smem:$0x3FB2] =	sst s10  }
0x35: {  	s10 =	sld [smem:$0x3FB1];
	_ =	sdelay $0x3  }
0x36: {  	p1 =	seq.s32 s10, $0x1;
	s10 =	sld [smem:$0x3FB2];
	_ =	sdelay $0x3  }
0x37: {  	[smem:$0x3FB2] =	sst s10  }
0x38: {  	s10 =	sld [smem:$0x3FB3]  }
0x39: {  	_ = 	snop;
	(pc) =	sbr.ind lr, $3  }
0x3a: {  	_ = 	snop  }
0x3b: {  	_ = 	snop  }
0x3c: {  	p2 =	seq.s32 s10, $0x1;
	s10 =	sld [smem:$0x3FB2]  }
0x3d: {  	_ =	shalt  }
0x3e: {  	_ =	shalt  }
0x3f: {  	_ =	shalt  }
0x40: {  	_ =	shalt  }
0x41: {  	_ =	shalt  }
0x42: {  	_ =	shalt  }
0x43: {  	_ =	shalt  }
0x44: {  	_ =	shalt  }
0x45: {  	_ =	shalt  }
0x46: {  	_ =	shalt  }
0x47: {  	_ =	shalt  }
0x48: {  	_ =	shalt  }
0x49: {  	_ =	shalt  }
0x4a: {  	_ =	shalt  }
0x4b: {  	_ =	shalt  }
0x4c: {  	_ =	shalt  }
0x4d: {  	_ =	shalt  }
0x4e: {  	_ =	shalt  }
0x4f: {  	_ =	shalt  }
0x50: {  	_ =	shalt  }
0x51: {  	_ =	shalt  }
0x52: {  	_ =	shalt  }
0x53: {  	_ =	shalt  }
0x54: {  	_ =	shalt  }
0x55: {  	_ =	shalt  }
0x56: {  	_ =	shalt  }
0x57: {  	_ =	shalt  }
0x58: {  	_ =	shalt  }
0x59: {  	_ =	shalt  }
0x5a: {  	_ =	shalt  }
0x5b: {  	_ =	shalt  }
0x5c: {  	_ =	shalt  }
0x5d: {  	_ =	shalt  }
0x5e: {  	_ =	shalt  }
0x5f: {  	_ =	shalt  }
0x60: {  	_ =	shalt  }
0x61: {  	_ =	shalt  }
0x62: {  	_ =	shalt  }
0x63: {  	_ =	shalt  }
0x64: {  	_ =	shalt  }
0x65: {  	_ =	shalt  }
0x66: {  	_ =	shalt  }
0x67: {  	_ =	shalt  }
0x68: {  	_ =	shalt  }
0x69: {  	_ =	shalt  }
0x6a: {  	_ =	shalt  }
0x6b: {  	_ =	shalt  }
0x6c: {  	_ =	shalt  }
0x6d: {  	_ =	shalt  }
0x6e: {  	_ =	shalt  }
0x6f: {  	_ =	shalt  }
0x70: {  	_ =	shalt  }
0x71: {  	_ =	shalt  }
0x72: {  	_ =	shalt  }
0x73: {  	_ =	shalt  }
0x74: {  	_ =	shalt  }
0x75: {  	_ =	shalt  }
0x76: {  	_ =	shalt  }
0x77: {  	_ =	shalt  }
0x78: {  	_ =	shalt  }
0x79: {  	_ =	shalt  }
0x7a: {  	_ =	shalt  }
0x7b: {  	_ =	shalt  }
0x7c: {  	_ =	shalt  }
0x7d: {  	_ =	shalt  }
0x7e: {  	_ =	shalt  }
0x7f: {  	_ =	shalt  }
0x80: {  	_ =	shalt  }
0x81: {  	_ =	shalt  }
0x82: {  	_ =	shalt  }
0x83: {  	_ =	shalt  }
0x84: {  	_ =	shalt  }
0x85: {  	_ =	shalt  }
0x86: {  	_ =	shalt  }
0x87: {  	_ =	shalt  }
.Lfunc_end0:
.L_simem_size_0:
called_computation.3_lowered:
.L_overlay_start_0:
0x88: {  	s2 =	sld [smem:$0x3FD9]  }
0x89: {  	s3 =	sld [smem:$0x3FFE];
	_ =	sdelay $0x1  }
0x8a: {  	s1 =	srdreg.scid  }
0x8b: {  	s0 =	sand.u32 $0x1, s1  }
0x8c: {  	s17 =	sshll.u32 s0, $0xA;
	s2 =	sadd.s32 s3, s2  }
0x8d: {  	s2 =	sadd.s32 s2, s17  }
0x8e: {  	[smem:$0x3FBE] =	sst s2  }
0x8f: {  	_ = 	snop  }
0x90: {  	s2 =	sld [smem:$0x3FD0];
	(tm) =	ssettm $0x1  }
0x91: {  	s18 =	sld [smem:$0x3FFB];
	_ =	sdelay $0x3  }
0x92: {  	_ =	strace s18  }
0x93: {  	s3 =	sld [smem:$0x3FFC];
	_ =	sdelay $0x3  }
0x94: {  	_ =	strace s3  }
0x95: {  	s3 =	sld [smem:$0x3FFD];
	_ =	sdelay $0x3  }
0x96: {  	_ =	strace s3  }
0x97: {  	_ =	strace $0x8FFFFFFF  }
0x98: {  	s19 =	sld [smem:$0x3FDB];
	_ =	sdelay $0x1  }
0x99: {  	s4 =	simm.s32 $_scs_section_size  }
0x9a: {  	s5 =	simm.s32 $_size__tile_overlayer_lowered;
	s6 =	simm.s32 $_tile_overlayer_lowered  }
0x9b: {  	s22 =	simm.s32 $0x1BFF;
	s21 =	sshll.u32 s6, $0x1;
	s3 =	sadd.s32 s4, s19  }
0x9c: {  	s7 =	simm.s32 $0x0;
	s20 =	sshll.u32 s5, $0x1;
	s5 =	sadd.s32 s21, s3  }
0x9d: {  	[timem:s7], [sflag:s22] =	dma.local [hbm:s5], s20  }
0x9e: {  	_ =	swait.ge [sflag:s22], s20  }
0x9f: {  	s4 =	ssub.s32 $0x0, s20;
	[sflag:s22] =	ssyncset.done $0x0  }
0xa0: {  	[sflag:s22] =	ssyncadd.s32 s4;
	_ =	sdelay $0x1  }
0xa1: {  	s23 =	simm.s32 $0x1B8B  }
0xa2: {  	_ =	swait.ge [sflag:s23], $0x1  }
0xa3: {  	[sflag:s23] =	ssyncset.done $0x0  }
0xa4: {  	s25 =	simm.s32 $0x1B8E;
	s24 =	sld [smem:$0x3FFE];
	[sflag:s23] =	ssyncadd.s32 $0xFFFFFFFF  }
0xa5: {  	s26 =	simm.s32 $execute0_lowered;
	[smem:$0x3FD2] =	sst s25  }
0xa6: {  	s5 =	sshll.u32 s26, $0x1;
	_ =	strace $0x8000004F;
	[dreg:$0x1] =	wrdreg $0xFFFFFFFF  }
0xa7: {  	s28 =	simm.s32 $_size_execute0_lowered;
	s3 =	sadd.s32 s3, s5;
	[dreg:$0x0] =	wrdreg $0x0  }
0xa8: {  	s5 =	sshll.u32 s28, $0x1;
	[dreg:$0x2] =	wrdreg s3  }
0xa9: {  	[dreg:$0x3] =	wrdreg s5  }
0xaa: {  	[dreg:$0x4] =	wrdreg $0xC0  }
0xab: {  	_ =	task [dreg:s7], $0x5FFFF  }
0xac: {  	[dreg:$0x1] =	wrdreg $0xFFFFFFFF  }
0xad: {  	[dreg:$0x0] =	wrdreg $0x60  }
0xae: {  	[dreg:$0x2] =	wrdreg s24  }
0xaf: {  	[dreg:$0x3] =	wrdreg s2  }
0xb0: {  	[dreg:$0x4] =	wrdreg $0x9  }
0xb1: {  	_ =	task.clear_ibuf [dreg:s7], $0x5FFFF;
	_ =	strace $0x9000004F  }
0xb2: {  	s29 =	simm.s32 $0x9;
	_ =	strace $0x80000051  }
0xb3: {  	_ =	swait.ge [sflag:s29], $0x1  }
0xb4: {  	[sflag:s29] =	ssyncadd.s32 $0xFFFFFFFF  }
0xb5: {  	_ =	strace $0x90000051  }
0xb6: {  	_ =	sfence  }
0xb7: {  	s30 =	sld [smem:$0x0];
	_ =	sdelay $0x2  }
0xb8: {  	s31 =	sshll.u32 s1, $0xD;
	s1 =	sshrl.u32 s1, $0x2  }
0xb9: {  	s3 =	sand.u32 $0x4000, s31;
	s1 =	sadd.s32 s1, s30  }
0xba: {  	s0 =	sor.u32 s3, s0;
	s1 =	sshll.u32 s1, $0x11  }
0xbb: {  	s0 =	sor.u32 s1, s0  }
0xbc: {  	s0 =	sadd.s32 $0x8F2B, s0  }
0xbd: {  	[sflag:s0] =	ssyncadd.remote.s32 $0x1  }
0xbe: {  	_ =	sfence.sel $0xFFFF  }
0xbf: {  	[dreg:$0x0] =	wrdreg $0xFFFFFFFF;
	(pc) =	sbr.abs _section_cstart, $3  }
0xc0: {  	[dreg:$0x1] =	wrdreg $0xFFFFFFFF  }
0xc1: {  	_ =	task.clear_ibuf [dreg:s7], $0x2FFFF;
	_ =	strace $0x9FFFFFFF  }
0xc2: {  	(tm) =	ssettm $0x7FFFFFFF  }
0xc3: {  	_ =	shalt  }
tec
execute0_lowered:
.L_overlay_start_1:
0x0: {  	(tag) =	ssettag $0x1  }
0x1: {  	s1 =	rddreg [dreg:$0x0]  }
0x2: {  	s2 =	srdreg.scid;
	s0 =	stileid.u32  }
0x3: {  	s8 =	rddreg [dreg:$0x1];
	s12 =	simm.s32 $0x50;
	s13 =	simm.s32 $0x4F00  }
0x4: {  	s14 =	simm.s32 $0x9F00;
	s15 =	simm.s32 $0x27D0;
	s16 =	simm.s32 $0x7700  }
0x5: {  	s17 =	simm.s32 $0xC700;
	s18 =	simm.s32 $0x5;
	s19 =	simm.s32 $0x1  }
0x6: {  	s20 =	simm.s32 $0x3;
	s21 =	simm.s32 $0xEF00;
	s22 =	simm.s32 $0x2  }
0x7: {  	s23 =	simm.s32 $0x4;
	s5 =	sand.u32 $0x1, s2;
	s3 =	sshll.u32 s0, $0x1  }
0x8: {  	s24 =	simm.s32 $0x11700;
	s25 =	simm.s32 $0x0;
	s3 =	sor.u32 s5, s3  }
0x9: {  	s2 =	simm.s32 $0x0;
	s4 =	sadd.s32 $0xD000, s1;
	s3 =	smul.u32 $0x2710, s3  }
.Ltmp0:
0xa: {  	s6 =	sadd.s32 $0x5D000, s1;
	s7 =	ssub.s32 $0x2, s5;
	(pc) =	sbr.rel .LBB2_1-.Ltmp0, $4  }
0xb: {  	[smem:$0x7FF] =	sst s2;
	s5 =	sadd.s32 $0x35000, s1;
	s11 =	sshrl.u32 s7, $0x1  }
0xc: {  	_ =	strace $0x80000050;
	s31 =	ssub.s32 s7, s11;
	s9 =	sshrl.u32 s3, $0x3  }
0xd: {  	s11 =	simm.s32 $0x2780;
	s10 =	sadd.s32 s9, s1;
	s8 =	sadd.s32 s8, s9  }
0xe: {  	s9 =	smax.u32 s31, $0x1;
	s7 =	sadd.s32 $0x3200, s10;
	s10 =	simm.s32 $0x7  }
.LBB2_3:
0xf: {  	_ =	swait.ge [sflag:s18], $0x2800  }
0x10: {  	[sflag:s18] =	ssyncset.done $0x0  }
0x11: {  	[sflag:s18] =	ssyncadd.s32 $0xFFFFD800  }
.LBB2_11:
0x12: {  	s25 =	sadd.s32 $0x1, s25  }
0x13: {  	p0 =	sne.s32 s25, s9  }
.Ltmp1:
0x14: {  	_ = 	snop;
	(pc) =	sbr.rel @!p0 .LBB2_12-.Ltmp1, $1  }
0x15: {  	_ =	sdelay $0x3  }
.LBB2_1:
0x16: {  	[tilespmem:s2], [sflag:$0x7] =	stream.linear.gather [hbm4b:s7+s2], $0x2710, $0x38;
	[tilespmem:$0x13F00] =	vst v63  }
0x17: {  	_ =	swait.ge [sflag:s10], $0x2710  }
0x18: {  	[sflag:s10] =	ssyncset.done $0x0  }
0x19: {  	[sflag:s10] =	ssyncadd.s32 $0xFFFFD8F0  }
0x1a: {  	[tilespmem:s11], [sflag:$0x7] =	stream.linear.gather [hbm4b:s8+s2], $0x2710, $0x38;
	[tilespmem:$0x13F00] =	vst v63  }
0x1b: {  	_ =	swait.ge [sflag:s10], $0x2710  }
0x1c: {  	[sflag:s10] =	ssyncset.done $0x0  }
0x1d: {  	[sflag:s10] =	ssyncadd.s32 $0xFFFFD8F0  }
0x1e: {  	[tilespmem:s13], [sflag:$0x1] =	stream.indirect.gather [hbm4b:s4+s12], $0x80, s11, s12, $0xb8;
	[tilespmem:$0x13F00] =	vst v63  }
0x1f: {  	_ = 	snop  }
0x20: {  	[tilespmem:s14], [sflag:$0x3] =	stream.indirect.gather [hbm4b:s5+s12], $0x80, s2, s12, $0xb8;
	[tilespmem:$0x13F00] =	vst v63  }
.Ltmp2:
0x21: {  	_ = 	snop;
	(pc) =	sbr.rel .LBB2_2-.Ltmp2, $4  }
0x22: {  	_ = 	snop  }
0x23: {  	[tilespmem:s16], [sflag:$0x2] =	stream.indirect.gather [hbm4b:s4+s12], $0x80, s15, s12, $0xb8;
	[tilespmem:$0x13F00] =	vst v63  }
0x24: {  	s26 =	simm.s32 $0x0  }
0x25: {  	[tilespmem:s17], [sflag:$0x4] =	stream.indirect.gather [hbm4b:s5+s12], $0x80, s12, s12, $0xb8;
	[tilespmem:$0x13F00] =	vst v63  }
.LBB2_13:
0x26: {  	p0 =	seq.s32 s26, $0x0  }
0x27: {  	p1 =	sgt.u32 @!p0 s29, $0x7E  }
0x28: {  	p0 =	por p1, p0  }
0x29: {  	s1 =	simm.s32 @!p0 $0x6  }
0x2a: {  	_ =	swait.ge @!p0 [sflag:s1], $0x2800  }
0x2b: {  	[sflag:s1] =	ssyncset.done @!p0 $0x0  }
0x2c: {  	[sflag:s1] =	ssyncadd.s32 @!p0 $0xFFFFD800  }
.LBB2_10:
0x2d: {  	p0 =	sgt.u32 s26, $0x3C  }
0x2e: {  	s1 =	sadd.s32 @!p0 $0x2870, s28;
	s29 =	simm.s32 @!p0 $0x50;
	s30 =	simm.s32 @!p0 $0x7700  }
0x2f: {  	[tilespmem:s30], [sflag:$0x2] =	stream.indirect.gather @!p0 [hbm4b:s4+s29], $0x80, s1, s29, $0xb8;
	[tilespmem:$0x13F00] =	vst v63  }
0x30: {  	s26 =	sadd.s32 $0x1, s26;
	s1 =	sadd.s32 @!p0 $0xF0, s28;
	s28 =	simm.s32 @!p0 $0xC700  }
0x31: {  	[tilespmem:s28], [sflag:$0x4] =	stream.indirect.gather @!p0 [hbm4b:s5+s29], $0x80, s1, s29, $0xb8;
	[tilespmem:$0x13F00] =	vst v63  }
0x32: {  	p0 =	sne.s32 s26, $0x40  }
.Ltmp3:
0x33: {  	_ = 	snop;
	(pc) =	sbr.rel @!p0 .LBB2_11-.Ltmp3, $1  }
0x34: {  	_ =	sdelay $0x3  }
.LBB2_2:
0x35: {  	p0 =	sne.s32 s26, $0x3F  }
.Ltmp4:
0x36: {  	_ = 	snop;
	(pc) =	sbr.rel @!p0 .LBB2_3-.Ltmp4, $1  }
0x37: {  	_ =	sdelay $0x3  }
0x38: {  	_ =	swait.ge [sflag:s19], $0x2800  }
0x39: {  	[sflag:s19] =	ssyncset.done $0x0  }
0x3a: {  	s29 =	sshll.u32 s26, $0x1;
	[sflag:s19] =	ssyncadd.s32 $0xFFFFD800  }
0x3b: {  	s1 =	sadd.s32 $0xFFFFFFFE, s29;
	_ =	swait.ge [sflag:s20], $0x2800  }
0x3c: {  	p0 =	sgt.u32 s1, $0x7C;
	[sflag:s20] =	ssyncset.done $0x0  }
0x3d: {  	s1 =	simm.s32 @!p0 $0x5;
	[sflag:s20] =	ssyncadd.s32 $0xFFFFD800  }
0x3e: {  	_ =	swait.ge @!p0 [sflag:s1], $0x2800  }
0x3f: {  	[sflag:s1] =	ssyncset.done @!p0 $0x0  }
0x40: {  	s28 =	simm.s32 $0x0;
	[sflag:s1] =	ssyncadd.s32 @!p0 $0xFFFFD800  }
0x41: {  	v0 =	vld [tilespmem:s28+$0x4F70]  }
0x42: {  	v1 =	vld [tilespmem:s28+$0x9F70]  }
0x43: {  	v2 =	vld [tilespmem:s28+$0x4F00]  }
0x44: {  	v3 =	vld [tilespmem:s28+$0x9F00]  }
0x45: {  	v4 =	vld [tilespmem:s28+$0x4F10]  }
0x46: {  	v5 =	vld [tilespmem:s28+$0x9F10]  }
0x47: {  	v6 =	vld [tilespmem:s28+$0x4F20]  }
0x48: {  	v0 =	vadd.f32 v1, v0;
	v1 =	vld [tilespmem:s28+$0x9F20]  }
0x49: {  	v7 =	vld [tilespmem:s28+$0x4F30]  }
0x4a: {  	v8 =	vld [tilespmem:s28+$0x9F30];
	v2 =	vadd.f32 v3, v2  }
0x4b: {  	v9 =	vld [tilespmem:s28+$0x4F40];
	v0 =	vmax.f32 v0, $0.0e+00  }
0x4c: {  	[tilespmem:s28+$0xEF70] =	vst v0;
	v0 =	vmax.f32 v2, $0.0e+00;
	v2 =	vadd.f32 v5, v4;
	v5 =	vld [tilespmem:s28+$0x9F40]  }
0x4d: {  	v3 =	vld [tilespmem:s28+$0x9F50];
	v1 =	vadd.f32 v1, v6  }
0x4e: {  	[tilespmem:s28+$0xEF00] =	vst v0;
	v0 =	vld [tilespmem:s28+$0x4F50];
	v2 =	vmax.f32 v2, $0.0e+00  }
0x4f: {  	v4 =	vld [tilespmem:s28+$0x9F60];
	v6 =	vadd.f32 v8, v7;
	[tilespmem:s28+$0xEF10] =	vst v2;
	v2 =	vmax.f32 v1, $0.0e+00  }
0x50: {  	s30 =	simm.s32 $0x80;
	v1 =	vld [tilespmem:s28+$0x4F60];
	[tilespmem:s28+$0xEF20] =	vst v2  }
0x51: {  	s31 =	simm.s32 $0x400;
	v6 =	vmax.f32 v6, $0.0e+00;
	v5 =	vadd.f32 v5, v9;
	v2 =	vld [tilespmem:s30+$0x4F70]  }
.LBB2_5:
0x52: {  	p0 =	sne.s32 s31, $0x9E00;
	v7 =	vld [tilespmem:s30+$0x9F70];
	[tilespmem:s28+$0xEF30] =	vst v6  }
0x53: {  	v6 =	vld [tilespmem:s30+$0x4F00];
	v5 =	vmax.f32 v5, $0.0e+00;
	v0 =	vadd.f32 v3, v0  }
0x54: {  	v3 =	vld [tilespmem:s30+$0x9F00];
	[tilespmem:s28+$0xEF40] =	vst v5  }
0x55: {  	v5 =	vld [tilespmem:s30+$0x4F10];
	v0 =	vmax.f32 v0, $0.0e+00;
	v1 =	vadd.f32 v4, v1  }
0x56: {  	v4 =	vld [tilespmem:s30+$0x9F10];
	[tilespmem:s28+$0xEF50] =	vst v0  }
0x57: {  	v0 =	vld [tilespmem:s30+$0x4F20];
	v2 =	vadd.f32 v7, v2;
	v1 =	vmax.f32 v1, $0.0e+00  }
0x58: {  	v7 =	vld [tilespmem:s30+$0x9F20];
	[tilespmem:s28+$0xEF60] =	vst v1;
	s28 =	smov.u32 s30  }
0x59: {  	v1 =	vadd.f32 v3, v6;
	v6 =	vld [tilespmem:s28+$0x4F30];
	v2 =	vmax.f32 v2, $0.0e+00  }
0x5a: {  	v8 =	vld [tilespmem:s28+$0x9F30];
	[tilespmem:s28+$0xEF70] =	vst v2  }
0x5b: {  	v1 =	vmax.f32 v1, $0.0e+00;
	v2 =	vadd.f32 v4, v5;
	v5 =	vld [tilespmem:s28+$0x4F40]  }
0x5c: {  	[tilespmem:s28+$0xEF00] =	vst v1;
	v9 =	vld [tilespmem:s28+$0x9F40]  }
.Ltmp5:
0x5d: {  	v1 =	vmax.f32 v2, $0.0e+00;
	v2 =	vadd.f32 v7, v0;
	v0 =	vld [tilespmem:s28+$0x4F50];
	(pc) =	sbr.rel @p0 .LBB2_5-.Ltmp5, $4  }
0x5e: {  	[tilespmem:s28+$0xEF10] =	vst v1;
	v3 =	vld [tilespmem:s28+$0x9F50]  }
0x5f: {  	v2 =	vmax.f32 v2, $0.0e+00;
	v6 =	vadd.f32 v8, v6;
	v1 =	vld [tilespmem:s28+$0x4F60]  }
0x60: {  	s30 =	sshra.s32 s31, $0x2;
	[tilespmem:s28+$0xEF20] =	vst v2;
	v4 =	vld [tilespmem:s28+$0x9F60]  }
0x61: {  	s31 =	sadd.s32 $0x200, s31;
	v2 =	vld [tilespmem:s30+$0x4F70];
	v6 =	vmax.f32 v6, $0.0e+00;
	v5 =	vadd.f32 v9, v5  }
0x62: {  	v7 =	vld [tilespmem:s30+$0x9F70];
	[tilespmem:s28+$0xEF30] =	vst v6  }
0x63: {  	v6 =	vld [tilespmem:s30+$0x4F00];
	v5 =	vmax.f32 v5, $0.0e+00;
	v0 =	vadd.f32 v3, v0  }
0x64: {  	v8 =	vld [tilespmem:s30+$0x9F00];
	[tilespmem:s28+$0xEF40] =	vst v5  }
0x65: {  	v52 =	vld [tilespmem:s30+$0x4F10];
	v0 =	vmax.f32 v0, $0.0e+00;
	v1 =	vadd.f32 v4, v1  }
0x66: {  	v5 =	vld [tilespmem:s30+$0x9F10];
	[tilespmem:s28+$0xEF50] =	vst v0  }
0x67: {  	v0 =	vld [tilespmem:s30+$0x4F20];
	v1 =	vmax.f32 v1, $0.0e+00  }
0x68: {  	v53 =	vld [tilespmem:s30+$0x9F20];
	[tilespmem:s28+$0xEF60] =	vst v1  }
0x69: {  	v1 =	vld [tilespmem:s30+$0x4F30]  }
0x6a: {  	v54 =	vld [tilespmem:s30+$0x9F30]  }
0x6b: {  	v56 =	vld [tilespmem:s30+$0x4F40]  }
0x6c: {  	v57 =	vld [tilespmem:s30+$0x9F40]  }
0x6d: {  	v58 =	vld [tilespmem:s30+$0x4F50]  }
0x6e: {  	v2 =	vadd.f32 v7, v2;
	v59 =	vld [tilespmem:s30+$0x9F50]  }
0x6f: {  	v6 =	vadd.f32 v8, v6;
	v60 =	vld [tilespmem:s30+$0x4F60]  }
0x70: {  	v2 =	vmax.f32 v2, $0.0e+00;
	v61 =	vld [tilespmem:s30+$0x9F60];
	v3 =	vadd.f32 v5, v52  }
0x71: {  	[tilespmem:s30+$0xEF70] =	vst v2;
	v55 =	vmax.f32 v6, $0.0e+00;
	v0 =	vadd.f32 v53, v0  }
0x72: {  	[tilespmem:s30+$0xEF00] =	vst v55;
	v3 =	vmax.f32 v3, $0.0e+00;
	v1 =	vadd.f32 v54, v1  }
0x73: {  	[tilespmem:s30+$0xEF10] =	vst v3;
	v0 =	vmax.f32 v0, $0.0e+00;
	v2 =	vadd.f32 v57, v56  }
0x74: {  	s28 =	smul.u32 $0xA0, s26;
	v3 =	vadd.f32 v59, v58;
	[tilespmem:s30+$0xEF20] =	vst v0;
	v1 =	vmax.f32 v1, $0.0e+00  }
0x75: {  	v0 =	vadd.f32 v61, v60;
	v62 =	vmax.f32 v2, $0.0e+00;
	[tilespmem:s30+$0xEF30] =	vst v1  }
0x76: {  	s1 =	sadd.s32 s3, s28;
	v63 =	vmax.f32 v3, $0.0e+00;
	[tilespmem:s30+$0xEF40] =	vst v62  }
0x77: {  	s1 =	sshll.u32 s1, $0x4;
	[tilespmem:s30+$0xEF50] =	vst v63;
	v0 =	vmax.f32 v0, $0.0e+00  }
0x78: {  	p0 =	sgt.u32 s26, $0x3D;
	s1 =	sadd.s32 s6, s1;
	[tilespmem:s30+$0xEF60] =	vst v0  }
0x79: {  	[hbm4b:s1+s2] =	stream.linear.scatter [tilespmem:s21], [sflag:$0x5], $0x2800, $0x38;
	[tilespmem:$0x13F00] =	vst v63  }
0x7a: {  	s31 =	simm.s32 @!p0 $0x4F00;
	s30 =	simm.s32 @!p0 $0x50;
	s1 =	sadd.s32 @!p0 $0x2820, s28  }
0x7b: {  	[tilespmem:s31], [sflag:$0x1] =	stream.indirect.gather @!p0 [hbm4b:s4+s30], $0x80, s1, s30, $0xb8;
	[tilespmem:$0x13F00] =	vst v63  }
0x7c: {  	s29 =	sor.u32 $0x1, s29;
	s1 =	sadd.s32 @!p0 $0xA0, s28;
	s31 =	simm.s32 @!p0 $0x9F00  }
0x7d: {  	[tilespmem:s31], [sflag:$0x3] =	stream.indirect.gather @!p0 [hbm4b:s5+s30], $0x80, s1, s30, $0xb8;
	[tilespmem:$0x13F00] =	vst v63  }
0x7e: {  	p0 =	sgt.u32 s29, $0x7C  }
.Ltmp6:
0x7f: {  	_ = 	snop;
	(pc) =	sbr.rel @p0 .LBB2_13-.Ltmp6, $1  }
0x80: {  	_ =	sdelay $0x3  }
0x81: {  	_ =	swait.ge [sflag:s22], $0x2800  }
0x82: {  	[sflag:s22] =	ssyncset.done $0x0  }
0x83: {  	[sflag:s22] =	ssyncadd.s32 $0xFFFFD800  }
0x84: {  	_ =	swait.ge [sflag:s23], $0x2800  }
0x85: {  	p0 =	seq.s32 s26, $0x0;
	[sflag:s23] =	ssyncset.done $0x0  }
0x86: {  	s1 =	simm.s32 @!p0 $0x6;
	[sflag:s23] =	ssyncadd.s32 $0xFFFFD800  }
0x87: {  	_ =	swait.ge @!p0 [sflag:s1], $0x2800  }
0x88: {  	[sflag:s1] =	ssyncset.done @!p0 $0x0  }
0x89: {  	s30 =	simm.s32 $0x0;
	[sflag:s1] =	ssyncadd.s32 @!p0 $0xFFFFD800  }
0x8a: {  	v0 =	vld [tilespmem:s30+$0x7770]  }
0x8b: {  	v1 =	vld [tilespmem:s30+$0xC770]  }
0x8c: {  	v2 =	vld [tilespmem:s30+$0x7700]  }
0x8d: {  	v3 =	vld [tilespmem:s30+$0xC700]  }
0x8e: {  	v4 =	vld [tilespmem:s30+$0x7710]  }
0x8f: {  	v5 =	vld [tilespmem:s30+$0xC710]  }
0x90: {  	v6 =	vld [tilespmem:s30+$0x7720]  }
0x91: {  	v0 =	vadd.f32 v1, v0;
	v1 =	vld [tilespmem:s30+$0xC720]  }
0x92: {  	v7 =	vld [tilespmem:s30+$0x7730]  }
0x93: {  	v8 =	vld [tilespmem:s30+$0xC730];
	v2 =	vadd.f32 v3, v2  }
0x94: {  	v9 =	vld [tilespmem:s30+$0x7740];
	v0 =	vmax.f32 v0, $0.0e+00  }
0x95: {  	[tilespmem:s30+$0x11770] =	vst v0;
	v0 =	vmax.f32 v2, $0.0e+00;
	v2 =	vadd.f32 v5, v4;
	v5 =	vld [tilespmem:s30+$0xC740]  }
0x96: {  	v3 =	vld [tilespmem:s30+$0xC750];
	v1 =	vadd.f32 v1, v6  }
0x97: {  	[tilespmem:s30+$0x11700] =	vst v0;
	v0 =	vld [tilespmem:s30+$0x7750];
	v2 =	vmax.f32 v2, $0.0e+00  }
0x98: {  	v4 =	vld [tilespmem:s30+$0xC760];
	v6 =	vadd.f32 v8, v7;
	[tilespmem:s30+$0x11710] =	vst v2;
	v2 =	vmax.f32 v1, $0.0e+00  }
0x99: {  	s31 =	simm.s32 $0x80;
	v1 =	vld [tilespmem:s30+$0x7760];
	[tilespmem:s30+$0x11720] =	vst v2  }
0x9a: {  	s1 =	simm.s32 $0x400;
	v6 =	vmax.f32 v6, $0.0e+00;
	v5 =	vadd.f32 v5, v9;
	v2 =	vld [tilespmem:s31+$0x7770]  }
.LBB2_8:
0x9b: {  	p0 =	sne.s32 s1, $0x9E00;
	v7 =	vld [tilespmem:s31+$0xC770];
	[tilespmem:s30+$0x11730] =	vst v6  }
0x9c: {  	v6 =	vld [tilespmem:s31+$0x7700];
	v5 =	vmax.f32 v5, $0.0e+00;
	v0 =	vadd.f32 v3, v0  }
0x9d: {  	v3 =	vld [tilespmem:s31+$0xC700];
	[tilespmem:s30+$0x11740] =	vst v5  }
0x9e: {  	v5 =	vld [tilespmem:s31+$0x7710];
	v0 =	vmax.f32 v0, $0.0e+00;
	v1 =	vadd.f32 v4, v1  }
0x9f: {  	v4 =	vld [tilespmem:s31+$0xC710];
	[tilespmem:s30+$0x11750] =	vst v0  }
0xa0: {  	v0 =	vld [tilespmem:s31+$0x7720];
	v2 =	vadd.f32 v7, v2;
	v1 =	vmax.f32 v1, $0.0e+00  }
0xa1: {  	v7 =	vld [tilespmem:s31+$0xC720];
	[tilespmem:s30+$0x11760] =	vst v1;
	s30 =	smov.u32 s31  }
0xa2: {  	v1 =	vadd.f32 v3, v6;
	v6 =	vld [tilespmem:s30+$0x7730];
	v2 =	vmax.f32 v2, $0.0e+00  }
0xa3: {  	v8 =	vld [tilespmem:s30+$0xC730];
	[tilespmem:s30+$0x11770] =	vst v2  }
0xa4: {  	v1 =	vmax.f32 v1, $0.0e+00;
	v2 =	vadd.f32 v4, v5;
	v5 =	vld [tilespmem:s30+$0x7740]  }
0xa5: {  	[tilespmem:s30+$0x11700] =	vst v1;
	v9 =	vld [tilespmem:s30+$0xC740]  }
.Ltmp7:
0xa6: {  	v1 =	vmax.f32 v2, $0.0e+00;
	v2 =	vadd.f32 v7, v0;
	v0 =	vld [tilespmem:s30+$0x7750];
	(pc) =	sbr.rel @p0 .LBB2_8-.Ltmp7, $4  }
0xa7: {  	[tilespmem:s30+$0x11710] =	vst v1;
	v3 =	vld [tilespmem:s30+$0xC750]  }
0xa8: {  	v2 =	vmax.f32 v2, $0.0e+00;
	v6 =	vadd.f32 v8, v6;
	v1 =	vld [tilespmem:s30+$0x7760]  }
0xa9: {  	s31 =	sshra.s32 s1, $0x2;
	[tilespmem:s30+$0x11720] =	vst v2;
	v4 =	vld [tilespmem:s30+$0xC760]  }
0xaa: {  	s1 =	sadd.s32 $0x200, s1;
	v2 =	vld [tilespmem:s31+$0x7770];
	v6 =	vmax.f32 v6, $0.0e+00;
	v5 =	vadd.f32 v9, v5  }
0xab: {  	v7 =	vld [tilespmem:s31+$0xC770];
	[tilespmem:s30+$0x11730] =	vst v6  }
0xac: {  	v6 =	vld [tilespmem:s31+$0x7700];
	v5 =	vmax.f32 v5, $0.0e+00;
	v0 =	vadd.f32 v3, v0  }
0xad: {  	v8 =	vld [tilespmem:s31+$0xC700];
	[tilespmem:s30+$0x11740] =	vst v5  }
0xae: {  	v52 =	vld [tilespmem:s31+$0x7710];
	v0 =	vmax.f32 v0, $0.0e+00;
	v1 =	vadd.f32 v4, v1  }
0xaf: {  	v5 =	vld [tilespmem:s31+$0xC710];
	[tilespmem:s30+$0x11750] =	vst v0  }
0xb0: {  	v0 =	vld [tilespmem:s31+$0x7720];
	v1 =	vmax.f32 v1, $0.0e+00  }
0xb1: {  	v53 =	vld [tilespmem:s31+$0xC720];
	[tilespmem:s30+$0x11760] =	vst v1  }
0xb2: {  	v1 =	vld [tilespmem:s31+$0x7730]  }
0xb3: {  	v54 =	vld [tilespmem:s31+$0xC730]  }
0xb4: {  	v56 =	vld [tilespmem:s31+$0x7740]  }
0xb5: {  	v57 =	vld [tilespmem:s31+$0xC740]  }
0xb6: {  	v58 =	vld [tilespmem:s31+$0x7750]  }
0xb7: {  	v2 =	vadd.f32 v7, v2;
	v59 =	vld [tilespmem:s31+$0xC750]  }
0xb8: {  	v6 =	vadd.f32 v8, v6;
	v60 =	vld [tilespmem:s31+$0x7760]  }
0xb9: {  	v2 =	vmax.f32 v2, $0.0e+00;
	v61 =	vld [tilespmem:s31+$0xC760];
	v3 =	vadd.f32 v5, v52  }
0xba: {  	[tilespmem:s31+$0x11770] =	vst v2;
	v55 =	vmax.f32 v6, $0.0e+00;
	v0 =	vadd.f32 v53, v0  }
0xbb: {  	[tilespmem:s31+$0x11700] =	vst v55;
	v3 =	vmax.f32 v3, $0.0e+00;
	v1 =	vadd.f32 v54, v1  }
0xbc: {  	[tilespmem:s31+$0x11710] =	vst v3;
	v0 =	vmax.f32 v0, $0.0e+00;
	v2 =	vadd.f32 v57, v56  }
0xbd: {  	s1 =	smul.u32 $0x50, s29;
	v3 =	vadd.f32 v59, v58;
	[tilespmem:s31+$0x11720] =	vst v0;
	v1 =	vmax.f32 v1, $0.0e+00  }
.Ltmp8:
0xbe: {  	v0 =	vadd.f32 v61, v60;
	v62 =	vmax.f32 v2, $0.0e+00;
	[tilespmem:s31+$0x11730] =	vst v1;
	(pc) =	sbr.rel .LBB2_10-.Ltmp8, $4  }
0xbf: {  	s1 =	sadd.s32 s3, s1;
	v63 =	vmax.f32 v3, $0.0e+00;
	[tilespmem:s31+$0x11740] =	vst v62  }
0xc0: {  	s1 =	sshll.u32 s1, $0x4;
	[tilespmem:s31+$0x11750] =	vst v63;
	v0 =	vmax.f32 v0, $0.0e+00  }
0xc1: {  	s1 =	sadd.s32 s6, s1;
	[tilespmem:s31+$0x11760] =	vst v0  }
0xc2: {  	[hbm4b:s1+s2] =	stream.linear.scatter [tilespmem:s24], [sflag:$0x6], $0x2800, $0x38;
	[tilespmem:$0x13F00] =	vst v63  }
.LBB2_12:
0xc3: {  	_ =	sfence.sel $0x180000  }
0xc4: {  	[bflag:$0x0] =	sbarrier.arrive $0xFFFF  }
0xc5: {  	_ =	strace $0x90000050  }
0xc6: {  	[bflag:$0x2] =	sbarrier.arrive $0xFFFF  }
0xc7: {  	p0 =	sne.s32 s0, $0x0;
	s0 =	rddreg [dreg:$0x2]  }
0xc8: {  	s0 =	sadd.s32 @!p0 $0x100000, s0  }
0xc9: {  	[sflag:s0] =	ssyncadd.tile.s32 @!p0 $0x1;
	_ =	shalt  }
.Lfunc_end2:
_tile_overlayer_lowered:
.L_overlay_start_2:
0xca: {  	(tag) =	ssettag $0x2  }
0xcb: {  	s0 =	rddreg [dreg:$0x0];
	s2 =	stileid.u32  }
0xcc: {  	s1 =	rddreg [dreg:$0x1];
	p0 =	sne.s32 s2, $0x0  }
0xcd: {  	s3 =	rddreg [dreg:$0x2];
	[bflag:$0x3] =	sbarrier.arrive $0xFFFF;
	s2 =	simm.s32 @!p0 $0x1C07  }
0xce: {  	[timem:s3], [sflag:s2] =	dma.local @!p0 [hbm:s0], s1  }
0xcf: {  	s0 =	simm.s32 @!p0 $0x7  }
0xd0: {  	_ =	swait.ge @!p0 [sflag:s0], s1  }
0xd1: {  	s1 =	ssub.s32 @!p0 $0x0, s1;
	[sflag:s0] =	ssyncset.done @!p0 $0x0  }
0xd2: {  	[sflag:s0] =	ssyncadd.s32 @!p0 s1  }
0xd3: {  	[bflag:$0x3] =	sbarrier.arrive $0xFFFF  }
0xd4: {  	_ =	shalt  }

// kernel: kernel.23.cloned.1.call-start
scs
__scs_entry_jumppad:
0x0: {  	(pc) =	sbr.rel $0x88, $3  }
0x1: {  	(tag) =	ssettag $0x0;
	lr =	simm.s32 $0x1  }
0x2: {  	[smem:$0x3F97] =	sst lr;
	_ =	strace $0xD0000000  }
0x3: {  	_ = 	snop  }
0x4: {  	_ = 	snop  }
0x5: {  	_ = 	snop  }
0x6: {  	_ = 	snop  }
0x7: {  	_ = 	snop  }
__scs_overlays_trampoline_lowered:
0x8: {  	[smem:$0x3FA6] =	sst s0  }
0x9: {  	[smem:$0x3FA7] =	sst s1  }
0xa: {  	[smem:$0x3FA8] =	sst s2  }
0xb: {  	[smem:$0x3FA9] =	sst s3  }
0xc: {  	[smem:$0x3FAA] =	sst s4  }
0xd: {  	[smem:$0x3FAB] =	sst s5  }
0xe: {  	[smem:$0x3FAC] =	sst s6  }
0xf: {  	[smem:$0x3FAD] =	sst s7  }
0x10: {  	[smem:$0x3FAE] =	sst s8  }
0x11: {  	[smem:$0x3FAF] =	sst s9;
	s0 =	simm.s32 @!p0 $0x0  }
0x12: {  	s1 =	sld [smem:$0x3F95];
	s0 =	simm.s32 @p0 $0x1  }
0x13: {  	[smem:$0x3FB0] =	sst s0;
	s0 =	simm.s32 @!p1 $0x0  }
0x14: {  	s2 =	sld [smem:$0x3F94];
	s0 =	simm.s32 @p1 $0x1  }
0x15: {  	[smem:$0x3FB1] =	sst s0;
	s0 =	simm.s32 @!p2 $0x0  }
0x16: {  	s3 =	sld [smem:$0x3FDB];
	s0 =	simm.s32 @p2 $0x1  }
0x17: {  	s4 =	simm.s32 $0x1BF5;
	[smem:$0x3FB3] =	sst s0  }
0x18: {  	s0 =	sld [smem:$0x3F96];
	_ =	swait.ge [sflag:s4], $0x0  }
0x19: {  	s7 =	sld [smem:$0x3F97]  }
0x1a: {  	s8 =	sadd.s32 $0xFFFFE003, lr  }
0x1b: {  	s9 =	sadd.s32 $0xFFFFFEF7, lr;
	s5 =	simm.s32 $0xFFFFFFFF;
	p2 =	slt.u32 s8, $0xFFFFF086  }
0x1c: {  	p1 =	slt.u32 s9, $0xF7A;
	s5 =	simm.s32 @!p2 $0x0  }
0x1d: {  	s5 =	simm.s32 @p1 $0x1;
	p0 =	seq.s32 s7, s2  }
0x1e: {  	s7 =	smul.u32 @!p0 $0xF7A, s2;
	p2 =	seq.s32 @!p0 s5, $0x0  }
0x1f: {  	s9 =	smul.u32 $0xF7A, s1;
	s8 =	simm.s32 @!p0 $0x1BF5;
	p2 =	por !p2, p0  }
0x20: {  	[sflag:s8] =	ssyncset.s32 @!p0 $0xFFFFF086;
	s6 =	sadd.s32 @!p0 s3, s7;
	s7 =	simm.s32 @!p0 $0x108  }
0x21: {  	s3 =	sadd.s32 s3, s9;
	s6 =	sadd.s32 @!p0 $0x88, s6;
	s7 =	simm.s32 @p2 $0x1082  }
0x22: {  	[simem:s7], [sflag:s8] =	dma.local @!p0 [hbm:s6], $0xF7A  }
0x23: {  	s9 =	sor.u32 $0xD0000000, s2;
	s6 =	simm.s32 $0x108;
	_ =	swait.ge @!p0 [sflag:s8], $0x0  }
0x24: {  	s3 =	sadd.s32 $0x88, s3;
	s6 =	simm.s32 @!p1 $0x1082;
	[sflag:s4] =	ssyncset.s32 $0xFFFFF086  }
0x25: {  	[simem:s6], [sflag:s4] =	dma.local [hbm:s3], $0xF7A  }
0x26: {  	[smem:$0x3F97] =	sst s1;
	(tag) =	ssettag s2;
	_ =	strace s9  }
0x27: {  	s1 =	sld [smem:$0x3FA7]  }
0x28: {  	s2 =	sld [smem:$0x3FA8]  }
0x29: {  	s4 =	sld [smem:$0x3FAA]  }
0x2a: {  	p0 =	seq.s32 s5, $0x0;
	s5 =	sld [smem:$0x3FAB]  }
0x2b: {  	s6 =	sld [smem:$0x3FAC]  }
0x2c: {  	s7 =	sld [smem:$0x3FAD]  }
0x2d: {  	s3 =	simm.s32 $0x108;
	s8 =	sld [smem:$0x3FAE]  }
0x2e: {  	s3 =	simm.s32 @!p0 $0x1082;
	s9 =	sld [smem:$0x3FAF]  }
0x2f: {  	lr =	sadd.s32 s0, s3;
	s0 =	sld [smem:$0x3FA6]  }
0x30: {  	s3 =	sld [smem:$0x3FA9]  }
0x31: {  	[smem:$0x3FB2] =	sst s10  }
0x32: {  	s10 =	sld [smem:$0x3FB0];
	_ =	sdelay $0x3  }
0x33: {  	p0 =	seq.s32 s10, $0x1;
	s10 =	sld [smem:$0x3FB2];
	_ =	sdelay $0x3  }
0x34: {  	[smem:$0x3FB2] =	sst s10  }
0x35: {  	s10 =	sld [smem:$0x3FB1];
	_ =	sdelay $0x3  }
0x36: {  	p1 =	seq.s32 s10, $0x1;
	s10 =	sld [smem:$0x3FB2];
	_ =	sdelay $0x3  }
0x37: {  	[smem:$0x3FB2] =	sst s10  }
0x38: {  	s10 =	sld [smem:$0x3FB3]  }
0x39: {  	_ = 	snop;
	(pc) =	sbr.ind lr, $3  }
0x3a: {  	_ = 	snop  }
0x3b: {  	_ = 	snop  }
0x3c: {  	p2 =	seq.s32 s10, $0x1;
	s10 =	sld [smem:$0x3FB2]  }
0x3d: {  	_ =	shalt  }
0x3e: {  	_ =	shalt  }
0x3f: {  	_ =	shalt  }
0x40: {  	_ =	shalt  }
0x41: {  	_ =	shalt  }
0x42: {  	_ =	shalt  }
0x43: {  	_ =	shalt  }
0x44: {  	_ =	shalt  }
0x45: {  	_ =	shalt  }
0x46: {  	_ =	shalt  }
0x47: {  	_ =	shalt  }
0x48: {  	_ =	shalt  }
0x49: {  	_ =	shalt  }
0x4a: {  	_ =	shalt  }
0x4b: {  	_ =	shalt  }
0x4c: {  	_ =	shalt  }
0x4d: {  	_ =	shalt  }
0x4e: {  	_ =	shalt  }
0x4f: {  	_ =	shalt  }
0x50: {  	_ =	shalt  }
0x51: {  	_ =	shalt  }
0x52: {  	_ =	shalt  }
0x53: {  	_ =	shalt  }
0x54: {  	_ =	shalt  }
0x55: {  	_ =	shalt  }
0x56: {  	_ =	shalt  }
0x57: {  	_ =	shalt  }
0x58: {  	_ =	shalt  }
0x59: {  	_ =	shalt  }
0x5a: {  	_ =	shalt  }
0x5b: {  	_ =	shalt  }
0x5c: {  	_ =	shalt  }
0x5d: {  	_ =	shalt  }
0x5e: {  	_ =	shalt  }
0x5f: {  	_ =	shalt  }
0x60: {  	_ =	shalt  }
0x61: {  	_ =	shalt  }
0x62: {  	_ =	shalt  }
0x63: {  	_ =	shalt  }
0x64: {  	_ =	shalt  }
0x65: {  	_ =	shalt  }
0x66: {  	_ =	shalt  }
0x67: {  	_ =	shalt  }
0x68: {  	_ =	shalt  }
0x69: {  	_ =	shalt  }
0x6a: {  	_ =	shalt  }
0x6b: {  	_ =	shalt  }
0x6c: {  	_ =	shalt  }
0x6d: {  	_ =	shalt  }
0x6e: {  	_ =	shalt  }
0x6f: {  	_ =	shalt  }
0x70: {  	_ =	shalt  }
0x71: {  	_ =	shalt  }
0x72: {  	_ =	shalt  }
0x73: {  	_ =	shalt  }
0x74: {  	_ =	shalt  }
0x75: {  	_ =	shalt  }
0x76: {  	_ =	shalt  }
0x77: {  	_ =	shalt  }
0x78: {  	_ =	shalt  }
0x79: {  	_ =	shalt  }
0x7a: {  	_ =	shalt  }
0x7b: {  	_ =	shalt  }
0x7c: {  	_ =	shalt  }
0x7d: {  	_ =	shalt  }
0x7e: {  	_ =	shalt  }
0x7f: {  	_ =	shalt  }
0x80: {  	_ =	shalt  }
0x81: {  	_ =	shalt  }
0x82: {  	_ =	shalt  }
0x83: {  	_ =	shalt  }
0x84: {  	_ =	shalt  }
0x85: {  	_ =	shalt  }
0x86: {  	_ =	shalt  }
0x87: {  	_ =	shalt  }
.Lfunc_end0:
.L_simem_size_0:
called_computation.4_lowered:
.L_overlay_start_0:
0x88: {  	s2 =	sld [smem:$0x3FD9]  }
0x89: {  	s3 =	sld [smem:$0x3FFE];
	_ =	sdelay $0x1  }
0x8a: {  	s1 =	srdreg.scid  }
0x8b: {  	s0 =	sand.u32 $0x1, s1  }
0x8c: {  	s16 =	sshll.u32 s0, $0xA;
	s2 =	sadd.s32 s3, s2  }
0x8d: {  	s2 =	sadd.s32 s2, s16  }
0x8e: {  	[smem:$0x3FBE] =	sst s2  }
0x8f: {  	_ = 	snop  }
0x90: {  	(tm) =	ssettm $0x1  }
0x91: {  	s17 =	sld [smem:$0x3FFB];
	_ =	sdelay $0x3  }
0x92: {  	_ =	strace s17  }
0x93: {  	s2 =	sld [smem:$0x3FFC];
	_ =	sdelay $0x3  }
0x94: {  	_ =	strace s2  }
0x95: {  	s2 =	sld [smem:$0x3FFD];
	_ =	sdelay $0x3  }
0x96: {  	_ =	strace s2  }
0x97: {  	_ =	strace $0x8FFFFFFF  }
0x98: {  	s18 =	sld [smem:$0x3FDB];
	_ =	sdelay $0x1  }
0x99: {  	s19 =	simm.s32 $_scs_section_size  }
0x9a: {  	s4 =	simm.s32 $_size__tile_overlayer_lowered;
	s5 =	simm.s32 $_tile_overlayer_lowered  }
0x9b: {  	s22 =	simm.s32 $0x1BFF;
	s21 =	sshll.u32 s5, $0x1;
	s2 =	sadd.s32 s19, s18  }
0x9c: {  	s6 =	simm.s32 $0x0;
	s20 =	sshll.u32 s4, $0x1;
	s4 =	sadd.s32 s21, s2  }
0x9d: {  	[timem:s6], [sflag:s22] =	dma.local [hbm:s4], s20  }
0x9e: {  	_ =	swait.ge [sflag:s22], s20  }
0x9f: {  	s3 =	ssub.s32 $0x0, s20;
	[sflag:s22] =	ssyncset.done $0x0  }
0xa0: {  	[sflag:s22] =	ssyncadd.s32 s3;
	_ =	sdelay $0x1  }
0xa1: {  	s23 =	simm.s32 $0x1B8B  }
0xa2: {  	_ =	swait.ge [sflag:s23], $0x1  }
0xa3: {  	[sflag:s23] =	ssyncset.done $0x0  }
0xa4: {  	s25 =	simm.s32 $0x1B8E;
	s24 =	sld [smem:$0x3FFE];
	[sflag:s23] =	ssyncadd.s32 $0xFFFFFFFF  }
0xa5: {  	s26 =	simm.s32 $execute0_lowered;
	[smem:$0x3FD2] =	sst s25  }
0xa6: {  	s4 =	sshll.u32 s26, $0x1;
	_ =	strace $0x80000052;
	[dreg:$0x1] =	wrdreg $0xFFFFFFFF  }
0xa7: {  	s28 =	simm.s32 $_size_execute0_lowered;
	s2 =	sadd.s32 s2, s4;
	[dreg:$0x0] =	wrdreg $0x0  }
0xa8: {  	s4 =	sshll.u32 s28, $0x1;
	[dreg:$0x2] =	wrdreg s2  }
0xa9: {  	[dreg:$0x3] =	wrdreg s4  }
0xaa: {  	[dreg:$0x4] =	wrdreg $0xC0  }
0xab: {  	_ =	task [dreg:s6], $0x5FFFF  }
0xac: {  	[dreg:$0x1] =	wrdreg $0xFFFFFFFF  }
0xad: {  	[dreg:$0x0] =	wrdreg $0x60  }
0xae: {  	[dreg:$0x2] =	wrdreg s24  }
0xaf: {  	[dreg:$0x3] =	wrdreg $0x9  }
0xb0: {  	_ =	task.clear_ibuf [dreg:s6], $0x4FFFF;
	_ =	strace $0x90000052  }
0xb1: {  	s29 =	simm.s32 $0x9;
	_ =	strace $0x80000054  }
0xb2: {  	_ =	swait.ge [sflag:s29], $0x1  }
0xb3: {  	[sflag:s29] =	ssyncadd.s32 $0xFFFFFFFF  }
0xb4: {  	_ =	strace $0x90000054  }
0xb5: {  	_ =	sfence  }
0xb6: {  	s30 =	sld [smem:$0x0];
	_ =	sdelay $0x2  }
0xb7: {  	s31 =	sshll.u32 s1, $0xD;
	s1 =	sshrl.u32 s1, $0x2  }
0xb8: {  	s3 =	sand.u32 $0x4000, s31;
	s1 =	sadd.s32 s1, s30  }
0xb9: {  	s0 =	sor.u32 s3, s0;
	s1 =	sshll.u32 s1, $0x11  }
0xba: {  	s0 =	sor.u32 s1, s0  }
0xbb: {  	s0 =	sadd.s32 $0x8F2B, s0  }
0xbc: {  	[sflag:s0] =	ssyncadd.remote.s32 $0x1  }
0xbd: {  	_ =	sfence.sel $0xFFFF  }
0xbe: {  	[dreg:$0x0] =	wrdreg $0xFFFFFFFF;
	(pc) =	sbr.abs _section_cstart, $3  }
0xbf: {  	[dreg:$0x1] =	wrdreg $0xFFFFFFFF  }
0xc0: {  	_ =	task.clear_ibuf [dreg:s6], $0x2FFFF;
	_ =	strace $0x9FFFFFFF  }
0xc1: {  	(tm) =	ssettm $0x7FFFFFFF  }
tec
execute0_lowered:
.L_overlay_start_1:
0x0: {  	(tag) =	ssettag $0x1  }
0x1: {  	s6 =	rddreg [dreg:$0x0]  }
0x2: {  	s0 =	rddreg [dreg:$0x1]  }
0x3: {  	s2 =	simm.s32 $0x0;
	s3 =	srdreg.scid;
	s1 =	stileid.u32  }
0x4: {  	s13 =	simm.s32 $0x80;
	s14 =	simm.s32 $0x100;
	s15 =	simm.s32 $0x4180  }
0x5: {  	s16 =	simm.s32 $0x0;
	[smem:$0x7FF] =	sst s2;
	s7 =	sand.u32 $0x1, s3  }
0x6: {  	s4 =	sshll.u32 s1, $0x1;
	s3 =	sadd.s32 $0x7BF200, s6;
	s5 =	sadd.s32 $0x67F000, s6  }
0x7: {  	s11 =	sshrl.u32 s1, $0x2;
	_ =	strace $0x80000053;
	s8 =	sor.u32 s7, s4  }
0x8: {  	s4 =	sadd.s32 $0x53F000, s6;
	s7 =	ssub.s32 $0x2, s7;
	s11 =	smul.u32 $0x280000, s11  }
0x9: {  	s9 =	sshll.u32 s8, $0x1;
	s10 =	smul.u32 $0x1400, s8;
	s8 =	sshll.u32 s8, $0x7  }
0xa: {  	s31 =	sshrl.u32 s7, $0x1;
	s9 =	sadd.s32 s9, s6;
	s8 =	sand.u32 $0x380, s8  }
0xb: {  	s12 =	ssub.s32 s7, s31;
	s10 =	sadd.s32 s10, s6;
	s6 =	sadd.s32 $0x7BF000, s9  }
0xc: {  	s7 =	sor.u32 s8, s11;
	s9 =	smax.u32 s12, $0x1;
	s11 =	simm.s32 $0x2  }
0xd: {  	v0 =	vimm.f32 $-Inf;
	s12 =	simm.s32 $0x1;
	s8 =	sadd.s32 $0x3200, s10;
	s10 =	simm.s32 $0x4100  }
.LBB2_1:
0xe: {  	s17 =	simm.s32 $0x40;
	s18 =	simm.s32 $0x0  }
.LBB2_2:
0xf: {  	p0 =	sne.s32 s17, $0x281C0;
	[tilespmem:s18+$0x4180] =	vst v0;
	s18 =	smov.u32 s17;
	s17 =	sadd.s32 $0x40, s17  }
.Ltmp0:
0x10: {  	(pc) =	sbr.rel @p0 .LBB2_2-.Ltmp0, $2  }
0x11: {  	_ =	sdelay $0x2  }
0x12: {  	s18 =	sshra.s32 s18, $0x2  }
0x13: {  	[tilespmem:s18+$0x4180] =	vst v0;
	s17 =	simm.s32 $0x0  }
0x14: {  	[tilespmem:s10], [sflag:$0x2] =	stream.linear.gather [hbm4b:s6+s17], $0x10, $0x38;
	[tilespmem:$0xE200] =	vst v63  }
0x15: {  	_ =	swait.ge [sflag:s11], $0x10  }
0x16: {  	[sflag:s11] =	ssyncset.done $0x0  }
0x17: {  	[sflag:s11] =	ssyncadd.s32 $0xFFFFFFF0  }
0x18: {  	v1 =	vld [tilespmem:$0x4100];
	_ =	sdelay $0x4  }
0x19: {  	v1 =	vxor.u32 $0x80000000, v1  }
0x1a: {  	(xrf0) =	vmax.scan.msk.u32 $0xffff, v1;
	_ =	sdelay $0x5  }
0x1b: {  	v1, _, _ =	vpop (xrf0)  }
0x1c: {  	(v2sf) =	vpush v1, $0xF;
	_ =	sdelay $0xe  }
0x1d: {  	s30 =	spop (v2sf)  }
0x1e: {  	s18 =	sadd.s32 $0x8000007F, s30  }
0x1f: {  	s19 =	sand.u32 $0x7F, s18  }
0x20: {  	s31 =	sshra.s32 s18, $0x1F;
	p1 =	slt.s32 s18, $0x1;
	p0 =	sne.s32 s19, $0x0  }
0x21: {  	s19 =	sshrl.u32 s31, $0x19;
	p0 =	por !p1, !p0  }
0x22: {  	s18 =	sadd.s32 s19, s18;
	s19 =	simm.s32 $0x1;
	p0 =	por !p0, !p0  }
0x23: {  	s18 =	sshra.s32 s18, $0x7;
	s19 =	simm.s32 @!p0 $0x0  }
0x24: {  	s18 =	ssub.s32 s18, s19  }
0x25: {  	p0 =	slt.s32 s18, $0x1  }
.Ltmp1:
0x26: {  	_ = 	snop;
	(pc) =	sbr.rel @p0 .LBB2_7-.Ltmp1, $2  }
0x27: {  	_ =	sdelay $0x2  }
0x28: {  	s19 =	simm.s32 $0x0  }
.LBB2_4:
0x29: {  	s20 =	sshll.u32 s19, $0xA  }
0x2a: {  	s20 =	sadd.s32 s7, s20  }
0x2b: {  	s20 =	sshrl.u32 s20, $0x3  }
0x2c: {  	s21 =	sadd.s32 s4, s20  }
0x2d: {  	[tilespmem:s17], [sflag:$0x2] =	stream.linear.gather [hbm4b:s21+s17], $0x80, $0x38;
	[tilespmem:$0xE200] =	vst v63  }
0x2e: {  	_ =	swait.ge [sflag:s11], $0x80  }
0x2f: {  	[sflag:s11] =	ssyncset.done $0x0  }
0x30: {  	s20 =	sadd.s32 s5, s20;
	[sflag:s11] =	ssyncadd.s32 $0xFFFFFF80  }
0x31: {  	[tilespmem:s13], [sflag:$0x2] =	stream.linear.gather [hbm4b:s20+s17], $0x80, $0x38;
	[tilespmem:$0xE200] =	vst v63  }
0x32: {  	_ =	swait.ge [sflag:s11], $0x80  }
0x33: {  	[sflag:s11] =	ssyncset.done $0x0  }
0x34: {  	v1 =	vmov s17;
	[sflag:s11] =	ssyncadd.s32 $0xFFFFFF80  }
0x35: {  	[tilespmem:s14], [sflag:$0x1] =	stream.indirect.gather [hbm4b:s3+s13], $0x80, s17, s13, $0xb8;
	[tilespmem:$0xE200] =	vst v63  }
0x36: {  	_ =	swait.ge [sflag:s12], $0x4000  }
0x37: {  	[sflag:s12] =	ssyncset.done $0x0  }
0x38: {  	[sflag:s12] =	ssyncadd.s32 $0xFFFFC000  }
0x39: {  	v1 =	vld.idx.msk [tilespmem:v1+s13+$0x0], $0xffff;
	_ =	sdelay $0x4  }
0x3a: {  	v1 =	vxor.u32 $0x80000000, v1  }
0x3b: {  	(xrf0) =	vmax.scan.msk.u32 $0xffff, v1;
	_ =	sdelay $0x5  }
0x3c: {  	v1, _, _ =	vpop (xrf0)  }
0x3d: {  	(v2sf) =	vpush v1, $0xF;
	_ =	sdelay $0xe  }
0x3e: {  	s31 =	spop (v2sf)  }
0x3f: {  	s20 =	simm.s32 $0x140;
	s21 =	sshll.u32 s31, $0x9  }
0x40: {  	v1 =	vld [tilespmem:s20+$0xFFFFFFC0];
	s22 =	sshra.s32 s21, $0x2  }
0x41: {  	v2 =	vld [tilespmem:s22+$0x4180];
	_ =	sdelay $0x4  }
0x42: {  	v1 =	vmax.f32 v2, v1  }
0x43: {  	[tilespmem:s22+$0x4180] =	vst v1;
	v1 =	vld [tilespmem:s22+$0x4190]  }
0x44: {  	v2 =	vld [tilespmem:s20+$0xFFFFFFD0];
	_ =	sdelay $0x4  }
0x45: {  	v1 =	vmax.f32 v1, v2  }
0x46: {  	[tilespmem:s22+$0x4190] =	vst v1;
	v1 =	vld [tilespmem:s22+$0x41A0]  }
0x47: {  	v2 =	vld [tilespmem:s20+$0xFFFFFFE0];
	_ =	sdelay $0x4  }
0x48: {  	v1 =	vmax.f32 v1, v2  }
0x49: {  	[tilespmem:s22+$0x41A0] =	vst v1;
	v1 =	vld [tilespmem:s22+$0x41B0]  }
0x4a: {  	v2 =	vld [tilespmem:s20+$0xFFFFFFF0];
	_ =	sdelay $0x4  }
0x4b: {  	v1 =	vmax.f32 v1, v2  }
0x4c: {  	[tilespmem:s22+$0x41B0] =	vst v1;
	v1 =	vld [tilespmem:s22+$0x41C0]  }
0x4d: {  	v2 =	vld [tilespmem:s20+$0x0];
	_ =	sdelay $0x4  }
0x4e: {  	v1 =	vmax.f32 v1, v2  }
0x4f: {  	[tilespmem:s22+$0x41C0] =	vst v1;
	v1 =	vld [tilespmem:s22+$0x41D0]  }
0x50: {  	v2 =	vld [tilespmem:s20+$0x10];
	_ =	sdelay $0x4  }
0x51: {  	v1 =	vmax.f32 v1, v2  }
0x52: {  	[tilespmem:s22+$0x41D0] =	vst v1;
	v1 =	vld [tilespmem:s22+$0x41E0]  }
0x53: {  	v2 =	vld [tilespmem:s20+$0x20];
	_ =	sdelay $0x4  }
0x54: {  	v1 =	vmax.f32 v1, v2  }
0x55: {  	v2 =	vld [tilespmem:s22+$0x41F0];
	[tilespmem:s22+$0x41E0] =	vst v1  }
0x56: {  	v3 =	vld [tilespmem:s20+$0x30];
	_ =	sdelay $0x1  }
0x57: {  	s23 =	simm.s32 $0x1  }
0x58: {  	v1 =	vmov s23;
	_ =	sdelay $0x1  }
0x59: {  	s21 =	simm.s32 $0x2;
	v2 =	vmax.f32 v2, v3  }
.LBB2_5:
0x5a: {  	p0 =	sne.s32 s21, $0x7F  }
0x5b: {  	[tilespmem:s22+$0x41F0] =	vst v2;
	s20 =	sadd.s32 $0x80, s20;
	s23 =	smov.u32 s21;
	s21 =	sadd.s32 $0x1, s21  }
0x5c: {  	v1 =	vld.idx.msk [tilespmem:v1+s13+$0x0], $0xffff;
	_ =	sdelay $0x5  }
0x5d: {  	v1 =	vxor.u32 $0x80000000, v1  }
0x5e: {  	(xrf0) =	vmax.scan.msk.u32 $0xffff, v1;
	_ =	sdelay $0x5  }
0x5f: {  	v1, _, _ =	vpop (xrf0)  }
0x60: {  	(v2sf) =	vpush v1, $0xF;
	_ =	sdelay $0xe  }
0x61: {  	s22 =	spop (v2sf)  }
0x62: {  	s22 =	sshll.u32 s22, $0x9  }
0x63: {  	s22 =	sshra.s32 s22, $0x2;
	v1 =	vld [tilespmem:s20+$0xFFFFFFC0]  }
0x64: {  	v2 =	vld [tilespmem:s22+$0x4180];
	_ =	sdelay $0x4  }
0x65: {  	v1 =	vmax.f32 v2, v1  }
0x66: {  	[tilespmem:s22+$0x4180] =	vst v1;
	v1 =	vld [tilespmem:s22+$0x4190]  }
0x67: {  	v2 =	vld [tilespmem:s20+$0xFFFFFFD0];
	_ =	sdelay $0x4  }
0x68: {  	v1 =	vmax.f32 v1, v2  }
0x69: {  	[tilespmem:s22+$0x4190] =	vst v1;
	v1 =	vld [tilespmem:s22+$0x41A0]  }
0x6a: {  	v2 =	vld [tilespmem:s20+$0xFFFFFFE0];
	_ =	sdelay $0x4  }
0x6b: {  	v1 =	vmax.f32 v1, v2  }
0x6c: {  	[tilespmem:s22+$0x41A0] =	vst v1;
	v1 =	vld [tilespmem:s22+$0x41B0]  }
0x6d: {  	v2 =	vld [tilespmem:s20+$0xFFFFFFF0];
	_ =	sdelay $0x4  }
0x6e: {  	v1 =	vmax.f32 v1, v2  }
0x6f: {  	[tilespmem:s22+$0x41B0] =	vst v1;
	v1 =	vld [tilespmem:s22+$0x41C0]  }
0x70: {  	v2 =	vld [tilespmem:s20+$0x0];
	_ =	sdelay $0x4  }
0x71: {  	v1 =	vmax.f32 v1, v2  }
0x72: {  	[tilespmem:s22+$0x41C0] =	vst v1;
	v1 =	vld [tilespmem:s22+$0x41D0]  }
0x73: {  	v2 =	vld [tilespmem:s20+$0x10];
	_ =	sdelay $0x4  }
0x74: {  	v1 =	vmax.f32 v1, v2  }
0x75: {  	[tilespmem:s22+$0x41D0] =	vst v1;
	v1 =	vld [tilespmem:s22+$0x41E0]  }
0x76: {  	v2 =	vld [tilespmem:s20+$0x20];
	_ =	sdelay $0x4  }
0x77: {  	v1 =	vmax.f32 v1, v2  }
0x78: {  	[tilespmem:s22+$0x41E0] =	vst v1;
	v2 =	vld [tilespmem:s22+$0x41F0]  }
0x79: {  	v3 =	vld [tilespmem:s20+$0x30]  }
.Ltmp2:
0x7a: {  	(pc) =	sbr.rel @p0 .LBB2_5-.Ltmp2, $2  }
0x7b: {  	v1 =	vmov s23;
	_ =	sdelay $0x2  }
0x7c: {  	v2 =	vmax.f32 v2, v3  }
0x7d: {  	_ =	sdelay $0x2  }
0x7e: {  	[tilespmem:s22+$0x41F0] =	vst v2  }
0x7f: {  	v1 =	vld.idx.msk [tilespmem:v1+s13+$0x0], $0xffff;
	_ =	sdelay $0x4  }
0x80: {  	v1 =	vxor.u32 $0x80000000, v1  }
0x81: {  	(xrf0) =	vmax.scan.msk.u32 $0xffff, v1;
	_ =	sdelay $0x5  }
0x82: {  	v1, _, _ =	vpop (xrf0)  }
0x83: {  	(v2sf) =	vpush v1, $0xF;
	_ =	sdelay $0xe  }
0x84: {  	s21 =	spop (v2sf)  }
0x85: {  	s20 =	sadd.s32 $0x80, s20;
	s21 =	sshll.u32 s21, $0x9  }
0x86: {  	v1 =	vld [tilespmem:s20+$0xFFFFFFC0];
	s21 =	sshra.s32 s21, $0x2  }
0x87: {  	v2 =	vld [tilespmem:s21+$0x4180];
	_ =	sdelay $0x4  }
0x88: {  	v1 =	vmax.f32 v2, v1  }
0x89: {  	[tilespmem:s21+$0x4180] =	vst v1;
	v1 =	vld [tilespmem:s21+$0x4190]  }
0x8a: {  	v2 =	vld [tilespmem:s20+$0xFFFFFFD0];
	_ =	sdelay $0x4  }
0x8b: {  	v1 =	vmax.f32 v1, v2  }
0x8c: {  	[tilespmem:s21+$0x4190] =	vst v1;
	v1 =	vld [tilespmem:s21+$0x41A0]  }
0x8d: {  	v2 =	vld [tilespmem:s20+$0xFFFFFFE0];
	_ =	sdelay $0x4  }
0x8e: {  	v1 =	vmax.f32 v1, v2  }
0x8f: {  	[tilespmem:s21+$0x41A0] =	vst v1;
	v1 =	vld [tilespmem:s21+$0x41B0]  }
0x90: {  	v2 =	vld [tilespmem:s20+$0xFFFFFFF0];
	_ =	sdelay $0x4  }
0x91: {  	v1 =	vmax.f32 v1, v2  }
0x92: {  	[tilespmem:s21+$0x41B0] =	vst v1;
	v1 =	vld [tilespmem:s21+$0x41C0]  }
0x93: {  	v2 =	vld [tilespmem:s20+$0x0];
	_ =	sdelay $0x4  }
0x94: {  	v1 =	vmax.f32 v1, v2  }
0x95: {  	[tilespmem:s21+$0x41C0] =	vst v1;
	v1 =	vld [tilespmem:s21+$0x41D0]  }
0x96: {  	v2 =	vld [tilespmem:s20+$0x10];
	_ =	sdelay $0x4  }
0x97: {  	v1 =	vmax.f32 v1, v2  }
0x98: {  	[tilespmem:s21+$0x41D0] =	vst v1;
	v1 =	vld [tilespmem:s21+$0x41E0]  }
0x99: {  	v2 =	vld [tilespmem:s20+$0x20];
	_ =	sdelay $0x4  }
0x9a: {  	v1 =	vmax.f32 v1, v2  }
0x9b: {  	[tilespmem:s21+$0x41E0] =	vst v1;
	v1 =	vld [tilespmem:s21+$0x41F0]  }
0x9c: {  	s19 =	sadd.s32 $0x1, s19;
	v2 =	vld [tilespmem:s20+$0x30]  }
0x9d: {  	p0 =	sne.s32 s19, s18  }
.Ltmp3:
0x9e: {  	_ = 	snop;
	(pc) =	sbr.rel @p0 .LBB2_4-.Ltmp3, $3  }
0x9f: {  	_ =	sdelay $0x1  }
0xa0: {  	v1 =	vmax.f32 v1, v2  }
0xa1: {  	[tilespmem:s21+$0x41F0] =	vst v1  }
.LBB2_7:
0xa2: {  	s17 =	simm.s32 $0x0;
	s18 =	simm.s32 $0x40  }
.LBB2_8:
0xa3: {  	p0 =	sne.s32 s18, $0x27FC0;
	v1 =	vld [tilespmem:s17+$0x4180];
	_ =	sdelay $0x2  }
.Ltmp4:
0xa4: {  	(pc) =	sbr.rel @p0 .LBB2_8-.Ltmp4, $4  }
0xa5: {  	_ = 	snop  }
0xa6: {  	vm0 =	veq.f32 v1, $-Inf  }
0xa7: {  	v1 =	vsel vm0, $0x0, v1  }
0xa8: {  	[tilespmem:s17+$0x4180] =	vst v1;
	s17 =	sshra.s32 s18, $0x2;
	s18 =	sadd.s32 $0x40, s18  }
0xa9: {  	v1 =	vld [tilespmem:s17+$0x4180];
	_ =	sdelay $0x4  }
0xaa: {  	s16 =	sadd.s32 $0x1, s16;
	vm0 =	veq.f32 v1, $-Inf  }
0xab: {  	p0 =	sne.s32 s16, s9;
	v1 =	vsel vm0, $0x0, v1  }
.Ltmp5:
0xac: {  	[tilespmem:s17+$0x4180] =	vst v1;
	(pc) =	sbr.rel @p0 .LBB2_1-.Ltmp5, $4  }
0xad: {  	[hbm4b:s8+s2] =	stream.linear.scatter [tilespmem:s15], [sflag:$0x2], $0xA000, $0x38;
	[tilespmem:$0xE200] =	vst v63  }
0xae: {  	_ =	swait.ge [sflag:s11], $0xA000  }
0xaf: {  	[sflag:s11] =	ssyncset.done $0x0  }
0xb0: {  	[sflag:s11] =	ssyncadd.s32 $0xFFFF6000  }
0xb1: {  	_ =	sfence.sel $0x180000  }
0xb2: {  	[bflag:$0x0] =	sbarrier.arrive $0xFFFF  }
0xb3: {  	p0 =	sne.s32 s1, $0x0;
	_ =	strace $0x90000053  }
0xb4: {  	s0 =	sadd.s32 @!p0 $0x100000, s0;
	[bflag:$0x2] =	sbarrier.arrive $0xFFFF  }
0xb5: {  	[sflag:s0] =	ssyncadd.tile.s32 @!p0 $0x1;
	_ =	shalt  }
.Lfunc_end2:
_tile_overlayer_lowered:
.L_overlay_start_2:
0xb6: {  	(tag) =	ssettag $0x2  }
0xb7: {  	s0 =	rddreg [dreg:$0x0];
	s2 =	stileid.u32  }
0xb8: {  	s1 =	rddreg [dreg:$0x1];
	p0 =	sne.s32 s2, $0x0  }
0xb9: {  	s3 =	rddreg [dreg:$0x2];
	[bflag:$0x3] =	sbarrier.arrive $0xFFFF;
	s2 =	simm.s32 @!p0 $0x1C02  }
0xba: {  	[timem:s3], [sflag:s2] =	dma.local @!p0 [hbm:s0], s1  }
0xbb: {  	s0 =	simm.s32 @!p0 $0x2  }
0xbc: {  	_ =	swait.ge @!p0 [sflag:s0], s1  }
0xbd: {  	s1 =	ssub.s32 @!p0 $0x0, s1;
	[sflag:s0] =	ssyncset.done @!p0 $0x0  }
0xbe: {  	[sflag:s0] =	ssyncadd.s32 @!p0 s1  }
0xbf: {  	[bflag:$0x3] =	sbarrier.arrive $0xFFFF  }
0xc0: {  	_ =	shalt  }

</sc_bundles>
